<compile_context>
chip_gen: v7x
topology: tpu7x:2x2x1
jax: 0.10.2.dev20260603
libtpu: 0.0.44.dev20260713+nightly
codegen_flags: <defaults>
</compile_context>

<pallas_src>
import functools

import jax
import jax.numpy as jnp
from jax import lax
from jax.experimental import pallas as pl
from jax.experimental.pallas import tpu as pltpu
from jax.experimental.pallas import tpu_sc as plsc

NC = 2
NS = 16
NW = NC * NS
CHUNK = 128
SB = 8
ROW_BLK = 1024


def _mesh():
  return plsc.VectorSubcoreMesh(core_axis_name="c", subcore_axis_name="s")




def _make_degree_kernel(npad, epad):
  epw = epad // NW
  chunks = epw // CHUNK
  rps = npad // NS

  @functools.partial(
      pl.kernel,
      out_type=(
          jax.ShapeDtypeStruct((NC, npad), jnp.float32),
          jax.ShapeDtypeStruct((NC, npad), jnp.float32),
      ),
      mesh=_mesh(),
      scratch_types=[
          pltpu.VMEM((chunks, CHUNK), jnp.int32),
          pltpu.VMEM((chunks, CHUNK), jnp.int32),
          pltpu.VMEM((CHUNK,), jnp.float32),
          pltpu.VMEM((rps,), jnp.float32),
          pltpu.VMEM_SHARED((npad,), jnp.float32),
          pltpu.VMEM_SHARED((npad,), jnp.float32),
          pltpu.SemaphoreType.DMA,
          pltpu.SemaphoreType.DMA,
      ],
  )
  def deg_kernel(src2_hbm, dst2_hbm, outd_hbm, ind_hbm, sidx, didx, ones,
                 zbuf, acc_o, acc_i, sem0, sem1):
    cid = lax.axis_index("c")
    sid = lax.axis_index("s")
    one = jnp.full((16,), 1.0, jnp.float32)
    zero = jnp.zeros((16,), jnp.float32)
    for k in range(CHUNK // 16):
      ones[pl.ds(k * 16, 16)] = one

    def zfill(i, _):
      zbuf[pl.ds(i * 16, 16)] = zero
      return 0

    lax.fori_loop(0, rps // 16, zfill, 0, unroll=False)
    pltpu.sync_copy(zbuf, acc_o.at[pl.ds(sid * rps, rps)])
    pltpu.sync_copy(zbuf, acc_i.at[pl.ds(sid * rps, rps)])

    rowbase = (cid * NS + sid) * chunks
    pltpu.sync_copy(src2_hbm.at[pl.ds(rowbase, chunks)], sidx)
    pltpu.sync_copy(dst2_hbm.at[pl.ds(rowbase, chunks)], didx)
    plsc.subcore_barrier()

    def body(g, _):
      pltpu.async_copy(ones, acc_o.at[sidx.at[g]], sem0, add=True)
      pltpu.async_copy(ones, acc_i.at[didx.at[g]], sem1, add=True)
      return 0

    lax.fori_loop(0, chunks, body, 0, unroll=False)

    def drain(g, _):
      pltpu.make_async_copy(ones, acc_o.at[sidx.at[0]], sem0).wait()
      pltpu.make_async_copy(ones, acc_i.at[didx.at[0]], sem1).wait()
      return 0

    lax.fori_loop(0, chunks, drain, 0, unroll=False)
    plsc.subcore_barrier()
    pltpu.sync_copy(acc_o.at[pl.ds(sid * rps, rps)],
                    outd_hbm.at[cid, pl.ds(sid * rps, rps)])
    pltpu.sync_copy(acc_i.at[pl.ds(sid * rps, rps)],
                    ind_hbm.at[cid, pl.ds(sid * rps, rps)])

  return deg_kernel


def _make_agg_kernel(npad, epad, d):
  epw = epad // NW
  chunks = epw // CHUNK
  rps = npad // NS

  @functools.partial(
      pl.kernel,
      out_type=jax.ShapeDtypeStruct((NC, npad, d), jnp.float32),
      mesh=_mesh(),
      scratch_types=[
          pltpu.VMEM((2, SB, CHUNK), jnp.int32),
          pltpu.VMEM((2, SB, CHUNK), jnp.int32),
          pltpu.VMEM((2, CHUNK, d), jnp.float32),
          pltpu.VMEM((64, d), jnp.float32),
          pltpu.VMEM_SHARED((npad, d), jnp.float32),
          pltpu.SemaphoreType.DMA,
          pltpu.SemaphoreType.DMA,
          pltpu.SemaphoreType.DMA,
      ],
  )
  def agg_kernel(t_hbm, src2_hbm, dst2_hbm, out_hbm, sidx, didx, rows, zbuf,
                 acc, sem0, sem1, isem):
    cid = lax.axis_index("c")
    sid = lax.axis_index("s")
    zero = jnp.zeros((16,), jnp.float32)

    def zfill(r, _):
      for j in range(d // 16):
        zbuf[r, pl.ds(j * 16, 16)] = zero
      return 0

    lax.fori_loop(0, 64, zfill, 0, unroll=False)

    def zero_fire(i, _):
      pltpu.async_copy(zbuf, acc.at[pl.ds(sid * rps + i * 64, 64)], isem)
      return 0

    def zero_drain(i, _):
      pltpu.make_async_copy(zbuf, acc.at[pl.ds(sid * rps, 64)], isem).wait()
      return 0

    lax.fori_loop(0, rps // 64, zero_fire, 0, unroll=False)
    lax.fori_loop(0, rps // 64, zero_drain, 0, unroll=False)
    plsc.subcore_barrier()

    rowbase = (cid * NS + sid) * chunks
    sems = (sem0, sem1)

    def fire_idx(sb, p):
      rowb = rowbase + sb * SB
      pltpu.async_copy(src2_hbm.at[pl.ds(rowb, SB)], sidx.at[p], isem)
      pltpu.async_copy(dst2_hbm.at[pl.ds(rowb, SB)], didx.at[p], isem)

    def wait_idx(p):
      pltpu.make_async_copy(src2_hbm.at[pl.ds(0, SB)], sidx.at[p],
                            isem).wait()
      pltpu.make_async_copy(dst2_hbm.at[pl.ds(0, SB)], didx.at[p],
                            isem).wait()

    def fire(p, c, b):
      pltpu.async_copy(t_hbm.at[sidx.at[p, c]], rows.at[b], sems[b])

    def wait(b):
      pltpu.make_async_copy(t_hbm.at[sidx.at[0, 0]], rows.at[b],
                            sems[b]).wait()

    def scat(p, c, b):
      pltpu.sync_copy(rows.at[b], acc.at[didx.at[p, c]], add=True)

    def run_sb(sb, p):
      wait_idx(p)
      fire_idx(sb + 1, 1 - p)
      fire(p, 0, 0)
      fire(p, 1, 1)

      def body(j, _):
        c0 = 2 * j
        wait(0)
        scat(p, c0, 0)
        fire(p, c0 + 2, 0)
        wait(1)
        scat(p, c0 + 1, 1)
        fire(p, c0 + 3, 1)
        return 0

      lax.fori_loop(0, (SB - 2) // 2, body, 0, unroll=False)
      wait(0)
      scat(p, SB - 2, 0)
      wait(1)
      scat(p, SB - 1, 1)

    fire_idx(0, 0)

    def sb_pair(i, _):
      run_sb(2 * i, 0)
      run_sb(2 * i + 1, 1)
      return 0

    lax.fori_loop(0, chunks // SB // 2, sb_pair, 0, unroll=False)
    wait_idx(0)
    plsc.subcore_barrier()
    pltpu.sync_copy(acc.at[pl.ds(sid * rps, rps)],
                    out_hbm.at[cid, pl.ds(sid * rps, rps)])

  return agg_kernel




def _proj_scale_mm_body(xr_ref, wp_ref, bp_ref, do_ref, w1_ref, o_ref):
  x = jnp.dot(xr_ref[...], wp_ref[...], preferred_element_type=jnp.float32)
  x = jnp.maximum(x + bp_ref[...], 0.0)
  o_ref[...] = jnp.dot(x * _norm(do_ref), w1_ref[...],
                       preferred_element_type=jnp.float32)


def _norm(d_ref):
  deg = jnp.sum(d_ref[...], axis=0)
  return lax.rsqrt(jnp.maximum(deg, 1.0))[:, None]


def _mid_body(a0_ref, a1_ref, di_ref, do_ref, b_ref, w_ref, o_ref):
  h = jnp.maximum((a0_ref[...] + a1_ref[...]) * _norm(di_ref) + b_ref[...],
                  0.0)
  o_ref[...] = jnp.dot(h * _norm(do_ref), w_ref[...],
                       preferred_element_type=jnp.float32)


def _final_body(a0_ref, a1_ref, di_ref, b_ref, o_ref):
  inorm = lax.rsqrt(jnp.maximum(jnp.sum(di_ref[...], axis=1), 1.0))[:, None]
  o_ref[...] = jnp.maximum(
      (a0_ref[...] + a1_ref[...]) * inorm + b_ref[...], 0.0)


def _row_spec(d):
  return pl.BlockSpec((ROW_BLK, d), lambda i: (i, 0))


def _full_spec(shape):
  return pl.BlockSpec(shape, lambda i: tuple(0 for _ in shape))




def kernel(x_raw, edge_index, Wp, bp, W1, b1, W2, b2):
  n, in_dim = x_raw.shape
  hid = W1.shape[1]
  e = edge_index.shape[1]

  npad = ((n + ROW_BLK) // ROW_BLK) * ROW_BLK
  egrain = NW * CHUNK * SB * 2
  epad = ((e + egrain - 1) // egrain) * egrain
  n_dummy = npad - n

  src = edge_index[0].astype(jnp.int32)
  dst = edge_index[1].astype(jnp.int32)
  pad_idx = (jnp.arange(epad - e + SB * CHUNK, dtype=jnp.int32) % n_dummy) + n
  src = jnp.concatenate([src, pad_idx]).reshape(-1, CHUNK)
  dst = jnp.concatenate([dst, pad_idx]).reshape(-1, CHUNK)
  xp = jnp.pad(x_raw, ((0, npad - n), (0, 0)))

  grid = (npad // ROW_BLK,)

  deg_kernel = _make_degree_kernel(npad, epad)
  agg_kernel = _make_agg_kernel(npad, epad, hid)

  outd_p, ind_p = deg_kernel(src, dst)

  bp2 = bp.reshape(1, hid)
  b12 = b1.reshape(1, hid)
  b22 = b2.reshape(1, hid)
  dspec = pl.BlockSpec((NC, ROW_BLK), lambda i: (0, i))
  row = _row_spec(hid)
  wspec = _full_spec((in_dim, hid))
  bspec = _full_spec((1, hid))
  oshape = jax.ShapeDtypeStruct((npad, hid), jnp.float32)

  t1 = pl.pallas_call(
      _proj_scale_mm_body, grid=grid,
      in_specs=[pl.BlockSpec((ROW_BLK, in_dim), lambda i: (i, 0)), wspec,
                bspec, dspec, wspec],
      out_specs=row, out_shape=oshape,
  )(xp, Wp, bp2, outd_p, W1)

  agg1 = agg_kernel(t1, src, dst)

  t2 = pl.pallas_call(
      _mid_body, grid=grid,
      in_specs=[row, row, dspec, dspec, bspec, wspec],
      out_specs=row, out_shape=oshape,
  )(agg1[0], agg1[1], ind_p, outd_p, b12, W2)

  agg2 = agg_kernel(t2, src, dst)

  fb = 1000 if n % 1000 == 0 else ROW_BLK
  fgrid = (n // fb,) if n % fb == 0 else grid
  frow = pl.BlockSpec((fb, hid), lambda i: (i, 0))
  fdspec = pl.BlockSpec((fb, NC), lambda i: (i, 0))
  fshape = jax.ShapeDtypeStruct((fgrid[0] * fb, hid), jnp.float32)
  out = pl.pallas_call(
      _final_body, grid=fgrid,
      in_specs=[frow, frow, fdspec, bspec],
      out_specs=frow, out_shape=fshape,
  )(agg2[0], agg2[1], ind_p.T, b22)

  return out[:n]

# --- scband reference (transcript-rebuilt; emitter-appended) ---
"""Pipeline reference for scband-local-gnn-20727512170561 (READ-ONLY COPY).

The authoritative reference and input builder live on the scoring server;
editing this copy changes nothing except your own understanding.
"""

import jax, jax.numpy as jnp
import numpy as np

N_NODES = 10000
N_EDGES = 320000
IN_DIM = 128
HID_DIM = 128


def setup_inputs(seed: int = 0) -> dict:
    key = jax.random.key(seed)
    ks = jax.random.split(key, 8)
    x_raw = jax.random.normal(ks[0], (N_NODES, IN_DIM), dtype=jnp.float32)
    edge_index = jax.random.randint(ks[1], (2, N_EDGES), 0, N_NODES, dtype=jnp.int64)
    # proj linear
    Wp = jax.random.normal(ks[2], (IN_DIM, HID_DIM), dtype=jnp.float32) * (1.0 / np.sqrt(IN_DIM))
    bp = jnp.zeros((HID_DIM,), dtype=jnp.float32)
    # two GraphConv layers (weight + bias each)
    W1 = jax.random.normal(ks[3], (HID_DIM, HID_DIM), dtype=jnp.float32) * (1.0 / np.sqrt(HID_DIM))
    b1 = jnp.zeros((HID_DIM,), dtype=jnp.float32)
    W2 = jax.random.normal(ks[4], (HID_DIM, HID_DIM), dtype=jnp.float32) * (1.0 / np.sqrt(HID_DIM))
    b2 = jnp.zeros((HID_DIM,), dtype=jnp.float32)
    return {"x_raw": x_raw, "edge_index": edge_index, "Wp": Wp, "bp": bp, "W1": W1, "b1": b1, "W2": W2, "b2": b2}


def _gcn_layer(h, src, dst, out_norm, in_norm, W, b):
    # DGL GraphConv with norm='both': D_out^{-1/2} on src feat, sum-aggregate, D_in^{-1/2} on result
    h = h * out_norm[:, None]
    h = h @ W
    agg = jnp.zeros((h.shape[0], h.shape[1]), dtype=h.dtype).at[dst].add(h[src])
    agg = agg * in_norm[:, None]
    return agg + b


def reference(x_raw, edge_index, Wp, bp, W1, b1, W2, b2):
    src = edge_index[0]
    dst = edge_index[1]
    n = x_raw.shape[0]
    ones = jnp.ones((src.shape[0],), dtype=jnp.float32)
    out_deg = jnp.zeros((n,), dtype=jnp.float32).at[src].add(ones)
    in_deg = jnp.zeros((n,), dtype=jnp.float32).at[dst].add(ones)
    out_norm = jnp.power(jnp.clip(out_deg, 1.0, None), -0.5)
    in_norm = jnp.power(jnp.clip(in_deg, 1.0, None), -0.5)
    # proj + relu (dropout p=0, eval mode)
    x = jax.nn.relu(x_raw @ Wp + bp)
    h = x
    h = jax.nn.relu(_gcn_layer(h, src, dst, out_norm, in_norm, W1, b1))
    h = jax.nn.relu(_gcn_layer(h, src, dst, out_norm, in_norm, W2, b2))
    return h

if __name__ == "__main__":
    import jax
    _d = setup_inputs()
    print(jax.jit(kernel)(*tuple(_d.values())))

</pallas_src>

<mosaic_0001>
#map = affine_map<(d0, d1) -> (0, 0)>
module attributes {stable_mosaic.version = 14 : i64} {
  func.func @deg_kernel(%arg0: i32, %arg1: i32, %arg2: memref<2568x128xi32, #tpu.memory_space<hbm>>, %arg3: memref<2568x128xi32, #tpu.memory_space<hbm>>, %arg4: memref<2x10240xf32, #tpu.memory_space<hbm>>, %arg5: memref<2x10240xf32, #tpu.memory_space<hbm>>, %arg6: memref<80x128xi32, #tpu.memory_space<vmem>>, %arg7: memref<80x128xi32, #tpu.memory_space<vmem>>, %arg8: memref<128xf32, #tpu.memory_space<vmem>>, %arg9: memref<640xf32, #tpu.memory_space<vmem>>, %arg10: memref<10240xf32, #tpu.memory_space<vmem_shared>>, %arg11: memref<10240xf32, #tpu.memory_space<vmem_shared>>, %arg12: memref<!tpu.dma_semaphore, #tpu.memory_space<semaphore_mem>>, %arg13: memref<!tpu.dma_semaphore, #tpu.memory_space<semaphore_mem>>) attributes {dimension_semantics = [#tpu.dimension_semantics<core_parallel>, #tpu.dimension_semantics<subcore_parallel>], iteration_bounds = array<i64: 2, 16>, scalar_prefetch = 0 : i64, scratch_operands = 8 : i64, tpu.core_type = #tpu.core_type<sc_vector_subcore>, window_params = [{transform_indices = #map}, {transform_indices = #map}, {transform_indices = #map}, {transform_indices = #map}]} {
    %broadcast_in_dim3A = arith.constant 1.000000e+00 : f32
    %broadcast_in_dim3A_0 = vector.broadcast %broadcast_in_dim3A : f32 to vector<16xf32>
    %broadcast_in_dim3A_1 = arith.constant 0.000000e+00 : f32
    %broadcast_in_dim3A_2 = vector.broadcast %broadcast_in_dim3A_1 : f32 to vector<16xf32>
    %swap3A = arith.constant 0 : index
    %swap3A_3 = tpu.vector_load %arg8[%swap3A] {strides = array<i32>} : memref<128xf32, #tpu.memory_space<vmem>>, vector<16xf32>,
    %swap3A_4 = vector.shape_cast %swap3A_3 : vector<16xf32> to vector<16xf32>
    %swap3A_5 = vector.shape_cast %broadcast_in_dim3A_0 : vector<16xf32> to vector<16xf32>
    tpu.vector_store %arg8[%swap3A], %swap3A_5 {strides = array<i32>} : memref<128xf32, #tpu.memory_space<vmem>>, vector<16xf32>,
    %swap3A_6 = arith.constant 16 : index
    %swap3A_7 = tpu.vector_load %arg8[%swap3A_6] {strides = array<i32>} : memref<128xf32, #tpu.memory_space<vmem>>, vector<16xf32>,
    %swap3A_8 = vector.shape_cast %swap3A_7 : vector<16xf32> to vector<16xf32>
    %swap3A_9 = vector.shape_cast %broadcast_in_dim3A_0 : vector<16xf32> to vector<16xf32>
    tpu.vector_store %arg8[%swap3A_6], %swap3A_9 {strides = array<i32>} : memref<128xf32, #tpu.memory_space<vmem>>, vector<16xf32>,
    %swap3A_10 = arith.constant 32 : index
    %swap3A_11 = tpu.vector_load %arg8[%swap3A_10] {strides = array<i32>} : memref<128xf32, #tpu.memory_space<vmem>>, vector<16xf32>,
    %swap3A_12 = vector.shape_cast %swap3A_11 : vector<16xf32> to vector<16xf32>
    %swap3A_13 = vector.shape_cast %broadcast_in_dim3A_0 : vector<16xf32> to vector<16xf32>
    tpu.vector_store %arg8[%swap3A_10], %swap3A_13 {strides = array<i32>} : memref<128xf32, #tpu.memory_space<vmem>>, vector<16xf32>,
    %swap3A_14 = arith.constant 48 : index
    %swap3A_15 = tpu.vector_load %arg8[%swap3A_14] {strides = array<i32>} : memref<128xf32, #tpu.memory_space<vmem>>, vector<16xf32>,
    %swap3A_16 = vector.shape_cast %swap3A_15 : vector<16xf32> to vector<16xf32>
    %swap3A_17 = vector.shape_cast %broadcast_in_dim3A_0 : vector<16xf32> to vector<16xf32>
    tpu.vector_store %arg8[%swap3A_14], %swap3A_17 {strides = array<i32>} : memref<128xf32, #tpu.memory_space<vmem>>, vector<16xf32>,
    %swap3A_18 = arith.constant 64 : index
    %swap3A_19 = tpu.vector_load %arg8[%swap3A_18] {strides = array<i32>} : memref<128xf32, #tpu.memory_space<vmem>>, vector<16xf32>,
    %swap3A_20 = vector.shape_cast %swap3A_19 : vector<16xf32> to vector<16xf32>
    %swap3A_21 = vector.shape_cast %broadcast_in_dim3A_0 : vector<16xf32> to vector<16xf32>
    tpu.vector_store %arg8[%swap3A_18], %swap3A_21 {strides = array<i32>} : memref<128xf32, #tpu.memory_space<vmem>>, vector<16xf32>,
    %swap3A_22 = arith.constant 80 : index
    %swap3A_23 = tpu.vector_load %arg8[%swap3A_22] {strides = array<i32>} : memref<128xf32, #tpu.memory_space<vmem>>, vector<16xf32>,
    %swap3A_24 = vector.shape_cast %swap3A_23 : vector<16xf32> to vector<16xf32>
    %swap3A_25 = vector.shape_cast %broadcast_in_dim3A_0 : vector<16xf32> to vector<16xf32>
    tpu.vector_store %arg8[%swap3A_22], %swap3A_25 {strides = array<i32>} : memref<128xf32, #tpu.memory_space<vmem>>, vector<16xf32>,
    %swap3A_26 = arith.constant 96 : index
    %swap3A_27 = tpu.vector_load %arg8[%swap3A_26] {strides = array<i32>} : memref<128xf32, #tpu.memory_space<vmem>>, vector<16xf32>,
    %swap3A_28 = vector.shape_cast %swap3A_27 : vector<16xf32> to vector<16xf32>
    %swap3A_29 = vector.shape_cast %broadcast_in_dim3A_0 : vector<16xf32> to vector<16xf32>
    tpu.vector_store %arg8[%swap3A_26], %swap3A_29 {strides = array<i32>} : memref<128xf32, #tpu.memory_space<vmem>>, vector<16xf32>,
    %swap3A_30 = arith.constant 112 : index
    %swap3A_31 = tpu.vector_load %arg8[%swap3A_30] {strides = array<i32>} : memref<128xf32, #tpu.memory_space<vmem>>, vector<16xf32>,
    %swap3A_32 = vector.shape_cast %swap3A_31 : vector<16xf32> to vector<16xf32>
    %swap3A_33 = vector.shape_cast %broadcast_in_dim3A_0 : vector<16xf32> to vector<16xf32>
    tpu.vector_store %arg8[%swap3A_30], %swap3A_33 {strides = array<i32>} : memref<128xf32, #tpu.memory_space<vmem>>, vector<16xf32>,
    %scan3A = arith.constant 0 : i32
    %scan3A_34 = arith.constant 0 : i32
    %scan3A_35 = arith.constant 40 : i32
    %scan3A_36 = arith.addi %scan3A_34, %scan3A_35 : i32
    %scan3A_37 = arith.constant 1 : i32
    %scan3A_38 = scf.for %scan3A_70 = %scan3A_34 to %scan3A_36 step %scan3A_37 iter_args(%scan3A_71 = %scan3A) -> (i32)  : i32 {
      %mul3A_72 = arith.constant 16 : i32
      %mul3A_73 = arith.muli %scan3A_70, %mul3A_72 : i32
      %swap3A_74 = arith.index_cast %mul3A_73 : i32 to index
      %swap3A_75 = tpu.vector_load %arg9[%swap3A_74] {strides = array<i32>} : memref<640xf32, #tpu.memory_space<vmem>>, vector<16xf32>,
      %swap3A_76 = vector.shape_cast %swap3A_75 : vector<16xf32> to vector<16xf32>
      %swap3A_77 = vector.shape_cast %broadcast_in_dim3A_2 : vector<16xf32> to vector<16xf32>
      tpu.vector_store %arg9[%swap3A_74], %swap3A_77 {strides = array<i32>} : memref<640xf32, #tpu.memory_space<vmem>>, vector<16xf32>,
      %scan3A_78 = arith.constant 0 : i32
      scf.yield %scan3A_78 : i32
    }
    %scan3A_39 = arith.constant 40 : i32
    %mul3A = arith.constant 640 : i32
    %mul3A_40 = arith.muli %arg1, %mul3A : i32
    "tpu.region"() ({
      %run_scoped3A = tpu.sem_alloc : memref<!tpu.dma_semaphore, #tpu.memory_space<semaphore_mem>>
      %dma_start3A = tpu.memref_slice %arg10[%mul3A_40] : memref<10240xf32, #tpu.memory_space<vmem_shared>> -> memref<640xf32, #tpu.memory_space<vmem_shared>>
      %dma_start3A_70 = tpu.memref_slice %arg10[%mul3A_40] : memref<10240xf32, #tpu.memory_space<vmem_shared>> -> memref<640xf32, #tpu.memory_space<vmem_shared>>
      tpu.enqueue_dma source(%arg9 : memref<640xf32, #tpu.memory_space<vmem>>) target(%dma_start3A_70 : memref<640xf32, #tpu.memory_space<vmem_shared>>) target_semaphore(%run_scoped3A : memref<!tpu.dma_semaphore, #tpu.memory_space<semaphore_mem>>)
      %dma_wait3A = tpu.memref_slice %arg10[%mul3A_40] : memref<10240xf32, #tpu.memory_space<vmem_shared>> -> memref<640xf32, #tpu.memory_space<vmem_shared>>
      %dma_wait3A_71 = tpu.memref_slice %arg10[%mul3A_40] : memref<10240xf32, #tpu.memory_space<vmem_shared>> -> memref<640xf32, #tpu.memory_space<vmem_shared>>
      tpu.wait_dma2 semaphore(%run_scoped3A : memref<!tpu.dma_semaphore, #tpu.memory_space<semaphore_mem>>) src(%arg9 : memref<640xf32, #tpu.memory_space<vmem>>) dst(%dma_wait3A_71 : memref<640xf32, #tpu.memory_space<vmem_shared>>)
      tpu.yield
    }) : () -> ()
    %mul3A_41 = arith.constant 640 : i32
    %mul3A_42 = arith.muli %arg1, %mul3A_41 : i32
    "tpu.region"() ({
      %run_scoped3A = tpu.sem_alloc : memref<!tpu.dma_semaphore, #tpu.memory_space<semaphore_mem>>
      %dma_start3A = tpu.memref_slice %arg11[%mul3A_42] : memref<10240xf32, #tpu.memory_space<vmem_shared>> -> memref<640xf32, #tpu.memory_space<vmem_shared>>
      %dma_start3A_70 = tpu.memref_slice %arg11[%mul3A_42] : memref<10240xf32, #tpu.memory_space<vmem_shared>> -> memref<640xf32, #tpu.memory_space<vmem_shared>>
      tpu.enqueue_dma source(%arg9 : memref<640xf32, #tpu.memory_space<vmem>>) target(%dma_start3A_70 : memref<640xf32, #tpu.memory_space<vmem_shared>>) target_semaphore(%run_scoped3A : memref<!tpu.dma_semaphore, #tpu.memory_space<semaphore_mem>>)
      %dma_wait3A = tpu.memref_slice %arg11[%mul3A_42] : memref<10240xf32, #tpu.memory_space<vmem_shared>> -> memref<640xf32, #tpu.memory_space<vmem_shared>>
      %dma_wait3A_71 = tpu.memref_slice %arg11[%mul3A_42] : memref<10240xf32, #tpu.memory_space<vmem_shared>> -> memref<640xf32, #tpu.memory_space<vmem_shared>>
      tpu.wait_dma2 semaphore(%run_scoped3A : memref<!tpu.dma_semaphore, #tpu.memory_space<semaphore_mem>>) src(%arg9 : memref<640xf32, #tpu.memory_space<vmem>>) dst(%dma_wait3A_71 : memref<640xf32, #tpu.memory_space<vmem_shared>>)
      tpu.yield
    }) : () -> ()
    %mul3A_43 = arith.constant 16 : i32
    %mul3A_44 = arith.muli %arg0, %mul3A_43 : i32
    %add3A = arith.addi %mul3A_44, %arg1 : i32
    %mul3A_45 = arith.constant 80 : i32
    %mul3A_46 = arith.muli %add3A, %mul3A_45 : i32
    "tpu.region"() ({
      %run_scoped3A = tpu.sem_alloc : memref<!tpu.dma_semaphore, #tpu.memory_space<semaphore_mem>>
      %dma_start3A = arith.constant 0 : i32
      %dma_start3A_70 = tpu.memref_slice %arg2[%mul3A_46, %dma_start3A] : memref<2568x128xi32, #tpu.memory_space<hbm>> -> memref<80x128xi32, #tpu.memory_space<hbm>>
      %dma_start3A_71 = arith.constant 0 : i32
      %dma_start3A_72 = tpu.memref_slice %arg2[%mul3A_46, %dma_start3A_71] : memref<2568x128xi32, #tpu.memory_space<hbm>> -> memref<80x128xi32, #tpu.memory_space<hbm>>
      tpu.enqueue_dma source(%dma_start3A_72 : memref<80x128xi32, #tpu.memory_space<hbm>>) target(%arg6 : memref<80x128xi32, #tpu.memory_space<vmem>>) target_semaphore(%run_scoped3A : memref<!tpu.dma_semaphore, #tpu.memory_space<semaphore_mem>>)
      %dma_wait3A = arith.constant 0 : i32
      %dma_wait3A_73 = tpu.memref_slice %arg2[%mul3A_46, %dma_wait3A] : memref<2568x128xi32, #tpu.memory_space<hbm>> -> memref<80x128xi32, #tpu.memory_space<hbm>>
      %dma_wait3A_74 = arith.constant 0 : i32
      %dma_wait3A_75 = tpu.memref_slice %arg2[%mul3A_46, %dma_wait3A_74] : memref<2568x128xi32, #tpu.memory_space<hbm>> -> memref<80x128xi32, #tpu.memory_space<hbm>>
      tpu.wait_dma2 semaphore(%run_scoped3A : memref<!tpu.dma_semaphore, #tpu.memory_space<semaphore_mem>>) src(%dma_wait3A_75 : memref<80x128xi32, #tpu.memory_space<hbm>>) dst(%arg6 : memref<80x128xi32, #tpu.memory_space<vmem>>)
      tpu.yield
    }) : () -> ()
    "tpu.region"() ({
      %run_scoped3A = tpu.sem_alloc : memref<!tpu.dma_semaphore, #tpu.memory_space<semaphore_mem>>
      %dma_start3A = arith.constant 0 : i32
      %dma_start3A_70 = tpu.memref_slice %arg3[%mul3A_46, %dma_start3A] : memref<2568x128xi32, #tpu.memory_space<hbm>> -> memref<80x128xi32, #tpu.memory_space<hbm>>
      %dma_start3A_71 = arith.constant 0 : i32
      %dma_start3A_72 = tpu.memref_slice %arg3[%mul3A_46, %dma_start3A_71] : memref<2568x128xi32, #tpu.memory_space<hbm>> -> memref<80x128xi32, #tpu.memory_space<hbm>>
      tpu.enqueue_dma source(%dma_start3A_72 : memref<80x128xi32, #tpu.memory_space<hbm>>) target(%arg7 : memref<80x128xi32, #tpu.memory_space<vmem>>) target_semaphore(%run_scoped3A : memref<!tpu.dma_semaphore, #tpu.memory_space<semaphore_mem>>)
      %dma_wait3A = arith.constant 0 : i32
      %dma_wait3A_73 = tpu.memref_slice %arg3[%mul3A_46, %dma_wait3A] : memref<2568x128xi32, #tpu.memory_space<hbm>> -> memref<80x128xi32, #tpu.memory_space<hbm>>
      %dma_wait3A_74 = arith.constant 0 : i32
      %dma_wait3A_75 = tpu.memref_slice %arg3[%mul3A_46, %dma_wait3A_74] : memref<2568x128xi32, #tpu.memory_space<hbm>> -> memref<80x128xi32, #tpu.memory_space<hbm>>
      tpu.wait_dma2 semaphore(%run_scoped3A : memref<!tpu.dma_semaphore, #tpu.memory_space<semaphore_mem>>) src(%dma_wait3A_75 : memref<80x128xi32, #tpu.memory_space<hbm>>) dst(%arg7 : memref<80x128xi32, #tpu.memory_space<vmem>>)
      tpu.yield
    }) : () -> ()
    %barrier3A = arith.constant 0 : index
    tpu.barrier barrier_id(%barrier3A)
    %scan3A_47 = arith.constant 0 : i32
    %scan3A_48 = arith.constant 0 : i32
    %scan3A_49 = arith.constant 80 : i32
    %scan3A_50 = arith.addi %scan3A_48, %scan3A_49 : i32
    %scan3A_51 = arith.constant 1 : i32
    %scan3A_52 = scf.for %scan3A_70 = %scan3A_48 to %scan3A_50 step %scan3A_51 iter_args(%scan3A_71 = %scan3A_47) -> (i32)  : i32 {
      %dma_start3A = arith.constant 0 : i32
      %dma_start3A_72 = tpu.memref_slice %arg6[%scan3A_70, %dma_start3A] : memref<80x128xi32, #tpu.memory_space<vmem>> -> memref<1x128xi32, #tpu.memory_space<vmem>>
      %dma_start3A_73 = tpu.memref_squeeze %dma_start3A_72 : memref<1x128xi32, #tpu.memory_space<vmem>> -> memref<128xi32, #tpu.memory_space<vmem>>
      %dma_start3A_74 = arith.constant 0 : i32
      %dma_start3A_75 = tpu.memref_slice %arg10[%dma_start3A_74] : memref<10240xf32, #tpu.memory_space<vmem_shared>> -> memref<10240xf32, #tpu.memory_space<vmem_shared>>
      tpu.enqueue_indirect_dma source(%arg8 : memref<128xf32, #tpu.memory_space<vmem>>) target(%dma_start3A_75 : memref<10240xf32, #tpu.memory_space<vmem_shared>>) offsets(%dma_start3A_73 : memref<128xi32, #tpu.memory_space<vmem>>) semaphore(%arg12 : memref<!tpu.dma_semaphore, #tpu.memory_space<semaphore_mem>>) {add = true}
      %dma_start3A_76 = arith.constant 0 : i32
      %dma_start3A_77 = tpu.memref_slice %arg7[%scan3A_70, %dma_start3A_76] : memref<80x128xi32, #tpu.memory_space<vmem>> -> memref<1x128xi32, #tpu.memory_space<vmem>>
      %dma_start3A_78 = tpu.memref_squeeze %dma_start3A_77 : memref<1x128xi32, #tpu.memory_space<vmem>> -> memref<128xi32, #tpu.memory_space<vmem>>
      %dma_start3A_79 = arith.constant 0 : i32
      %dma_start3A_80 = tpu.memref_slice %arg11[%dma_start3A_79] : memref<10240xf32, #tpu.memory_space<vmem_shared>> -> memref<10240xf32, #tpu.memory_space<vmem_shared>>
      tpu.enqueue_indirect_dma source(%arg8 : memref<128xf32, #tpu.memory_space<vmem>>) target(%dma_start3A_80 : memref<10240xf32, #tpu.memory_space<vmem_shared>>) offsets(%dma_start3A_78 : memref<128xi32, #tpu.memory_space<vmem>>) semaphore(%arg13 : memref<!tpu.dma_semaphore, #tpu.memory_space<semaphore_mem>>) {add = true}
      %scan3A_81 = arith.constant 0 : i32
      scf.yield %scan3A_81 : i32
    }
    %scan3A_53 = arith.constant 80 : i32
    %scan3A_54 = arith.constant 0 : i32
    %scan3A_55 = arith.constant 0 : i32
    %scan3A_56 = arith.constant 80 : i32
    %scan3A_57 = arith.addi %scan3A_55, %scan3A_56 : i32
    %scan3A_58 = arith.constant 1 : i32
    %scan3A_59 = scf.for %scan3A_70 = %scan3A_55 to %scan3A_57 step %scan3A_58 iter_args(%scan3A_71 = %scan3A_54) -> (i32)  : i32 {
      %dma_wait3A = arith.constant 0 : i32
      %dma_wait3A_72 = arith.constant 0 : i32
      %dma_wait3A_73 = tpu.memref_slice %arg6[%dma_wait3A, %dma_wait3A_72] : memref<80x128xi32, #tpu.memory_space<vmem>> -> memref<1x128xi32, #tpu.memory_space<vmem>>
      %dma_wait3A_74 = tpu.memref_squeeze %dma_wait3A_73 : memref<1x128xi32, #tpu.memory_space<vmem>> -> memref<128xi32, #tpu.memory_space<vmem>>
      %dma_wait3A_75 = arith.constant 0 : i32
      %dma_wait3A_76 = tpu.memref_slice %arg10[%dma_wait3A_75] : memref<10240xf32, #tpu.memory_space<vmem_shared>> -> memref<10240xf32, #tpu.memory_space<vmem_shared>>
      tpu.wait_indirect_dma semaphore(%arg12 : memref<!tpu.dma_semaphore, #tpu.memory_space<semaphore_mem>>) src(%arg8 : memref<128xf32, #tpu.memory_space<vmem>>) dst(%dma_wait3A_76 : memref<10240xf32, #tpu.memory_space<vmem_shared>>)
      %dma_wait3A_77 = arith.constant 0 : i32
      %dma_wait3A_78 = arith.constant 0 : i32
      %dma_wait3A_79 = tpu.memref_slice %arg7[%dma_wait3A_77, %dma_wait3A_78] : memref<80x128xi32, #tpu.memory_space<vmem>> -> memref<1x128xi32, #tpu.memory_space<vmem>>
      %dma_wait3A_80 = tpu.memref_squeeze %dma_wait3A_79 : memref<1x128xi32, #tpu.memory_space<vmem>> -> memref<128xi32, #tpu.memory_space<vmem>>
      %dma_wait3A_81 = arith.constant 0 : i32
      %dma_wait3A_82 = tpu.memref_slice %arg11[%dma_wait3A_81] : memref<10240xf32, #tpu.memory_space<vmem_shared>> -> memref<10240xf32, #tpu.memory_space<vmem_shared>>
      tpu.wait_indirect_dma semaphore(%arg13 : memref<!tpu.dma_semaphore, #tpu.memory_space<semaphore_mem>>) src(%arg8 : memref<128xf32, #tpu.memory_space<vmem>>) dst(%dma_wait3A_82 : memref<10240xf32, #tpu.memory_space<vmem_shared>>)
      %scan3A_83 = arith.constant 0 : i32
      scf.yield %scan3A_83 : i32
    }
    %scan3A_60 = arith.constant 80 : i32
    %barrier3A_61 = arith.constant 0 : index
    tpu.barrier barrier_id(%barrier3A_61)
    %mul3A_62 = arith.constant 640 : i32
    %mul3A_63 = arith.muli %arg1, %mul3A_62 : i32
    %mul3A_64 = arith.constant 640 : i32
    %mul3A_65 = arith.muli %arg1, %mul3A_64 : i32
    "tpu.region"() ({
      %run_scoped3A = tpu.sem_alloc : memref<!tpu.dma_semaphore, #tpu.memory_space<semaphore_mem>>
      %dma_start3A = tpu.memref_slice %arg4[%arg0, %mul3A_65] : memref<2x10240xf32, #tpu.memory_space<hbm>> -> memref<1x640xf32, #tpu.memory_space<hbm>>
      %dma_start3A_70 = tpu.memref_squeeze %dma_start3A : memref<1x640xf32, #tpu.memory_space<hbm>> -> memref<640xf32, #tpu.memory_space<hbm>>
      %dma_start3A_71 = tpu.memref_slice %arg10[%mul3A_63] : memref<10240xf32, #tpu.memory_space<vmem_shared>> -> memref<640xf32, #tpu.memory_space<vmem_shared>>
      tpu.enqueue_dma source(%dma_start3A_71 : memref<640xf32, #tpu.memory_space<vmem_shared>>) target(%dma_start3A_70 : memref<640xf32, #tpu.memory_space<hbm>>) target_semaphore(%run_scoped3A : memref<!tpu.dma_semaphore, #tpu.memory_space<semaphore_mem>>)
      %dma_wait3A = tpu.memref_slice %arg4[%arg0, %mul3A_65] : memref<2x10240xf32, #tpu.memory_space<hbm>> -> memref<1x640xf32, #tpu.memory_space<hbm>>
      %dma_wait3A_72 = tpu.memref_squeeze %dma_wait3A : memref<1x640xf32, #tpu.memory_space<hbm>> -> memref<640xf32, #tpu.memory_space<hbm>>
      %dma_wait3A_73 = tpu.memref_slice %arg10[%mul3A_63] : memref<10240xf32, #tpu.memory_space<vmem_shared>> -> memref<640xf32, #tpu.memory_space<vmem_shared>>
      tpu.wait_dma2 semaphore(%run_scoped3A : memref<!tpu.dma_semaphore, #tpu.memory_space<semaphore_mem>>) src(%dma_wait3A_73 : memref<640xf32, #tpu.memory_space<vmem_shared>>) dst(%dma_wait3A_72 : memref<640xf32, #tpu.memory_space<hbm>>)
      tpu.yield
    }) : () -> ()
    %mul3A_66 = arith.constant 640 : i32
    %mul3A_67 = arith.muli %arg1, %mul3A_66 : i32
    %mul3A_68 = arith.constant 640 : i32
    %mul3A_69 = arith.muli %arg1, %mul3A_68 : i32
    "tpu.region"() ({
      %run_scoped3A = tpu.sem_alloc : memref<!tpu.dma_semaphore, #tpu.memory_space<semaphore_mem>>
      %dma_start3A = tpu.memref_slice %arg5[%arg0, %mul3A_69] : memref<2x10240xf32, #tpu.memory_space<hbm>> -> memref<1x640xf32, #tpu.memory_space<hbm>>
      %dma_start3A_70 = tpu.memref_squeeze %dma_start3A : memref<1x640xf32, #tpu.memory_space<hbm>> -> memref<640xf32, #tpu.memory_space<hbm>>
      %dma_start3A_71 = tpu.memref_slice %arg11[%mul3A_67] : memref<10240xf32, #tpu.memory_space<vmem_shared>> -> memref<640xf32, #tpu.memory_space<vmem_shared>>
      tpu.enqueue_dma source(%dma_start3A_71 : memref<640xf32, #tpu.memory_space<vmem_shared>>) target(%dma_start3A_70 : memref<640xf32, #tpu.memory_space<hbm>>) target_semaphore(%run_scoped3A : memref<!tpu.dma_semaphore, #tpu.memory_space<semaphore_mem>>)
      %dma_wait3A = tpu.memref_slice %arg5[%arg0, %mul3A_69] : memref<2x10240xf32, #tpu.memory_space<hbm>> -> memref<1x640xf32, #tpu.memory_space<hbm>>
      %dma_wait3A_72 = tpu.memref_squeeze %dma_wait3A : memref<1x640xf32, #tpu.memory_space<hbm>> -> memref<640xf32, #tpu.memory_space<hbm>>
      %dma_wait3A_73 = tpu.memref_slice %arg11[%mul3A_67] : memref<10240xf32, #tpu.memory_space<vmem_shared>> -> memref<640xf32, #tpu.memory_space<vmem_shared>>
      tpu.wait_dma2 semaphore(%run_scoped3A : memref<!tpu.dma_semaphore, #tpu.memory_space<semaphore_mem>>) src(%dma_wait3A_73 : memref<640xf32, #tpu.memory_space<vmem_shared>>) dst(%dma_wait3A_72 : memref<640xf32, #tpu.memory_space<hbm>>)
      tpu.yield
    }) : () -> ()
    return
  }
}

#map = affine_map<(d0, d1) -> (0, 0)>
#map1 = affine_map<(d0, d1) -> (0, 0, 0)>
module attributes {stable_mosaic.version = 14 : i64} {
  func.func @agg_kernel(%arg0: i32, %arg1: i32, %arg2: memref<10240x128xf32, #tpu.memory_space<hbm>>, %arg3: memref<2568x128xi32, #tpu.memory_space<hbm>>, %arg4: memref<2568x128xi32, #tpu.memory_space<hbm>>, %arg5: memref<2x10240x128xf32, #tpu.memory_space<hbm>>, %arg6: memref<2x8x128xi32, #tpu.memory_space<vmem>>, %arg7: memref<2x8x128xi32, #tpu.memory_space<vmem>>, %arg8: memref<2x128x128xf32, #tpu.memory_space<vmem>>, %arg9: memref<64x128xf32, #tpu.memory_space<vmem>>, %arg10: memref<10240x128xf32, #tpu.memory_space<vmem_shared>>, %arg11: memref<!tpu.dma_semaphore, #tpu.memory_space<semaphore_mem>>, %arg12: memref<!tpu.dma_semaphore, #tpu.memory_space<semaphore_mem>>, %arg13: memref<!tpu.dma_semaphore, #tpu.memory_space<semaphore_mem>>) attributes {dimension_semantics = [#tpu.dimension_semantics<core_parallel>, #tpu.dimension_semantics<subcore_parallel>], iteration_bounds = array<i64: 2, 16>, scalar_prefetch = 0 : i64, scratch_operands = 8 : i64, tpu.core_type = #tpu.core_type<sc_vector_subcore>, window_params = [{transform_indices = #map}, {transform_indices = #map}, {transform_indices = #map}, {transform_indices = #map1}]} {
    %broadcast_in_dim3A = arith.constant 0.000000e+00 : f32
    %broadcast_in_dim3A_0 = vector.broadcast %broadcast_in_dim3A : f32 to vector<16xf32>
    %scan3A = arith.constant 0 : i32
    %scan3A_1 = arith.constant 0 : i32
    %scan3A_2 = arith.constant 64 : i32
    %scan3A_3 = arith.addi %scan3A_1, %scan3A_2 : i32
    %scan3A_4 = arith.constant 1 : i32
    %scan3A_5 = scf.for %scan3A_92 = %scan3A_1 to %scan3A_3 step %scan3A_4 iter_args(%scan3A_93 = %scan3A) -> (i32)  : i32 {
      %swap3A = arith.index_cast %scan3A_92 : i32 to index
      %swap3A_94 = arith.constant 0 : index
      %swap3A_95 = tpu.vector_load %arg9[%swap3A, %swap3A_94] {strides = array<i32>} : memref<64x128xf32, #tpu.memory_space<vmem>>, vector<1x16xf32>,
      %swap3A_96 = vector.shape_cast %swap3A_95 : vector<1x16xf32> to vector<16xf32>
      %swap3A_97 = vector.shape_cast %broadcast_in_dim3A_0 : vector<16xf32> to vector<1x16xf32>
      tpu.vector_store %arg9[%swap3A, %swap3A_94], %swap3A_97 {strides = array<i32>} : memref<64x128xf32, #tpu.memory_space<vmem>>, vector<1x16xf32>,
      %swap3A_98 = arith.index_cast %scan3A_92 : i32 to index
      %swap3A_99 = arith.constant 16 : index
      %swap3A_100 = tpu.vector_load %arg9[%swap3A_98, %swap3A_99] {strides = array<i32>} : memref<64x128xf32, #tpu.memory_space<vmem>>, vector<1x16xf32>,
      %swap3A_101 = vector.shape_cast %swap3A_100 : vector<1x16xf32> to vector<16xf32>
      %swap3A_102 = vector.shape_cast %broadcast_in_dim3A_0 : vector<16xf32> to vector<1x16xf32>
      tpu.vector_store %arg9[%swap3A_98, %swap3A_99], %swap3A_102 {strides = array<i32>} : memref<64x128xf32, #tpu.memory_space<vmem>>, vector<1x16xf32>,
      %swap3A_103 = arith.index_cast %scan3A_92 : i32 to index
      %swap3A_104 = arith.constant 32 : index
      %swap3A_105 = tpu.vector_load %arg9[%swap3A_103, %swap3A_104] {strides = array<i32>} : memref<64x128xf32, #tpu.memory_space<vmem>>, vector<1x16xf32>,
      %swap3A_106 = vector.shape_cast %swap3A_105 : vector<1x16xf32> to vector<16xf32>
      %swap3A_107 = vector.shape_cast %broadcast_in_dim3A_0 : vector<16xf32> to vector<1x16xf32>
      tpu.vector_store %arg9[%swap3A_103, %swap3A_104], %swap3A_107 {strides = array<i32>} : memref<64x128xf32, #tpu.memory_space<vmem>>, vector<1x16xf32>,
      %swap3A_108 = arith.index_cast %scan3A_92 : i32 to index
      %swap3A_109 = arith.constant 48 : index
      %swap3A_110 = tpu.vector_load %arg9[%swap3A_108, %swap3A_109] {strides = array<i32>} : memref<64x128xf32, #tpu.memory_space<vmem>>, vector<1x16xf32>,
      %swap3A_111 = vector.shape_cast %swap3A_110 : vector<1x16xf32> to vector<16xf32>
      %swap3A_112 = vector.shape_cast %broadcast_in_dim3A_0 : vector<16xf32> to vector<1x16xf32>
      tpu.vector_store %arg9[%swap3A_108, %swap3A_109], %swap3A_112 {strides = array<i32>} : memref<64x128xf32, #tpu.memory_space<vmem>>, vector<1x16xf32>,
      %swap3A_113 = arith.index_cast %scan3A_92 : i32 to index
      %swap3A_114 = arith.constant 64 : index
      %swap3A_115 = tpu.vector_load %arg9[%swap3A_113, %swap3A_114] {strides = array<i32>} : memref<64x128xf32, #tpu.memory_space<vmem>>, vector<1x16xf32>,
      %swap3A_116 = vector.shape_cast %swap3A_115 : vector<1x16xf32> to vector<16xf32>
      %swap3A_117 = vector.shape_cast %broadcast_in_dim3A_0 : vector<16xf32> to vector<1x16xf32>
      tpu.vector_store %arg9[%swap3A_113, %swap3A_114], %swap3A_117 {strides = array<i32>} : memref<64x128xf32, #tpu.memory_space<vmem>>, vector<1x16xf32>,
      %swap3A_118 = arith.index_cast %scan3A_92 : i32 to index
      %swap3A_119 = arith.constant 80 : index
      %swap3A_120 = tpu.vector_load %arg9[%swap3A_118, %swap3A_119] {strides = array<i32>} : memref<64x128xf32, #tpu.memory_space<vmem>>, vector<1x16xf32>,
      %swap3A_121 = vector.shape_cast %swap3A_120 : vector<1x16xf32> to vector<16xf32>
      %swap3A_122 = vector.shape_cast %broadcast_in_dim3A_0 : vector<16xf32> to vector<1x16xf32>
      tpu.vector_store %arg9[%swap3A_118, %swap3A_119], %swap3A_122 {strides = array<i32>} : memref<64x128xf32, #tpu.memory_space<vmem>>, vector<1x16xf32>,
      %swap3A_123 = arith.index_cast %scan3A_92 : i32 to index
      %swap3A_124 = arith.constant 96 : index
      %swap3A_125 = tpu.vector_load %arg9[%swap3A_123, %swap3A_124] {strides = array<i32>} : memref<64x128xf32, #tpu.memory_space<vmem>>, vector<1x16xf32>,
      %swap3A_126 = vector.shape_cast %swap3A_125 : vector<1x16xf32> to vector<16xf32>
      %swap3A_127 = vector.shape_cast %broadcast_in_dim3A_0 : vector<16xf32> to vector<1x16xf32>
      tpu.vector_store %arg9[%swap3A_123, %swap3A_124], %swap3A_127 {strides = array<i32>} : memref<64x128xf32, #tpu.memory_space<vmem>>, vector<1x16xf32>,
      %swap3A_128 = arith.index_cast %scan3A_92 : i32 to index
      %swap3A_129 = arith.constant 112 : index
      %swap3A_130 = tpu.vector_load %arg9[%swap3A_128, %swap3A_129] {strides = array<i32>} : memref<64x128xf32, #tpu.memory_space<vmem>>, vector<1x16xf32>,
      %swap3A_131 = vector.shape_cast %swap3A_130 : vector<1x16xf32> to vector<16xf32>
      %swap3A_132 = vector.shape_cast %broadcast_in_dim3A_0 : vector<16xf32> to vector<1x16xf32>
      tpu.vector_store %arg9[%swap3A_128, %swap3A_129], %swap3A_132 {strides = array<i32>} : memref<64x128xf32, #tpu.memory_space<vmem>>, vector<1x16xf32>,
      %scan3A_133 = arith.constant 0 : i32
      scf.yield %scan3A_133 : i32
    }
    %scan3A_6 = arith.constant 64 : i32
    %scan3A_7 = arith.constant 0 : i32
    %scan3A_8 = arith.constant 0 : i32
    %scan3A_9 = arith.constant 10 : i32
    %scan3A_10 = arith.addi %scan3A_8, %scan3A_9 : i32
    %scan3A_11 = arith.constant 1 : i32
    %scan3A_12 = scf.for %scan3A_92 = %scan3A_8 to %scan3A_10 step %scan3A_11 iter_args(%scan3A_93 = %scan3A_7) -> (i32)  : i32 {
      %mul3A_94 = arith.constant 640 : i32
      %mul3A_95 = arith.muli %arg1, %mul3A_94 : i32
      %mul3A_96 = arith.constant 64 : i32
      %mul3A_97 = arith.muli %scan3A_92, %mul3A_96 : i32
      %add3A_98 = arith.addi %mul3A_95, %mul3A_97 : i32
      %dma_start3A_99 = arith.constant 0 : i32
      %dma_start3A_100 = tpu.memref_slice %arg10[%add3A_98, %dma_start3A_99] : memref<10240x128xf32, #tpu.memory_space<vmem_shared>> -> memref<64x128xf32, #tpu.memory_space<vmem_shared>>
      %dma_start3A_101 = arith.constant 0 : i32
      %dma_start3A_102 = tpu.memref_slice %arg10[%add3A_98, %dma_start3A_101] : memref<10240x128xf32, #tpu.memory_space<vmem_shared>> -> memref<64x128xf32, #tpu.memory_space<vmem_shared>>
      tpu.enqueue_dma source(%arg9 : memref<64x128xf32, #tpu.memory_space<vmem>>) target(%dma_start3A_102 : memref<64x128xf32, #tpu.memory_space<vmem_shared>>) target_semaphore(%arg13 : memref<!tpu.dma_semaphore, #tpu.memory_space<semaphore_mem>>)
      %scan3A_103 = arith.constant 0 : i32
      scf.yield %scan3A_103 : i32
    }
    %scan3A_13 = arith.constant 10 : i32
    %scan3A_14 = arith.constant 0 : i32
    %scan3A_15 = arith.constant 0 : i32
    %scan3A_16 = arith.constant 10 : i32
    %scan3A_17 = arith.addi %scan3A_15, %scan3A_16 : i32
    %scan3A_18 = arith.constant 1 : i32
    %scan3A_19 = scf.for %scan3A_92 = %scan3A_15 to %scan3A_17 step %scan3A_18 iter_args(%scan3A_93 = %scan3A_14) -> (i32)  : i32 {
      %mul3A_94 = arith.constant 640 : i32
      %mul3A_95 = arith.muli %arg1, %mul3A_94 : i32
      %dma_wait3A_96 = arith.constant 0 : i32
      %dma_wait3A_97 = tpu.memref_slice %arg10[%mul3A_95, %dma_wait3A_96] : memref<10240x128xf32, #tpu.memory_space<vmem_shared>> -> memref<64x128xf32, #tpu.memory_space<vmem_shared>>
      %dma_wait3A_98 = arith.constant 0 : i32
      %dma_wait3A_99 = tpu.memref_slice %arg10[%mul3A_95, %dma_wait3A_98] : memref<10240x128xf32, #tpu.memory_space<vmem_shared>> -> memref<64x128xf32, #tpu.memory_space<vmem_shared>>
      tpu.wait_dma2 semaphore(%arg13 : memref<!tpu.dma_semaphore, #tpu.memory_space<semaphore_mem>>) src(%arg9 : memref<64x128xf32, #tpu.memory_space<vmem>>) dst(%dma_wait3A_99 : memref<64x128xf32, #tpu.memory_space<vmem_shared>>)
      %scan3A_100 = arith.constant 0 : i32
      scf.yield %scan3A_100 : i32
    }
    %scan3A_20 = arith.constant 10 : i32
    %barrier3A = arith.constant 0 : index
    tpu.barrier barrier_id(%barrier3A)
    %mul3A = arith.constant 16 : i32
    %mul3A_21 = arith.muli %arg0, %mul3A : i32
    %add3A = arith.addi %mul3A_21, %arg1 : i32
    %mul3A_22 = arith.constant 80 : i32
    %mul3A_23 = arith.muli %add3A, %mul3A_22 : i32
    %add3A_24 = arith.constant 0 : i32
    %add3A_25 = arith.addi %mul3A_23, %add3A_24 : i32
    %dma_start3A = arith.constant 0 : i32
    %dma_start3A_26 = arith.constant 0 : i32
    %dma_start3A_27 = arith.constant 0 : i32
    %dma_start3A_28 = tpu.memref_slice %arg6[%dma_start3A, %dma_start3A_26, %dma_start3A_27] : memref<2x8x128xi32, #tpu.memory_space<vmem>> -> memref<1x8x128xi32, #tpu.memory_space<vmem>>
    %dma_start3A_29 = tpu.memref_squeeze %dma_start3A_28 : memref<1x8x128xi32, #tpu.memory_space<vmem>> -> memref<8x128xi32, #tpu.memory_space<vmem>>
    %dma_start3A_30 = arith.constant 0 : i32
    %dma_start3A_31 = tpu.memref_slice %arg3[%add3A_25, %dma_start3A_30] : memref<2568x128xi32, #tpu.memory_space<hbm>> -> memref<8x128xi32, #tpu.memory_space<hbm>>
    %dma_start3A_32 = arith.constant 0 : i32
    %dma_start3A_33 = arith.constant 0 : i32
    %dma_start3A_34 = tpu.memref_slice %arg6[%dma_start3A, %dma_start3A_32, %dma_start3A_33] : memref<2x8x128xi32, #tpu.memory_space<vmem>> -> memref<1x8x128xi32, #tpu.memory_space<vmem>>
    %dma_start3A_35 = tpu.memref_squeeze %dma_start3A_34 : memref<1x8x128xi32, #tpu.memory_space<vmem>> -> memref<8x128xi32, #tpu.memory_space<vmem>>
    %dma_start3A_36 = arith.constant 0 : i32
    %dma_start3A_37 = tpu.memref_slice %arg3[%add3A_25, %dma_start3A_36] : memref<2568x128xi32, #tpu.memory_space<hbm>> -> memref<8x128xi32, #tpu.memory_space<hbm>>
    tpu.enqueue_dma source(%dma_start3A_37 : memref<8x128xi32, #tpu.memory_space<hbm>>) target(%dma_start3A_35 : memref<8x128xi32, #tpu.memory_space<vmem>>) target_semaphore(%arg13 : memref<!tpu.dma_semaphore, #tpu.memory_space<semaphore_mem>>)
    %dma_start3A_38 = arith.constant 0 : i32
    %dma_start3A_39 = arith.constant 0 : i32
    %dma_start3A_40 = arith.constant 0 : i32
    %dma_start3A_41 = tpu.memref_slice %arg7[%dma_start3A_38, %dma_start3A_39, %dma_start3A_40] : memref<2x8x128xi32, #tpu.memory_space<vmem>> -> memref<1x8x128xi32, #tpu.memory_space<vmem>>
    %dma_start3A_42 = tpu.memref_squeeze %dma_start3A_41 : memref<1x8x128xi32, #tpu.memory_space<vmem>> -> memref<8x128xi32, #tpu.memory_space<vmem>>
    %dma_start3A_43 = arith.constant 0 : i32
    %dma_start3A_44 = tpu.memref_slice %arg4[%add3A_25, %dma_start3A_43] : memref<2568x128xi32, #tpu.memory_space<hbm>> -> memref<8x128xi32, #tpu.memory_space<hbm>>
    %dma_start3A_45 = arith.constant 0 : i32
    %dma_start3A_46 = arith.constant 0 : i32
    %dma_start3A_47 = tpu.memref_slice %arg7[%dma_start3A_38, %dma_start3A_45, %dma_start3A_46] : memref<2x8x128xi32, #tpu.memory_space<vmem>> -> memref<1x8x128xi32, #tpu.memory_space<vmem>>
    %dma_start3A_48 = tpu.memref_squeeze %dma_start3A_47 : memref<1x8x128xi32, #tpu.memory_space<vmem>> -> memref<8x128xi32, #tpu.memory_space<vmem>>
    %dma_start3A_49 = arith.constant 0 : i32
    %dma_start3A_50 = tpu.memref_slice %arg4[%add3A_25, %dma_start3A_49] : memref<2568x128xi32, #tpu.memory_space<hbm>> -> memref<8x128xi32, #tpu.memory_space<hbm>>
    tpu.enqueue_dma source(%dma_start3A_50 : memref<8x128xi32, #tpu.memory_space<hbm>>) target(%dma_start3A_48 : memref<8x128xi32, #tpu.memory_space<vmem>>) target_semaphore(%arg13 : memref<!tpu.dma_semaphore, #tpu.memory_space<semaphore_mem>>)
    %scan3A_51 = arith.constant 0 : i32
    %scan3A_52 = arith.constant 0 : i32
    %scan3A_53 = arith.constant 5 : i32
    %scan3A_54 = arith.addi %scan3A_52, %scan3A_53 : i32
    %scan3A_55 = arith.constant 1 : i32
    %scan3A_56 = scf.for %scan3A_92 = %scan3A_52 to %scan3A_54 step %scan3A_55 iter_args(%scan3A_93 = %scan3A_51) -> (i32)  : i32 {
      %mul3A_94 = arith.constant 2 : i32
      %mul3A_95 = arith.muli %mul3A_94, %scan3A_92 : i32
      %dma_wait3A_96 = arith.constant 0 : i32
      %dma_wait3A_97 = arith.constant 0 : i32
      %dma_wait3A_98 = arith.constant 0 : i32
      %dma_wait3A_99 = tpu.memref_slice %arg6[%dma_wait3A_96, %dma_wait3A_97, %dma_wait3A_98] : memref<2x8x128xi32, #tpu.memory_space<vmem>> -> memref<1x8x128xi32, #tpu.memory_space<vmem>>
      %dma_wait3A_100 = tpu.memref_squeeze %dma_wait3A_99 : memref<1x8x128xi32, #tpu.memory_space<vmem>> -> memref<8x128xi32, #tpu.memory_space<vmem>>
      %dma_wait3A_101 = arith.constant 0 : i32
      %dma_wait3A_102 = arith.constant 0 : i32
      %dma_wait3A_103 = tpu.memref_slice %arg3[%dma_wait3A_101, %dma_wait3A_102] : memref<2568x128xi32, #tpu.memory_space<hbm>> -> memref<8x128xi32, #tpu.memory_space<hbm>>
      %dma_wait3A_104 = arith.constant 0 : i32
      %dma_wait3A_105 = arith.constant 0 : i32
      %dma_wait3A_106 = tpu.memref_slice %arg6[%dma_wait3A_96, %dma_wait3A_104, %dma_wait3A_105] : memref<2x8x128xi32, #tpu.memory_space<vmem>> -> memref<1x8x128xi32, #tpu.memory_space<vmem>>
      %dma_wait3A_107 = tpu.memref_squeeze %dma_wait3A_106 : memref<1x8x128xi32, #tpu.memory_space<vmem>> -> memref<8x128xi32, #tpu.memory_space<vmem>>
      %dma_wait3A_108 = arith.constant 0 : i32
      %dma_wait3A_109 = arith.constant 0 : i32
      %dma_wait3A_110 = tpu.memref_slice %arg3[%dma_wait3A_108, %dma_wait3A_109] : memref<2568x128xi32, #tpu.memory_space<hbm>> -> memref<8x128xi32, #tpu.memory_space<hbm>>
      tpu.wait_dma2 semaphore(%arg13 : memref<!tpu.dma_semaphore, #tpu.memory_space<semaphore_mem>>) src(%dma_wait3A_110 : memref<8x128xi32, #tpu.memory_space<hbm>>) dst(%dma_wait3A_107 : memref<8x128xi32, #tpu.memory_space<vmem>>)
      %dma_wait3A_111 = arith.constant 0 : i32
      %dma_wait3A_112 = arith.constant 0 : i32
      %dma_wait3A_113 = arith.constant 0 : i32
      %dma_wait3A_114 = tpu.memref_slice %arg7[%dma_wait3A_111, %dma_wait3A_112, %dma_wait3A_113] : memref<2x8x128xi32, #tpu.memory_space<vmem>> -> memref<1x8x128xi32, #tpu.memory_space<vmem>>
      %dma_wait3A_115 = tpu.memref_squeeze %dma_wait3A_114 : memref<1x8x128xi32, #tpu.memory_space<vmem>> -> memref<8x128xi32, #tpu.memory_space<vmem>>
      %dma_wait3A_116 = arith.constant 0 : i32
      %dma_wait3A_117 = arith.constant 0 : i32
      %dma_wait3A_118 = tpu.memref_slice %arg4[%dma_wait3A_116, %dma_wait3A_117] : memref<2568x128xi32, #tpu.memory_space<hbm>> -> memref<8x128xi32, #tpu.memory_space<hbm>>
      %dma_wait3A_119 = arith.constant 0 : i32
      %dma_wait3A_120 = arith.constant 0 : i32
      %dma_wait3A_121 = tpu.memref_slice %arg7[%dma_wait3A_111, %dma_wait3A_119, %dma_wait3A_120] : memref<2x8x128xi32, #tpu.memory_space<vmem>> -> memref<1x8x128xi32, #tpu.memory_space<vmem>>
      %dma_wait3A_122 = tpu.memref_squeeze %dma_wait3A_121 : memref<1x8x128xi32, #tpu.memory_space<vmem>> -> memref<8x128xi32, #tpu.memory_space<vmem>>
      %dma_wait3A_123 = arith.constant 0 : i32
      %dma_wait3A_124 = arith.constant 0 : i32
      %dma_wait3A_125 = tpu.memref_slice %arg4[%dma_wait3A_123, %dma_wait3A_124] : memref<2568x128xi32, #tpu.memory_space<hbm>> -> memref<8x128xi32, #tpu.memory_space<hbm>>
      tpu.wait_dma2 semaphore(%arg13 : memref<!tpu.dma_semaphore, #tpu.memory_space<semaphore_mem>>) src(%dma_wait3A_125 : memref<8x128xi32, #tpu.memory_space<hbm>>) dst(%dma_wait3A_122 : memref<8x128xi32, #tpu.memory_space<vmem>>)
      %add3A_126 = arith.constant 1 : i32
      %add3A_127 = arith.addi %mul3A_95, %add3A_126 : i32
      %mul3A_128 = arith.constant 8 : i32
      %mul3A_129 = arith.muli %add3A_127, %mul3A_128 : i32
      %add3A_130 = arith.addi %mul3A_23, %mul3A_129 : i32
      %dma_start3A_131 = arith.constant 1 : i32
      %dma_start3A_132 = arith.constant 0 : i32
      %dma_start3A_133 = arith.constant 0 : i32
      %dma_start3A_134 = tpu.memref_slice %arg6[%dma_start3A_131, %dma_start3A_132, %dma_start3A_133] : memref<2x8x128xi32, #tpu.memory_space<vmem>> -> memref<1x8x128xi32, #tpu.memory_space<vmem>>
      %dma_start3A_135 = tpu.memref_squeeze %dma_start3A_134 : memref<1x8x128xi32, #tpu.memory_space<vmem>> -> memref<8x128xi32, #tpu.memory_space<vmem>>
      %dma_start3A_136 = arith.constant 0 : i32
      %dma_start3A_137 = tpu.memref_slice %arg3[%add3A_130, %dma_start3A_136] : memref<2568x128xi32, #tpu.memory_space<hbm>> -> memref<8x128xi32, #tpu.memory_space<hbm>>
      %dma_start3A_138 = arith.constant 0 : i32
      %dma_start3A_139 = arith.constant 0 : i32
      %dma_start3A_140 = tpu.memref_slice %arg6[%dma_start3A_131, %dma_start3A_138, %dma_start3A_139] : memref<2x8x128xi32, #tpu.memory_space<vmem>> -> memref<1x8x128xi32, #tpu.memory_space<vmem>>
      %dma_start3A_141 = tpu.memref_squeeze %dma_start3A_140 : memref<1x8x128xi32, #tpu.memory_space<vmem>> -> memref<8x128xi32, #tpu.memory_space<vmem>>
      %dma_start3A_142 = arith.constant 0 : i32
      %dma_start3A_143 = tpu.memref_slice %arg3[%add3A_130, %dma_start3A_142] : memref<2568x128xi32, #tpu.memory_space<hbm>> -> memref<8x128xi32, #tpu.memory_space<hbm>>
      tpu.enqueue_dma source(%dma_start3A_143 : memref<8x128xi32, #tpu.memory_space<hbm>>) target(%dma_start3A_141 : memref<8x128xi32, #tpu.memory_space<vmem>>) target_semaphore(%arg13 : memref<!tpu.dma_semaphore, #tpu.memory_space<semaphore_mem>>)
      %dma_start3A_144 = arith.constant 1 : i32
      %dma_start3A_145 = arith.constant 0 : i32
      %dma_start3A_146 = arith.constant 0 : i32
      %dma_start3A_147 = tpu.memref_slice %arg7[%dma_start3A_144, %dma_start3A_145, %dma_start3A_146] : memref<2x8x128xi32, #tpu.memory_space<vmem>> -> memref<1x8x128xi32, #tpu.memory_space<vmem>>
      %dma_start3A_148 = tpu.memref_squeeze %dma_start3A_147 : memref<1x8x128xi32, #tpu.memory_space<vmem>> -> memref<8x128xi32, #tpu.memory_space<vmem>>
      %dma_start3A_149 = arith.constant 0 : i32
      %dma_start3A_150 = tpu.memref_slice %arg4[%add3A_130, %dma_start3A_149] : memref<2568x128xi32, #tpu.memory_space<hbm>> -> memref<8x128xi32, #tpu.memory_space<hbm>>
      %dma_start3A_151 = arith.constant 0 : i32
      %dma_start3A_152 = arith.constant 0 : i32
      %dma_start3A_153 = tpu.memref_slice %arg7[%dma_start3A_144, %dma_start3A_151, %dma_start3A_152] : memref<2x8x128xi32, #tpu.memory_space<vmem>> -> memref<1x8x128xi32, #tpu.memory_space<vmem>>
      %dma_start3A_154 = tpu.memref_squeeze %dma_start3A_153 : memref<1x8x128xi32, #tpu.memory_space<vmem>> -> memref<8x128xi32, #tpu.memory_space<vmem>>
      %dma_start3A_155 = arith.constant 0 : i32
      %dma_start3A_156 = tpu.memref_slice %arg4[%add3A_130, %dma_start3A_155] : memref<2568x128xi32, #tpu.memory_space<hbm>> -> memref<8x128xi32, #tpu.memory_space<hbm>>
      tpu.enqueue_dma source(%dma_start3A_156 : memref<8x128xi32, #tpu.memory_space<hbm>>) target(%dma_start3A_154 : memref<8x128xi32, #tpu.memory_space<vmem>>) target_semaphore(%arg13 : memref<!tpu.dma_semaphore, #tpu.memory_space<semaphore_mem>>)
      %dma_start3A_157 = arith.constant 0 : i32
      %dma_start3A_158 = arith.constant 0 : i32
      %dma_start3A_159 = arith.constant 0 : i32
      %dma_start3A_160 = arith.constant 0 : i32
      %dma_start3A_161 = arith.constant 0 : i32
      %dma_start3A_162 = tpu.memref_slice %arg8[%dma_start3A_159, %dma_start3A_160, %dma_start3A_161] : memref<2x128x128xf32, #tpu.memory_space<vmem>> -> memref<1x128x128xf32, #tpu.memory_space<vmem>>
      %dma_start3A_163 = tpu.memref_squeeze %dma_start3A_162 : memref<1x128x128xf32, #tpu.memory_space<vmem>> -> memref<128x128xf32, #tpu.memory_space<vmem>>
      %dma_start3A_164 = arith.constant 0 : i32
      %dma_start3A_165 = tpu.memref_slice %arg6[%dma_start3A_157, %dma_start3A_158, %dma_start3A_164] : memref<2x8x128xi32, #tpu.memory_space<vmem>> -> memref<1x1x128xi32, #tpu.memory_space<vmem>>
      %dma_start3A_166 = tpu.memref_squeeze %dma_start3A_165 : memref<1x1x128xi32, #tpu.memory_space<vmem>> -> memref<128xi32, #tpu.memory_space<vmem>>
      %dma_start3A_167 = arith.constant 0 : i32
      %dma_start3A_168 = arith.constant 0 : i32
      %dma_start3A_169 = tpu.memref_slice %arg2[%dma_start3A_167, %dma_start3A_168] : memref<10240x128xf32, #tpu.memory_space<hbm>> -> memref<10240x128xf32, #tpu.memory_space<hbm>>
      tpu.enqueue_indirect_dma source(%dma_start3A_169 : memref<10240x128xf32, #tpu.memory_space<hbm>>) target(%dma_start3A_163 : memref<128x128xf32, #tpu.memory_space<vmem>>) offsets(%dma_start3A_166 : memref<128xi32, #tpu.memory_space<vmem>>) semaphore(%arg11 : memref<!tpu.dma_semaphore, #tpu.memory_space<semaphore_mem>>)
      %dma_start3A_170 = arith.constant 0 : i32
      %dma_start3A_171 = arith.constant 1 : i32
      %dma_start3A_172 = arith.constant 1 : i32
      %dma_start3A_173 = arith.constant 0 : i32
      %dma_start3A_174 = arith.constant 0 : i32
      %dma_start3A_175 = tpu.memref_slice %arg8[%dma_start3A_172, %dma_start3A_173, %dma_start3A_174] : memref<2x128x128xf32, #tpu.memory_space<vmem>> -> memref<1x128x128xf32, #tpu.memory_space<vmem>>
      %dma_start3A_176 = tpu.memref_squeeze %dma_start3A_175 : memref<1x128x128xf32, #tpu.memory_space<vmem>> -> memref<128x128xf32, #tpu.memory_space<vmem>>
      %dma_start3A_177 = arith.constant 0 : i32
      %dma_start3A_178 = tpu.memref_slice %arg6[%dma_start3A_170, %dma_start3A_171, %dma_start3A_177] : memref<2x8x128xi32, #tpu.memory_space<vmem>> -> memref<1x1x128xi32, #tpu.memory_space<vmem>>
      %dma_start3A_179 = tpu.memref_squeeze %dma_start3A_178 : memref<1x1x128xi32, #tpu.memory_space<vmem>> -> memref<128xi32, #tpu.memory_space<vmem>>
      %dma_start3A_180 = arith.constant 0 : i32
      %dma_start3A_181 = arith.constant 0 : i32
      %dma_start3A_182 = tpu.memref_slice %arg2[%dma_start3A_180, %dma_start3A_181] : memref<10240x128xf32, #tpu.memory_space<hbm>> -> memref<10240x128xf32, #tpu.memory_space<hbm>>
      tpu.enqueue_indirect_dma source(%dma_start3A_182 : memref<10240x128xf32, #tpu.memory_space<hbm>>) target(%dma_start3A_176 : memref<128x128xf32, #tpu.memory_space<vmem>>) offsets(%dma_start3A_179 : memref<128xi32, #tpu.memory_space<vmem>>) semaphore(%arg12 : memref<!tpu.dma_semaphore, #tpu.memory_space<semaphore_mem>>)
      %scan3A_183 = arith.constant 0 : i32
      %scan3A_184 = arith.constant 0 : i32
      %scan3A_185 = arith.constant 3 : i32
      %scan3A_186 = arith.addi %scan3A_184, %scan3A_185 : i32
      %scan3A_187 = arith.constant 1 : i32
      %scan3A_188 = scf.for %scan3A_352 = %scan3A_184 to %scan3A_186 step %scan3A_187 iter_args(%scan3A_353 = %scan3A_183) -> (i32)  : i32 {
        %mul3A_354 = arith.constant 2 : i32
        %mul3A_355 = arith.muli %mul3A_354, %scan3A_352 : i32
        %dma_wait3A_356 = arith.constant 0 : i32
        %dma_wait3A_357 = arith.constant 0 : i32
        %dma_wait3A_358 = arith.constant 0 : i32
        %dma_wait3A_359 = arith.constant 0 : i32
        %dma_wait3A_360 = arith.constant 0 : i32
        %dma_wait3A_361 = tpu.memref_slice %arg8[%dma_wait3A_358, %dma_wait3A_359, %dma_wait3A_360] : memref<2x128x128xf32, #tpu.memory_space<vmem>> -> memref<1x128x128xf32, #tpu.memory_space<vmem>>
        %dma_wait3A_362 = tpu.memref_squeeze %dma_wait3A_361 : memref<1x128x128xf32, #tpu.memory_space<vmem>> -> memref<128x128xf32, #tpu.memory_space<vmem>>
        %dma_wait3A_363 = arith.constant 0 : i32
        %dma_wait3A_364 = tpu.memref_slice %arg6[%dma_wait3A_356, %dma_wait3A_357, %dma_wait3A_363] : memref<2x8x128xi32, #tpu.memory_space<vmem>> -> memref<1x1x128xi32, #tpu.memory_space<vmem>>
        %dma_wait3A_365 = tpu.memref_squeeze %dma_wait3A_364 : memref<1x1x128xi32, #tpu.memory_space<vmem>> -> memref<128xi32, #tpu.memory_space<vmem>>
        %dma_wait3A_366 = arith.constant 0 : i32
        %dma_wait3A_367 = arith.constant 0 : i32
        %dma_wait3A_368 = tpu.memref_slice %arg2[%dma_wait3A_366, %dma_wait3A_367] : memref<10240x128xf32, #tpu.memory_space<hbm>> -> memref<10240x128xf32, #tpu.memory_space<hbm>>
        tpu.wait_indirect_dma semaphore(%arg11 : memref<!tpu.dma_semaphore, #tpu.memory_space<semaphore_mem>>) src(%dma_wait3A_368 : memref<10240x128xf32, #tpu.memory_space<hbm>>) dst(%dma_wait3A_362 : memref<128x128xf32, #tpu.memory_space<vmem>>)
        %run_scoped3A_369 = arith.constant 0 : i32
        %run_scoped3A_370 = arith.constant 0 : i32
        "tpu.region"() ({
          %run_scoped3A_417 = tpu.sem_alloc : memref<!tpu.dma_semaphore, #tpu.memory_space<semaphore_mem>>
          %dma_start3A_418 = arith.constant 0 : i32
          %dma_start3A_419 = arith.constant 0 : i32
          %dma_start3A_420 = tpu.memref_slice %arg8[%run_scoped3A_369, %dma_start3A_418, %dma_start3A_419] : memref<2x128x128xf32, #tpu.memory_space<vmem>> -> memref<1x128x128xf32, #tpu.memory_space<vmem>>
          %dma_start3A_421 = tpu.memref_squeeze %dma_start3A_420 : memref<1x128x128xf32, #tpu.memory_space<vmem>> -> memref<128x128xf32, #tpu.memory_space<vmem>>
          %dma_start3A_422 = arith.constant 0 : i32
          %dma_start3A_423 = tpu.memref_slice %arg7[%run_scoped3A_370, %mul3A_355, %dma_start3A_422] : memref<2x8x128xi32, #tpu.memory_space<vmem>> -> memref<1x1x128xi32, #tpu.memory_space<vmem>>
          %dma_start3A_424 = tpu.memref_squeeze %dma_start3A_423 : memref<1x1x128xi32, #tpu.memory_space<vmem>> -> memref<128xi32, #tpu.memory_space<vmem>>
          %dma_start3A_425 = arith.constant 0 : i32
          %dma_start3A_426 = arith.constant 0 : i32
          %dma_start3A_427 = tpu.memref_slice %arg10[%dma_start3A_425, %dma_start3A_426] : memref<10240x128xf32, #tpu.memory_space<vmem_shared>> -> memref<10240x128xf32, #tpu.memory_space<vmem_shared>>
          tpu.enqueue_indirect_dma source(%dma_start3A_421 : memref<128x128xf32, #tpu.memory_space<vmem>>) target(%dma_start3A_427 : memref<10240x128xf32, #tpu.memory_space<vmem_shared>>) offsets(%dma_start3A_424 : memref<128xi32, #tpu.memory_space<vmem>>) semaphore(%run_scoped3A_417 : memref<!tpu.dma_semaphore, #tpu.memory_space<semaphore_mem>>) {add = true}
          %dma_wait3A_428 = arith.constant 0 : i32
          %dma_wait3A_429 = arith.constant 0 : i32
          %dma_wait3A_430 = tpu.memref_slice %arg8[%run_scoped3A_369, %dma_wait3A_428, %dma_wait3A_429] : memref<2x128x128xf32, #tpu.memory_space<vmem>> -> memref<1x128x128xf32, #tpu.memory_space<vmem>>
          %dma_wait3A_431 = tpu.memref_squeeze %dma_wait3A_430 : memref<1x128x128xf32, #tpu.memory_space<vmem>> -> memref<128x128xf32, #tpu.memory_space<vmem>>
          %dma_wait3A_432 = arith.constant 0 : i32
          %dma_wait3A_433 = tpu.memref_slice %arg7[%run_scoped3A_370, %mul3A_355, %dma_wait3A_432] : memref<2x8x128xi32, #tpu.memory_space<vmem>> -> memref<1x1x128xi32, #tpu.memory_space<vmem>>
          %dma_wait3A_434 = tpu.memref_squeeze %dma_wait3A_433 : memref<1x1x128xi32, #tpu.memory_space<vmem>> -> memref<128xi32, #tpu.memory_space<vmem>>
          %dma_wait3A_435 = arith.constant 0 : i32
          %dma_wait3A_436 = arith.constant 0 : i32
          %dma_wait3A_437 = tpu.memref_slice %arg10[%dma_wait3A_435, %dma_wait3A_436] : memref<10240x128xf32, #tpu.memory_space<vmem_shared>> -> memref<10240x128xf32, #tpu.memory_space<vmem_shared>>
          tpu.wait_indirect_dma semaphore(%run_scoped3A_417 : memref<!tpu.dma_semaphore, #tpu.memory_space<semaphore_mem>>) src(%dma_wait3A_431 : memref<128x128xf32, #tpu.memory_space<vmem>>) dst(%dma_wait3A_437 : memref<10240x128xf32, #tpu.memory_space<vmem_shared>>)
          tpu.yield
        }) : () -> ()
        %add3A_371 = arith.constant 2 : i32
        %add3A_372 = arith.addi %mul3A_355, %add3A_371 : i32
        %dma_start3A_373 = arith.constant 0 : i32
        %dma_start3A_374 = arith.constant 0 : i32
        %dma_start3A_375 = arith.constant 0 : i32
        %dma_start3A_376 = arith.constant 0 : i32
        %dma_start3A_377 = tpu.memref_slice %arg8[%dma_start3A_374, %dma_start3A_375, %dma_start3A_376] : memref<2x128x128xf32, #tpu.memory_space<vmem>> -> memref<1x128x128xf32, #tpu.memory_space<vmem>>
        %dma_start3A_378 = tpu.memref_squeeze %dma_start3A_377 : memref<1x128x128xf32, #tpu.memory_space<vmem>> -> memref<128x128xf32, #tpu.memory_space<vmem>>
        %dma_start3A_379 = arith.constant 0 : i32
        %dma_start3A_380 = tpu.memref_slice %arg6[%dma_start3A_373, %add3A_372, %dma_start3A_379] : memref<2x8x128xi32, #tpu.memory_space<vmem>> -> memref<1x1x128xi32, #tpu.memory_space<vmem>>
        %dma_start3A_381 = tpu.memref_squeeze %dma_start3A_380 : memref<1x1x128xi32, #tpu.memory_space<vmem>> -> memref<128xi32, #tpu.memory_space<vmem>>
        %dma_start3A_382 = arith.constant 0 : i32
        %dma_start3A_383 = arith.constant 0 : i32
        %dma_start3A_384 = tpu.memref_slice %arg2[%dma_start3A_382, %dma_start3A_383] : memref<10240x128xf32, #tpu.memory_space<hbm>> -> memref<10240x128xf32, #tpu.memory_space<hbm>>
        tpu.enqueue_indirect_dma source(%dma_start3A_384 : memref<10240x128xf32, #tpu.memory_space<hbm>>) target(%dma_start3A_378 : memref<128x128xf32, #tpu.memory_space<vmem>>) offsets(%dma_start3A_381 : memref<128xi32, #tpu.memory_space<vmem>>) semaphore(%arg11 : memref<!tpu.dma_semaphore, #tpu.memory_space<semaphore_mem>>)
        %dma_wait3A_385 = arith.constant 0 : i32
        %dma_wait3A_386 = arith.constant 0 : i32
        %dma_wait3A_387 = arith.constant 1 : i32
        %dma_wait3A_388 = arith.constant 0 : i32
        %dma_wait3A_389 = arith.constant 0 : i32
        %dma_wait3A_390 = tpu.memref_slice %arg8[%dma_wait3A_387, %dma_wait3A_388, %dma_wait3A_389] : memref<2x128x128xf32, #tpu.memory_space<vmem>> -> memref<1x128x128xf32, #tpu.memory_space<vmem>>
        %dma_wait3A_391 = tpu.memref_squeeze %dma_wait3A_390 : memref<1x128x128xf32, #tpu.memory_space<vmem>> -> memref<128x128xf32, #tpu.memory_space<vmem>>
        %dma_wait3A_392 = arith.constant 0 : i32
        %dma_wait3A_393 = tpu.memref_slice %arg6[%dma_wait3A_385, %dma_wait3A_386, %dma_wait3A_392] : memref<2x8x128xi32, #tpu.memory_space<vmem>> -> memref<1x1x128xi32, #tpu.memory_space<vmem>>
        %dma_wait3A_394 = tpu.memref_squeeze %dma_wait3A_393 : memref<1x1x128xi32, #tpu.memory_space<vmem>> -> memref<128xi32, #tpu.memory_space<vmem>>
        %dma_wait3A_395 = arith.constant 0 : i32
        %dma_wait3A_396 = arith.constant 0 : i32
        %dma_wait3A_397 = tpu.memref_slice %arg2[%dma_wait3A_395, %dma_wait3A_396] : memref<10240x128xf32, #tpu.memory_space<hbm>> -> memref<10240x128xf32, #tpu.memory_space<hbm>>
        tpu.wait_indirect_dma semaphore(%arg12 : memref<!tpu.dma_semaphore, #tpu.memory_space<semaphore_mem>>) src(%dma_wait3A_397 : memref<10240x128xf32, #tpu.memory_space<hbm>>) dst(%dma_wait3A_391 : memref<128x128xf32, #tpu.memory_space<vmem>>)
        %add3A_398 = arith.constant 1 : i32
        %add3A_399 = arith.addi %mul3A_355, %add3A_398 : i32
        %run_scoped3A_400 = arith.constant 1 : i32
        %run_scoped3A_401 = arith.constant 0 : i32
        "tpu.region"() ({
          %run_scoped3A_417 = tpu.sem_alloc : memref<!tpu.dma_semaphore, #tpu.memory_space<semaphore_mem>>
          %dma_start3A_418 = arith.constant 0 : i32
          %dma_start3A_419 = arith.constant 0 : i32
          %dma_start3A_420 = tpu.memref_slice %arg8[%run_scoped3A_400, %dma_start3A_418, %dma_start3A_419] : memref<2x128x128xf32, #tpu.memory_space<vmem>> -> memref<1x128x128xf32, #tpu.memory_space<vmem>>
          %dma_start3A_421 = tpu.memref_squeeze %dma_start3A_420 : memref<1x128x128xf32, #tpu.memory_space<vmem>> -> memref<128x128xf32, #tpu.memory_space<vmem>>
          %dma_start3A_422 = arith.constant 0 : i32
          %dma_start3A_423 = tpu.memref_slice %arg7[%run_scoped3A_401, %add3A_399, %dma_start3A_422] : memref<2x8x128xi32, #tpu.memory_space<vmem>> -> memref<1x1x128xi32, #tpu.memory_space<vmem>>
          %dma_start3A_424 = tpu.memref_squeeze %dma_start3A_423 : memref<1x1x128xi32, #tpu.memory_space<vmem>> -> memref<128xi32, #tpu.memory_space<vmem>>
          %dma_start3A_425 = arith.constant 0 : i32
          %dma_start3A_426 = arith.constant 0 : i32
          %dma_start3A_427 = tpu.memref_slice %arg10[%dma_start3A_425, %dma_start3A_426] : memref<10240x128xf32, #tpu.memory_space<vmem_shared>> -> memref<10240x128xf32, #tpu.memory_space<vmem_shared>>
          tpu.enqueue_indirect_dma source(%dma_start3A_421 : memref<128x128xf32, #tpu.memory_space<vmem>>) target(%dma_start3A_427 : memref<10240x128xf32, #tpu.memory_space<vmem_shared>>) offsets(%dma_start3A_424 : memref<128xi32, #tpu.memory_space<vmem>>) semaphore(%run_scoped3A_417 : memref<!tpu.dma_semaphore, #tpu.memory_space<semaphore_mem>>) {add = true}
          %dma_wait3A_428 = arith.constant 0 : i32
          %dma_wait3A_429 = arith.constant 0 : i32
          %dma_wait3A_430 = tpu.memref_slice %arg8[%run_scoped3A_400, %dma_wait3A_428, %dma_wait3A_429] : memref<2x128x128xf32, #tpu.memory_space<vmem>> -> memref<1x128x128xf32, #tpu.memory_space<vmem>>
          %dma_wait3A_431 = tpu.memref_squeeze %dma_wait3A_430 : memref<1x128x128xf32, #tpu.memory_space<vmem>> -> memref<128x128xf32, #tpu.memory_space<vmem>>
          %dma_wait3A_432 = arith.constant 0 : i32
          %dma_wait3A_433 = tpu.memref_slice %arg7[%run_scoped3A_401, %add3A_399, %dma_wait3A_432] : memref<2x8x128xi32, #tpu.memory_space<vmem>> -> memref<1x1x128xi32, #tpu.memory_space<vmem>>
          %dma_wait3A_434 = tpu.memref_squeeze %dma_wait3A_433 : memref<1x1x128xi32, #tpu.memory_space<vmem>> -> memref<128xi32, #tpu.memory_space<vmem>>
          %dma_wait3A_435 = arith.constant 0 : i32
          %dma_wait3A_436 = arith.constant 0 : i32
          %dma_wait3A_437 = tpu.memref_slice %arg10[%dma_wait3A_435, %dma_wait3A_436] : memref<10240x128xf32, #tpu.memory_space<vmem_shared>> -> memref<10240x128xf32, #tpu.memory_space<vmem_shared>>
          tpu.wait_indirect_dma semaphore(%run_scoped3A_417 : memref<!tpu.dma_semaphore, #tpu.memory_space<semaphore_mem>>) src(%dma_wait3A_431 : memref<128x128xf32, #tpu.memory_space<vmem>>) dst(%dma_wait3A_437 : memref<10240x128xf32, #tpu.memory_space<vmem_shared>>)
          tpu.yield
        }) : () -> ()
        %add3A_402 = arith.constant 3 : i32
        %add3A_403 = arith.addi %mul3A_355, %add3A_402 : i32
        %dma_start3A_404 = arith.constant 0 : i32
        %dma_start3A_405 = arith.constant 1 : i32
        %dma_start3A_406 = arith.constant 0 : i32
        %dma_start3A_407 = arith.constant 0 : i32
        %dma_start3A_408 = tpu.memref_slice %arg8[%dma_start3A_405, %dma_start3A_406, %dma_start3A_407] : memref<2x128x128xf32, #tpu.memory_space<vmem>> -> memref<1x128x128xf32, #tpu.memory_space<vmem>>
        %dma_start3A_409 = tpu.memref_squeeze %dma_start3A_408 : memref<1x128x128xf32, #tpu.memory_space<vmem>> -> memref<128x128xf32, #tpu.memory_space<vmem>>
        %dma_start3A_410 = arith.constant 0 : i32
        %dma_start3A_411 = tpu.memref_slice %arg6[%dma_start3A_404, %add3A_403, %dma_start3A_410] : memref<2x8x128xi32, #tpu.memory_space<vmem>> -> memref<1x1x128xi32, #tpu.memory_space<vmem>>
        %dma_start3A_412 = tpu.memref_squeeze %dma_start3A_411 : memref<1x1x128xi32, #tpu.memory_space<vmem>> -> memref<128xi32, #tpu.memory_space<vmem>>
        %dma_start3A_413 = arith.constant 0 : i32
        %dma_start3A_414 = arith.constant 0 : i32
        %dma_start3A_415 = tpu.memref_slice %arg2[%dma_start3A_413, %dma_start3A_414] : memref<10240x128xf32, #tpu.memory_space<hbm>> -> memref<10240x128xf32, #tpu.memory_space<hbm>>
        tpu.enqueue_indirect_dma source(%dma_start3A_415 : memref<10240x128xf32, #tpu.memory_space<hbm>>) target(%dma_start3A_409 : memref<128x128xf32, #tpu.memory_space<vmem>>) offsets(%dma_start3A_412 : memref<128xi32, #tpu.memory_space<vmem>>) semaphore(%arg12 : memref<!tpu.dma_semaphore, #tpu.memory_space<semaphore_mem>>)
        %scan3A_416 = arith.constant 0 : i32
        scf.yield %scan3A_416 : i32
      }
      %scan3A_189 = arith.constant 3 : i32
      %dma_wait3A_190 = arith.constant 0 : i32
      %dma_wait3A_191 = arith.constant 0 : i32
      %dma_wait3A_192 = arith.constant 0 : i32
      %dma_wait3A_193 = arith.constant 0 : i32
      %dma_wait3A_194 = arith.constant 0 : i32
      %dma_wait3A_195 = tpu.memref_slice %arg8[%dma_wait3A_192, %dma_wait3A_193, %dma_wait3A_194] : memref<2x128x128xf32, #tpu.memory_space<vmem>> -> memref<1x128x128xf32, #tpu.memory_space<vmem>>
      %dma_wait3A_196 = tpu.memref_squeeze %dma_wait3A_195 : memref<1x128x128xf32, #tpu.memory_space<vmem>> -> memref<128x128xf32, #tpu.memory_space<vmem>>
      %dma_wait3A_197 = arith.constant 0 : i32
      %dma_wait3A_198 = tpu.memref_slice %arg6[%dma_wait3A_190, %dma_wait3A_191, %dma_wait3A_197] : memref<2x8x128xi32, #tpu.memory_space<vmem>> -> memref<1x1x128xi32, #tpu.memory_space<vmem>>
      %dma_wait3A_199 = tpu.memref_squeeze %dma_wait3A_198 : memref<1x1x128xi32, #tpu.memory_space<vmem>> -> memref<128xi32, #tpu.memory_space<vmem>>
      %dma_wait3A_200 = arith.constant 0 : i32
      %dma_wait3A_201 = arith.constant 0 : i32
      %dma_wait3A_202 = tpu.memref_slice %arg2[%dma_wait3A_200, %dma_wait3A_201] : memref<10240x128xf32, #tpu.memory_space<hbm>> -> memref<10240x128xf32, #tpu.memory_space<hbm>>
      tpu.wait_indirect_dma semaphore(%arg11 : memref<!tpu.dma_semaphore, #tpu.memory_space<semaphore_mem>>) src(%dma_wait3A_202 : memref<10240x128xf32, #tpu.memory_space<hbm>>) dst(%dma_wait3A_196 : memref<128x128xf32, #tpu.memory_space<vmem>>)
      %run_scoped3A = arith.constant 0 : i32
      %run_scoped3A_203 = arith.constant 0 : i32
      %run_scoped3A_204 = arith.constant 6 : i32
      "tpu.region"() ({
        %run_scoped3A_352 = tpu.sem_alloc : memref<!tpu.dma_semaphore, #tpu.memory_space<semaphore_mem>>
        %dma_start3A_353 = arith.constant 0 : i32
        %dma_start3A_354 = arith.constant 0 : i32
        %dma_start3A_355 = tpu.memref_slice %arg8[%run_scoped3A, %dma_start3A_353, %dma_start3A_354] : memref<2x128x128xf32, #tpu.memory_space<vmem>> -> memref<1x128x128xf32, #tpu.memory_space<vmem>>
        %dma_start3A_356 = tpu.memref_squeeze %dma_start3A_355 : memref<1x128x128xf32, #tpu.memory_space<vmem>> -> memref<128x128xf32, #tpu.memory_space<vmem>>
        %dma_start3A_357 = arith.constant 0 : i32
        %dma_start3A_358 = tpu.memref_slice %arg7[%run_scoped3A_203, %run_scoped3A_204, %dma_start3A_357] : memref<2x8x128xi32, #tpu.memory_space<vmem>> -> memref<1x1x128xi32, #tpu.memory_space<vmem>>
        %dma_start3A_359 = tpu.memref_squeeze %dma_start3A_358 : memref<1x1x128xi32, #tpu.memory_space<vmem>> -> memref<128xi32, #tpu.memory_space<vmem>>
        %dma_start3A_360 = arith.constant 0 : i32
        %dma_start3A_361 = arith.constant 0 : i32
        %dma_start3A_362 = tpu.memref_slice %arg10[%dma_start3A_360, %dma_start3A_361] : memref<10240x128xf32, #tpu.memory_space<vmem_shared>> -> memref<10240x128xf32, #tpu.memory_space<vmem_shared>>
        tpu.enqueue_indirect_dma source(%dma_start3A_356 : memref<128x128xf32, #tpu.memory_space<vmem>>) target(%dma_start3A_362 : memref<10240x128xf32, #tpu.memory_space<vmem_shared>>) offsets(%dma_start3A_359 : memref<128xi32, #tpu.memory_space<vmem>>) semaphore(%run_scoped3A_352 : memref<!tpu.dma_semaphore, #tpu.memory_space<semaphore_mem>>) {add = true}
        %dma_wait3A_363 = arith.constant 0 : i32
        %dma_wait3A_364 = arith.constant 0 : i32
        %dma_wait3A_365 = tpu.memref_slice %arg8[%run_scoped3A, %dma_wait3A_363, %dma_wait3A_364] : memref<2x128x128xf32, #tpu.memory_space<vmem>> -> memref<1x128x128xf32, #tpu.memory_space<vmem>>
        %dma_wait3A_366 = tpu.memref_squeeze %dma_wait3A_365 : memref<1x128x128xf32, #tpu.memory_space<vmem>> -> memref<128x128xf32, #tpu.memory_space<vmem>>
        %dma_wait3A_367 = arith.constant 0 : i32
        %dma_wait3A_368 = tpu.memref_slice %arg7[%run_scoped3A_203, %run_scoped3A_204, %dma_wait3A_367] : memref<2x8x128xi32, #tpu.memory_space<vmem>> -> memref<1x1x128xi32, #tpu.memory_space<vmem>>
        %dma_wait3A_369 = tpu.memref_squeeze %dma_wait3A_368 : memref<1x1x128xi32, #tpu.memory_space<vmem>> -> memref<128xi32, #tpu.memory_space<vmem>>
        %dma_wait3A_370 = arith.constant 0 : i32
        %dma_wait3A_371 = arith.constant 0 : i32
        %dma_wait3A_372 = tpu.memref_slice %arg10[%dma_wait3A_370, %dma_wait3A_371] : memref<10240x128xf32, #tpu.memory_space<vmem_shared>> -> memref<10240x128xf32, #tpu.memory_space<vmem_shared>>
        tpu.wait_indirect_dma semaphore(%run_scoped3A_352 : memref<!tpu.dma_semaphore, #tpu.memory_space<semaphore_mem>>) src(%dma_wait3A_366 : memref<128x128xf32, #tpu.memory_space<vmem>>) dst(%dma_wait3A_372 : memref<10240x128xf32, #tpu.memory_space<vmem_shared>>)
        tpu.yield
      }) : () -> ()
      %dma_wait3A_205 = arith.constant 0 : i32
      %dma_wait3A_206 = arith.constant 0 : i32
      %dma_wait3A_207 = arith.constant 1 : i32
      %dma_wait3A_208 = arith.constant 0 : i32
      %dma_wait3A_209 = arith.constant 0 : i32
      %dma_wait3A_210 = tpu.memref_slice %arg8[%dma_wait3A_207, %dma_wait3A_208, %dma_wait3A_209] : memref<2x128x128xf32, #tpu.memory_space<vmem>> -> memref<1x128x128xf32, #tpu.memory_space<vmem>>
      %dma_wait3A_211 = tpu.memref_squeeze %dma_wait3A_210 : memref<1x128x128xf32, #tpu.memory_space<vmem>> -> memref<128x128xf32, #tpu.memory_space<vmem>>
      %dma_wait3A_212 = arith.constant 0 : i32
      %dma_wait3A_213 = tpu.memref_slice %arg6[%dma_wait3A_205, %dma_wait3A_206, %dma_wait3A_212] : memref<2x8x128xi32, #tpu.memory_space<vmem>> -> memref<1x1x128xi32, #tpu.memory_space<vmem>>
      %dma_wait3A_214 = tpu.memref_squeeze %dma_wait3A_213 : memref<1x1x128xi32, #tpu.memory_space<vmem>> -> memref<128xi32, #tpu.memory_space<vmem>>
      %dma_wait3A_215 = arith.constant 0 : i32
      %dma_wait3A_216 = arith.constant 0 : i32
      %dma_wait3A_217 = tpu.memref_slice %arg2[%dma_wait3A_215, %dma_wait3A_216] : memref<10240x128xf32, #tpu.memory_space<hbm>> -> memref<10240x128xf32, #tpu.memory_space<hbm>>
      tpu.wait_indirect_dma semaphore(%arg12 : memref<!tpu.dma_semaphore, #tpu.memory_space<semaphore_mem>>) src(%dma_wait3A_217 : memref<10240x128xf32, #tpu.memory_space<hbm>>) dst(%dma_wait3A_211 : memref<128x128xf32, #tpu.memory_space<vmem>>)
      %run_scoped3A_218 = arith.constant 1 : i32
      %run_scoped3A_219 = arith.constant 0 : i32
      %run_scoped3A_220 = arith.constant 7 : i32
      "tpu.region"() ({
        %run_scoped3A_352 = tpu.sem_alloc : memref<!tpu.dma_semaphore, #tpu.memory_space<semaphore_mem>>
        %dma_start3A_353 = arith.constant 0 : i32
        %dma_start3A_354 = arith.constant 0 : i32
        %dma_start3A_355 = tpu.memref_slice %arg8[%run_scoped3A_218, %dma_start3A_353, %dma_start3A_354] : memref<2x128x128xf32, #tpu.memory_space<vmem>> -> memref<1x128x128xf32, #tpu.memory_space<vmem>>
        %dma_start3A_356 = tpu.memref_squeeze %dma_start3A_355 : memref<1x128x128xf32, #tpu.memory_space<vmem>> -> memref<128x128xf32, #tpu.memory_space<vmem>>
        %dma_start3A_357 = arith.constant 0 : i32
        %dma_start3A_358 = tpu.memref_slice %arg7[%run_scoped3A_219, %run_scoped3A_220, %dma_start3A_357] : memref<2x8x128xi32, #tpu.memory_space<vmem>> -> memref<1x1x128xi32, #tpu.memory_space<vmem>>
        %dma_start3A_359 = tpu.memref_squeeze %dma_start3A_358 : memref<1x1x128xi32, #tpu.memory_space<vmem>> -> memref<128xi32, #tpu.memory_space<vmem>>
        %dma_start3A_360 = arith.constant 0 : i32
        %dma_start3A_361 = arith.constant 0 : i32
        %dma_start3A_362 = tpu.memref_slice %arg10[%dma_start3A_360, %dma_start3A_361] : memref<10240x128xf32, #tpu.memory_space<vmem_shared>> -> memref<10240x128xf32, #tpu.memory_space<vmem_shared>>
        tpu.enqueue_indirect_dma source(%dma_start3A_356 : memref<128x128xf32, #tpu.memory_space<vmem>>) target(%dma_start3A_362 : memref<10240x128xf32, #tpu.memory_space<vmem_shared>>) offsets(%dma_start3A_359 : memref<128xi32, #tpu.memory_space<vmem>>) semaphore(%run_scoped3A_352 : memref<!tpu.dma_semaphore, #tpu.memory_space<semaphore_mem>>) {add = true}
        %dma_wait3A_363 = arith.constant 0 : i32
        %dma_wait3A_364 = arith.constant 0 : i32
        %dma_wait3A_365 = tpu.memref_slice %arg8[%run_scoped3A_218, %dma_wait3A_363, %dma_wait3A_364] : memref<2x128x128xf32, #tpu.memory_space<vmem>> -> memref<1x128x128xf32, #tpu.memory_space<vmem>>
        %dma_wait3A_366 = tpu.memref_squeeze %dma_wait3A_365 : memref<1x128x128xf32, #tpu.memory_space<vmem>> -> memref<128x128xf32, #tpu.memory_space<vmem>>
        %dma_wait3A_367 = arith.constant 0 : i32
        %dma_wait3A_368 = tpu.memref_slice %arg7[%run_scoped3A_219, %run_scoped3A_220, %dma_wait3A_367] : memref<2x8x128xi32, #tpu.memory_space<vmem>> -> memref<1x1x128xi32, #tpu.memory_space<vmem>>
        %dma_wait3A_369 = tpu.memref_squeeze %dma_wait3A_368 : memref<1x1x128xi32, #tpu.memory_space<vmem>> -> memref<128xi32, #tpu.memory_space<vmem>>
        %dma_wait3A_370 = arith.constant 0 : i32
        %dma_wait3A_371 = arith.constant 0 : i32
        %dma_wait3A_372 = tpu.memref_slice %arg10[%dma_wait3A_370, %dma_wait3A_371] : memref<10240x128xf32, #tpu.memory_space<vmem_shared>> -> memref<10240x128xf32, #tpu.memory_space<vmem_shared>>
        tpu.wait_indirect_dma semaphore(%run_scoped3A_352 : memref<!tpu.dma_semaphore, #tpu.memory_space<semaphore_mem>>) src(%dma_wait3A_366 : memref<128x128xf32, #tpu.memory_space<vmem>>) dst(%dma_wait3A_372 : memref<10240x128xf32, #tpu.memory_space<vmem_shared>>)
        tpu.yield
      }) : () -> ()
      %mul3A_221 = arith.constant 2 : i32
      %mul3A_222 = arith.muli %mul3A_221, %scan3A_92 : i32
      %add3A_223 = arith.constant 1 : i32
      %add3A_224 = arith.addi %mul3A_222, %add3A_223 : i32
      %dma_wait3A_225 = arith.constant 1 : i32
      %dma_wait3A_226 = arith.constant 0 : i32
      %dma_wait3A_227 = arith.constant 0 : i32
      %dma_wait3A_228 = tpu.memref_slice %arg6[%dma_wait3A_225, %dma_wait3A_226, %dma_wait3A_227] : memref<2x8x128xi32, #tpu.memory_space<vmem>> -> memref<1x8x128xi32, #tpu.memory_space<vmem>>
      %dma_wait3A_229 = tpu.memref_squeeze %dma_wait3A_228 : memref<1x8x128xi32, #tpu.memory_space<vmem>> -> memref<8x128xi32, #tpu.memory_space<vmem>>
      %dma_wait3A_230 = arith.constant 0 : i32
      %dma_wait3A_231 = arith.constant 0 : i32
      %dma_wait3A_232 = tpu.memref_slice %arg3[%dma_wait3A_230, %dma_wait3A_231] : memref<2568x128xi32, #tpu.memory_space<hbm>> -> memref<8x128xi32, #tpu.memory_space<hbm>>
      %dma_wait3A_233 = arith.constant 0 : i32
      %dma_wait3A_234 = arith.constant 0 : i32
      %dma_wait3A_235 = tpu.memref_slice %arg6[%dma_wait3A_225, %dma_wait3A_233, %dma_wait3A_234] : memref<2x8x128xi32, #tpu.memory_space<vmem>> -> memref<1x8x128xi32, #tpu.memory_space<vmem>>
      %dma_wait3A_236 = tpu.memref_squeeze %dma_wait3A_235 : memref<1x8x128xi32, #tpu.memory_space<vmem>> -> memref<8x128xi32, #tpu.memory_space<vmem>>
      %dma_wait3A_237 = arith.constant 0 : i32
      %dma_wait3A_238 = arith.constant 0 : i32
      %dma_wait3A_239 = tpu.memref_slice %arg3[%dma_wait3A_237, %dma_wait3A_238] : memref<2568x128xi32, #tpu.memory_space<hbm>> -> memref<8x128xi32, #tpu.memory_space<hbm>>
      tpu.wait_dma2 semaphore(%arg13 : memref<!tpu.dma_semaphore, #tpu.memory_space<semaphore_mem>>) src(%dma_wait3A_239 : memref<8x128xi32, #tpu.memory_space<hbm>>) dst(%dma_wait3A_236 : memref<8x128xi32, #tpu.memory_space<vmem>>)
      %dma_wait3A_240 = arith.constant 1 : i32
      %dma_wait3A_241 = arith.constant 0 : i32
      %dma_wait3A_242 = arith.constant 0 : i32
      %dma_wait3A_243 = tpu.memref_slice %arg7[%dma_wait3A_240, %dma_wait3A_241, %dma_wait3A_242] : memref<2x8x128xi32, #tpu.memory_space<vmem>> -> memref<1x8x128xi32, #tpu.memory_space<vmem>>
      %dma_wait3A_244 = tpu.memref_squeeze %dma_wait3A_243 : memref<1x8x128xi32, #tpu.memory_space<vmem>> -> memref<8x128xi32, #tpu.memory_space<vmem>>
      %dma_wait3A_245 = arith.constant 0 : i32
      %dma_wait3A_246 = arith.constant 0 : i32
      %dma_wait3A_247 = tpu.memref_slice %arg4[%dma_wait3A_245, %dma_wait3A_246] : memref<2568x128xi32, #tpu.memory_space<hbm>> -> memref<8x128xi32, #tpu.memory_space<hbm>>
      %dma_wait3A_248 = arith.constant 0 : i32
      %dma_wait3A_249 = arith.constant 0 : i32
      %dma_wait3A_250 = tpu.memref_slice %arg7[%dma_wait3A_240, %dma_wait3A_248, %dma_wait3A_249] : memref<2x8x128xi32, #tpu.memory_space<vmem>> -> memref<1x8x128xi32, #tpu.memory_space<vmem>>
      %dma_wait3A_251 = tpu.memref_squeeze %dma_wait3A_250 : memref<1x8x128xi32, #tpu.memory_space<vmem>> -> memref<8x128xi32, #tpu.memory_space<vmem>>
      %dma_wait3A_252 = arith.constant 0 : i32
      %dma_wait3A_253 = arith.constant 0 : i32
      %dma_wait3A_254 = tpu.memref_slice %arg4[%dma_wait3A_252, %dma_wait3A_253] : memref<2568x128xi32, #tpu.memory_space<hbm>> -> memref<8x128xi32, #tpu.memory_space<hbm>>
      tpu.wait_dma2 semaphore(%arg13 : memref<!tpu.dma_semaphore, #tpu.memory_space<semaphore_mem>>) src(%dma_wait3A_254 : memref<8x128xi32, #tpu.memory_space<hbm>>) dst(%dma_wait3A_251 : memref<8x128xi32, #tpu.memory_space<vmem>>)
      %add3A_255 = arith.constant 1 : i32
      %add3A_256 = arith.addi %add3A_224, %add3A_255 : i32
      %mul3A_257 = arith.constant 8 : i32
      %mul3A_258 = arith.muli %add3A_256, %mul3A_257 : i32
      %add3A_259 = arith.addi %mul3A_23, %mul3A_258 : i32
      %dma_start3A_260 = arith.constant 0 : i32
      %dma_start3A_261 = arith.constant 0 : i32
      %dma_start3A_262 = arith.constant 0 : i32
      %dma_start3A_263 = tpu.memref_slice %arg6[%dma_start3A_260, %dma_start3A_261, %dma_start3A_262] : memref<2x8x128xi32, #tpu.memory_space<vmem>> -> memref<1x8x128xi32, #tpu.memory_space<vmem>>
      %dma_start3A_264 = tpu.memref_squeeze %dma_start3A_263 : memref<1x8x128xi32, #tpu.memory_space<vmem>> -> memref<8x128xi32, #tpu.memory_space<vmem>>
      %dma_start3A_265 = arith.constant 0 : i32
      %dma_start3A_266 = tpu.memref_slice %arg3[%add3A_259, %dma_start3A_265] : memref<2568x128xi32, #tpu.memory_space<hbm>> -> memref<8x128xi32, #tpu.memory_space<hbm>>
      %dma_start3A_267 = arith.constant 0 : i32
      %dma_start3A_268 = arith.constant 0 : i32
      %dma_start3A_269 = tpu.memref_slice %arg6[%dma_start3A_260, %dma_start3A_267, %dma_start3A_268] : memref<2x8x128xi32, #tpu.memory_space<vmem>> -> memref<1x8x128xi32, #tpu.memory_space<vmem>>
      %dma_start3A_270 = tpu.memref_squeeze %dma_start3A_269 : memref<1x8x128xi32, #tpu.memory_space<vmem>> -> memref<8x128xi32, #tpu.memory_space<vmem>>
      %dma_start3A_271 = arith.constant 0 : i32
      %dma_start3A_272 = tpu.memref_slice %arg3[%add3A_259, %dma_start3A_271] : memref<2568x128xi32, #tpu.memory_space<hbm>> -> memref<8x128xi32, #tpu.memory_space<hbm>>
      tpu.enqueue_dma source(%dma_start3A_272 : memref<8x128xi32, #tpu.memory_space<hbm>>) target(%dma_start3A_270 : memref<8x128xi32, #tpu.memory_space<vmem>>) target_semaphore(%arg13 : memref<!tpu.dma_semaphore, #tpu.memory_space<semaphore_mem>>)
      %dma_start3A_273 = arith.constant 0 : i32
      %dma_start3A_274 = arith.constant 0 : i32
      %dma_start3A_275 = arith.constant 0 : i32
      %dma_start3A_276 = tpu.memref_slice %arg7[%dma_start3A_273, %dma_start3A_274, %dma_start3A_275] : memref<2x8x128xi32, #tpu.memory_space<vmem>> -> memref<1x8x128xi32, #tpu.memory_space<vmem>>
      %dma_start3A_277 = tpu.memref_squeeze %dma_start3A_276 : memref<1x8x128xi32, #tpu.memory_space<vmem>> -> memref<8x128xi32, #tpu.memory_space<vmem>>
      %dma_start3A_278 = arith.constant 0 : i32
      %dma_start3A_279 = tpu.memref_slice %arg4[%add3A_259, %dma_start3A_278] : memref<2568x128xi32, #tpu.memory_space<hbm>> -> memref<8x128xi32, #tpu.memory_space<hbm>>
      %dma_start3A_280 = arith.constant 0 : i32
      %dma_start3A_281 = arith.constant 0 : i32
      %dma_start3A_282 = tpu.memref_slice %arg7[%dma_start3A_273, %dma_start3A_280, %dma_start3A_281] : memref<2x8x128xi32, #tpu.memory_space<vmem>> -> memref<1x8x128xi32, #tpu.memory_space<vmem>>
      %dma_start3A_283 = tpu.memref_squeeze %dma_start3A_282 : memref<1x8x128xi32, #tpu.memory_space<vmem>> -> memref<8x128xi32, #tpu.memory_space<vmem>>
      %dma_start3A_284 = arith.constant 0 : i32
      %dma_start3A_285 = tpu.memref_slice %arg4[%add3A_259, %dma_start3A_284] : memref<2568x128xi32, #tpu.memory_space<hbm>> -> memref<8x128xi32, #tpu.memory_space<hbm>>
      tpu.enqueue_dma source(%dma_start3A_285 : memref<8x128xi32, #tpu.memory_space<hbm>>) target(%dma_start3A_283 : memref<8x128xi32, #tpu.memory_space<vmem>>) target_semaphore(%arg13 : memref<!tpu.dma_semaphore, #tpu.memory_space<semaphore_mem>>)
      %dma_start3A_286 = arith.constant 1 : i32
      %dma_start3A_287 = arith.constant 0 : i32
      %dma_start3A_288 = arith.constant 0 : i32
      %dma_start3A_289 = arith.constant 0 : i32
      %dma_start3A_290 = arith.constant 0 : i32
      %dma_start3A_291 = tpu.memref_slice %arg8[%dma_start3A_288, %dma_start3A_289, %dma_start3A_290] : memref<2x128x128xf32, #tpu.memory_space<vmem>> -> memref<1x128x128xf32, #tpu.memory_space<vmem>>
      %dma_start3A_292 = tpu.memref_squeeze %dma_start3A_291 : memref<1x128x128xf32, #tpu.memory_space<vmem>> -> memref<128x128xf32, #tpu.memory_space<vmem>>
      %dma_start3A_293 = arith.constant 0 : i32
      %dma_start3A_294 = tpu.memref_slice %arg6[%dma_start3A_286, %dma_start3A_287, %dma_start3A_293] : memref<2x8x128xi32, #tpu.memory_space<vmem>> -> memref<1x1x128xi32, #tpu.memory_space<vmem>>
      %dma_start3A_295 = tpu.memref_squeeze %dma_start3A_294 : memref<1x1x128xi32, #tpu.memory_space<vmem>> -> memref<128xi32, #tpu.memory_space<vmem>>
      %dma_start3A_296 = arith.constant 0 : i32
      %dma_start3A_297 = arith.constant 0 : i32
      %dma_start3A_298 = tpu.memref_slice %arg2[%dma_start3A_296, %dma_start3A_297] : memref<10240x128xf32, #tpu.memory_space<hbm>> -> memref<10240x128xf32, #tpu.memory_space<hbm>>
      tpu.enqueue_indirect_dma source(%dma_start3A_298 : memref<10240x128xf32, #tpu.memory_space<hbm>>) target(%dma_start3A_292 : memref<128x128xf32, #tpu.memory_space<vmem>>) offsets(%dma_start3A_295 : memref<128xi32, #tpu.memory_space<vmem>>) semaphore(%arg11 : memref<!tpu.dma_semaphore, #tpu.memory_space<semaphore_mem>>)
      %dma_start3A_299 = arith.constant 1 : i32
      %dma_start3A_300 = arith.constant 1 : i32
      %dma_start3A_301 = arith.constant 1 : i32
      %dma_start3A_302 = arith.constant 0 : i32
      %dma_start3A_303 = arith.constant 0 : i32
      %dma_start3A_304 = tpu.memref_slice %arg8[%dma_start3A_301, %dma_start3A_302, %dma_start3A_303] : memref<2x128x128xf32, #tpu.memory_space<vmem>> -> memref<1x128x128xf32, #tpu.memory_space<vmem>>
      %dma_start3A_305 = tpu.memref_squeeze %dma_start3A_304 : memref<1x128x128xf32, #tpu.memory_space<vmem>> -> memref<128x128xf32, #tpu.memory_space<vmem>>
      %dma_start3A_306 = arith.constant 0 : i32
      %dma_start3A_307 = tpu.memref_slice %arg6[%dma_start3A_299, %dma_start3A_300, %dma_start3A_306] : memref<2x8x128xi32, #tpu.memory_space<vmem>> -> memref<1x1x128xi32, #tpu.memory_space<vmem>>
      %dma_start3A_308 = tpu.memref_squeeze %dma_start3A_307 : memref<1x1x128xi32, #tpu.memory_space<vmem>> -> memref<128xi32, #tpu.memory_space<vmem>>
      %dma_start3A_309 = arith.constant 0 : i32
      %dma_start3A_310 = arith.constant 0 : i32
      %dma_start3A_311 = tpu.memref_slice %arg2[%dma_start3A_309, %dma_start3A_310] : memref<10240x128xf32, #tpu.memory_space<hbm>> -> memref<10240x128xf32, #tpu.memory_space<hbm>>
      tpu.enqueue_indirect_dma source(%dma_start3A_311 : memref<10240x128xf32, #tpu.memory_space<hbm>>) target(%dma_start3A_305 : memref<128x128xf32, #tpu.memory_space<vmem>>) offsets(%dma_start3A_308 : memref<128xi32, #tpu.memory_space<vmem>>) semaphore(%arg12 : memref<!tpu.dma_semaphore, #tpu.memory_space<semaphore_mem>>)
      %scan3A_312 = arith.constant 0 : i32
      %scan3A_313 = arith.constant 0 : i32
      %scan3A_314 = arith.constant 3 : i32
      %scan3A_315 = arith.addi %scan3A_313, %scan3A_314 : i32
      %scan3A_316 = arith.constant 1 : i32
      %scan3A_317 = scf.for %scan3A_352 = %scan3A_313 to %scan3A_315 step %scan3A_316 iter_args(%scan3A_353 = %scan3A_312) -> (i32)  : i32 {
        %mul3A_354 = arith.constant 2 : i32
        %mul3A_355 = arith.muli %mul3A_354, %scan3A_352 : i32
        %dma_wait3A_356 = arith.constant 0 : i32
        %dma_wait3A_357 = arith.constant 0 : i32
        %dma_wait3A_358 = arith.constant 0 : i32
        %dma_wait3A_359 = arith.constant 0 : i32
        %dma_wait3A_360 = arith.constant 0 : i32
        %dma_wait3A_361 = tpu.memref_slice %arg8[%dma_wait3A_358, %dma_wait3A_359, %dma_wait3A_360] : memref<2x128x128xf32, #tpu.memory_space<vmem>> -> memref<1x128x128xf32, #tpu.memory_space<vmem>>
        %dma_wait3A_362 = tpu.memref_squeeze %dma_wait3A_361 : memref<1x128x128xf32, #tpu.memory_space<vmem>> -> memref<128x128xf32, #tpu.memory_space<vmem>>
        %dma_wait3A_363 = arith.constant 0 : i32
        %dma_wait3A_364 = tpu.memref_slice %arg6[%dma_wait3A_356, %dma_wait3A_357, %dma_wait3A_363] : memref<2x8x128xi32, #tpu.memory_space<vmem>> -> memref<1x1x128xi32, #tpu.memory_space<vmem>>
        %dma_wait3A_365 = tpu.memref_squeeze %dma_wait3A_364 : memref<1x1x128xi32, #tpu.memory_space<vmem>> -> memref<128xi32, #tpu.memory_space<vmem>>
        %dma_wait3A_366 = arith.constant 0 : i32
        %dma_wait3A_367 = arith.constant 0 : i32
        %dma_wait3A_368 = tpu.memref_slice %arg2[%dma_wait3A_366, %dma_wait3A_367] : memref<10240x128xf32, #tpu.memory_space<hbm>> -> memref<10240x128xf32, #tpu.memory_space<hbm>>
        tpu.wait_indirect_dma semaphore(%arg11 : memref<!tpu.dma_semaphore, #tpu.memory_space<semaphore_mem>>) src(%dma_wait3A_368 : memref<10240x128xf32, #tpu.memory_space<hbm>>) dst(%dma_wait3A_362 : memref<128x128xf32, #tpu.memory_space<vmem>>)
        %run_scoped3A_369 = arith.constant 0 : i32
        %run_scoped3A_370 = arith.constant 1 : i32
        "tpu.region"() ({
          %run_scoped3A_417 = tpu.sem_alloc : memref<!tpu.dma_semaphore, #tpu.memory_space<semaphore_mem>>
          %dma_start3A_418 = arith.constant 0 : i32
          %dma_start3A_419 = arith.constant 0 : i32
          %dma_start3A_420 = tpu.memref_slice %arg8[%run_scoped3A_369, %dma_start3A_418, %dma_start3A_419] : memref<2x128x128xf32, #tpu.memory_space<vmem>> -> memref<1x128x128xf32, #tpu.memory_space<vmem>>
          %dma_start3A_421 = tpu.memref_squeeze %dma_start3A_420 : memref<1x128x128xf32, #tpu.memory_space<vmem>> -> memref<128x128xf32, #tpu.memory_space<vmem>>
          %dma_start3A_422 = arith.constant 0 : i32
          %dma_start3A_423 = tpu.memref_slice %arg7[%run_scoped3A_370, %mul3A_355, %dma_start3A_422] : memref<2x8x128xi32, #tpu.memory_space<vmem>> -> memref<1x1x128xi32, #tpu.memory_space<vmem>>
          %dma_start3A_424 = tpu.memref_squeeze %dma_start3A_423 : memref<1x1x128xi32, #tpu.memory_space<vmem>> -> memref<128xi32, #tpu.memory_space<vmem>>
          %dma_start3A_425 = arith.constant 0 : i32
          %dma_start3A_426 = arith.constant 0 : i32
          %dma_start3A_427 = tpu.memref_slice %arg10[%dma_start3A_425, %dma_start3A_426] : memref<10240x128xf32, #tpu.memory_space<vmem_shared>> -> memref<10240x128xf32, #tpu.memory_space<vmem_shared>>
          tpu.enqueue_indirect_dma source(%dma_start3A_421 : memref<128x128xf32, #tpu.memory_space<vmem>>) target(%dma_start3A_427 : memref<10240x128xf32, #tpu.memory_space<vmem_shared>>) offsets(%dma_start3A_424 : memref<128xi32, #tpu.memory_space<vmem>>) semaphore(%run_scoped3A_417 : memref<!tpu.dma_semaphore, #tpu.memory_space<semaphore_mem>>) {add = true}
          %dma_wait3A_428 = arith.constant 0 : i32
          %dma_wait3A_429 = arith.constant 0 : i32
          %dma_wait3A_430 = tpu.memref_slice %arg8[%run_scoped3A_369, %dma_wait3A_428, %dma_wait3A_429] : memref<2x128x128xf32, #tpu.memory_space<vmem>> -> memref<1x128x128xf32, #tpu.memory_space<vmem>>
          %dma_wait3A_431 = tpu.memref_squeeze %dma_wait3A_430 : memref<1x128x128xf32, #tpu.memory_space<vmem>> -> memref<128x128xf32, #tpu.memory_space<vmem>>
          %dma_wait3A_432 = arith.constant 0 : i32
          %dma_wait3A_433 = tpu.memref_slice %arg7[%run_scoped3A_370, %mul3A_355, %dma_wait3A_432] : memref<2x8x128xi32, #tpu.memory_space<vmem>> -> memref<1x1x128xi32, #tpu.memory_space<vmem>>
          %dma_wait3A_434 = tpu.memref_squeeze %dma_wait3A_433 : memref<1x1x128xi32, #tpu.memory_space<vmem>> -> memref<128xi32, #tpu.memory_space<vmem>>
          %dma_wait3A_435 = arith.constant 0 : i32
          %dma_wait3A_436 = arith.constant 0 : i32
          %dma_wait3A_437 = tpu.memref_slice %arg10[%dma_wait3A_435, %dma_wait3A_436] : memref<10240x128xf32, #tpu.memory_space<vmem_shared>> -> memref<10240x128xf32, #tpu.memory_space<vmem_shared>>
          tpu.wait_indirect_dma semaphore(%run_scoped3A_417 : memref<!tpu.dma_semaphore, #tpu.memory_space<semaphore_mem>>) src(%dma_wait3A_431 : memref<128x128xf32, #tpu.memory_space<vmem>>) dst(%dma_wait3A_437 : memref<10240x128xf32, #tpu.memory_space<vmem_shared>>)
          tpu.yield
        }) : () -> ()
        %add3A_371 = arith.constant 2 : i32
        %add3A_372 = arith.addi %mul3A_355, %add3A_371 : i32
        %dma_start3A_373 = arith.constant 1 : i32
        %dma_start3A_374 = arith.constant 0 : i32
        %dma_start3A_375 = arith.constant 0 : i32
        %dma_start3A_376 = arith.constant 0 : i32
        %dma_start3A_377 = tpu.memref_slice %arg8[%dma_start3A_374, %dma_start3A_375, %dma_start3A_376] : memref<2x128x128xf32, #tpu.memory_space<vmem>> -> memref<1x128x128xf32, #tpu.memory_space<vmem>>
        %dma_start3A_378 = tpu.memref_squeeze %dma_start3A_377 : memref<1x128x128xf32, #tpu.memory_space<vmem>> -> memref<128x128xf32, #tpu.memory_space<vmem>>
        %dma_start3A_379 = arith.constant 0 : i32
        %dma_start3A_380 = tpu.memref_slice %arg6[%dma_start3A_373, %add3A_372, %dma_start3A_379] : memref<2x8x128xi32, #tpu.memory_space<vmem>> -> memref<1x1x128xi32, #tpu.memory_space<vmem>>
        %dma_start3A_381 = tpu.memref_squeeze %dma_start3A_380 : memref<1x1x128xi32, #tpu.memory_space<vmem>> -> memref<128xi32, #tpu.memory_space<vmem>>
        %dma_start3A_382 = arith.constant 0 : i32
        %dma_start3A_383 = arith.constant 0 : i32
        %dma_start3A_384 = tpu.memref_slice %arg2[%dma_start3A_382, %dma_start3A_383] : memref<10240x128xf32, #tpu.memory_space<hbm>> -> memref<10240x128xf32, #tpu.memory_space<hbm>>
        tpu.enqueue_indirect_dma source(%dma_start3A_384 : memref<10240x128xf32, #tpu.memory_space<hbm>>) target(%dma_start3A_378 : memref<128x128xf32, #tpu.memory_space<vmem>>) offsets(%dma_start3A_381 : memref<128xi32, #tpu.memory_space<vmem>>) semaphore(%arg11 : memref<!tpu.dma_semaphore, #tpu.memory_space<semaphore_mem>>)
        %dma_wait3A_385 = arith.constant 0 : i32
        %dma_wait3A_386 = arith.constant 0 : i32
        %dma_wait3A_387 = arith.constant 1 : i32
        %dma_wait3A_388 = arith.constant 0 : i32
        %dma_wait3A_389 = arith.constant 0 : i32
        %dma_wait3A_390 = tpu.memref_slice %arg8[%dma_wait3A_387, %dma_wait3A_388, %dma_wait3A_389] : memref<2x128x128xf32, #tpu.memory_space<vmem>> -> memref<1x128x128xf32, #tpu.memory_space<vmem>>
        %dma_wait3A_391 = tpu.memref_squeeze %dma_wait3A_390 : memref<1x128x128xf32, #tpu.memory_space<vmem>> -> memref<128x128xf32, #tpu.memory_space<vmem>>
        %dma_wait3A_392 = arith.constant 0 : i32
        %dma_wait3A_393 = tpu.memref_slice %arg6[%dma_wait3A_385, %dma_wait3A_386, %dma_wait3A_392] : memref<2x8x128xi32, #tpu.memory_space<vmem>> -> memref<1x1x128xi32, #tpu.memory_space<vmem>>
        %dma_wait3A_394 = tpu.memref_squeeze %dma_wait3A_393 : memref<1x1x128xi32, #tpu.memory_space<vmem>> -> memref<128xi32, #tpu.memory_space<vmem>>
        %dma_wait3A_395 = arith.constant 0 : i32
        %dma_wait3A_396 = arith.constant 0 : i32
        %dma_wait3A_397 = tpu.memref_slice %arg2[%dma_wait3A_395, %dma_wait3A_396] : memref<10240x128xf32, #tpu.memory_space<hbm>> -> memref<10240x128xf32, #tpu.memory_space<hbm>>
        tpu.wait_indirect_dma semaphore(%arg12 : memref<!tpu.dma_semaphore, #tpu.memory_space<semaphore_mem>>) src(%dma_wait3A_397 : memref<10240x128xf32, #tpu.memory_space<hbm>>) dst(%dma_wait3A_391 : memref<128x128xf32, #tpu.memory_space<vmem>>)
        %add3A_398 = arith.constant 1 : i32
        %add3A_399 = arith.addi %mul3A_355, %add3A_398 : i32
        %run_scoped3A_400 = arith.constant 1 : i32
        %run_scoped3A_401 = arith.constant 1 : i32
        "tpu.region"() ({
          %run_scoped3A_417 = tpu.sem_alloc : memref<!tpu.dma_semaphore, #tpu.memory_space<semaphore_mem>>
          %dma_start3A_418 = arith.constant 0 : i32
          %dma_start3A_419 = arith.constant 0 : i32
          %dma_start3A_420 = tpu.memref_slice %arg8[%run_scoped3A_400, %dma_start3A_418, %dma_start3A_419] : memref<2x128x128xf32, #tpu.memory_space<vmem>> -> memref<1x128x128xf32, #tpu.memory_space<vmem>>
          %dma_start3A_421 = tpu.memref_squeeze %dma_start3A_420 : memref<1x128x128xf32, #tpu.memory_space<vmem>> -> memref<128x128xf32, #tpu.memory_space<vmem>>
          %dma_start3A_422 = arith.constant 0 : i32
          %dma_start3A_423 = tpu.memref_slice %arg7[%run_scoped3A_401, %add3A_399, %dma_start3A_422] : memref<2x8x128xi32, #tpu.memory_space<vmem>> -> memref<1x1x128xi32, #tpu.memory_space<vmem>>
          %dma_start3A_424 = tpu.memref_squeeze %dma_start3A_423 : memref<1x1x128xi32, #tpu.memory_space<vmem>> -> memref<128xi32, #tpu.memory_space<vmem>>
          %dma_start3A_425 = arith.constant 0 : i32
          %dma_start3A_426 = arith.constant 0 : i32
          %dma_start3A_427 = tpu.memref_slice %arg10[%dma_start3A_425, %dma_start3A_426] : memref<10240x128xf32, #tpu.memory_space<vmem_shared>> -> memref<10240x128xf32, #tpu.memory_space<vmem_shared>>
          tpu.enqueue_indirect_dma source(%dma_start3A_421 : memref<128x128xf32, #tpu.memory_space<vmem>>) target(%dma_start3A_427 : memref<10240x128xf32, #tpu.memory_space<vmem_shared>>) offsets(%dma_start3A_424 : memref<128xi32, #tpu.memory_space<vmem>>) semaphore(%run_scoped3A_417 : memref<!tpu.dma_semaphore, #tpu.memory_space<semaphore_mem>>) {add = true}
          %dma_wait3A_428 = arith.constant 0 : i32
          %dma_wait3A_429 = arith.constant 0 : i32
          %dma_wait3A_430 = tpu.memref_slice %arg8[%run_scoped3A_400, %dma_wait3A_428, %dma_wait3A_429] : memref<2x128x128xf32, #tpu.memory_space<vmem>> -> memref<1x128x128xf32, #tpu.memory_space<vmem>>
          %dma_wait3A_431 = tpu.memref_squeeze %dma_wait3A_430 : memref<1x128x128xf32, #tpu.memory_space<vmem>> -> memref<128x128xf32, #tpu.memory_space<vmem>>
          %dma_wait3A_432 = arith.constant 0 : i32
          %dma_wait3A_433 = tpu.memref_slice %arg7[%run_scoped3A_401, %add3A_399, %dma_wait3A_432] : memref<2x8x128xi32, #tpu.memory_space<vmem>> -> memref<1x1x128xi32, #tpu.memory_space<vmem>>
          %dma_wait3A_434 = tpu.memref_squeeze %dma_wait3A_433 : memref<1x1x128xi32, #tpu.memory_space<vmem>> -> memref<128xi32, #tpu.memory_space<vmem>>
          %dma_wait3A_435 = arith.constant 0 : i32
          %dma_wait3A_436 = arith.constant 0 : i32
          %dma_wait3A_437 = tpu.memref_slice %arg10[%dma_wait3A_435, %dma_wait3A_436] : memref<10240x128xf32, #tpu.memory_space<vmem_shared>> -> memref<10240x128xf32, #tpu.memory_space<vmem_shared>>
          tpu.wait_indirect_dma semaphore(%run_scoped3A_417 : memref<!tpu.dma_semaphore, #tpu.memory_space<semaphore_mem>>) src(%dma_wait3A_431 : memref<128x128xf32, #tpu.memory_space<vmem>>) dst(%dma_wait3A_437 : memref<10240x128xf32, #tpu.memory_space<vmem_shared>>)
          tpu.yield
        }) : () -> ()
        %add3A_402 = arith.constant 3 : i32
        %add3A_403 = arith.addi %mul3A_355, %add3A_402 : i32
        %dma_start3A_404 = arith.constant 1 : i32
        %dma_start3A_405 = arith.constant 1 : i32
        %dma_start3A_406 = arith.constant 0 : i32
        %dma_start3A_407 = arith.constant 0 : i32
        %dma_start3A_408 = tpu.memref_slice %arg8[%dma_start3A_405, %dma_start3A_406, %dma_start3A_407] : memref<2x128x128xf32, #tpu.memory_space<vmem>> -> memref<1x128x128xf32, #tpu.memory_space<vmem>>
        %dma_start3A_409 = tpu.memref_squeeze %dma_start3A_408 : memref<1x128x128xf32, #tpu.memory_space<vmem>> -> memref<128x128xf32, #tpu.memory_space<vmem>>
        %dma_start3A_410 = arith.constant 0 : i32
        %dma_start3A_411 = tpu.memref_slice %arg6[%dma_start3A_404, %add3A_403, %dma_start3A_410] : memref<2x8x128xi32, #tpu.memory_space<vmem>> -> memref<1x1x128xi32, #tpu.memory_space<vmem>>
        %dma_start3A_412 = tpu.memref_squeeze %dma_start3A_411 : memref<1x1x128xi32, #tpu.memory_space<vmem>> -> memref<128xi32, #tpu.memory_space<vmem>>
        %dma_start3A_413 = arith.constant 0 : i32
        %dma_start3A_414 = arith.constant 0 : i32
        %dma_start3A_415 = tpu.memref_slice %arg2[%dma_start3A_413, %dma_start3A_414] : memref<10240x128xf32, #tpu.memory_space<hbm>> -> memref<10240x128xf32, #tpu.memory_space<hbm>>
        tpu.enqueue_indirect_dma source(%dma_start3A_415 : memref<10240x128xf32, #tpu.memory_space<hbm>>) target(%dma_start3A_409 : memref<128x128xf32, #tpu.memory_space<vmem>>) offsets(%dma_start3A_412 : memref<128xi32, #tpu.memory_space<vmem>>) semaphore(%arg12 : memref<!tpu.dma_semaphore, #tpu.memory_space<semaphore_mem>>)
        %scan3A_416 = arith.constant 0 : i32
        scf.yield %scan3A_416 : i32
      }
      %scan3A_318 = arith.constant 3 : i32
      %dma_wait3A_319 = arith.constant 0 : i32
      %dma_wait3A_320 = arith.constant 0 : i32
      %dma_wait3A_321 = arith.constant 0 : i32
      %dma_wait3A_322 = arith.constant 0 : i32
      %dma_wait3A_323 = arith.constant 0 : i32
      %dma_wait3A_324 = tpu.memref_slice %arg8[%dma_wait3A_321, %dma_wait3A_322, %dma_wait3A_323] : memref<2x128x128xf32, #tpu.memory_space<vmem>> -> memref<1x128x128xf32, #tpu.memory_space<vmem>>
      %dma_wait3A_325 = tpu.memref_squeeze %dma_wait3A_324 : memref<1x128x128xf32, #tpu.memory_space<vmem>> -> memref<128x128xf32, #tpu.memory_space<vmem>>
      %dma_wait3A_326 = arith.constant 0 : i32
      %dma_wait3A_327 = tpu.memref_slice %arg6[%dma_wait3A_319, %dma_wait3A_320, %dma_wait3A_326] : memref<2x8x128xi32, #tpu.memory_space<vmem>> -> memref<1x1x128xi32, #tpu.memory_space<vmem>>
      %dma_wait3A_328 = tpu.memref_squeeze %dma_wait3A_327 : memref<1x1x128xi32, #tpu.memory_space<vmem>> -> memref<128xi32, #tpu.memory_space<vmem>>
      %dma_wait3A_329 = arith.constant 0 : i32
      %dma_wait3A_330 = arith.constant 0 : i32
      %dma_wait3A_331 = tpu.memref_slice %arg2[%dma_wait3A_329, %dma_wait3A_330] : memref<10240x128xf32, #tpu.memory_space<hbm>> -> memref<10240x128xf32, #tpu.memory_space<hbm>>
      tpu.wait_indirect_dma semaphore(%arg11 : memref<!tpu.dma_semaphore, #tpu.memory_space<semaphore_mem>>) src(%dma_wait3A_331 : memref<10240x128xf32, #tpu.memory_space<hbm>>) dst(%dma_wait3A_325 : memref<128x128xf32, #tpu.memory_space<vmem>>)
      %run_scoped3A_332 = arith.constant 0 : i32
      %run_scoped3A_333 = arith.constant 1 : i32
      %run_scoped3A_334 = arith.constant 6 : i32
      "tpu.region"() ({
        %run_scoped3A_352 = tpu.sem_alloc : memref<!tpu.dma_semaphore, #tpu.memory_space<semaphore_mem>>
        %dma_start3A_353 = arith.constant 0 : i32
        %dma_start3A_354 = arith.constant 0 : i32
        %dma_start3A_355 = tpu.memref_slice %arg8[%run_scoped3A_332, %dma_start3A_353, %dma_start3A_354] : memref<2x128x128xf32, #tpu.memory_space<vmem>> -> memref<1x128x128xf32, #tpu.memory_space<vmem>>
        %dma_start3A_356 = tpu.memref_squeeze %dma_start3A_355 : memref<1x128x128xf32, #tpu.memory_space<vmem>> -> memref<128x128xf32, #tpu.memory_space<vmem>>
        %dma_start3A_357 = arith.constant 0 : i32
        %dma_start3A_358 = tpu.memref_slice %arg7[%run_scoped3A_333, %run_scoped3A_334, %dma_start3A_357] : memref<2x8x128xi32, #tpu.memory_space<vmem>> -> memref<1x1x128xi32, #tpu.memory_space<vmem>>
        %dma_start3A_359 = tpu.memref_squeeze %dma_start3A_358 : memref<1x1x128xi32, #tpu.memory_space<vmem>> -> memref<128xi32, #tpu.memory_space<vmem>>
        %dma_start3A_360 = arith.constant 0 : i32
        %dma_start3A_361 = arith.constant 0 : i32
        %dma_start3A_362 = tpu.memref_slice %arg10[%dma_start3A_360, %dma_start3A_361] : memref<10240x128xf32, #tpu.memory_space<vmem_shared>> -> memref<10240x128xf32, #tpu.memory_space<vmem_shared>>
        tpu.enqueue_indirect_dma source(%dma_start3A_356 : memref<128x128xf32, #tpu.memory_space<vmem>>) target(%dma_start3A_362 : memref<10240x128xf32, #tpu.memory_space<vmem_shared>>) offsets(%dma_start3A_359 : memref<128xi32, #tpu.memory_space<vmem>>) semaphore(%run_scoped3A_352 : memref<!tpu.dma_semaphore, #tpu.memory_space<semaphore_mem>>) {add = true}
        %dma_wait3A_363 = arith.constant 0 : i32
        %dma_wait3A_364 = arith.constant 0 : i32
        %dma_wait3A_365 = tpu.memref_slice %arg8[%run_scoped3A_332, %dma_wait3A_363, %dma_wait3A_364] : memref<2x128x128xf32, #tpu.memory_space<vmem>> -> memref<1x128x128xf32, #tpu.memory_space<vmem>>
        %dma_wait3A_366 = tpu.memref_squeeze %dma_wait3A_365 : memref<1x128x128xf32, #tpu.memory_space<vmem>> -> memref<128x128xf32, #tpu.memory_space<vmem>>
        %dma_wait3A_367 = arith.constant 0 : i32
        %dma_wait3A_368 = tpu.memref_slice %arg7[%run_scoped3A_333, %run_scoped3A_334, %dma_wait3A_367] : memref<2x8x128xi32, #tpu.memory_space<vmem>> -> memref<1x1x128xi32, #tpu.memory_space<vmem>>
        %dma_wait3A_369 = tpu.memref_squeeze %dma_wait3A_368 : memref<1x1x128xi32, #tpu.memory_space<vmem>> -> memref<128xi32, #tpu.memory_space<vmem>>
        %dma_wait3A_370 = arith.constant 0 : i32
        %dma_wait3A_371 = arith.constant 0 : i32
        %dma_wait3A_372 = tpu.memref_slice %arg10[%dma_wait3A_370, %dma_wait3A_371] : memref<10240x128xf32, #tpu.memory_space<vmem_shared>> -> memref<10240x128xf32, #tpu.memory_space<vmem_shared>>
        tpu.wait_indirect_dma semaphore(%run_scoped3A_352 : memref<!tpu.dma_semaphore, #tpu.memory_space<semaphore_mem>>) src(%dma_wait3A_366 : memref<128x128xf32, #tpu.memory_space<vmem>>) dst(%dma_wait3A_372 : memref<10240x128xf32, #tpu.memory_space<vmem_shared>>)
        tpu.yield
      }) : () -> ()
      %dma_wait3A_335 = arith.constant 0 : i32
      %dma_wait3A_336 = arith.constant 0 : i32
      %dma_wait3A_337 = arith.constant 1 : i32
      %dma_wait3A_338 = arith.constant 0 : i32
      %dma_wait3A_339 = arith.constant 0 : i32
      %dma_wait3A_340 = tpu.memref_slice %arg8[%dma_wait3A_337, %dma_wait3A_338, %dma_wait3A_339] : memref<2x128x128xf32, #tpu.memory_space<vmem>> -> memref<1x128x128xf32, #tpu.memory_space<vmem>>
      %dma_wait3A_341 = tpu.memref_squeeze %dma_wait3A_340 : memref<1x128x128xf32, #tpu.memory_space<vmem>> -> memref<128x128xf32, #tpu.memory_space<vmem>>
      %dma_wait3A_342 = arith.constant 0 : i32
      %dma_wait3A_343 = tpu.memref_slice %arg6[%dma_wait3A_335, %dma_wait3A_336, %dma_wait3A_342] : memref<2x8x128xi32, #tpu.memory_space<vmem>> -> memref<1x1x128xi32, #tpu.memory_space<vmem>>
      %dma_wait3A_344 = tpu.memref_squeeze %dma_wait3A_343 : memref<1x1x128xi32, #tpu.memory_space<vmem>> -> memref<128xi32, #tpu.memory_space<vmem>>
      %dma_wait3A_345 = arith.constant 0 : i32
      %dma_wait3A_346 = arith.constant 0 : i32
      %dma_wait3A_347 = tpu.memref_slice %arg2[%dma_wait3A_345, %dma_wait3A_346] : memref<10240x128xf32, #tpu.memory_space<hbm>> -> memref<10240x128xf32, #tpu.memory_space<hbm>>
      tpu.wait_indirect_dma semaphore(%arg12 : memref<!tpu.dma_semaphore, #tpu.memory_space<semaphore_mem>>) src(%dma_wait3A_347 : memref<10240x128xf32, #tpu.memory_space<hbm>>) dst(%dma_wait3A_341 : memref<128x128xf32, #tpu.memory_space<vmem>>)
      %run_scoped3A_348 = arith.constant 1 : i32
      %run_scoped3A_349 = arith.constant 1 : i32
      %run_scoped3A_350 = arith.constant 7 : i32
      "tpu.region"() ({
        %run_scoped3A_352 = tpu.sem_alloc : memref<!tpu.dma_semaphore, #tpu.memory_space<semaphore_mem>>
        %dma_start3A_353 = arith.constant 0 : i32
        %dma_start3A_354 = arith.constant 0 : i32
        %dma_start3A_355 = tpu.memref_slice %arg8[%run_scoped3A_348, %dma_start3A_353, %dma_start3A_354] : memref<2x128x128xf32, #tpu.memory_space<vmem>> -> memref<1x128x128xf32, #tpu.memory_space<vmem>>
        %dma_start3A_356 = tpu.memref_squeeze %dma_start3A_355 : memref<1x128x128xf32, #tpu.memory_space<vmem>> -> memref<128x128xf32, #tpu.memory_space<vmem>>
        %dma_start3A_357 = arith.constant 0 : i32
        %dma_start3A_358 = tpu.memref_slice %arg7[%run_scoped3A_349, %run_scoped3A_350, %dma_start3A_357] : memref<2x8x128xi32, #tpu.memory_space<vmem>> -> memref<1x1x128xi32, #tpu.memory_space<vmem>>
        %dma_start3A_359 = tpu.memref_squeeze %dma_start3A_358 : memref<1x1x128xi32, #tpu.memory_space<vmem>> -> memref<128xi32, #tpu.memory_space<vmem>>
        %dma_start3A_360 = arith.constant 0 : i32
        %dma_start3A_361 = arith.constant 0 : i32
        %dma_start3A_362 = tpu.memref_slice %arg10[%dma_start3A_360, %dma_start3A_361] : memref<10240x128xf32, #tpu.memory_space<vmem_shared>> -> memref<10240x128xf32, #tpu.memory_space<vmem_shared>>
        tpu.enqueue_indirect_dma source(%dma_start3A_356 : memref<128x128xf32, #tpu.memory_space<vmem>>) target(%dma_start3A_362 : memref<10240x128xf32, #tpu.memory_space<vmem_shared>>) offsets(%dma_start3A_359 : memref<128xi32, #tpu.memory_space<vmem>>) semaphore(%run_scoped3A_352 : memref<!tpu.dma_semaphore, #tpu.memory_space<semaphore_mem>>) {add = true}
        %dma_wait3A_363 = arith.constant 0 : i32
        %dma_wait3A_364 = arith.constant 0 : i32
        %dma_wait3A_365 = tpu.memref_slice %arg8[%run_scoped3A_348, %dma_wait3A_363, %dma_wait3A_364] : memref<2x128x128xf32, #tpu.memory_space<vmem>> -> memref<1x128x128xf32, #tpu.memory_space<vmem>>
        %dma_wait3A_366 = tpu.memref_squeeze %dma_wait3A_365 : memref<1x128x128xf32, #tpu.memory_space<vmem>> -> memref<128x128xf32, #tpu.memory_space<vmem>>
        %dma_wait3A_367 = arith.constant 0 : i32
        %dma_wait3A_368 = tpu.memref_slice %arg7[%run_scoped3A_349, %run_scoped3A_350, %dma_wait3A_367] : memref<2x8x128xi32, #tpu.memory_space<vmem>> -> memref<1x1x128xi32, #tpu.memory_space<vmem>>
        %dma_wait3A_369 = tpu.memref_squeeze %dma_wait3A_368 : memref<1x1x128xi32, #tpu.memory_space<vmem>> -> memref<128xi32, #tpu.memory_space<vmem>>
        %dma_wait3A_370 = arith.constant 0 : i32
        %dma_wait3A_371 = arith.constant 0 : i32
        %dma_wait3A_372 = tpu.memref_slice %arg10[%dma_wait3A_370, %dma_wait3A_371] : memref<10240x128xf32, #tpu.memory_space<vmem_shared>> -> memref<10240x128xf32, #tpu.memory_space<vmem_shared>>
        tpu.wait_indirect_dma semaphore(%run_scoped3A_352 : memref<!tpu.dma_semaphore, #tpu.memory_space<semaphore_mem>>) src(%dma_wait3A_366 : memref<128x128xf32, #tpu.memory_space<vmem>>) dst(%dma_wait3A_372 : memref<10240x128xf32, #tpu.memory_space<vmem_shared>>)
        tpu.yield
      }) : () -> ()
      %scan3A_351 = arith.constant 0 : i32
      scf.yield %scan3A_351 : i32
    }
    %scan3A_57 = arith.constant 5 : i32
    %dma_wait3A = arith.constant 0 : i32
    %dma_wait3A_58 = arith.constant 0 : i32
    %dma_wait3A_59 = arith.constant 0 : i32
    %dma_wait3A_60 = tpu.memref_slice %arg6[%dma_wait3A, %dma_wait3A_58, %dma_wait3A_59] : memref<2x8x128xi32, #tpu.memory_space<vmem>> -> memref<1x8x128xi32, #tpu.memory_space<vmem>>
    %dma_wait3A_61 = tpu.memref_squeeze %dma_wait3A_60 : memref<1x8x128xi32, #tpu.memory_space<vmem>> -> memref<8x128xi32, #tpu.memory_space<vmem>>
    %dma_wait3A_62 = arith.constant 0 : i32
    %dma_wait3A_63 = arith.constant 0 : i32
    %dma_wait3A_64 = tpu.memref_slice %arg3[%dma_wait3A_62, %dma_wait3A_63] : memref<2568x128xi32, #tpu.memory_space<hbm>> -> memref<8x128xi32, #tpu.memory_space<hbm>>
    %dma_wait3A_65 = arith.constant 0 : i32
    %dma_wait3A_66 = arith.constant 0 : i32
    %dma_wait3A_67 = tpu.memref_slice %arg6[%dma_wait3A, %dma_wait3A_65, %dma_wait3A_66] : memref<2x8x128xi32, #tpu.memory_space<vmem>> -> memref<1x8x128xi32, #tpu.memory_space<vmem>>
    %dma_wait3A_68 = tpu.memref_squeeze %dma_wait3A_67 : memref<1x8x128xi32, #tpu.memory_space<vmem>> -> memref<8x128xi32, #tpu.memory_space<vmem>>
    %dma_wait3A_69 = arith.constant 0 : i32
    %dma_wait3A_70 = arith.constant 0 : i32
    %dma_wait3A_71 = tpu.memref_slice %arg3[%dma_wait3A_69, %dma_wait3A_70] : memref<2568x128xi32, #tpu.memory_space<hbm>> -> memref<8x128xi32, #tpu.memory_space<hbm>>
    tpu.wait_dma2 semaphore(%arg13 : memref<!tpu.dma_semaphore, #tpu.memory_space<semaphore_mem>>) src(%dma_wait3A_71 : memref<8x128xi32, #tpu.memory_space<hbm>>) dst(%dma_wait3A_68 : memref<8x128xi32, #tpu.memory_space<vmem>>)
    %dma_wait3A_72 = arith.constant 0 : i32
    %dma_wait3A_73 = arith.constant 0 : i32
    %dma_wait3A_74 = arith.constant 0 : i32
    %dma_wait3A_75 = tpu.memref_slice %arg7[%dma_wait3A_72, %dma_wait3A_73, %dma_wait3A_74] : memref<2x8x128xi32, #tpu.memory_space<vmem>> -> memref<1x8x128xi32, #tpu.memory_space<vmem>>
    %dma_wait3A_76 = tpu.memref_squeeze %dma_wait3A_75 : memref<1x8x128xi32, #tpu.memory_space<vmem>> -> memref<8x128xi32, #tpu.memory_space<vmem>>
    %dma_wait3A_77 = arith.constant 0 : i32
    %dma_wait3A_78 = arith.constant 0 : i32
    %dma_wait3A_79 = tpu.memref_slice %arg4[%dma_wait3A_77, %dma_wait3A_78] : memref<2568x128xi32, #tpu.memory_space<hbm>> -> memref<8x128xi32, #tpu.memory_space<hbm>>
    %dma_wait3A_80 = arith.constant 0 : i32
    %dma_wait3A_81 = arith.constant 0 : i32
    %dma_wait3A_82 = tpu.memref_slice %arg7[%dma_wait3A_72, %dma_wait3A_80, %dma_wait3A_81] : memref<2x8x128xi32, #tpu.memory_space<vmem>> -> memref<1x8x128xi32, #tpu.memory_space<vmem>>
    %dma_wait3A_83 = tpu.memref_squeeze %dma_wait3A_82 : memref<1x8x128xi32, #tpu.memory_space<vmem>> -> memref<8x128xi32, #tpu.memory_space<vmem>>
    %dma_wait3A_84 = arith.constant 0 : i32
    %dma_wait3A_85 = arith.constant 0 : i32
    %dma_wait3A_86 = tpu.memref_slice %arg4[%dma_wait3A_84, %dma_wait3A_85] : memref<2568x128xi32, #tpu.memory_space<hbm>> -> memref<8x128xi32, #tpu.memory_space<hbm>>
    tpu.wait_dma2 semaphore(%arg13 : memref<!tpu.dma_semaphore, #tpu.memory_space<semaphore_mem>>) src(%dma_wait3A_86 : memref<8x128xi32, #tpu.memory_space<hbm>>) dst(%dma_wait3A_83 : memref<8x128xi32, #tpu.memory_space<vmem>>)
    %barrier3A_87 = arith.constant 0 : index
    tpu.barrier barrier_id(%barrier3A_87)
    %mul3A_88 = arith.constant 640 : i32
    %mul3A_89 = arith.muli %arg1, %mul3A_88 : i32
    %mul3A_90 = arith.constant 640 : i32
    %mul3A_91 = arith.muli %arg1, %mul3A_90 : i32
    "tpu.region"() ({
      %run_scoped3A = tpu.sem_alloc : memref<!tpu.dma_semaphore, #tpu.memory_space<semaphore_mem>>
      %dma_start3A_92 = arith.constant 0 : i32
      %dma_start3A_93 = tpu.memref_slice %arg5[%arg0, %mul3A_91, %dma_start3A_92] : memref<2x10240x128xf32, #tpu.memory_space<hbm>> -> memref<1x640x128xf32, #tpu.memory_space<hbm>>
      %dma_start3A_94 = tpu.memref_squeeze %dma_start3A_93 : memref<1x640x128xf32, #tpu.memory_space<hbm>> -> memref<640x128xf32, #tpu.memory_space<hbm>>
      %dma_start3A_95 = arith.constant 0 : i32
      %dma_start3A_96 = tpu.memref_slice %arg10[%mul3A_89, %dma_start3A_95] : memref<10240x128xf32, #tpu.memory_space<vmem_shared>> -> memref<640x128xf32, #tpu.memory_space<vmem_shared>>
      tpu.enqueue_dma source(%dma_start3A_96 : memref<640x128xf32, #tpu.memory_space<vmem_shared>>) target(%dma_start3A_94 : memref<640x128xf32, #tpu.memory_space<hbm>>) target_semaphore(%run_scoped3A : memref<!tpu.dma_semaphore, #tpu.memory_space<semaphore_mem>>)
      %dma_wait3A_97 = arith.constant 0 : i32
      %dma_wait3A_98 = tpu.memref_slice %arg5[%arg0, %mul3A_91, %dma_wait3A_97] : memref<2x10240x128xf32, #tpu.memory_space<hbm>> -> memref<1x640x128xf32, #tpu.memory_space<hbm>>
      %dma_wait3A_99 = tpu.memref_squeeze %dma_wait3A_98 : memref<1x640x128xf32, #tpu.memory_space<hbm>> -> memref<640x128xf32, #tpu.memory_space<hbm>>
      %dma_wait3A_100 = arith.constant 0 : i32
      %dma_wait3A_101 = tpu.memref_slice %arg10[%mul3A_89, %dma_wait3A_100] : memref<10240x128xf32, #tpu.memory_space<vmem_shared>> -> memref<640x128xf32, #tpu.memory_space<vmem_shared>>
      tpu.wait_dma2 semaphore(%run_scoped3A : memref<!tpu.dma_semaphore, #tpu.memory_space<semaphore_mem>>) src(%dma_wait3A_101 : memref<640x128xf32, #tpu.memory_space<vmem_shared>>) dst(%dma_wait3A_99 : memref<640x128xf32, #tpu.memory_space<hbm>>)
      tpu.yield
    }) : () -> ()
    return
  }
}

#map = affine_map<(d0, d1) -> (0, 0)>
#map1 = affine_map<(d0, d1) -> (0, 0, 0)>
module attributes {stable_mosaic.version = 14 : i64} {
  func.func @agg_kernel(%arg0: i32, %arg1: i32, %arg2: memref<10240x128xf32, #tpu.memory_space<hbm>>, %arg3: memref<2568x128xi32, #tpu.memory_space<hbm>>, %arg4: memref<2568x128xi32, #tpu.memory_space<hbm>>, %arg5: memref<2x10240x128xf32, #tpu.memory_space<hbm>>, %arg6: memref<2x8x128xi32, #tpu.memory_space<vmem>>, %arg7: memref<2x8x128xi32, #tpu.memory_space<vmem>>, %arg8: memref<2x128x128xf32, #tpu.memory_space<vmem>>, %arg9: memref<64x128xf32, #tpu.memory_space<vmem>>, %arg10: memref<10240x128xf32, #tpu.memory_space<vmem_shared>>, %arg11: memref<!tpu.dma_semaphore, #tpu.memory_space<semaphore_mem>>, %arg12: memref<!tpu.dma_semaphore, #tpu.memory_space<semaphore_mem>>, %arg13: memref<!tpu.dma_semaphore, #tpu.memory_space<semaphore_mem>>) attributes {dimension_semantics = [#tpu.dimension_semantics<core_parallel>, #tpu.dimension_semantics<subcore_parallel>], iteration_bounds = array<i64: 2, 16>, scalar_prefetch = 0 : i64, scratch_operands = 8 : i64, tpu.core_type = #tpu.core_type<sc_vector_subcore>, window_params = [{transform_indices = #map}, {transform_indices = #map}, {transform_indices = #map}, {transform_indices = #map1}]} {
    %broadcast_in_dim3A = arith.constant 0.000000e+00 : f32
    %broadcast_in_dim3A_0 = vector.broadcast %broadcast_in_dim3A : f32 to vector<16xf32>
    %scan3A = arith.constant 0 : i32
    %scan3A_1 = arith.constant 0 : i32
    %scan3A_2 = arith.constant 64 : i32
    %scan3A_3 = arith.addi %scan3A_1, %scan3A_2 : i32
    %scan3A_4 = arith.constant 1 : i32
    %scan3A_5 = scf.for %scan3A_92 = %scan3A_1 to %scan3A_3 step %scan3A_4 iter_args(%scan3A_93 = %scan3A) -> (i32)  : i32 {
      %swap3A = arith.index_cast %scan3A_92 : i32 to index
      %swap3A_94 = arith.constant 0 : index
      %swap3A_95 = tpu.vector_load %arg9[%swap3A, %swap3A_94] {strides = array<i32>} : memref<64x128xf32, #tpu.memory_space<vmem>>, vector<1x16xf32>,
      %swap3A_96 = vector.shape_cast %swap3A_95 : vector<1x16xf32> to vector<16xf32>
      %swap3A_97 = vector.shape_cast %broadcast_in_dim3A_0 : vector<16xf32> to vector<1x16xf32>
      tpu.vector_store %arg9[%swap3A, %swap3A_94], %swap3A_97 {strides = array<i32>} : memref<64x128xf32, #tpu.memory_space<vmem>>, vector<1x16xf32>,
      %swap3A_98 = arith.index_cast %scan3A_92 : i32 to index
      %swap3A_99 = arith.constant 16 : index
      %swap3A_100 = tpu.vector_load %arg9[%swap3A_98, %swap3A_99] {strides = array<i32>} : memref<64x128xf32, #tpu.memory_space<vmem>>, vector<1x16xf32>,
      %swap3A_101 = vector.shape_cast %swap3A_100 : vector<1x16xf32> to vector<16xf32>
      %swap3A_102 = vector.shape_cast %broadcast_in_dim3A_0 : vector<16xf32> to vector<1x16xf32>
      tpu.vector_store %arg9[%swap3A_98, %swap3A_99], %swap3A_102 {strides = array<i32>} : memref<64x128xf32, #tpu.memory_space<vmem>>, vector<1x16xf32>,
      %swap3A_103 = arith.index_cast %scan3A_92 : i32 to index
      %swap3A_104 = arith.constant 32 : index
      %swap3A_105 = tpu.vector_load %arg9[%swap3A_103, %swap3A_104] {strides = array<i32>} : memref<64x128xf32, #tpu.memory_space<vmem>>, vector<1x16xf32>,
      %swap3A_106 = vector.shape_cast %swap3A_105 : vector<1x16xf32> to vector<16xf32>
      %swap3A_107 = vector.shape_cast %broadcast_in_dim3A_0 : vector<16xf32> to vector<1x16xf32>
      tpu.vector_store %arg9[%swap3A_103, %swap3A_104], %swap3A_107 {strides = array<i32>} : memref<64x128xf32, #tpu.memory_space<vmem>>, vector<1x16xf32>,
      %swap3A_108 = arith.index_cast %scan3A_92 : i32 to index
      %swap3A_109 = arith.constant 48 : index
      %swap3A_110 = tpu.vector_load %arg9[%swap3A_108, %swap3A_109] {strides = array<i32>} : memref<64x128xf32, #tpu.memory_space<vmem>>, vector<1x16xf32>,
      %swap3A_111 = vector.shape_cast %swap3A_110 : vector<1x16xf32> to vector<16xf32>
      %swap3A_112 = vector.shape_cast %broadcast_in_dim3A_0 : vector<16xf32> to vector<1x16xf32>
      tpu.vector_store %arg9[%swap3A_108, %swap3A_109], %swap3A_112 {strides = array<i32>} : memref<64x128xf32, #tpu.memory_space<vmem>>, vector<1x16xf32>,
      %swap3A_113 = arith.index_cast %scan3A_92 : i32 to index
      %swap3A_114 = arith.constant 64 : index
      %swap3A_115 = tpu.vector_load %arg9[%swap3A_113, %swap3A_114] {strides = array<i32>} : memref<64x128xf32, #tpu.memory_space<vmem>>, vector<1x16xf32>,
      %swap3A_116 = vector.shape_cast %swap3A_115 : vector<1x16xf32> to vector<16xf32>
      %swap3A_117 = vector.shape_cast %broadcast_in_dim3A_0 : vector<16xf32> to vector<1x16xf32>
      tpu.vector_store %arg9[%swap3A_113, %swap3A_114], %swap3A_117 {strides = array<i32>} : memref<64x128xf32, #tpu.memory_space<vmem>>, vector<1x16xf32>,
      %swap3A_118 = arith.index_cast %scan3A_92 : i32 to index
      %swap3A_119 = arith.constant 80 : index
      %swap3A_120 = tpu.vector_load %arg9[%swap3A_118, %swap3A_119] {strides = array<i32>} : memref<64x128xf32, #tpu.memory_space<vmem>>, vector<1x16xf32>,
      %swap3A_121 = vector.shape_cast %swap3A_120 : vector<1x16xf32> to vector<16xf32>
      %swap3A_122 = vector.shape_cast %broadcast_in_dim3A_0 : vector<16xf32> to vector<1x16xf32>
      tpu.vector_store %arg9[%swap3A_118, %swap3A_119], %swap3A_122 {strides = array<i32>} : memref<64x128xf32, #tpu.memory_space<vmem>>, vector<1x16xf32>,
      %swap3A_123 = arith.index_cast %scan3A_92 : i32 to index
      %swap3A_124 = arith.constant 96 : index
      %swap3A_125 = tpu.vector_load %arg9[%swap3A_123, %swap3A_124] {strides = array<i32>} : memref<64x128xf32, #tpu.memory_space<vmem>>, vector<1x16xf32>,
      %swap3A_126 = vector.shape_cast %swap3A_125 : vector<1x16xf32> to vector<16xf32>
      %swap3A_127 = vector.shape_cast %broadcast_in_dim3A_0 : vector<16xf32> to vector<1x16xf32>
      tpu.vector_store %arg9[%swap3A_123, %swap3A_124], %swap3A_127 {strides = array<i32>} : memref<64x128xf32, #tpu.memory_space<vmem>>, vector<1x16xf32>,
      %swap3A_128 = arith.index_cast %scan3A_92 : i32 to index
      %swap3A_129 = arith.constant 112 : index
      %swap3A_130 = tpu.vector_load %arg9[%swap3A_128, %swap3A_129] {strides = array<i32>} : memref<64x128xf32, #tpu.memory_space<vmem>>, vector<1x16xf32>,
      %swap3A_131 = vector.shape_cast %swap3A_130 : vector<1x16xf32> to vector<16xf32>
      %swap3A_132 = vector.shape_cast %broadcast_in_dim3A_0 : vector<16xf32> to vector<1x16xf32>
      tpu.vector_store %arg9[%swap3A_128, %swap3A_129], %swap3A_132 {strides = array<i32>} : memref<64x128xf32, #tpu.memory_space<vmem>>, vector<1x16xf32>,
      %scan3A_133 = arith.constant 0 : i32
      scf.yield %scan3A_133 : i32
    }
    %scan3A_6 = arith.constant 64 : i32
    %scan3A_7 = arith.constant 0 : i32
    %scan3A_8 = arith.constant 0 : i32
    %scan3A_9 = arith.constant 10 : i32
    %scan3A_10 = arith.addi %scan3A_8, %scan3A_9 : i32
    %scan3A_11 = arith.constant 1 : i32
    %scan3A_12 = scf.for %scan3A_92 = %scan3A_8 to %scan3A_10 step %scan3A_11 iter_args(%scan3A_93 = %scan3A_7) -> (i32)  : i32 {
      %mul3A_94 = arith.constant 640 : i32
      %mul3A_95 = arith.muli %arg1, %mul3A_94 : i32
      %mul3A_96 = arith.constant 64 : i32
      %mul3A_97 = arith.muli %scan3A_92, %mul3A_96 : i32
      %add3A_98 = arith.addi %mul3A_95, %mul3A_97 : i32
      %dma_start3A_99 = arith.constant 0 : i32
      %dma_start3A_100 = tpu.memref_slice %arg10[%add3A_98, %dma_start3A_99] : memref<10240x128xf32, #tpu.memory_space<vmem_shared>> -> memref<64x128xf32, #tpu.memory_space<vmem_shared>>
      %dma_start3A_101 = arith.constant 0 : i32
      %dma_start3A_102 = tpu.memref_slice %arg10[%add3A_98, %dma_start3A_101] : memref<10240x128xf32, #tpu.memory_space<vmem_shared>> -> memref<64x128xf32, #tpu.memory_space<vmem_shared>>
      tpu.enqueue_dma source(%arg9 : memref<64x128xf32, #tpu.memory_space<vmem>>) target(%dma_start3A_102 : memref<64x128xf32, #tpu.memory_space<vmem_shared>>) target_semaphore(%arg13 : memref<!tpu.dma_semaphore, #tpu.memory_space<semaphore_mem>>)
      %scan3A_103 = arith.constant 0 : i32
      scf.yield %scan3A_103 : i32
    }
    %scan3A_13 = arith.constant 10 : i32
    %scan3A_14 = arith.constant 0 : i32
    %scan3A_15 = arith.constant 0 : i32
    %scan3A_16 = arith.constant 10 : i32
    %scan3A_17 = arith.addi %scan3A_15, %scan3A_16 : i32
    %scan3A_18 = arith.constant 1 : i32
    %scan3A_19 = scf.for %scan3A_92 = %scan3A_15 to %scan3A_17 step %scan3A_18 iter_args(%scan3A_93 = %scan3A_14) -> (i32)  : i32 {
      %mul3A_94 = arith.constant 640 : i32
      %mul3A_95 = arith.muli %arg1, %mul3A_94 : i32
      %dma_wait3A_96 = arith.constant 0 : i32
      %dma_wait3A_97 = tpu.memref_slice %arg10[%mul3A_95, %dma_wait3A_96] : memref<10240x128xf32, #tpu.memory_space<vmem_shared>> -> memref<64x128xf32, #tpu.memory_space<vmem_shared>>
      %dma_wait3A_98 = arith.constant 0 : i32
      %dma_wait3A_99 = tpu.memref_slice %arg10[%mul3A_95, %dma_wait3A_98] : memref<10240x128xf32, #tpu.memory_space<vmem_shared>> -> memref<64x128xf32, #tpu.memory_space<vmem_shared>>
      tpu.wait_dma2 semaphore(%arg13 : memref<!tpu.dma_semaphore, #tpu.memory_space<semaphore_mem>>) src(%arg9 : memref<64x128xf32, #tpu.memory_space<vmem>>) dst(%dma_wait3A_99 : memref<64x128xf32, #tpu.memory_space<vmem_shared>>)
      %scan3A_100 = arith.constant 0 : i32
      scf.yield %scan3A_100 : i32
    }
    %scan3A_20 = arith.constant 10 : i32
    %barrier3A = arith.constant 0 : index
    tpu.barrier barrier_id(%barrier3A)
    %mul3A = arith.constant 16 : i32
    %mul3A_21 = arith.muli %arg0, %mul3A : i32
    %add3A = arith.addi %mul3A_21, %arg1 : i32
    %mul3A_22 = arith.constant 80 : i32
    %mul3A_23 = arith.muli %add3A, %mul3A_22 : i32
    %add3A_24 = arith.constant 0 : i32
    %add3A_25 = arith.addi %mul3A_23, %add3A_24 : i32
    %dma_start3A = arith.constant 0 : i32
    %dma_start3A_26 = arith.constant 0 : i32
    %dma_start3A_27 = arith.constant 0 : i32
    %dma_start3A_28 = tpu.memref_slice %arg6[%dma_start3A, %dma_start3A_26, %dma_start3A_27] : memref<2x8x128xi32, #tpu.memory_space<vmem>> -> memref<1x8x128xi32, #tpu.memory_space<vmem>>
    %dma_start3A_29 = tpu.memref_squeeze %dma_start3A_28 : memref<1x8x128xi32, #tpu.memory_space<vmem>> -> memref<8x128xi32, #tpu.memory_space<vmem>>
    %dma_start3A_30 = arith.constant 0 : i32
    %dma_start3A_31 = tpu.memref_slice %arg3[%add3A_25, %dma_start3A_30] : memref<2568x128xi32, #tpu.memory_space<hbm>> -> memref<8x128xi32, #tpu.memory_space<hbm>>
    %dma_start3A_32 = arith.constant 0 : i32
    %dma_start3A_33 = arith.constant 0 : i32
    %dma_start3A_34 = tpu.memref_slice %arg6[%dma_start3A, %dma_start3A_32, %dma_start3A_33] : memref<2x8x128xi32, #tpu.memory_space<vmem>> -> memref<1x8x128xi32, #tpu.memory_space<vmem>>
    %dma_start3A_35 = tpu.memref_squeeze %dma_start3A_34 : memref<1x8x128xi32, #tpu.memory_space<vmem>> -> memref<8x128xi32, #tpu.memory_space<vmem>>
    %dma_start3A_36 = arith.constant 0 : i32
    %dma_start3A_37 = tpu.memref_slice %arg3[%add3A_25, %dma_start3A_36] : memref<2568x128xi32, #tpu.memory_space<hbm>> -> memref<8x128xi32, #tpu.memory_space<hbm>>
    tpu.enqueue_dma source(%dma_start3A_37 : memref<8x128xi32, #tpu.memory_space<hbm>>) target(%dma_start3A_35 : memref<8x128xi32, #tpu.memory_space<vmem>>) target_semaphore(%arg13 : memref<!tpu.dma_semaphore, #tpu.memory_space<semaphore_mem>>)
    %dma_start3A_38 = arith.constant 0 : i32
    %dma_start3A_39 = arith.constant 0 : i32
    %dma_start3A_40 = arith.constant 0 : i32
    %dma_start3A_41 = tpu.memref_slice %arg7[%dma_start3A_38, %dma_start3A_39, %dma_start3A_40] : memref<2x8x128xi32, #tpu.memory_space<vmem>> -> memref<1x8x128xi32, #tpu.memory_space<vmem>>
    %dma_start3A_42 = tpu.memref_squeeze %dma_start3A_41 : memref<1x8x128xi32, #tpu.memory_space<vmem>> -> memref<8x128xi32, #tpu.memory_space<vmem>>
    %dma_start3A_43 = arith.constant 0 : i32
    %dma_start3A_44 = tpu.memref_slice %arg4[%add3A_25, %dma_start3A_43] : memref<2568x128xi32, #tpu.memory_space<hbm>> -> memref<8x128xi32, #tpu.memory_space<hbm>>
    %dma_start3A_45 = arith.constant 0 : i32
    %dma_start3A_46 = arith.constant 0 : i32
    %dma_start3A_47 = tpu.memref_slice %arg7[%dma_start3A_38, %dma_start3A_45, %dma_start3A_46] : memref<2x8x128xi32, #tpu.memory_space<vmem>> -> memref<1x8x128xi32, #tpu.memory_space<vmem>>
    %dma_start3A_48 = tpu.memref_squeeze %dma_start3A_47 : memref<1x8x128xi32, #tpu.memory_space<vmem>> -> memref<8x128xi32, #tpu.memory_space<vmem>>
    %dma_start3A_49 = arith.constant 0 : i32
    %dma_start3A_50 = tpu.memref_slice %arg4[%add3A_25, %dma_start3A_49] : memref<2568x128xi32, #tpu.memory_space<hbm>> -> memref<8x128xi32, #tpu.memory_space<hbm>>
    tpu.enqueue_dma source(%dma_start3A_50 : memref<8x128xi32, #tpu.memory_space<hbm>>) target(%dma_start3A_48 : memref<8x128xi32, #tpu.memory_space<vmem>>) target_semaphore(%arg13 : memref<!tpu.dma_semaphore, #tpu.memory_space<semaphore_mem>>)
    %scan3A_51 = arith.constant 0 : i32
    %scan3A_52 = arith.constant 0 : i32
    %scan3A_53 = arith.constant 5 : i32
    %scan3A_54 = arith.addi %scan3A_52, %scan3A_53 : i32
    %scan3A_55 = arith.constant 1 : i32
    %scan3A_56 = scf.for %scan3A_92 = %scan3A_52 to %scan3A_54 step %scan3A_55 iter_args(%scan3A_93 = %scan3A_51) -> (i32)  : i32 {
      %mul3A_94 = arith.constant 2 : i32
      %mul3A_95 = arith.muli %mul3A_94, %scan3A_92 : i32
      %dma_wait3A_96 = arith.constant 0 : i32
      %dma_wait3A_97 = arith.constant 0 : i32
      %dma_wait3A_98 = arith.constant 0 : i32
      %dma_wait3A_99 = tpu.memref_slice %arg6[%dma_wait3A_96, %dma_wait3A_97, %dma_wait3A_98] : memref<2x8x128xi32, #tpu.memory_space<vmem>> -> memref<1x8x128xi32, #tpu.memory_space<vmem>>
      %dma_wait3A_100 = tpu.memref_squeeze %dma_wait3A_99 : memref<1x8x128xi32, #tpu.memory_space<vmem>> -> memref<8x128xi32, #tpu.memory_space<vmem>>
      %dma_wait3A_101 = arith.constant 0 : i32
      %dma_wait3A_102 = arith.constant 0 : i32
      %dma_wait3A_103 = tpu.memref_slice %arg3[%dma_wait3A_101, %dma_wait3A_102] : memref<2568x128xi32, #tpu.memory_space<hbm>> -> memref<8x128xi32, #tpu.memory_space<hbm>>
      %dma_wait3A_104 = arith.constant 0 : i32
      %dma_wait3A_105 = arith.constant 0 : i32
      %dma_wait3A_106 = tpu.memref_slice %arg6[%dma_wait3A_96, %dma_wait3A_104, %dma_wait3A_105] : memref<2x8x128xi32, #tpu.memory_space<vmem>> -> memref<1x8x128xi32, #tpu.memory_space<vmem>>
      %dma_wait3A_107 = tpu.memref_squeeze %dma_wait3A_106 : memref<1x8x128xi32, #tpu.memory_space<vmem>> -> memref<8x128xi32, #tpu.memory_space<vmem>>
      %dma_wait3A_108 = arith.constant 0 : i32
      %dma_wait3A_109 = arith.constant 0 : i32
      %dma_wait3A_110 = tpu.memref_slice %arg3[%dma_wait3A_108, %dma_wait3A_109] : memref<2568x128xi32, #tpu.memory_space<hbm>> -> memref<8x128xi32, #tpu.memory_space<hbm>>
      tpu.wait_dma2 semaphore(%arg13 : memref<!tpu.dma_semaphore, #tpu.memory_space<semaphore_mem>>) src(%dma_wait3A_110 : memref<8x128xi32, #tpu.memory_space<hbm>>) dst(%dma_wait3A_107 : memref<8x128xi32, #tpu.memory_space<vmem>>)
      %dma_wait3A_111 = arith.constant 0 : i32
      %dma_wait3A_112 = arith.constant 0 : i32
      %dma_wait3A_113 = arith.constant 0 : i32
      %dma_wait3A_114 = tpu.memref_slice %arg7[%dma_wait3A_111, %dma_wait3A_112, %dma_wait3A_113] : memref<2x8x128xi32, #tpu.memory_space<vmem>> -> memref<1x8x128xi32, #tpu.memory_space<vmem>>
      %dma_wait3A_115 = tpu.memref_squeeze %dma_wait3A_114 : memref<1x8x128xi32, #tpu.memory_space<vmem>> -> memref<8x128xi32, #tpu.memory_space<vmem>>
      %dma_wait3A_116 = arith.constant 0 : i32
      %dma_wait3A_117 = arith.constant 0 : i32
      %dma_wait3A_118 = tpu.memref_slice %arg4[%dma_wait3A_116, %dma_wait3A_117] : memref<2568x128xi32, #tpu.memory_space<hbm>> -> memref<8x128xi32, #tpu.memory_space<hbm>>
      %dma_wait3A_119 = arith.constant 0 : i32
      %dma_wait3A_120 = arith.constant 0 : i32
      %dma_wait3A_121 = tpu.memref_slice %arg7[%dma_wait3A_111, %dma_wait3A_119, %dma_wait3A_120] : memref<2x8x128xi32, #tpu.memory_space<vmem>> -> memref<1x8x128xi32, #tpu.memory_space<vmem>>
      %dma_wait3A_122 = tpu.memref_squeeze %dma_wait3A_121 : memref<1x8x128xi32, #tpu.memory_space<vmem>> -> memref<8x128xi32, #tpu.memory_space<vmem>>
      %dma_wait3A_123 = arith.constant 0 : i32
      %dma_wait3A_124 = arith.constant 0 : i32
      %dma_wait3A_125 = tpu.memref_slice %arg4[%dma_wait3A_123, %dma_wait3A_124] : memref<2568x128xi32, #tpu.memory_space<hbm>> -> memref<8x128xi32, #tpu.memory_space<hbm>>
      tpu.wait_dma2 semaphore(%arg13 : memref<!tpu.dma_semaphore, #tpu.memory_space<semaphore_mem>>) src(%dma_wait3A_125 : memref<8x128xi32, #tpu.memory_space<hbm>>) dst(%dma_wait3A_122 : memref<8x128xi32, #tpu.memory_space<vmem>>)
      %add3A_126 = arith.constant 1 : i32
      %add3A_127 = arith.addi %mul3A_95, %add3A_126 : i32
      %mul3A_128 = arith.constant 8 : i32
      %mul3A_129 = arith.muli %add3A_127, %mul3A_128 : i32
      %add3A_130 = arith.addi %mul3A_23, %mul3A_129 : i32
      %dma_start3A_131 = arith.constant 1 : i32
      %dma_start3A_132 = arith.constant 0 : i32
      %dma_start3A_133 = arith.constant 0 : i32
      %dma_start3A_134 = tpu.memref_slice %arg6[%dma_start3A_131, %dma_start3A_132, %dma_start3A_133] : memref<2x8x128xi32, #tpu.memory_space<vmem>> -> memref<1x8x128xi32, #tpu.memory_space<vmem>>
      %dma_start3A_135 = tpu.memref_squeeze %dma_start3A_134 : memref<1x8x128xi32, #tpu.memory_space<vmem>> -> memref<8x128xi32, #tpu.memory_space<vmem>>
      %dma_start3A_136 = arith.constant 0 : i32
      %dma_start3A_137 = tpu.memref_slice %arg3[%add3A_130, %dma_start3A_136] : memref<2568x128xi32, #tpu.memory_space<hbm>> -> memref<8x128xi32, #tpu.memory_space<hbm>>
      %dma_start3A_138 = arith.constant 0 : i32
      %dma_start3A_139 = arith.constant 0 : i32
      %dma_start3A_140 = tpu.memref_slice %arg6[%dma_start3A_131, %dma_start3A_138, %dma_start3A_139] : memref<2x8x128xi32, #tpu.memory_space<vmem>> -> memref<1x8x128xi32, #tpu.memory_space<vmem>>
      %dma_start3A_141 = tpu.memref_squeeze %dma_start3A_140 : memref<1x8x128xi32, #tpu.memory_space<vmem>> -> memref<8x128xi32, #tpu.memory_space<vmem>>
      %dma_start3A_142 = arith.constant 0 : i32
      %dma_start3A_143 = tpu.memref_slice %arg3[%add3A_130, %dma_start3A_142] : memref<2568x128xi32, #tpu.memory_space<hbm>> -> memref<8x128xi32, #tpu.memory_space<hbm>>
      tpu.enqueue_dma source(%dma_start3A_143 : memref<8x128xi32, #tpu.memory_space<hbm>>) target(%dma_start3A_141 : memref<8x128xi32, #tpu.memory_space<vmem>>) target_semaphore(%arg13 : memref<!tpu.dma_semaphore, #tpu.memory_space<semaphore_mem>>)
      %dma_start3A_144 = arith.constant 1 : i32
      %dma_start3A_145 = arith.constant 0 : i32
      %dma_start3A_146 = arith.constant 0 : i32
      %dma_start3A_147 = tpu.memref_slice %arg7[%dma_start3A_144, %dma_start3A_145, %dma_start3A_146] : memref<2x8x128xi32, #tpu.memory_space<vmem>> -> memref<1x8x128xi32, #tpu.memory_space<vmem>>
      %dma_start3A_148 = tpu.memref_squeeze %dma_start3A_147 : memref<1x8x128xi32, #tpu.memory_space<vmem>> -> memref<8x128xi32, #tpu.memory_space<vmem>>
      %dma_start3A_149 = arith.constant 0 : i32
      %dma_start3A_150 = tpu.memref_slice %arg4[%add3A_130, %dma_start3A_149] : memref<2568x128xi32, #tpu.memory_space<hbm>> -> memref<8x128xi32, #tpu.memory_space<hbm>>
      %dma_start3A_151 = arith.constant 0 : i32
      %dma_start3A_152 = arith.constant 0 : i32
      %dma_start3A_153 = tpu.memref_slice %arg7[%dma_start3A_144, %dma_start3A_151, %dma_start3A_152] : memref<2x8x128xi32, #tpu.memory_space<vmem>> -> memref<1x8x128xi32, #tpu.memory_space<vmem>>
      %dma_start3A_154 = tpu.memref_squeeze %dma_start3A_153 : memref<1x8x128xi32, #tpu.memory_space<vmem>> -> memref<8x128xi32, #tpu.memory_space<vmem>>
      %dma_start3A_155 = arith.constant 0 : i32
      %dma_start3A_156 = tpu.memref_slice %arg4[%add3A_130, %dma_start3A_155] : memref<2568x128xi32, #tpu.memory_space<hbm>> -> memref<8x128xi32, #tpu.memory_space<hbm>>
      tpu.enqueue_dma source(%dma_start3A_156 : memref<8x128xi32, #tpu.memory_space<hbm>>) target(%dma_start3A_154 : memref<8x128xi32, #tpu.memory_space<vmem>>) target_semaphore(%arg13 : memref<!tpu.dma_semaphore, #tpu.memory_space<semaphore_mem>>)
      %dma_start3A_157 = arith.constant 0 : i32
      %dma_start3A_158 = arith.constant 0 : i32
      %dma_start3A_159 = arith.constant 0 : i32
      %dma_start3A_160 = arith.constant 0 : i32
      %dma_start3A_161 = arith.constant 0 : i32
      %dma_start3A_162 = tpu.memref_slice %arg8[%dma_start3A_159, %dma_start3A_160, %dma_start3A_161] : memref<2x128x128xf32, #tpu.memory_space<vmem>> -> memref<1x128x128xf32, #tpu.memory_space<vmem>>
      %dma_start3A_163 = tpu.memref_squeeze %dma_start3A_162 : memref<1x128x128xf32, #tpu.memory_space<vmem>> -> memref<128x128xf32, #tpu.memory_space<vmem>>
      %dma_start3A_164 = arith.constant 0 : i32
      %dma_start3A_165 = tpu.memref_slice %arg6[%dma_start3A_157, %dma_start3A_158, %dma_start3A_164] : memref<2x8x128xi32, #tpu.memory_space<vmem>> -> memref<1x1x128xi32, #tpu.memory_space<vmem>>
      %dma_start3A_166 = tpu.memref_squeeze %dma_start3A_165 : memref<1x1x128xi32, #tpu.memory_space<vmem>> -> memref<128xi32, #tpu.memory_space<vmem>>
      %dma_start3A_167 = arith.constant 0 : i32
      %dma_start3A_168 = arith.constant 0 : i32
      %dma_start3A_169 = tpu.memref_slice %arg2[%dma_start3A_167, %dma_start3A_168] : memref<10240x128xf32, #tpu.memory_space<hbm>> -> memref<10240x128xf32, #tpu.memory_space<hbm>>
      tpu.enqueue_indirect_dma source(%dma_start3A_169 : memref<10240x128xf32, #tpu.memory_space<hbm>>) target(%dma_start3A_163 : memref<128x128xf32, #tpu.memory_space<vmem>>) offsets(%dma_start3A_166 : memref<128xi32, #tpu.memory_space<vmem>>) semaphore(%arg11 : memref<!tpu.dma_semaphore, #tpu.memory_space<semaphore_mem>>)
      %dma_start3A_170 = arith.constant 0 : i32
      %dma_start3A_171 = arith.constant 1 : i32
      %dma_start3A_172 = arith.constant 1 : i32
      %dma_start3A_173 = arith.constant 0 : i32
      %dma_start3A_174 = arith.constant 0 : i32
      %dma_start3A_175 = tpu.memref_slice %arg8[%dma_start3A_172, %dma_start3A_173, %dma_start3A_174] : memref<2x128x128xf32, #tpu.memory_space<vmem>> -> memref<1x128x128xf32, #tpu.memory_space<vmem>>
      %dma_start3A_176 = tpu.memref_squeeze %dma_start3A_175 : memref<1x128x128xf32, #tpu.memory_space<vmem>> -> memref<128x128xf32, #tpu.memory_space<vmem>>
      %dma_start3A_177 = arith.constant 0 : i32
      %dma_start3A_178 = tpu.memref_slice %arg6[%dma_start3A_170, %dma_start3A_171, %dma_start3A_177] : memref<2x8x128xi32, #tpu.memory_space<vmem>> -> memref<1x1x128xi32, #tpu.memory_space<vmem>>
      %dma_start3A_179 = tpu.memref_squeeze %dma_start3A_178 : memref<1x1x128xi32, #tpu.memory_space<vmem>> -> memref<128xi32, #tpu.memory_space<vmem>>
      %dma_start3A_180 = arith.constant 0 : i32
      %dma_start3A_181 = arith.constant 0 : i32
      %dma_start3A_182 = tpu.memref_slice %arg2[%dma_start3A_180, %dma_start3A_181] : memref<10240x128xf32, #tpu.memory_space<hbm>> -> memref<10240x128xf32, #tpu.memory_space<hbm>>
      tpu.enqueue_indirect_dma source(%dma_start3A_182 : memref<10240x128xf32, #tpu.memory_space<hbm>>) target(%dma_start3A_176 : memref<128x128xf32, #tpu.memory_space<vmem>>) offsets(%dma_start3A_179 : memref<128xi32, #tpu.memory_space<vmem>>) semaphore(%arg12 : memref<!tpu.dma_semaphore, #tpu.memory_space<semaphore_mem>>)
      %scan3A_183 = arith.constant 0 : i32
      %scan3A_184 = arith.constant 0 : i32
      %scan3A_185 = arith.constant 3 : i32
      %scan3A_186 = arith.addi %scan3A_184, %scan3A_185 : i32
      %scan3A_187 = arith.constant 1 : i32
      %scan3A_188 = scf.for %scan3A_352 = %scan3A_184 to %scan3A_186 step %scan3A_187 iter_args(%scan3A_353 = %scan3A_183) -> (i32)  : i32 {
        %mul3A_354 = arith.constant 2 : i32
        %mul3A_355 = arith.muli %mul3A_354, %scan3A_352 : i32
        %dma_wait3A_356 = arith.constant 0 : i32
        %dma_wait3A_357 = arith.constant 0 : i32
        %dma_wait3A_358 = arith.constant 0 : i32
        %dma_wait3A_359 = arith.constant 0 : i32
        %dma_wait3A_360 = arith.constant 0 : i32
        %dma_wait3A_361 = tpu.memref_slice %arg8[%dma_wait3A_358, %dma_wait3A_359, %dma_wait3A_360] : memref<2x128x128xf32, #tpu.memory_space<vmem>> -> memref<1x128x128xf32, #tpu.memory_space<vmem>>
        %dma_wait3A_362 = tpu.memref_squeeze %dma_wait3A_361 : memref<1x128x128xf32, #tpu.memory_space<vmem>> -> memref<128x128xf32, #tpu.memory_space<vmem>>
        %dma_wait3A_363 = arith.constant 0 : i32
        %dma_wait3A_364 = tpu.memref_slice %arg6[%dma_wait3A_356, %dma_wait3A_357, %dma_wait3A_363] : memref<2x8x128xi32, #tpu.memory_space<vmem>> -> memref<1x1x128xi32, #tpu.memory_space<vmem>>
        %dma_wait3A_365 = tpu.memref_squeeze %dma_wait3A_364 : memref<1x1x128xi32, #tpu.memory_space<vmem>> -> memref<128xi32, #tpu.memory_space<vmem>>
        %dma_wait3A_366 = arith.constant 0 : i32
        %dma_wait3A_367 = arith.constant 0 : i32
        %dma_wait3A_368 = tpu.memref_slice %arg2[%dma_wait3A_366, %dma_wait3A_367] : memref<10240x128xf32, #tpu.memory_space<hbm>> -> memref<10240x128xf32, #tpu.memory_space<hbm>>
        tpu.wait_indirect_dma semaphore(%arg11 : memref<!tpu.dma_semaphore, #tpu.memory_space<semaphore_mem>>) src(%dma_wait3A_368 : memref<10240x128xf32, #tpu.memory_space<hbm>>) dst(%dma_wait3A_362 : memref<128x128xf32, #tpu.memory_space<vmem>>)
        %run_scoped3A_369 = arith.constant 0 : i32
        %run_scoped3A_370 = arith.constant 0 : i32
        "tpu.region"() ({
          %run_scoped3A_417 = tpu.sem_alloc : memref<!tpu.dma_semaphore, #tpu.memory_space<semaphore_mem>>
          %dma_start3A_418 = arith.constant 0 : i32
          %dma_start3A_419 = arith.constant 0 : i32
          %dma_start3A_420 = tpu.memref_slice %arg8[%run_scoped3A_369, %dma_start3A_418, %dma_start3A_419] : memref<2x128x128xf32, #tpu.memory_space<vmem>> -> memref<1x128x128xf32, #tpu.memory_space<vmem>>
          %dma_start3A_421 = tpu.memref_squeeze %dma_start3A_420 : memref<1x128x128xf32, #tpu.memory_space<vmem>> -> memref<128x128xf32, #tpu.memory_space<vmem>>
          %dma_start3A_422 = arith.constant 0 : i32
          %dma_start3A_423 = tpu.memref_slice %arg7[%run_scoped3A_370, %mul3A_355, %dma_start3A_422] : memref<2x8x128xi32, #tpu.memory_space<vmem>> -> memref<1x1x128xi32, #tpu.memory_space<vmem>>
          %dma_start3A_424 = tpu.memref_squeeze %dma_start3A_423 : memref<1x1x128xi32, #tpu.memory_space<vmem>> -> memref<128xi32, #tpu.memory_space<vmem>>
          %dma_start3A_425 = arith.constant 0 : i32
          %dma_start3A_426 = arith.constant 0 : i32
          %dma_start3A_427 = tpu.memref_slice %arg10[%dma_start3A_425, %dma_start3A_426] : memref<10240x128xf32, #tpu.memory_space<vmem_shared>> -> memref<10240x128xf32, #tpu.memory_space<vmem_shared>>
          tpu.enqueue_indirect_dma source(%dma_start3A_421 : memref<128x128xf32, #tpu.memory_space<vmem>>) target(%dma_start3A_427 : memref<10240x128xf32, #tpu.memory_space<vmem_shared>>) offsets(%dma_start3A_424 : memref<128xi32, #tpu.memory_space<vmem>>) semaphore(%run_scoped3A_417 : memref<!tpu.dma_semaphore, #tpu.memory_space<semaphore_mem>>) {add = true}
          %dma_wait3A_428 = arith.constant 0 : i32
          %dma_wait3A_429 = arith.constant 0 : i32
          %dma_wait3A_430 = tpu.memref_slice %arg8[%run_scoped3A_369, %dma_wait3A_428, %dma_wait3A_429] : memref<2x128x128xf32, #tpu.memory_space<vmem>> -> memref<1x128x128xf32, #tpu.memory_space<vmem>>
          %dma_wait3A_431 = tpu.memref_squeeze %dma_wait3A_430 : memref<1x128x128xf32, #tpu.memory_space<vmem>> -> memref<128x128xf32, #tpu.memory_space<vmem>>
          %dma_wait3A_432 = arith.constant 0 : i32
          %dma_wait3A_433 = tpu.memref_slice %arg7[%run_scoped3A_370, %mul3A_355, %dma_wait3A_432] : memref<2x8x128xi32, #tpu.memory_space<vmem>> -> memref<1x1x128xi32, #tpu.memory_space<vmem>>
          %dma_wait3A_434 = tpu.memref_squeeze %dma_wait3A_433 : memref<1x1x128xi32, #tpu.memory_space<vmem>> -> memref<128xi32, #tpu.memory_space<vmem>>
          %dma_wait3A_435 = arith.constant 0 : i32
          %dma_wait3A_436 = arith.constant 0 : i32
          %dma_wait3A_437 = tpu.memref_slice %arg10[%dma_wait3A_435, %dma_wait3A_436] : memref<10240x128xf32, #tpu.memory_space<vmem_shared>> -> memref<10240x128xf32, #tpu.memory_space<vmem_shared>>
          tpu.wait_indirect_dma semaphore(%run_scoped3A_417 : memref<!tpu.dma_semaphore, #tpu.memory_space<semaphore_mem>>) src(%dma_wait3A_431 : memref<128x128xf32, #tpu.memory_space<vmem>>) dst(%dma_wait3A_437 : memref<10240x128xf32, #tpu.memory_space<vmem_shared>>)
          tpu.yield
        }) : () -> ()
        %add3A_371 = arith.constant 2 : i32
        %add3A_372 = arith.addi %mul3A_355, %add3A_371 : i32
        %dma_start3A_373 = arith.constant 0 : i32
        %dma_start3A_374 = arith.constant 0 : i32
        %dma_start3A_375 = arith.constant 0 : i32
        %dma_start3A_376 = arith.constant 0 : i32
        %dma_start3A_377 = tpu.memref_slice %arg8[%dma_start3A_374, %dma_start3A_375, %dma_start3A_376] : memref<2x128x128xf32, #tpu.memory_space<vmem>> -> memref<1x128x128xf32, #tpu.memory_space<vmem>>
        %dma_start3A_378 = tpu.memref_squeeze %dma_start3A_377 : memref<1x128x128xf32, #tpu.memory_space<vmem>> -> memref<128x128xf32, #tpu.memory_space<vmem>>
        %dma_start3A_379 = arith.constant 0 : i32
        %dma_start3A_380 = tpu.memref_slice %arg6[%dma_start3A_373, %add3A_372, %dma_start3A_379] : memref<2x8x128xi32, #tpu.memory_space<vmem>> -> memref<1x1x128xi32, #tpu.memory_space<vmem>>
        %dma_start3A_381 = tpu.memref_squeeze %dma_start3A_380 : memref<1x1x128xi32, #tpu.memory_space<vmem>> -> memref<128xi32, #tpu.memory_space<vmem>>
        %dma_start3A_382 = arith.constant 0 : i32
        %dma_start3A_383 = arith.constant 0 : i32
        %dma_start3A_384 = tpu.memref_slice %arg2[%dma_start3A_382, %dma_start3A_383] : memref<10240x128xf32, #tpu.memory_space<hbm>> -> memref<10240x128xf32, #tpu.memory_space<hbm>>
        tpu.enqueue_indirect_dma source(%dma_start3A_384 : memref<10240x128xf32, #tpu.memory_space<hbm>>) target(%dma_start3A_378 : memref<128x128xf32, #tpu.memory_space<vmem>>) offsets(%dma_start3A_381 : memref<128xi32, #tpu.memory_space<vmem>>) semaphore(%arg11 : memref<!tpu.dma_semaphore, #tpu.memory_space<semaphore_mem>>)
        %dma_wait3A_385 = arith.constant 0 : i32
        %dma_wait3A_386 = arith.constant 0 : i32
        %dma_wait3A_387 = arith.constant 1 : i32
        %dma_wait3A_388 = arith.constant 0 : i32
        %dma_wait3A_389 = arith.constant 0 : i32
        %dma_wait3A_390 = tpu.memref_slice %arg8[%dma_wait3A_387, %dma_wait3A_388, %dma_wait3A_389] : memref<2x128x128xf32, #tpu.memory_space<vmem>> -> memref<1x128x128xf32, #tpu.memory_space<vmem>>
        %dma_wait3A_391 = tpu.memref_squeeze %dma_wait3A_390 : memref<1x128x128xf32, #tpu.memory_space<vmem>> -> memref<128x128xf32, #tpu.memory_space<vmem>>
        %dma_wait3A_392 = arith.constant 0 : i32
        %dma_wait3A_393 = tpu.memref_slice %arg6[%dma_wait3A_385, %dma_wait3A_386, %dma_wait3A_392] : memref<2x8x128xi32, #tpu.memory_space<vmem>> -> memref<1x1x128xi32, #tpu.memory_space<vmem>>
        %dma_wait3A_394 = tpu.memref_squeeze %dma_wait3A_393 : memref<1x1x128xi32, #tpu.memory_space<vmem>> -> memref<128xi32, #tpu.memory_space<vmem>>
        %dma_wait3A_395 = arith.constant 0 : i32
        %dma_wait3A_396 = arith.constant 0 : i32
        %dma_wait3A_397 = tpu.memref_slice %arg2[%dma_wait3A_395, %dma_wait3A_396] : memref<10240x128xf32, #tpu.memory_space<hbm>> -> memref<10240x128xf32, #tpu.memory_space<hbm>>
        tpu.wait_indirect_dma semaphore(%arg12 : memref<!tpu.dma_semaphore, #tpu.memory_space<semaphore_mem>>) src(%dma_wait3A_397 : memref<10240x128xf32, #tpu.memory_space<hbm>>) dst(%dma_wait3A_391 : memref<128x128xf32, #tpu.memory_space<vmem>>)
        %add3A_398 = arith.constant 1 : i32
        %add3A_399 = arith.addi %mul3A_355, %add3A_398 : i32
        %run_scoped3A_400 = arith.constant 1 : i32
        %run_scoped3A_401 = arith.constant 0 : i32
        "tpu.region"() ({
          %run_scoped3A_417 = tpu.sem_alloc : memref<!tpu.dma_semaphore, #tpu.memory_space<semaphore_mem>>
          %dma_start3A_418 = arith.constant 0 : i32
          %dma_start3A_419 = arith.constant 0 : i32
          %dma_start3A_420 = tpu.memref_slice %arg8[%run_scoped3A_400, %dma_start3A_418, %dma_start3A_419] : memref<2x128x128xf32, #tpu.memory_space<vmem>> -> memref<1x128x128xf32, #tpu.memory_space<vmem>>
          %dma_start3A_421 = tpu.memref_squeeze %dma_start3A_420 : memref<1x128x128xf32, #tpu.memory_space<vmem>> -> memref<128x128xf32, #tpu.memory_space<vmem>>
          %dma_start3A_422 = arith.constant 0 : i32
          %dma_start3A_423 = tpu.memref_slice %arg7[%run_scoped3A_401, %add3A_399, %dma_start3A_422] : memref<2x8x128xi32, #tpu.memory_space<vmem>> -> memref<1x1x128xi32, #tpu.memory_space<vmem>>
          %dma_start3A_424 = tpu.memref_squeeze %dma_start3A_423 : memref<1x1x128xi32, #tpu.memory_space<vmem>> -> memref<128xi32, #tpu.memory_space<vmem>>
          %dma_start3A_425 = arith.constant 0 : i32
          %dma_start3A_426 = arith.constant 0 : i32
          %dma_start3A_427 = tpu.memref_slice %arg10[%dma_start3A_425, %dma_start3A_426] : memref<10240x128xf32, #tpu.memory_space<vmem_shared>> -> memref<10240x128xf32, #tpu.memory_space<vmem_shared>>
          tpu.enqueue_indirect_dma source(%dma_start3A_421 : memref<128x128xf32, #tpu.memory_space<vmem>>) target(%dma_start3A_427 : memref<10240x128xf32, #tpu.memory_space<vmem_shared>>) offsets(%dma_start3A_424 : memref<128xi32, #tpu.memory_space<vmem>>) semaphore(%run_scoped3A_417 : memref<!tpu.dma_semaphore, #tpu.memory_space<semaphore_mem>>) {add = true}
          %dma_wait3A_428 = arith.constant 0 : i32
          %dma_wait3A_429 = arith.constant 0 : i32
          %dma_wait3A_430 = tpu.memref_slice %arg8[%run_scoped3A_400, %dma_wait3A_428, %dma_wait3A_429] : memref<2x128x128xf32, #tpu.memory_space<vmem>> -> memref<1x128x128xf32, #tpu.memory_space<vmem>>
          %dma_wait3A_431 = tpu.memref_squeeze %dma_wait3A_430 : memref<1x128x128xf32, #tpu.memory_space<vmem>> -> memref<128x128xf32, #tpu.memory_space<vmem>>
          %dma_wait3A_432 = arith.constant 0 : i32
          %dma_wait3A_433 = tpu.memref_slice %arg7[%run_scoped3A_401, %add3A_399, %dma_wait3A_432] : memref<2x8x128xi32, #tpu.memory_space<vmem>> -> memref<1x1x128xi32, #tpu.memory_space<vmem>>
          %dma_wait3A_434 = tpu.memref_squeeze %dma_wait3A_433 : memref<1x1x128xi32, #tpu.memory_space<vmem>> -> memref<128xi32, #tpu.memory_space<vmem>>
          %dma_wait3A_435 = arith.constant 0 : i32
          %dma_wait3A_436 = arith.constant 0 : i32
          %dma_wait3A_437 = tpu.memref_slice %arg10[%dma_wait3A_435, %dma_wait3A_436] : memref<10240x128xf32, #tpu.memory_space<vmem_shared>> -> memref<10240x128xf32, #tpu.memory_space<vmem_shared>>
          tpu.wait_indirect_dma semaphore(%run_scoped3A_417 : memref<!tpu.dma_semaphore, #tpu.memory_space<semaphore_mem>>) src(%dma_wait3A_431 : memref<128x128xf32, #tpu.memory_space<vmem>>) dst(%dma_wait3A_437 : memref<10240x128xf32, #tpu.memory_space<vmem_shared>>)
          tpu.yield
        }) : () -> ()
        %add3A_402 = arith.constant 3 : i32
        %add3A_403 = arith.addi %mul3A_355, %add3A_402 : i32
        %dma_start3A_404 = arith.constant 0 : i32
        %dma_start3A_405 = arith.constant 1 : i32
        %dma_start3A_406 = arith.constant 0 : i32
        %dma_start3A_407 = arith.constant 0 : i32
        %dma_start3A_408 = tpu.memref_slice %arg8[%dma_start3A_405, %dma_start3A_406, %dma_start3A_407] : memref<2x128x128xf32, #tpu.memory_space<vmem>> -> memref<1x128x128xf32, #tpu.memory_space<vmem>>
        %dma_start3A_409 = tpu.memref_squeeze %dma_start3A_408 : memref<1x128x128xf32, #tpu.memory_space<vmem>> -> memref<128x128xf32, #tpu.memory_space<vmem>>
        %dma_start3A_410 = arith.constant 0 : i32
        %dma_start3A_411 = tpu.memref_slice %arg6[%dma_start3A_404, %add3A_403, %dma_start3A_410] : memref<2x8x128xi32, #tpu.memory_space<vmem>> -> memref<1x1x128xi32, #tpu.memory_space<vmem>>
        %dma_start3A_412 = tpu.memref_squeeze %dma_start3A_411 : memref<1x1x128xi32, #tpu.memory_space<vmem>> -> memref<128xi32, #tpu.memory_space<vmem>>
        %dma_start3A_413 = arith.constant 0 : i32
        %dma_start3A_414 = arith.constant 0 : i32
        %dma_start3A_415 = tpu.memref_slice %arg2[%dma_start3A_413, %dma_start3A_414] : memref<10240x128xf32, #tpu.memory_space<hbm>> -> memref<10240x128xf32, #tpu.memory_space<hbm>>
        tpu.enqueue_indirect_dma source(%dma_start3A_415 : memref<10240x128xf32, #tpu.memory_space<hbm>>) target(%dma_start3A_409 : memref<128x128xf32, #tpu.memory_space<vmem>>) offsets(%dma_start3A_412 : memref<128xi32, #tpu.memory_space<vmem>>) semaphore(%arg12 : memref<!tpu.dma_semaphore, #tpu.memory_space<semaphore_mem>>)
        %scan3A_416 = arith.constant 0 : i32
        scf.yield %scan3A_416 : i32
      }
      %scan3A_189 = arith.constant 3 : i32
      %dma_wait3A_190 = arith.constant 0 : i32
      %dma_wait3A_191 = arith.constant 0 : i32
      %dma_wait3A_192 = arith.constant 0 : i32
      %dma_wait3A_193 = arith.constant 0 : i32
      %dma_wait3A_194 = arith.constant 0 : i32
      %dma_wait3A_195 = tpu.memref_slice %arg8[%dma_wait3A_192, %dma_wait3A_193, %dma_wait3A_194] : memref<2x128x128xf32, #tpu.memory_space<vmem>> -> memref<1x128x128xf32, #tpu.memory_space<vmem>>
      %dma_wait3A_196 = tpu.memref_squeeze %dma_wait3A_195 : memref<1x128x128xf32, #tpu.memory_space<vmem>> -> memref<128x128xf32, #tpu.memory_space<vmem>>
      %dma_wait3A_197 = arith.constant 0 : i32
      %dma_wait3A_198 = tpu.memref_slice %arg6[%dma_wait3A_190, %dma_wait3A_191, %dma_wait3A_197] : memref<2x8x128xi32, #tpu.memory_space<vmem>> -> memref<1x1x128xi32, #tpu.memory_space<vmem>>
      %dma_wait3A_199 = tpu.memref_squeeze %dma_wait3A_198 : memref<1x1x128xi32, #tpu.memory_space<vmem>> -> memref<128xi32, #tpu.memory_space<vmem>>
      %dma_wait3A_200 = arith.constant 0 : i32
      %dma_wait3A_201 = arith.constant 0 : i32
      %dma_wait3A_202 = tpu.memref_slice %arg2[%dma_wait3A_200, %dma_wait3A_201] : memref<10240x128xf32, #tpu.memory_space<hbm>> -> memref<10240x128xf32, #tpu.memory_space<hbm>>
      tpu.wait_indirect_dma semaphore(%arg11 : memref<!tpu.dma_semaphore, #tpu.memory_space<semaphore_mem>>) src(%dma_wait3A_202 : memref<10240x128xf32, #tpu.memory_space<hbm>>) dst(%dma_wait3A_196 : memref<128x128xf32, #tpu.memory_space<vmem>>)
      %run_scoped3A = arith.constant 0 : i32
      %run_scoped3A_203 = arith.constant 0 : i32
      %run_scoped3A_204 = arith.constant 6 : i32
      "tpu.region"() ({
        %run_scoped3A_352 = tpu.sem_alloc : memref<!tpu.dma_semaphore, #tpu.memory_space<semaphore_mem>>
        %dma_start3A_353 = arith.constant 0 : i32
        %dma_start3A_354 = arith.constant 0 : i32
        %dma_start3A_355 = tpu.memref_slice %arg8[%run_scoped3A, %dma_start3A_353, %dma_start3A_354] : memref<2x128x128xf32, #tpu.memory_space<vmem>> -> memref<1x128x128xf32, #tpu.memory_space<vmem>>
        %dma_start3A_356 = tpu.memref_squeeze %dma_start3A_355 : memref<1x128x128xf32, #tpu.memory_space<vmem>> -> memref<128x128xf32, #tpu.memory_space<vmem>>
        %dma_start3A_357 = arith.constant 0 : i32
        %dma_start3A_358 = tpu.memref_slice %arg7[%run_scoped3A_203, %run_scoped3A_204, %dma_start3A_357] : memref<2x8x128xi32, #tpu.memory_space<vmem>> -> memref<1x1x128xi32, #tpu.memory_space<vmem>>
        %dma_start3A_359 = tpu.memref_squeeze %dma_start3A_358 : memref<1x1x128xi32, #tpu.memory_space<vmem>> -> memref<128xi32, #tpu.memory_space<vmem>>
        %dma_start3A_360 = arith.constant 0 : i32
        %dma_start3A_361 = arith.constant 0 : i32
        %dma_start3A_362 = tpu.memref_slice %arg10[%dma_start3A_360, %dma_start3A_361] : memref<10240x128xf32, #tpu.memory_space<vmem_shared>> -> memref<10240x128xf32, #tpu.memory_space<vmem_shared>>
        tpu.enqueue_indirect_dma source(%dma_start3A_356 : memref<128x128xf32, #tpu.memory_space<vmem>>) target(%dma_start3A_362 : memref<10240x128xf32, #tpu.memory_space<vmem_shared>>) offsets(%dma_start3A_359 : memref<128xi32, #tpu.memory_space<vmem>>) semaphore(%run_scoped3A_352 : memref<!tpu.dma_semaphore, #tpu.memory_space<semaphore_mem>>) {add = true}
        %dma_wait3A_363 = arith.constant 0 : i32
        %dma_wait3A_364 = arith.constant 0 : i32
        %dma_wait3A_365 = tpu.memref_slice %arg8[%run_scoped3A, %dma_wait3A_363, %dma_wait3A_364] : memref<2x128x128xf32, #tpu.memory_space<vmem>> -> memref<1x128x128xf32, #tpu.memory_space<vmem>>
        %dma_wait3A_366 = tpu.memref_squeeze %dma_wait3A_365 : memref<1x128x128xf32, #tpu.memory_space<vmem>> -> memref<128x128xf32, #tpu.memory_space<vmem>>
        %dma_wait3A_367 = arith.constant 0 : i32
        %dma_wait3A_368 = tpu.memref_slice %arg7[%run_scoped3A_203, %run_scoped3A_204, %dma_wait3A_367] : memref<2x8x128xi32, #tpu.memory_space<vmem>> -> memref<1x1x128xi32, #tpu.memory_space<vmem>>
        %dma_wait3A_369 = tpu.memref_squeeze %dma_wait3A_368 : memref<1x1x128xi32, #tpu.memory_space<vmem>> -> memref<128xi32, #tpu.memory_space<vmem>>
        %dma_wait3A_370 = arith.constant 0 : i32
        %dma_wait3A_371 = arith.constant 0 : i32
        %dma_wait3A_372 = tpu.memref_slice %arg10[%dma_wait3A_370, %dma_wait3A_371] : memref<10240x128xf32, #tpu.memory_space<vmem_shared>> -> memref<10240x128xf32, #tpu.memory_space<vmem_shared>>
        tpu.wait_indirect_dma semaphore(%run_scoped3A_352 : memref<!tpu.dma_semaphore, #tpu.memory_space<semaphore_mem>>) src(%dma_wait3A_366 : memref<128x128xf32, #tpu.memory_space<vmem>>) dst(%dma_wait3A_372 : memref<10240x128xf32, #tpu.memory_space<vmem_shared>>)
        tpu.yield
      }) : () -> ()
      %dma_wait3A_205 = arith.constant 0 : i32
      %dma_wait3A_206 = arith.constant 0 : i32
      %dma_wait3A_207 = arith.constant 1 : i32
      %dma_wait3A_208 = arith.constant 0 : i32
      %dma_wait3A_209 = arith.constant 0 : i32
      %dma_wait3A_210 = tpu.memref_slice %arg8[%dma_wait3A_207, %dma_wait3A_208, %dma_wait3A_209] : memref<2x128x128xf32, #tpu.memory_space<vmem>> -> memref<1x128x128xf32, #tpu.memory_space<vmem>>
      %dma_wait3A_211 = tpu.memref_squeeze %dma_wait3A_210 : memref<1x128x128xf32, #tpu.memory_space<vmem>> -> memref<128x128xf32, #tpu.memory_space<vmem>>
      %dma_wait3A_212 = arith.constant 0 : i32
      %dma_wait3A_213 = tpu.memref_slice %arg6[%dma_wait3A_205, %dma_wait3A_206, %dma_wait3A_212] : memref<2x8x128xi32, #tpu.memory_space<vmem>> -> memref<1x1x128xi32, #tpu.memory_space<vmem>>
      %dma_wait3A_214 = tpu.memref_squeeze %dma_wait3A_213 : memref<1x1x128xi32, #tpu.memory_space<vmem>> -> memref<128xi32, #tpu.memory_space<vmem>>
      %dma_wait3A_215 = arith.constant 0 : i32
      %dma_wait3A_216 = arith.constant 0 : i32
      %dma_wait3A_217 = tpu.memref_slice %arg2[%dma_wait3A_215, %dma_wait3A_216] : memref<10240x128xf32, #tpu.memory_space<hbm>> -> memref<10240x128xf32, #tpu.memory_space<hbm>>
      tpu.wait_indirect_dma semaphore(%arg12 : memref<!tpu.dma_semaphore, #tpu.memory_space<semaphore_mem>>) src(%dma_wait3A_217 : memref<10240x128xf32, #tpu.memory_space<hbm>>) dst(%dma_wait3A_211 : memref<128x128xf32, #tpu.memory_space<vmem>>)
      %run_scoped3A_218 = arith.constant 1 : i32
      %run_scoped3A_219 = arith.constant 0 : i32
      %run_scoped3A_220 = arith.constant 7 : i32
      "tpu.region"() ({
        %run_scoped3A_352 = tpu.sem_alloc : memref<!tpu.dma_semaphore, #tpu.memory_space<semaphore_mem>>
        %dma_start3A_353 = arith.constant 0 : i32
        %dma_start3A_354 = arith.constant 0 : i32
        %dma_start3A_355 = tpu.memref_slice %arg8[%run_scoped3A_218, %dma_start3A_353, %dma_start3A_354] : memref<2x128x128xf32, #tpu.memory_space<vmem>> -> memref<1x128x128xf32, #tpu.memory_space<vmem>>
        %dma_start3A_356 = tpu.memref_squeeze %dma_start3A_355 : memref<1x128x128xf32, #tpu.memory_space<vmem>> -> memref<128x128xf32, #tpu.memory_space<vmem>>
        %dma_start3A_357 = arith.constant 0 : i32
        %dma_start3A_358 = tpu.memref_slice %arg7[%run_scoped3A_219, %run_scoped3A_220, %dma_start3A_357] : memref<2x8x128xi32, #tpu.memory_space<vmem>> -> memref<1x1x128xi32, #tpu.memory_space<vmem>>
        %dma_start3A_359 = tpu.memref_squeeze %dma_start3A_358 : memref<1x1x128xi32, #tpu.memory_space<vmem>> -> memref<128xi32, #tpu.memory_space<vmem>>
        %dma_start3A_360 = arith.constant 0 : i32
        %dma_start3A_361 = arith.constant 0 : i32
        %dma_start3A_362 = tpu.memref_slice %arg10[%dma_start3A_360, %dma_start3A_361] : memref<10240x128xf32, #tpu.memory_space<vmem_shared>> -> memref<10240x128xf32, #tpu.memory_space<vmem_shared>>
        tpu.enqueue_indirect_dma source(%dma_start3A_356 : memref<128x128xf32, #tpu.memory_space<vmem>>) target(%dma_start3A_362 : memref<10240x128xf32, #tpu.memory_space<vmem_shared>>) offsets(%dma_start3A_359 : memref<128xi32, #tpu.memory_space<vmem>>) semaphore(%run_scoped3A_352 : memref<!tpu.dma_semaphore, #tpu.memory_space<semaphore_mem>>) {add = true}
        %dma_wait3A_363 = arith.constant 0 : i32
        %dma_wait3A_364 = arith.constant 0 : i32
        %dma_wait3A_365 = tpu.memref_slice %arg8[%run_scoped3A_218, %dma_wait3A_363, %dma_wait3A_364] : memref<2x128x128xf32, #tpu.memory_space<vmem>> -> memref<1x128x128xf32, #tpu.memory_space<vmem>>
        %dma_wait3A_366 = tpu.memref_squeeze %dma_wait3A_365 : memref<1x128x128xf32, #tpu.memory_space<vmem>> -> memref<128x128xf32, #tpu.memory_space<vmem>>
        %dma_wait3A_367 = arith.constant 0 : i32
        %dma_wait3A_368 = tpu.memref_slice %arg7[%run_scoped3A_219, %run_scoped3A_220, %dma_wait3A_367] : memref<2x8x128xi32, #tpu.memory_space<vmem>> -> memref<1x1x128xi32, #tpu.memory_space<vmem>>
        %dma_wait3A_369 = tpu.memref_squeeze %dma_wait3A_368 : memref<1x1x128xi32, #tpu.memory_space<vmem>> -> memref<128xi32, #tpu.memory_space<vmem>>
        %dma_wait3A_370 = arith.constant 0 : i32
        %dma_wait3A_371 = arith.constant 0 : i32
        %dma_wait3A_372 = tpu.memref_slice %arg10[%dma_wait3A_370, %dma_wait3A_371] : memref<10240x128xf32, #tpu.memory_space<vmem_shared>> -> memref<10240x128xf32, #tpu.memory_space<vmem_shared>>
        tpu.wait_indirect_dma semaphore(%run_scoped3A_352 : memref<!tpu.dma_semaphore, #tpu.memory_space<semaphore_mem>>) src(%dma_wait3A_366 : memref<128x128xf32, #tpu.memory_space<vmem>>) dst(%dma_wait3A_372 : memref<10240x128xf32, #tpu.memory_space<vmem_shared>>)
        tpu.yield
      }) : () -> ()
      %mul3A_221 = arith.constant 2 : i32
      %mul3A_222 = arith.muli %mul3A_221, %scan3A_92 : i32
      %add3A_223 = arith.constant 1 : i32
      %add3A_224 = arith.addi %mul3A_222, %add3A_223 : i32
      %dma_wait3A_225 = arith.constant 1 : i32
      %dma_wait3A_226 = arith.constant 0 : i32
      %dma_wait3A_227 = arith.constant 0 : i32
      %dma_wait3A_228 = tpu.memref_slice %arg6[%dma_wait3A_225, %dma_wait3A_226, %dma_wait3A_227] : memref<2x8x128xi32, #tpu.memory_space<vmem>> -> memref<1x8x128xi32, #tpu.memory_space<vmem>>
      %dma_wait3A_229 = tpu.memref_squeeze %dma_wait3A_228 : memref<1x8x128xi32, #tpu.memory_space<vmem>> -> memref<8x128xi32, #tpu.memory_space<vmem>>
      %dma_wait3A_230 = arith.constant 0 : i32
      %dma_wait3A_231 = arith.constant 0 : i32
      %dma_wait3A_232 = tpu.memref_slice %arg3[%dma_wait3A_230, %dma_wait3A_231] : memref<2568x128xi32, #tpu.memory_space<hbm>> -> memref<8x128xi32, #tpu.memory_space<hbm>>
      %dma_wait3A_233 = arith.constant 0 : i32
      %dma_wait3A_234 = arith.constant 0 : i32
      %dma_wait3A_235 = tpu.memref_slice %arg6[%dma_wait3A_225, %dma_wait3A_233, %dma_wait3A_234] : memref<2x8x128xi32, #tpu.memory_space<vmem>> -> memref<1x8x128xi32, #tpu.memory_space<vmem>>
      %dma_wait3A_236 = tpu.memref_squeeze %dma_wait3A_235 : memref<1x8x128xi32, #tpu.memory_space<vmem>> -> memref<8x128xi32, #tpu.memory_space<vmem>>
      %dma_wait3A_237 = arith.constant 0 : i32
      %dma_wait3A_238 = arith.constant 0 : i32
      %dma_wait3A_239 = tpu.memref_slice %arg3[%dma_wait3A_237, %dma_wait3A_238] : memref<2568x128xi32, #tpu.memory_space<hbm>> -> memref<8x128xi32, #tpu.memory_space<hbm>>
      tpu.wait_dma2 semaphore(%arg13 : memref<!tpu.dma_semaphore, #tpu.memory_space<semaphore_mem>>) src(%dma_wait3A_239 : memref<8x128xi32, #tpu.memory_space<hbm>>) dst(%dma_wait3A_236 : memref<8x128xi32, #tpu.memory_space<vmem>>)
      %dma_wait3A_240 = arith.constant 1 : i32
      %dma_wait3A_241 = arith.constant 0 : i32
      %dma_wait3A_242 = arith.constant 0 : i32
      %dma_wait3A_243 = tpu.memref_slice %arg7[%dma_wait3A_240, %dma_wait3A_241, %dma_wait3A_242] : memref<2x8x128xi32, #tpu.memory_space<vmem>> -> memref<1x8x128xi32, #tpu.memory_space<vmem>>
      %dma_wait3A_244 = tpu.memref_squeeze %dma_wait3A_243 : memref<1x8x128xi32, #tpu.memory_space<vmem>> -> memref<8x128xi32, #tpu.memory_space<vmem>>
      %dma_wait3A_245 = arith.constant 0 : i32
      %dma_wait3A_246 = arith.constant 0 : i32
      %dma_wait3A_247 = tpu.memref_slice %arg4[%dma_wait3A_245, %dma_wait3A_246] : memref<2568x128xi32, #tpu.memory_space<hbm>> -> memref<8x128xi32, #tpu.memory_space<hbm>>
      %dma_wait3A_248 = arith.constant 0 : i32
      %dma_wait3A_249 = arith.constant 0 : i32
      %dma_wait3A_250 = tpu.memref_slice %arg7[%dma_wait3A_240, %dma_wait3A_248, %dma_wait3A_249] : memref<2x8x128xi32, #tpu.memory_space<vmem>> -> memref<1x8x128xi32, #tpu.memory_space<vmem>>
      %dma_wait3A_251 = tpu.memref_squeeze %dma_wait3A_250 : memref<1x8x128xi32, #tpu.memory_space<vmem>> -> memref<8x128xi32, #tpu.memory_space<vmem>>
      %dma_wait3A_252 = arith.constant 0 : i32
      %dma_wait3A_253 = arith.constant 0 : i32
      %dma_wait3A_254 = tpu.memref_slice %arg4[%dma_wait3A_252, %dma_wait3A_253] : memref<2568x128xi32, #tpu.memory_space<hbm>> -> memref<8x128xi32, #tpu.memory_space<hbm>>
      tpu.wait_dma2 semaphore(%arg13 : memref<!tpu.dma_semaphore, #tpu.memory_space<semaphore_mem>>) src(%dma_wait3A_254 : memref<8x128xi32, #tpu.memory_space<hbm>>) dst(%dma_wait3A_251 : memref<8x128xi32, #tpu.memory_space<vmem>>)
      %add3A_255 = arith.constant 1 : i32
      %add3A_256 = arith.addi %add3A_224, %add3A_255 : i32
      %mul3A_257 = arith.constant 8 : i32
      %mul3A_258 = arith.muli %add3A_256, %mul3A_257 : i32
      %add3A_259 = arith.addi %mul3A_23, %mul3A_258 : i32
      %dma_start3A_260 = arith.constant 0 : i32
      %dma_start3A_261 = arith.constant 0 : i32
      %dma_start3A_262 = arith.constant 0 : i32
      %dma_start3A_263 = tpu.memref_slice %arg6[%dma_start3A_260, %dma_start3A_261, %dma_start3A_262] : memref<2x8x128xi32, #tpu.memory_space<vmem>> -> memref<1x8x128xi32, #tpu.memory_space<vmem>>
      %dma_start3A_264 = tpu.memref_squeeze %dma_start3A_263 : memref<1x8x128xi32, #tpu.memory_space<vmem>> -> memref<8x128xi32, #tpu.memory_space<vmem>>
      %dma_start3A_265 = arith.constant 0 : i32
      %dma_start3A_266 = tpu.memref_slice %arg3[%add3A_259, %dma_start3A_265] : memref<2568x128xi32, #tpu.memory_space<hbm>> -> memref<8x128xi32, #tpu.memory_space<hbm>>
      %dma_start3A_267 = arith.constant 0 : i32
      %dma_start3A_268 = arith.constant 0 : i32
      %dma_start3A_269 = tpu.memref_slice %arg6[%dma_start3A_260, %dma_start3A_267, %dma_start3A_268] : memref<2x8x128xi32, #tpu.memory_space<vmem>> -> memref<1x8x128xi32, #tpu.memory_space<vmem>>
      %dma_start3A_270 = tpu.memref_squeeze %dma_start3A_269 : memref<1x8x128xi32, #tpu.memory_space<vmem>> -> memref<8x128xi32, #tpu.memory_space<vmem>>
      %dma_start3A_271 = arith.constant 0 : i32
      %dma_start3A_272 = tpu.memref_slice %arg3[%add3A_259, %dma_start3A_271] : memref<2568x128xi32, #tpu.memory_space<hbm>> -> memref<8x128xi32, #tpu.memory_space<hbm>>
      tpu.enqueue_dma source(%dma_start3A_272 : memref<8x128xi32, #tpu.memory_space<hbm>>) target(%dma_start3A_270 : memref<8x128xi32, #tpu.memory_space<vmem>>) target_semaphore(%arg13 : memref<!tpu.dma_semaphore, #tpu.memory_space<semaphore_mem>>)
      %dma_start3A_273 = arith.constant 0 : i32
      %dma_start3A_274 = arith.constant 0 : i32
      %dma_start3A_275 = arith.constant 0 : i32
      %dma_start3A_276 = tpu.memref_slice %arg7[%dma_start3A_273, %dma_start3A_274, %dma_start3A_275] : memref<2x8x128xi32, #tpu.memory_space<vmem>> -> memref<1x8x128xi32, #tpu.memory_space<vmem>>
      %dma_start3A_277 = tpu.memref_squeeze %dma_start3A_276 : memref<1x8x128xi32, #tpu.memory_space<vmem>> -> memref<8x128xi32, #tpu.memory_space<vmem>>
      %dma_start3A_278 = arith.constant 0 : i32
      %dma_start3A_279 = tpu.memref_slice %arg4[%add3A_259, %dma_start3A_278] : memref<2568x128xi32, #tpu.memory_space<hbm>> -> memref<8x128xi32, #tpu.memory_space<hbm>>
      %dma_start3A_280 = arith.constant 0 : i32
      %dma_start3A_281 = arith.constant 0 : i32
      %dma_start3A_282 = tpu.memref_slice %arg7[%dma_start3A_273, %dma_start3A_280, %dma_start3A_281] : memref<2x8x128xi32, #tpu.memory_space<vmem>> -> memref<1x8x128xi32, #tpu.memory_space<vmem>>
      %dma_start3A_283 = tpu.memref_squeeze %dma_start3A_282 : memref<1x8x128xi32, #tpu.memory_space<vmem>> -> memref<8x128xi32, #tpu.memory_space<vmem>>
      %dma_start3A_284 = arith.constant 0 : i32
      %dma_start3A_285 = tpu.memref_slice %arg4[%add3A_259, %dma_start3A_284] : memref<2568x128xi32, #tpu.memory_space<hbm>> -> memref<8x128xi32, #tpu.memory_space<hbm>>
      tpu.enqueue_dma source(%dma_start3A_285 : memref<8x128xi32, #tpu.memory_space<hbm>>) target(%dma_start3A_283 : memref<8x128xi32, #tpu.memory_space<vmem>>) target_semaphore(%arg13 : memref<!tpu.dma_semaphore, #tpu.memory_space<semaphore_mem>>)
      %dma_start3A_286 = arith.constant 1 : i32
      %dma_start3A_287 = arith.constant 0 : i32
      %dma_start3A_288 = arith.constant 0 : i32
      %dma_start3A_289 = arith.constant 0 : i32
      %dma_start3A_290 = arith.constant 0 : i32
      %dma_start3A_291 = tpu.memref_slice %arg8[%dma_start3A_288, %dma_start3A_289, %dma_start3A_290] : memref<2x128x128xf32, #tpu.memory_space<vmem>> -> memref<1x128x128xf32, #tpu.memory_space<vmem>>
      %dma_start3A_292 = tpu.memref_squeeze %dma_start3A_291 : memref<1x128x128xf32, #tpu.memory_space<vmem>> -> memref<128x128xf32, #tpu.memory_space<vmem>>
      %dma_start3A_293 = arith.constant 0 : i32
      %dma_start3A_294 = tpu.memref_slice %arg6[%dma_start3A_286, %dma_start3A_287, %dma_start3A_293] : memref<2x8x128xi32, #tpu.memory_space<vmem>> -> memref<1x1x128xi32, #tpu.memory_space<vmem>>
      %dma_start3A_295 = tpu.memref_squeeze %dma_start3A_294 : memref<1x1x128xi32, #tpu.memory_space<vmem>> -> memref<128xi32, #tpu.memory_space<vmem>>
      %dma_start3A_296 = arith.constant 0 : i32
      %dma_start3A_297 = arith.constant 0 : i32
      %dma_start3A_298 = tpu.memref_slice %arg2[%dma_start3A_296, %dma_start3A_297] : memref<10240x128xf32, #tpu.memory_space<hbm>> -> memref<10240x128xf32, #tpu.memory_space<hbm>>
      tpu.enqueue_indirect_dma source(%dma_start3A_298 : memref<10240x128xf32, #tpu.memory_space<hbm>>) target(%dma_start3A_292 : memref<128x128xf32, #tpu.memory_space<vmem>>) offsets(%dma_start3A_295 : memref<128xi32, #tpu.memory_space<vmem>>) semaphore(%arg11 : memref<!tpu.dma_semaphore, #tpu.memory_space<semaphore_mem>>)
      %dma_start3A_299 = arith.constant 1 : i32
      %dma_start3A_300 = arith.constant 1 : i32
      %dma_start3A_301 = arith.constant 1 : i32
      %dma_start3A_302 = arith.constant 0 : i32
      %dma_start3A_303 = arith.constant 0 : i32
      %dma_start3A_304 = tpu.memref_slice %arg8[%dma_start3A_301, %dma_start3A_302, %dma_start3A_303] : memref<2x128x128xf32, #tpu.memory_space<vmem>> -> memref<1x128x128xf32, #tpu.memory_space<vmem>>
      %dma_start3A_305 = tpu.memref_squeeze %dma_start3A_304 : memref<1x128x128xf32, #tpu.memory_space<vmem>> -> memref<128x128xf32, #tpu.memory_space<vmem>>
      %dma_start3A_306 = arith.constant 0 : i32
      %dma_start3A_307 = tpu.memref_slice %arg6[%dma_start3A_299, %dma_start3A_300, %dma_start3A_306] : memref<2x8x128xi32, #tpu.memory_space<vmem>> -> memref<1x1x128xi32, #tpu.memory_space<vmem>>
      %dma_start3A_308 = tpu.memref_squeeze %dma_start3A_307 : memref<1x1x128xi32, #tpu.memory_space<vmem>> -> memref<128xi32, #tpu.memory_space<vmem>>
      %dma_start3A_309 = arith.constant 0 : i32
      %dma_start3A_310 = arith.constant 0 : i32
      %dma_start3A_311 = tpu.memref_slice %arg2[%dma_start3A_309, %dma_start3A_310] : memref<10240x128xf32, #tpu.memory_space<hbm>> -> memref<10240x128xf32, #tpu.memory_space<hbm>>
      tpu.enqueue_indirect_dma source(%dma_start3A_311 : memref<10240x128xf32, #tpu.memory_space<hbm>>) target(%dma_start3A_305 : memref<128x128xf32, #tpu.memory_space<vmem>>) offsets(%dma_start3A_308 : memref<128xi32, #tpu.memory_space<vmem>>) semaphore(%arg12 : memref<!tpu.dma_semaphore, #tpu.memory_space<semaphore_mem>>)
      %scan3A_312 = arith.constant 0 : i32
      %scan3A_313 = arith.constant 0 : i32
      %scan3A_314 = arith.constant 3 : i32
      %scan3A_315 = arith.addi %scan3A_313, %scan3A_314 : i32
      %scan3A_316 = arith.constant 1 : i32
      %scan3A_317 = scf.for %scan3A_352 = %scan3A_313 to %scan3A_315 step %scan3A_316 iter_args(%scan3A_353 = %scan3A_312) -> (i32)  : i32 {
        %mul3A_354 = arith.constant 2 : i32
        %mul3A_355 = arith.muli %mul3A_354, %scan3A_352 : i32
        %dma_wait3A_356 = arith.constant 0 : i32
        %dma_wait3A_357 = arith.constant 0 : i32
        %dma_wait3A_358 = arith.constant 0 : i32
        %dma_wait3A_359 = arith.constant 0 : i32
        %dma_wait3A_360 = arith.constant 0 : i32
        %dma_wait3A_361 = tpu.memref_slice %arg8[%dma_wait3A_358, %dma_wait3A_359, %dma_wait3A_360] : memref<2x128x128xf32, #tpu.memory_space<vmem>> -> memref<1x128x128xf32, #tpu.memory_space<vmem>>
        %dma_wait3A_362 = tpu.memref_squeeze %dma_wait3A_361 : memref<1x128x128xf32, #tpu.memory_space<vmem>> -> memref<128x128xf32, #tpu.memory_space<vmem>>
        %dma_wait3A_363 = arith.constant 0 : i32
        %dma_wait3A_364 = tpu.memref_slice %arg6[%dma_wait3A_356, %dma_wait3A_357, %dma_wait3A_363] : memref<2x8x128xi32, #tpu.memory_space<vmem>> -> memref<1x1x128xi32, #tpu.memory_space<vmem>>
        %dma_wait3A_365 = tpu.memref_squeeze %dma_wait3A_364 : memref<1x1x128xi32, #tpu.memory_space<vmem>> -> memref<128xi32, #tpu.memory_space<vmem>>
        %dma_wait3A_366 = arith.constant 0 : i32
        %dma_wait3A_367 = arith.constant 0 : i32
        %dma_wait3A_368 = tpu.memref_slice %arg2[%dma_wait3A_366, %dma_wait3A_367] : memref<10240x128xf32, #tpu.memory_space<hbm>> -> memref<10240x128xf32, #tpu.memory_space<hbm>>
        tpu.wait_indirect_dma semaphore(%arg11 : memref<!tpu.dma_semaphore, #tpu.memory_space<semaphore_mem>>) src(%dma_wait3A_368 : memref<10240x128xf32, #tpu.memory_space<hbm>>) dst(%dma_wait3A_362 : memref<128x128xf32, #tpu.memory_space<vmem>>)
        %run_scoped3A_369 = arith.constant 0 : i32
        %run_scoped3A_370 = arith.constant 1 : i32
        "tpu.region"() ({
          %run_scoped3A_417 = tpu.sem_alloc : memref<!tpu.dma_semaphore, #tpu.memory_space<semaphore_mem>>
          %dma_start3A_418 = arith.constant 0 : i32
          %dma_start3A_419 = arith.constant 0 : i32
          %dma_start3A_420 = tpu.memref_slice %arg8[%run_scoped3A_369, %dma_start3A_418, %dma_start3A_419] : memref<2x128x128xf32, #tpu.memory_space<vmem>> -> memref<1x128x128xf32, #tpu.memory_space<vmem>>
          %dma_start3A_421 = tpu.memref_squeeze %dma_start3A_420 : memref<1x128x128xf32, #tpu.memory_space<vmem>> -> memref<128x128xf32, #tpu.memory_space<vmem>>
          %dma_start3A_422 = arith.constant 0 : i32
          %dma_start3A_423 = tpu.memref_slice %arg7[%run_scoped3A_370, %mul3A_355, %dma_start3A_422] : memref<2x8x128xi32, #tpu.memory_space<vmem>> -> memref<1x1x128xi32, #tpu.memory_space<vmem>>
          %dma_start3A_424 = tpu.memref_squeeze %dma_start3A_423 : memref<1x1x128xi32, #tpu.memory_space<vmem>> -> memref<128xi32, #tpu.memory_space<vmem>>
          %dma_start3A_425 = arith.constant 0 : i32
          %dma_start3A_426 = arith.constant 0 : i32
          %dma_start3A_427 = tpu.memref_slice %arg10[%dma_start3A_425, %dma_start3A_426] : memref<10240x128xf32, #tpu.memory_space<vmem_shared>> -> memref<10240x128xf32, #tpu.memory_space<vmem_shared>>
          tpu.enqueue_indirect_dma source(%dma_start3A_421 : memref<128x128xf32, #tpu.memory_space<vmem>>) target(%dma_start3A_427 : memref<10240x128xf32, #tpu.memory_space<vmem_shared>>) offsets(%dma_start3A_424 : memref<128xi32, #tpu.memory_space<vmem>>) semaphore(%run_scoped3A_417 : memref<!tpu.dma_semaphore, #tpu.memory_space<semaphore_mem>>) {add = true}
          %dma_wait3A_428 = arith.constant 0 : i32
          %dma_wait3A_429 = arith.constant 0 : i32
          %dma_wait3A_430 = tpu.memref_slice %arg8[%run_scoped3A_369, %dma_wait3A_428, %dma_wait3A_429] : memref<2x128x128xf32, #tpu.memory_space<vmem>> -> memref<1x128x128xf32, #tpu.memory_space<vmem>>
          %dma_wait3A_431 = tpu.memref_squeeze %dma_wait3A_430 : memref<1x128x128xf32, #tpu.memory_space<vmem>> -> memref<128x128xf32, #tpu.memory_space<vmem>>
          %dma_wait3A_432 = arith.constant 0 : i32
          %dma_wait3A_433 = tpu.memref_slice %arg7[%run_scoped3A_370, %mul3A_355, %dma_wait3A_432] : memref<2x8x128xi32, #tpu.memory_space<vmem>> -> memref<1x1x128xi32, #tpu.memory_space<vmem>>
          %dma_wait3A_434 = tpu.memref_squeeze %dma_wait3A_433 : memref<1x1x128xi32, #tpu.memory_space<vmem>> -> memref<128xi32, #tpu.memory_space<vmem>>
          %dma_wait3A_435 = arith.constant 0 : i32
          %dma_wait3A_436 = arith.constant 0 : i32
          %dma_wait3A_437 = tpu.memref_slice %arg10[%dma_wait3A_435, %dma_wait3A_436] : memref<10240x128xf32, #tpu.memory_space<vmem_shared>> -> memref<10240x128xf32, #tpu.memory_space<vmem_shared>>
          tpu.wait_indirect_dma semaphore(%run_scoped3A_417 : memref<!tpu.dma_semaphore, #tpu.memory_space<semaphore_mem>>) src(%dma_wait3A_431 : memref<128x128xf32, #tpu.memory_space<vmem>>) dst(%dma_wait3A_437 : memref<10240x128xf32, #tpu.memory_space<vmem_shared>>)
          tpu.yield
        }) : () -> ()
        %add3A_371 = arith.constant 2 : i32
        %add3A_372 = arith.addi %mul3A_355, %add3A_371 : i32
        %dma_start3A_373 = arith.constant 1 : i32
        %dma_start3A_374 = arith.constant 0 : i32
        %dma_start3A_375 = arith.constant 0 : i32
        %dma_start3A_376 = arith.constant 0 : i32
        %dma_start3A_377 = tpu.memref_slice %arg8[%dma_start3A_374, %dma_start3A_375, %dma_start3A_376] : memref<2x128x128xf32, #tpu.memory_space<vmem>> -> memref<1x128x128xf32, #tpu.memory_space<vmem>>
        %dma_start3A_378 = tpu.memref_squeeze %dma_start3A_377 : memref<1x128x128xf32, #tpu.memory_space<vmem>> -> memref<128x128xf32, #tpu.memory_space<vmem>>
        %dma_start3A_379 = arith.constant 0 : i32
        %dma_start3A_380 = tpu.memref_slice %arg6[%dma_start3A_373, %add3A_372, %dma_start3A_379] : memref<2x8x128xi32, #tpu.memory_space<vmem>> -> memref<1x1x128xi32, #tpu.memory_space<vmem>>
        %dma_start3A_381 = tpu.memref_squeeze %dma_start3A_380 : memref<1x1x128xi32, #tpu.memory_space<vmem>> -> memref<128xi32, #tpu.memory_space<vmem>>
        %dma_start3A_382 = arith.constant 0 : i32
        %dma_start3A_383 = arith.constant 0 : i32
        %dma_start3A_384 = tpu.memref_slice %arg2[%dma_start3A_382, %dma_start3A_383] : memref<10240x128xf32, #tpu.memory_space<hbm>> -> memref<10240x128xf32, #tpu.memory_space<hbm>>
        tpu.enqueue_indirect_dma source(%dma_start3A_384 : memref<10240x128xf32, #tpu.memory_space<hbm>>) target(%dma_start3A_378 : memref<128x128xf32, #tpu.memory_space<vmem>>) offsets(%dma_start3A_381 : memref<128xi32, #tpu.memory_space<vmem>>) semaphore(%arg11 : memref<!tpu.dma_semaphore, #tpu.memory_space<semaphore_mem>>)
        %dma_wait3A_385 = arith.constant 0 : i32
        %dma_wait3A_386 = arith.constant 0 : i32
        %dma_wait3A_387 = arith.constant 1 : i32
        %dma_wait3A_388 = arith.constant 0 : i32
        %dma_wait3A_389 = arith.constant 0 : i32
        %dma_wait3A_390 = tpu.memref_slice %arg8[%dma_wait3A_387, %dma_wait3A_388, %dma_wait3A_389] : memref<2x128x128xf32, #tpu.memory_space<vmem>> -> memref<1x128x128xf32, #tpu.memory_space<vmem>>
        %dma_wait3A_391 = tpu.memref_squeeze %dma_wait3A_390 : memref<1x128x128xf32, #tpu.memory_space<vmem>> -> memref<128x128xf32, #tpu.memory_space<vmem>>
        %dma_wait3A_392 = arith.constant 0 : i32
        %dma_wait3A_393 = tpu.memref_slice %arg6[%dma_wait3A_385, %dma_wait3A_386, %dma_wait3A_392] : memref<2x8x128xi32, #tpu.memory_space<vmem>> -> memref<1x1x128xi32, #tpu.memory_space<vmem>>
        %dma_wait3A_394 = tpu.memref_squeeze %dma_wait3A_393 : memref<1x1x128xi32, #tpu.memory_space<vmem>> -> memref<128xi32, #tpu.memory_space<vmem>>
        %dma_wait3A_395 = arith.constant 0 : i32
        %dma_wait3A_396 = arith.constant 0 : i32
        %dma_wait3A_397 = tpu.memref_slice %arg2[%dma_wait3A_395, %dma_wait3A_396] : memref<10240x128xf32, #tpu.memory_space<hbm>> -> memref<10240x128xf32, #tpu.memory_space<hbm>>
        tpu.wait_indirect_dma semaphore(%arg12 : memref<!tpu.dma_semaphore, #tpu.memory_space<semaphore_mem>>) src(%dma_wait3A_397 : memref<10240x128xf32, #tpu.memory_space<hbm>>) dst(%dma_wait3A_391 : memref<128x128xf32, #tpu.memory_space<vmem>>)
        %add3A_398 = arith.constant 1 : i32
        %add3A_399 = arith.addi %mul3A_355, %add3A_398 : i32
        %run_scoped3A_400 = arith.constant 1 : i32
        %run_scoped3A_401 = arith.constant 1 : i32
        "tpu.region"() ({
          %run_scoped3A_417 = tpu.sem_alloc : memref<!tpu.dma_semaphore, #tpu.memory_space<semaphore_mem>>
          %dma_start3A_418 = arith.constant 0 : i32
          %dma_start3A_419 = arith.constant 0 : i32
          %dma_start3A_420 = tpu.memref_slice %arg8[%run_scoped3A_400, %dma_start3A_418, %dma_start3A_419] : memref<2x128x128xf32, #tpu.memory_space<vmem>> -> memref<1x128x128xf32, #tpu.memory_space<vmem>>
          %dma_start3A_421 = tpu.memref_squeeze %dma_start3A_420 : memref<1x128x128xf32, #tpu.memory_space<vmem>> -> memref<128x128xf32, #tpu.memory_space<vmem>>
          %dma_start3A_422 = arith.constant 0 : i32
          %dma_start3A_423 = tpu.memref_slice %arg7[%run_scoped3A_401, %add3A_399, %dma_start3A_422] : memref<2x8x128xi32, #tpu.memory_space<vmem>> -> memref<1x1x128xi32, #tpu.memory_space<vmem>>
          %dma_start3A_424 = tpu.memref_squeeze %dma_start3A_423 : memref<1x1x128xi32, #tpu.memory_space<vmem>> -> memref<128xi32, #tpu.memory_space<vmem>>
          %dma_start3A_425 = arith.constant 0 : i32
          %dma_start3A_426 = arith.constant 0 : i32
          %dma_start3A_427 = tpu.memref_slice %arg10[%dma_start3A_425, %dma_start3A_426] : memref<10240x128xf32, #tpu.memory_space<vmem_shared>> -> memref<10240x128xf32, #tpu.memory_space<vmem_shared>>
          tpu.enqueue_indirect_dma source(%dma_start3A_421 : memref<128x128xf32, #tpu.memory_space<vmem>>) target(%dma_start3A_427 : memref<10240x128xf32, #tpu.memory_space<vmem_shared>>) offsets(%dma_start3A_424 : memref<128xi32, #tpu.memory_space<vmem>>) semaphore(%run_scoped3A_417 : memref<!tpu.dma_semaphore, #tpu.memory_space<semaphore_mem>>) {add = true}
          %dma_wait3A_428 = arith.constant 0 : i32
          %dma_wait3A_429 = arith.constant 0 : i32
          %dma_wait3A_430 = tpu.memref_slice %arg8[%run_scoped3A_400, %dma_wait3A_428, %dma_wait3A_429] : memref<2x128x128xf32, #tpu.memory_space<vmem>> -> memref<1x128x128xf32, #tpu.memory_space<vmem>>
          %dma_wait3A_431 = tpu.memref_squeeze %dma_wait3A_430 : memref<1x128x128xf32, #tpu.memory_space<vmem>> -> memref<128x128xf32, #tpu.memory_space<vmem>>
          %dma_wait3A_432 = arith.constant 0 : i32
          %dma_wait3A_433 = tpu.memref_slice %arg7[%run_scoped3A_401, %add3A_399, %dma_wait3A_432] : memref<2x8x128xi32, #tpu.memory_space<vmem>> -> memref<1x1x128xi32, #tpu.memory_space<vmem>>
          %dma_wait3A_434 = tpu.memref_squeeze %dma_wait3A_433 : memref<1x1x128xi32, #tpu.memory_space<vmem>> -> memref<128xi32, #tpu.memory_space<vmem>>
          %dma_wait3A_435 = arith.constant 0 : i32
          %dma_wait3A_436 = arith.constant 0 : i32
          %dma_wait3A_437 = tpu.memref_slice %arg10[%dma_wait3A_435, %dma_wait3A_436] : memref<10240x128xf32, #tpu.memory_space<vmem_shared>> -> memref<10240x128xf32, #tpu.memory_space<vmem_shared>>
          tpu.wait_indirect_dma semaphore(%run_scoped3A_417 : memref<!tpu.dma_semaphore, #tpu.memory_space<semaphore_mem>>) src(%dma_wait3A_431 : memref<128x128xf32, #tpu.memory_space<vmem>>) dst(%dma_wait3A_437 : memref<10240x128xf32, #tpu.memory_space<vmem_shared>>)
          tpu.yield
        }) : () -> ()
        %add3A_402 = arith.constant 3 : i32
        %add3A_403 = arith.addi %mul3A_355, %add3A_402 : i32
        %dma_start3A_404 = arith.constant 1 : i32
        %dma_start3A_405 = arith.constant 1 : i32
        %dma_start3A_406 = arith.constant 0 : i32
        %dma_start3A_407 = arith.constant 0 : i32
        %dma_start3A_408 = tpu.memref_slice %arg8[%dma_start3A_405, %dma_start3A_406, %dma_start3A_407] : memref<2x128x128xf32, #tpu.memory_space<vmem>> -> memref<1x128x128xf32, #tpu.memory_space<vmem>>
        %dma_start3A_409 = tpu.memref_squeeze %dma_start3A_408 : memref<1x128x128xf32, #tpu.memory_space<vmem>> -> memref<128x128xf32, #tpu.memory_space<vmem>>
        %dma_start3A_410 = arith.constant 0 : i32
        %dma_start3A_411 = tpu.memref_slice %arg6[%dma_start3A_404, %add3A_403, %dma_start3A_410] : memref<2x8x128xi32, #tpu.memory_space<vmem>> -> memref<1x1x128xi32, #tpu.memory_space<vmem>>
        %dma_start3A_412 = tpu.memref_squeeze %dma_start3A_411 : memref<1x1x128xi32, #tpu.memory_space<vmem>> -> memref<128xi32, #tpu.memory_space<vmem>>
        %dma_start3A_413 = arith.constant 0 : i32
        %dma_start3A_414 = arith.constant 0 : i32
        %dma_start3A_415 = tpu.memref_slice %arg2[%dma_start3A_413, %dma_start3A_414] : memref<10240x128xf32, #tpu.memory_space<hbm>> -> memref<10240x128xf32, #tpu.memory_space<hbm>>
        tpu.enqueue_indirect_dma source(%dma_start3A_415 : memref<10240x128xf32, #tpu.memory_space<hbm>>) target(%dma_start3A_409 : memref<128x128xf32, #tpu.memory_space<vmem>>) offsets(%dma_start3A_412 : memref<128xi32, #tpu.memory_space<vmem>>) semaphore(%arg12 : memref<!tpu.dma_semaphore, #tpu.memory_space<semaphore_mem>>)
        %scan3A_416 = arith.constant 0 : i32
        scf.yield %scan3A_416 : i32
      }
      %scan3A_318 = arith.constant 3 : i32
      %dma_wait3A_319 = arith.constant 0 : i32
      %dma_wait3A_320 = arith.constant 0 : i32
      %dma_wait3A_321 = arith.constant 0 : i32
      %dma_wait3A_322 = arith.constant 0 : i32
      %dma_wait3A_323 = arith.constant 0 : i32
      %dma_wait3A_324 = tpu.memref_slice %arg8[%dma_wait3A_321, %dma_wait3A_322, %dma_wait3A_323] : memref<2x128x128xf32, #tpu.memory_space<vmem>> -> memref<1x128x128xf32, #tpu.memory_space<vmem>>
      %dma_wait3A_325 = tpu.memref_squeeze %dma_wait3A_324 : memref<1x128x128xf32, #tpu.memory_space<vmem>> -> memref<128x128xf32, #tpu.memory_space<vmem>>
      %dma_wait3A_326 = arith.constant 0 : i32
      %dma_wait3A_327 = tpu.memref_slice %arg6[%dma_wait3A_319, %dma_wait3A_320, %dma_wait3A_326] : memref<2x8x128xi32, #tpu.memory_space<vmem>> -> memref<1x1x128xi32, #tpu.memory_space<vmem>>
      %dma_wait3A_328 = tpu.memref_squeeze %dma_wait3A_327 : memref<1x1x128xi32, #tpu.memory_space<vmem>> -> memref<128xi32, #tpu.memory_space<vmem>>
      %dma_wait3A_329 = arith.constant 0 : i32
      %dma_wait3A_330 = arith.constant 0 : i32
      %dma_wait3A_331 = tpu.memref_slice %arg2[%dma_wait3A_329, %dma_wait3A_330] : memref<10240x128xf32, #tpu.memory_space<hbm>> -> memref<10240x128xf32, #tpu.memory_space<hbm>>
      tpu.wait_indirect_dma semaphore(%arg11 : memref<!tpu.dma_semaphore, #tpu.memory_space<semaphore_mem>>) src(%dma_wait3A_331 : memref<10240x128xf32, #tpu.memory_space<hbm>>) dst(%dma_wait3A_325 : memref<128x128xf32, #tpu.memory_space<vmem>>)
      %run_scoped3A_332 = arith.constant 0 : i32
      %run_scoped3A_333 = arith.constant 1 : i32
      %run_scoped3A_334 = arith.constant 6 : i32
      "tpu.region"() ({
        %run_scoped3A_352 = tpu.sem_alloc : memref<!tpu.dma_semaphore, #tpu.memory_space<semaphore_mem>>
        %dma_start3A_353 = arith.constant 0 : i32
        %dma_start3A_354 = arith.constant 0 : i32
        %dma_start3A_355 = tpu.memref_slice %arg8[%run_scoped3A_332, %dma_start3A_353, %dma_start3A_354] : memref<2x128x128xf32, #tpu.memory_space<vmem>> -> memref<1x128x128xf32, #tpu.memory_space<vmem>>
        %dma_start3A_356 = tpu.memref_squeeze %dma_start3A_355 : memref<1x128x128xf32, #tpu.memory_space<vmem>> -> memref<128x128xf32, #tpu.memory_space<vmem>>
        %dma_start3A_357 = arith.constant 0 : i32
        %dma_start3A_358 = tpu.memref_slice %arg7[%run_scoped3A_333, %run_scoped3A_334, %dma_start3A_357] : memref<2x8x128xi32, #tpu.memory_space<vmem>> -> memref<1x1x128xi32, #tpu.memory_space<vmem>>
        %dma_start3A_359 = tpu.memref_squeeze %dma_start3A_358 : memref<1x1x128xi32, #tpu.memory_space<vmem>> -> memref<128xi32, #tpu.memory_space<vmem>>
        %dma_start3A_360 = arith.constant 0 : i32
        %dma_start3A_361 = arith.constant 0 : i32
        %dma_start3A_362 = tpu.memref_slice %arg10[%dma_start3A_360, %dma_start3A_361] : memref<10240x128xf32, #tpu.memory_space<vmem_shared>> -> memref<10240x128xf32, #tpu.memory_space<vmem_shared>>
        tpu.enqueue_indirect_dma source(%dma_start3A_356 : memref<128x128xf32, #tpu.memory_space<vmem>>) target(%dma_start3A_362 : memref<10240x128xf32, #tpu.memory_space<vmem_shared>>) offsets(%dma_start3A_359 : memref<128xi32, #tpu.memory_space<vmem>>) semaphore(%run_scoped3A_352 : memref<!tpu.dma_semaphore, #tpu.memory_space<semaphore_mem>>) {add = true}
        %dma_wait3A_363 = arith.constant 0 : i32
        %dma_wait3A_364 = arith.constant 0 : i32
        %dma_wait3A_365 = tpu.memref_slice %arg8[%run_scoped3A_332, %dma_wait3A_363, %dma_wait3A_364] : memref<2x128x128xf32, #tpu.memory_space<vmem>> -> memref<1x128x128xf32, #tpu.memory_space<vmem>>
        %dma_wait3A_366 = tpu.memref_squeeze %dma_wait3A_365 : memref<1x128x128xf32, #tpu.memory_space<vmem>> -> memref<128x128xf32, #tpu.memory_space<vmem>>
        %dma_wait3A_367 = arith.constant 0 : i32
        %dma_wait3A_368 = tpu.memref_slice %arg7[%run_scoped3A_333, %run_scoped3A_334, %dma_wait3A_367] : memref<2x8x128xi32, #tpu.memory_space<vmem>> -> memref<1x1x128xi32, #tpu.memory_space<vmem>>
        %dma_wait3A_369 = tpu.memref_squeeze %dma_wait3A_368 : memref<1x1x128xi32, #tpu.memory_space<vmem>> -> memref<128xi32, #tpu.memory_space<vmem>>
        %dma_wait3A_370 = arith.constant 0 : i32
        %dma_wait3A_371 = arith.constant 0 : i32
        %dma_wait3A_372 = tpu.memref_slice %arg10[%dma_wait3A_370, %dma_wait3A_371] : memref<10240x128xf32, #tpu.memory_space<vmem_shared>> -> memref<10240x128xf32, #tpu.memory_space<vmem_shared>>
        tpu.wait_indirect_dma semaphore(%run_scoped3A_352 : memref<!tpu.dma_semaphore, #tpu.memory_space<semaphore_mem>>) src(%dma_wait3A_366 : memref<128x128xf32, #tpu.memory_space<vmem>>) dst(%dma_wait3A_372 : memref<10240x128xf32, #tpu.memory_space<vmem_shared>>)
        tpu.yield
      }) : () -> ()
      %dma_wait3A_335 = arith.constant 0 : i32
      %dma_wait3A_336 = arith.constant 0 : i32
      %dma_wait3A_337 = arith.constant 1 : i32
      %dma_wait3A_338 = arith.constant 0 : i32
      %dma_wait3A_339 = arith.constant 0 : i32
      %dma_wait3A_340 = tpu.memref_slice %arg8[%dma_wait3A_337, %dma_wait3A_338, %dma_wait3A_339] : memref<2x128x128xf32, #tpu.memory_space<vmem>> -> memref<1x128x128xf32, #tpu.memory_space<vmem>>
      %dma_wait3A_341 = tpu.memref_squeeze %dma_wait3A_340 : memref<1x128x128xf32, #tpu.memory_space<vmem>> -> memref<128x128xf32, #tpu.memory_space<vmem>>
      %dma_wait3A_342 = arith.constant 0 : i32
      %dma_wait3A_343 = tpu.memref_slice %arg6[%dma_wait3A_335, %dma_wait3A_336, %dma_wait3A_342] : memref<2x8x128xi32, #tpu.memory_space<vmem>> -> memref<1x1x128xi32, #tpu.memory_space<vmem>>
      %dma_wait3A_344 = tpu.memref_squeeze %dma_wait3A_343 : memref<1x1x128xi32, #tpu.memory_space<vmem>> -> memref<128xi32, #tpu.memory_space<vmem>>
      %dma_wait3A_345 = arith.constant 0 : i32
      %dma_wait3A_346 = arith.constant 0 : i32
      %dma_wait3A_347 = tpu.memref_slice %arg2[%dma_wait3A_345, %dma_wait3A_346] : memref<10240x128xf32, #tpu.memory_space<hbm>> -> memref<10240x128xf32, #tpu.memory_space<hbm>>
      tpu.wait_indirect_dma semaphore(%arg12 : memref<!tpu.dma_semaphore, #tpu.memory_space<semaphore_mem>>) src(%dma_wait3A_347 : memref<10240x128xf32, #tpu.memory_space<hbm>>) dst(%dma_wait3A_341 : memref<128x128xf32, #tpu.memory_space<vmem>>)
      %run_scoped3A_348 = arith.constant 1 : i32
      %run_scoped3A_349 = arith.constant 1 : i32
      %run_scoped3A_350 = arith.constant 7 : i32
      "tpu.region"() ({
        %run_scoped3A_352 = tpu.sem_alloc : memref<!tpu.dma_semaphore, #tpu.memory_space<semaphore_mem>>
        %dma_start3A_353 = arith.constant 0 : i32
        %dma_start3A_354 = arith.constant 0 : i32
        %dma_start3A_355 = tpu.memref_slice %arg8[%run_scoped3A_348, %dma_start3A_353, %dma_start3A_354] : memref<2x128x128xf32, #tpu.memory_space<vmem>> -> memref<1x128x128xf32, #tpu.memory_space<vmem>>
        %dma_start3A_356 = tpu.memref_squeeze %dma_start3A_355 : memref<1x128x128xf32, #tpu.memory_space<vmem>> -> memref<128x128xf32, #tpu.memory_space<vmem>>
        %dma_start3A_357 = arith.constant 0 : i32
        %dma_start3A_358 = tpu.memref_slice %arg7[%run_scoped3A_349, %run_scoped3A_350, %dma_start3A_357] : memref<2x8x128xi32, #tpu.memory_space<vmem>> -> memref<1x1x128xi32, #tpu.memory_space<vmem>>
        %dma_start3A_359 = tpu.memref_squeeze %dma_start3A_358 : memref<1x1x128xi32, #tpu.memory_space<vmem>> -> memref<128xi32, #tpu.memory_space<vmem>>
        %dma_start3A_360 = arith.constant 0 : i32
        %dma_start3A_361 = arith.constant 0 : i32
        %dma_start3A_362 = tpu.memref_slice %arg10[%dma_start3A_360, %dma_start3A_361] : memref<10240x128xf32, #tpu.memory_space<vmem_shared>> -> memref<10240x128xf32, #tpu.memory_space<vmem_shared>>
        tpu.enqueue_indirect_dma source(%dma_start3A_356 : memref<128x128xf32, #tpu.memory_space<vmem>>) target(%dma_start3A_362 : memref<10240x128xf32, #tpu.memory_space<vmem_shared>>) offsets(%dma_start3A_359 : memref<128xi32, #tpu.memory_space<vmem>>) semaphore(%run_scoped3A_352 : memref<!tpu.dma_semaphore, #tpu.memory_space<semaphore_mem>>) {add = true}
        %dma_wait3A_363 = arith.constant 0 : i32
        %dma_wait3A_364 = arith.constant 0 : i32
        %dma_wait3A_365 = tpu.memref_slice %arg8[%run_scoped3A_348, %dma_wait3A_363, %dma_wait3A_364] : memref<2x128x128xf32, #tpu.memory_space<vmem>> -> memref<1x128x128xf32, #tpu.memory_space<vmem>>
        %dma_wait3A_366 = tpu.memref_squeeze %dma_wait3A_365 : memref<1x128x128xf32, #tpu.memory_space<vmem>> -> memref<128x128xf32, #tpu.memory_space<vmem>>
        %dma_wait3A_367 = arith.constant 0 : i32
        %dma_wait3A_368 = tpu.memref_slice %arg7[%run_scoped3A_349, %run_scoped3A_350, %dma_wait3A_367] : memref<2x8x128xi32, #tpu.memory_space<vmem>> -> memref<1x1x128xi32, #tpu.memory_space<vmem>>
        %dma_wait3A_369 = tpu.memref_squeeze %dma_wait3A_368 : memref<1x1x128xi32, #tpu.memory_space<vmem>> -> memref<128xi32, #tpu.memory_space<vmem>>
        %dma_wait3A_370 = arith.constant 0 : i32
        %dma_wait3A_371 = arith.constant 0 : i32
        %dma_wait3A_372 = tpu.memref_slice %arg10[%dma_wait3A_370, %dma_wait3A_371] : memref<10240x128xf32, #tpu.memory_space<vmem_shared>> -> memref<10240x128xf32, #tpu.memory_space<vmem_shared>>
        tpu.wait_indirect_dma semaphore(%run_scoped3A_352 : memref<!tpu.dma_semaphore, #tpu.memory_space<semaphore_mem>>) src(%dma_wait3A_366 : memref<128x128xf32, #tpu.memory_space<vmem>>) dst(%dma_wait3A_372 : memref<10240x128xf32, #tpu.memory_space<vmem_shared>>)
        tpu.yield
      }) : () -> ()
      %scan3A_351 = arith.constant 0 : i32
      scf.yield %scan3A_351 : i32
    }
    %scan3A_57 = arith.constant 5 : i32
    %dma_wait3A = arith.constant 0 : i32
    %dma_wait3A_58 = arith.constant 0 : i32
    %dma_wait3A_59 = arith.constant 0 : i32
    %dma_wait3A_60 = tpu.memref_slice %arg6[%dma_wait3A, %dma_wait3A_58, %dma_wait3A_59] : memref<2x8x128xi32, #tpu.memory_space<vmem>> -> memref<1x8x128xi32, #tpu.memory_space<vmem>>
    %dma_wait3A_61 = tpu.memref_squeeze %dma_wait3A_60 : memref<1x8x128xi32, #tpu.memory_space<vmem>> -> memref<8x128xi32, #tpu.memory_space<vmem>>
    %dma_wait3A_62 = arith.constant 0 : i32
    %dma_wait3A_63 = arith.constant 0 : i32
    %dma_wait3A_64 = tpu.memref_slice %arg3[%dma_wait3A_62, %dma_wait3A_63] : memref<2568x128xi32, #tpu.memory_space<hbm>> -> memref<8x128xi32, #tpu.memory_space<hbm>>
    %dma_wait3A_65 = arith.constant 0 : i32
    %dma_wait3A_66 = arith.constant 0 : i32
    %dma_wait3A_67 = tpu.memref_slice %arg6[%dma_wait3A, %dma_wait3A_65, %dma_wait3A_66] : memref<2x8x128xi32, #tpu.memory_space<vmem>> -> memref<1x8x128xi32, #tpu.memory_space<vmem>>
    %dma_wait3A_68 = tpu.memref_squeeze %dma_wait3A_67 : memref<1x8x128xi32, #tpu.memory_space<vmem>> -> memref<8x128xi32, #tpu.memory_space<vmem>>
    %dma_wait3A_69 = arith.constant 0 : i32
    %dma_wait3A_70 = arith.constant 0 : i32
    %dma_wait3A_71 = tpu.memref_slice %arg3[%dma_wait3A_69, %dma_wait3A_70] : memref<2568x128xi32, #tpu.memory_space<hbm>> -> memref<8x128xi32, #tpu.memory_space<hbm>>
    tpu.wait_dma2 semaphore(%arg13 : memref<!tpu.dma_semaphore, #tpu.memory_space<semaphore_mem>>) src(%dma_wait3A_71 : memref<8x128xi32, #tpu.memory_space<hbm>>) dst(%dma_wait3A_68 : memref<8x128xi32, #tpu.memory_space<vmem>>)
    %dma_wait3A_72 = arith.constant 0 : i32
    %dma_wait3A_73 = arith.constant 0 : i32
    %dma_wait3A_74 = arith.constant 0 : i32
    %dma_wait3A_75 = tpu.memref_slice %arg7[%dma_wait3A_72, %dma_wait3A_73, %dma_wait3A_74] : memref<2x8x128xi32, #tpu.memory_space<vmem>> -> memref<1x8x128xi32, #tpu.memory_space<vmem>>
    %dma_wait3A_76 = tpu.memref_squeeze %dma_wait3A_75 : memref<1x8x128xi32, #tpu.memory_space<vmem>> -> memref<8x128xi32, #tpu.memory_space<vmem>>
    %dma_wait3A_77 = arith.constant 0 : i32
    %dma_wait3A_78 = arith.constant 0 : i32
    %dma_wait3A_79 = tpu.memref_slice %arg4[%dma_wait3A_77, %dma_wait3A_78] : memref<2568x128xi32, #tpu.memory_space<hbm>> -> memref<8x128xi32, #tpu.memory_space<hbm>>
    %dma_wait3A_80 = arith.constant 0 : i32
    %dma_wait3A_81 = arith.constant 0 : i32
    %dma_wait3A_82 = tpu.memref_slice %arg7[%dma_wait3A_72, %dma_wait3A_80, %dma_wait3A_81] : memref<2x8x128xi32, #tpu.memory_space<vmem>> -> memref<1x8x128xi32, #tpu.memory_space<vmem>>
    %dma_wait3A_83 = tpu.memref_squeeze %dma_wait3A_82 : memref<1x8x128xi32, #tpu.memory_space<vmem>> -> memref<8x128xi32, #tpu.memory_space<vmem>>
    %dma_wait3A_84 = arith.constant 0 : i32
    %dma_wait3A_85 = arith.constant 0 : i32
    %dma_wait3A_86 = tpu.memref_slice %arg4[%dma_wait3A_84, %dma_wait3A_85] : memref<2568x128xi32, #tpu.memory_space<hbm>> -> memref<8x128xi32, #tpu.memory_space<hbm>>
    tpu.wait_dma2 semaphore(%arg13 : memref<!tpu.dma_semaphore, #tpu.memory_space<semaphore_mem>>) src(%dma_wait3A_86 : memref<8x128xi32, #tpu.memory_space<hbm>>) dst(%dma_wait3A_83 : memref<8x128xi32, #tpu.memory_space<vmem>>)
    %barrier3A_87 = arith.constant 0 : index
    tpu.barrier barrier_id(%barrier3A_87)
    %mul3A_88 = arith.constant 640 : i32
    %mul3A_89 = arith.muli %arg1, %mul3A_88 : i32
    %mul3A_90 = arith.constant 640 : i32
    %mul3A_91 = arith.muli %arg1, %mul3A_90 : i32
    "tpu.region"() ({
      %run_scoped3A = tpu.sem_alloc : memref<!tpu.dma_semaphore, #tpu.memory_space<semaphore_mem>>
      %dma_start3A_92 = arith.constant 0 : i32
      %dma_start3A_93 = tpu.memref_slice %arg5[%arg0, %mul3A_91, %dma_start3A_92] : memref<2x10240x128xf32, #tpu.memory_space<hbm>> -> memref<1x640x128xf32, #tpu.memory_space<hbm>>
      %dma_start3A_94 = tpu.memref_squeeze %dma_start3A_93 : memref<1x640x128xf32, #tpu.memory_space<hbm>> -> memref<640x128xf32, #tpu.memory_space<hbm>>
      %dma_start3A_95 = arith.constant 0 : i32
      %dma_start3A_96 = tpu.memref_slice %arg10[%mul3A_89, %dma_start3A_95] : memref<10240x128xf32, #tpu.memory_space<vmem_shared>> -> memref<640x128xf32, #tpu.memory_space<vmem_shared>>
      tpu.enqueue_dma source(%dma_start3A_96 : memref<640x128xf32, #tpu.memory_space<vmem_shared>>) target(%dma_start3A_94 : memref<640x128xf32, #tpu.memory_space<hbm>>) target_semaphore(%run_scoped3A : memref<!tpu.dma_semaphore, #tpu.memory_space<semaphore_mem>>)
      %dma_wait3A_97 = arith.constant 0 : i32
      %dma_wait3A_98 = tpu.memref_slice %arg5[%arg0, %mul3A_91, %dma_wait3A_97] : memref<2x10240x128xf32, #tpu.memory_space<hbm>> -> memref<1x640x128xf32, #tpu.memory_space<hbm>>
      %dma_wait3A_99 = tpu.memref_squeeze %dma_wait3A_98 : memref<1x640x128xf32, #tpu.memory_space<hbm>> -> memref<640x128xf32, #tpu.memory_space<hbm>>
      %dma_wait3A_100 = arith.constant 0 : i32
      %dma_wait3A_101 = tpu.memref_slice %arg10[%mul3A_89, %dma_wait3A_100] : memref<10240x128xf32, #tpu.memory_space<vmem_shared>> -> memref<640x128xf32, #tpu.memory_space<vmem_shared>>
      tpu.wait_dma2 semaphore(%run_scoped3A : memref<!tpu.dma_semaphore, #tpu.memory_space<semaphore_mem>>) src(%dma_wait3A_101 : memref<640x128xf32, #tpu.memory_space<vmem_shared>>) dst(%dma_wait3A_99 : memref<640x128xf32, #tpu.memory_space<hbm>>)
      tpu.yield
    }) : () -> ()
    return
  }
}

module attributes {stable_mosaic.version = 14 : i64} {
  func.func @_proj_scale_mm_body(%arg0: i32, %arg1: memref<1024x128xf32, #tpu.memory_space<vmem>>, %arg2: memref<128x128xf32, #tpu.memory_space<vmem>>, %arg3: memref<1x128xf32, #tpu.memory_space<vmem>>, %arg4: memref<2x1024xf32, #tpu.memory_space<vmem>>, %arg5: memref<128x128xf32, #tpu.memory_space<vmem>>, %arg6: memref<1024x128xf32, #tpu.memory_space<vmem>>) attributes {dimension_semantics = [#tpu.dimension_semantics<arbitrary>], iteration_bounds = array<i64: 10>, scalar_prefetch = 0 : i64, scratch_operands = 0 : i64, tpu.core_type = #tpu.core_type<tc>, window_params = [{transform_indices = @transform_0, window_bounds = array<i64: 1024, 128>}, {pipeline_mode = #tpu.pipeline_mode<synchronous>, transform_indices = @transform_1, window_bounds = array<i64: 128, 128>}, {pipeline_mode = #tpu.pipeline_mode<synchronous>, transform_indices = @transform_2, window_bounds = array<i64: 1, 128>}, {transform_indices = @transform_3, window_bounds = array<i64: 2, 1024>}, {pipeline_mode = #tpu.pipeline_mode<synchronous>, transform_indices = @transform_4, window_bounds = array<i64: 128, 128>}, {transform_indices = @transform_5, window_bounds = array<i64: 1024, 128>}]} {
    %get3A = arith.constant 0 : index
    %get3A_0 = arith.constant 0 : index
    %get3A_1 = vector.load %arg1[%get3A, %get3A_0] : memref<1024x128xf32, #tpu.memory_space<vmem>>, vector<1024x128xf32>
    %get3A_2 = arith.constant 0 : index
    %get3A_3 = arith.constant 0 : index
    %get3A_4 = vector.load %arg2[%get3A_2, %get3A_3] : memref<128x128xf32, #tpu.memory_space<vmem>>, vector<128x128xf32>
    %dot_general3A = arith.constant dense<0.000000e+00> : vector<1024x128xf32>
    %dot_general3A_5 = tpu.matmul %get3A_1, %get3A_4, %dot_general3A {dimension_numbers = #tpu.dot_dimension_numbers<[1], [0], [0], [1], [0, 0, 1, 1], [], []>, transpose_lhs_hint = false} : vector<1024x128xf32>, vector<128x128xf32>, vector<1024x128xf32> -> vector<1024x128xf32>
    %get3A_6 = arith.constant 0 : index
    %get3A_7 = arith.constant 0 : index
    %get3A_8 = vector.load %arg3[%get3A_6, %get3A_7] : memref<1x128xf32, #tpu.memory_space<vmem>>, vector<1x128xf32>
    %add3A = vector.broadcast %get3A_8 : vector<1x128xf32> to vector<1024x128xf32>
    %add3A_9 = arith.addf %dot_general3A_5, %add3A : vector<1024x128xf32>
    %max3A = arith.constant 0.000000e+00 : f32
    %max3A_10 = vector.broadcast %max3A : f32 to vector<1024x128xf32>
    %max3A_11 = arith.maximumf %add3A_9, %max3A_10 : vector<1024x128xf32>
    %get3A_12 = arith.constant 0 : index
    %get3A_13 = arith.constant 0 : index
    %get3A_14 = vector.load %arg4[%get3A_12, %get3A_13] : memref<2x1024xf32, #tpu.memory_space<vmem>>, vector<2x1024xf32>
    %reduce_sum3A = arith.constant dense<0.000000e+00> : vector<1024xf32>
    %reduce_sum3A_15 = vector.multi_reduction <add>, %get3A_14, %reduce_sum3A [0] : vector<2x1024xf32> to vector<1024xf32>
    %max3A_16 = arith.constant 1.000000e+00 : f32
    %max3A_17 = vector.broadcast %max3A_16 : f32 to vector<1024xf32>
    %max3A_18 = arith.maximumf %reduce_sum3A_15, %max3A_17 : vector<1024xf32>
    %rsqrt3A = math.rsqrt %max3A_18 : vector<1024xf32>
    %broadcast_in_dim3A = vector.shape_cast %rsqrt3A : vector<1024xf32> to vector<1024x1xf32>
    %mul3A = vector.broadcast %broadcast_in_dim3A : vector<1024x1xf32> to vector<1024x128xf32>
    %mul3A_19 = arith.mulf %max3A_11, %mul3A : vector<1024x128xf32>
    %get3A_20 = arith.constant 0 : index
    %get3A_21 = arith.constant 0 : index
    %get3A_22 = vector.load %arg5[%get3A_20, %get3A_21] : memref<128x128xf32, #tpu.memory_space<vmem>>, vector<128x128xf32>
    %dot_general3A_23 = arith.constant dense<0.000000e+00> : vector<1024x128xf32>
    %dot_general3A_24 = tpu.matmul %mul3A_19, %get3A_22, %dot_general3A_23 {dimension_numbers = #tpu.dot_dimension_numbers<[1], [0], [0], [1], [0, 0, 1, 1], [], []>, transpose_lhs_hint = false} : vector<1024x128xf32>, vector<128x128xf32>, vector<1024x128xf32> -> vector<1024x128xf32>
    %swap3A = arith.constant 0 : index
    %swap3A_25 = arith.constant 0 : index
    %swap3A_26 = vector.load %arg6[%swap3A, %swap3A_25] : memref<1024x128xf32, #tpu.memory_space<vmem>>, vector<1024x128xf32>
    tpu.vector_store %arg6[%swap3A, %swap3A_25], %dot_general3A_24 {strides = array<i32>} : memref<1024x128xf32, #tpu.memory_space<vmem>>, vector<1024x128xf32>,
    return
  }
  func.func @transform_0(%arg0: i32) -> (i32, i32) {
    %c0_i32 = arith.constant 0 : i32
    %c0_i32_0 = arith.constant 0 : i32
    return %arg0, %c0_i32 : i32, i32
  }
  func.func @transform_1(%arg0: i32) -> (i32, i32) {
    %c0_i32 = arith.constant 0 : i32
    %c0_i32_0 = arith.constant 0 : i32
    %c0_i32_1 = arith.constant 0 : i32
    return %c0_i32, %c0_i32_0 : i32, i32
  }
  func.func @transform_2(%arg0: i32) -> (i32, i32) {
    %c0_i32 = arith.constant 0 : i32
    %c0_i32_0 = arith.constant 0 : i32
    %c0_i32_1 = arith.constant 0 : i32
    return %c0_i32, %c0_i32_0 : i32, i32
  }
  func.func @transform_3(%arg0: i32) -> (i32, i32) {
    %c0_i32 = arith.constant 0 : i32
    %c0_i32_0 = arith.constant 0 : i32
    return %c0_i32, %arg0 : i32, i32
  }
  func.func @transform_4(%arg0: i32) -> (i32, i32) {
    %c0_i32 = arith.constant 0 : i32
    %c0_i32_0 = arith.constant 0 : i32
    %c0_i32_1 = arith.constant 0 : i32
    return %c0_i32, %c0_i32_0 : i32, i32
  }
  func.func @transform_5(%arg0: i32) -> (i32, i32) {
    %c0_i32 = arith.constant 0 : i32
    %c0_i32_0 = arith.constant 0 : i32
    return %arg0, %c0_i32 : i32, i32
  }
}

module attributes {stable_mosaic.version = 14 : i64} {
  func.func @_mid_body(%arg0: i32, %arg1: memref<1024x128xf32, #tpu.memory_space<vmem>>, %arg2: memref<1024x128xf32, #tpu.memory_space<vmem>>, %arg3: memref<2x1024xf32, #tpu.memory_space<vmem>>, %arg4: memref<2x1024xf32, #tpu.memory_space<vmem>>, %arg5: memref<1x128xf32, #tpu.memory_space<vmem>>, %arg6: memref<128x128xf32, #tpu.memory_space<vmem>>, %arg7: memref<1024x128xf32, #tpu.memory_space<vmem>>) attributes {dimension_semantics = [#tpu.dimension_semantics<arbitrary>], iteration_bounds = array<i64: 10>, scalar_prefetch = 0 : i64, scratch_operands = 0 : i64, tpu.core_type = #tpu.core_type<tc>, window_params = [{transform_indices = @transform_0, window_bounds = array<i64: 1024, 128>}, {transform_indices = @transform_1, window_bounds = array<i64: 1024, 128>}, {transform_indices = @transform_2, window_bounds = array<i64: 2, 1024>}, {transform_indices = @transform_3, window_bounds = array<i64: 2, 1024>}, {pipeline_mode = #tpu.pipeline_mode<synchronous>, transform_indices = @transform_4, window_bounds = array<i64: 1, 128>}, {pipeline_mode = #tpu.pipeline_mode<synchronous>, transform_indices = @transform_5, window_bounds = array<i64: 128, 128>}, {transform_indices = @transform_6, window_bounds = array<i64: 1024, 128>}]} {
    %get3A = arith.constant 0 : index
    %get3A_0 = arith.constant 0 : index
    %get3A_1 = vector.load %arg1[%get3A, %get3A_0] : memref<1024x128xf32, #tpu.memory_space<vmem>>, vector<1024x128xf32>
    %get3A_2 = arith.constant 0 : index
    %get3A_3 = arith.constant 0 : index
    %get3A_4 = vector.load %arg2[%get3A_2, %get3A_3] : memref<1024x128xf32, #tpu.memory_space<vmem>>, vector<1024x128xf32>
    %add3A = arith.addf %get3A_1, %get3A_4 : vector<1024x128xf32>
    %get3A_5 = arith.constant 0 : index
    %get3A_6 = arith.constant 0 : index
    %get3A_7 = vector.load %arg3[%get3A_5, %get3A_6] : memref<2x1024xf32, #tpu.memory_space<vmem>>, vector<2x1024xf32>
    %reduce_sum3A = arith.constant dense<0.000000e+00> : vector<1024xf32>
    %reduce_sum3A_8 = vector.multi_reduction <add>, %get3A_7, %reduce_sum3A [0] : vector<2x1024xf32> to vector<1024xf32>
    %max3A = arith.constant 1.000000e+00 : f32
    %max3A_9 = vector.broadcast %max3A : f32 to vector<1024xf32>
    %max3A_10 = arith.maximumf %reduce_sum3A_8, %max3A_9 : vector<1024xf32>
    %rsqrt3A = math.rsqrt %max3A_10 : vector<1024xf32>
    %broadcast_in_dim3A = vector.shape_cast %rsqrt3A : vector<1024xf32> to vector<1024x1xf32>
    %mul3A = vector.broadcast %broadcast_in_dim3A : vector<1024x1xf32> to vector<1024x128xf32>
    %mul3A_11 = arith.mulf %add3A, %mul3A : vector<1024x128xf32>
    %get3A_12 = arith.constant 0 : index
    %get3A_13 = arith.constant 0 : index
    %get3A_14 = vector.load %arg5[%get3A_12, %get3A_13] : memref<1x128xf32, #tpu.memory_space<vmem>>, vector<1x128xf32>
    %add3A_15 = vector.broadcast %get3A_14 : vector<1x128xf32> to vector<1024x128xf32>
    %add3A_16 = arith.addf %mul3A_11, %add3A_15 : vector<1024x128xf32>
    %max3A_17 = arith.constant 0.000000e+00 : f32
    %max3A_18 = vector.broadcast %max3A_17 : f32 to vector<1024x128xf32>
    %max3A_19 = arith.maximumf %add3A_16, %max3A_18 : vector<1024x128xf32>
    %get3A_20 = arith.constant 0 : index
    %get3A_21 = arith.constant 0 : index
    %get3A_22 = vector.load %arg4[%get3A_20, %get3A_21] : memref<2x1024xf32, #tpu.memory_space<vmem>>, vector<2x1024xf32>
    %reduce_sum3A_23 = arith.constant dense<0.000000e+00> : vector<1024xf32>
    %reduce_sum3A_24 = vector.multi_reduction <add>, %get3A_22, %reduce_sum3A_23 [0] : vector<2x1024xf32> to vector<1024xf32>
    %max3A_25 = arith.constant 1.000000e+00 : f32
    %max3A_26 = vector.broadcast %max3A_25 : f32 to vector<1024xf32>
    %max3A_27 = arith.maximumf %reduce_sum3A_24, %max3A_26 : vector<1024xf32>
    %rsqrt3A_28 = math.rsqrt %max3A_27 : vector<1024xf32>
    %broadcast_in_dim3A_29 = vector.shape_cast %rsqrt3A_28 : vector<1024xf32> to vector<1024x1xf32>
    %mul3A_30 = vector.broadcast %broadcast_in_dim3A_29 : vector<1024x1xf32> to vector<1024x128xf32>
    %mul3A_31 = arith.mulf %max3A_19, %mul3A_30 : vector<1024x128xf32>
    %get3A_32 = arith.constant 0 : index
    %get3A_33 = arith.constant 0 : index
    %get3A_34 = vector.load %arg6[%get3A_32, %get3A_33] : memref<128x128xf32, #tpu.memory_space<vmem>>, vector<128x128xf32>
    %dot_general3A = arith.constant dense<0.000000e+00> : vector<1024x128xf32>
    %dot_general3A_35 = tpu.matmul %mul3A_31, %get3A_34, %dot_general3A {dimension_numbers = #tpu.dot_dimension_numbers<[1], [0], [0], [1], [0, 0, 1, 1], [], []>, transpose_lhs_hint = false} : vector<1024x128xf32>, vector<128x128xf32>, vector<1024x128xf32> -> vector<1024x128xf32>
    %swap3A = arith.constant 0 : index
    %swap3A_36 = arith.constant 0 : index
    %swap3A_37 = vector.load %arg7[%swap3A, %swap3A_36] : memref<1024x128xf32, #tpu.memory_space<vmem>>, vector<1024x128xf32>
    tpu.vector_store %arg7[%swap3A, %swap3A_36], %dot_general3A_35 {strides = array<i32>} : memref<1024x128xf32, #tpu.memory_space<vmem>>, vector<1024x128xf32>,
    return
  }
  func.func @transform_0(%arg0: i32) -> (i32, i32) {
    %c0_i32 = arith.constant 0 : i32
    %c0_i32_0 = arith.constant 0 : i32
    return %arg0, %c0_i32 : i32, i32
  }
  func.func @transform_1(%arg0: i32) -> (i32, i32) {
    %c0_i32 = arith.constant 0 : i32
    %c0_i32_0 = arith.constant 0 : i32
    return %arg0, %c0_i32 : i32, i32
  }
  func.func @transform_2(%arg0: i32) -> (i32, i32) {
    %c0_i32 = arith.constant 0 : i32
    %c0_i32_0 = arith.constant 0 : i32
    return %c0_i32, %arg0 : i32, i32
  }
  func.func @transform_3(%arg0: i32) -> (i32, i32) {
    %c0_i32 = arith.constant 0 : i32
    %c0_i32_0 = arith.constant 0 : i32
    return %c0_i32, %arg0 : i32, i32
  }
  func.func @transform_4(%arg0: i32) -> (i32, i32) {
    %c0_i32 = arith.constant 0 : i32
    %c0_i32_0 = arith.constant 0 : i32
    %c0_i32_1 = arith.constant 0 : i32
    return %c0_i32, %c0_i32_0 : i32, i32
  }
  func.func @transform_5(%arg0: i32) -> (i32, i32) {
    %c0_i32 = arith.constant 0 : i32
    %c0_i32_0 = arith.constant 0 : i32
    %c0_i32_1 = arith.constant 0 : i32
    return %c0_i32, %c0_i32_0 : i32, i32
  }
  func.func @transform_6(%arg0: i32) -> (i32, i32) {
    %c0_i32 = arith.constant 0 : i32
    %c0_i32_0 = arith.constant 0 : i32
    return %arg0, %c0_i32 : i32, i32
  }
}

module attributes {stable_mosaic.version = 14 : i64} {
  func.func @_final_body(%arg0: i32, %arg1: memref<1000x128xf32, #tpu.memory_space<vmem>>, %arg2: memref<1000x128xf32, #tpu.memory_space<vmem>>, %arg3: memref<1000x2xf32, #tpu.memory_space<vmem>>, %arg4: memref<1x128xf32, #tpu.memory_space<vmem>>, %arg5: memref<1000x128xf32, #tpu.memory_space<vmem>>) attributes {dimension_semantics = [#tpu.dimension_semantics<arbitrary>], iteration_bounds = array<i64: 10>, scalar_prefetch = 0 : i64, scratch_operands = 0 : i64, tpu.core_type = #tpu.core_type<tc>, window_params = [{transform_indices = @transform_0, window_bounds = array<i64: 1000, 128>}, {transform_indices = @transform_1, window_bounds = array<i64: 1000, 128>}, {transform_indices = @transform_2, window_bounds = array<i64: 1000, 2>}, {pipeline_mode = #tpu.pipeline_mode<synchronous>, transform_indices = @transform_3, window_bounds = array<i64: 1, 128>}, {transform_indices = @transform_4, window_bounds = array<i64: 1000, 128>}]} {
    %get3A = arith.constant 0 : index
    %get3A_0 = arith.constant 0 : index
    %get3A_1 = vector.load %arg3[%get3A, %get3A_0] : memref<1000x2xf32, #tpu.memory_space<vmem>>, vector<1000x2xf32>
    %reduce_sum3A = arith.constant dense<0.000000e+00> : vector<1000xf32>
    %reduce_sum3A_2 = vector.multi_reduction <add>, %get3A_1, %reduce_sum3A [1] : vector<1000x2xf32> to vector<1000xf32>
    %max3A = arith.constant 1.000000e+00 : f32
    %max3A_3 = vector.broadcast %max3A : f32 to vector<1000xf32>
    %max3A_4 = arith.maximumf %reduce_sum3A_2, %max3A_3 : vector<1000xf32>
    %rsqrt3A = math.rsqrt %max3A_4 : vector<1000xf32>
    %broadcast_in_dim3A = vector.shape_cast %rsqrt3A : vector<1000xf32> to vector<1000x1xf32>
    %get3A_5 = arith.constant 0 : index
    %get3A_6 = arith.constant 0 : index
    %get3A_7 = vector.load %arg1[%get3A_5, %get3A_6] : memref<1000x128xf32, #tpu.memory_space<vmem>>, vector<1000x128xf32>
    %get3A_8 = arith.constant 0 : index
    %get3A_9 = arith.constant 0 : index
    %get3A_10 = vector.load %arg2[%get3A_8, %get3A_9] : memref<1000x128xf32, #tpu.memory_space<vmem>>, vector<1000x128xf32>
    %add3A = arith.addf %get3A_7, %get3A_10 : vector<1000x128xf32>
    %mul3A = vector.broadcast %broadcast_in_dim3A : vector<1000x1xf32> to vector<1000x128xf32>
    %mul3A_11 = arith.mulf %add3A, %mul3A : vector<1000x128xf32>
    %get3A_12 = arith.constant 0 : index
    %get3A_13 = arith.constant 0 : index
    %get3A_14 = vector.load %arg4[%get3A_12, %get3A_13] : memref<1x128xf32, #tpu.memory_space<vmem>>, vector<1x128xf32>
    %add3A_15 = vector.broadcast %get3A_14 : vector<1x128xf32> to vector<1000x128xf32>
    %add3A_16 = arith.addf %mul3A_11, %add3A_15 : vector<1000x128xf32>
    %max3A_17 = arith.constant 0.000000e+00 : f32
    %max3A_18 = vector.broadcast %max3A_17 : f32 to vector<1000x128xf32>
    %max3A_19 = arith.maximumf %add3A_16, %max3A_18 : vector<1000x128xf32>
    %swap3A = arith.constant 0 : index
    %swap3A_20 = arith.constant 0 : index
    %swap3A_21 = vector.load %arg5[%swap3A, %swap3A_20] : memref<1000x128xf32, #tpu.memory_space<vmem>>, vector<1000x128xf32>
    tpu.vector_store %arg5[%swap3A, %swap3A_20], %max3A_19 {strides = array<i32>} : memref<1000x128xf32, #tpu.memory_space<vmem>>, vector<1000x128xf32>,
    return
  }
  func.func @transform_0(%arg0: i32) -> (i32, i32) {
    %c0_i32 = arith.constant 0 : i32
    %c0_i32_0 = arith.constant 0 : i32
    return %arg0, %c0_i32 : i32, i32
  }
  func.func @transform_1(%arg0: i32) -> (i32, i32) {
    %c0_i32 = arith.constant 0 : i32
    %c0_i32_0 = arith.constant 0 : i32
    return %arg0, %c0_i32 : i32, i32
  }
  func.func @transform_2(%arg0: i32) -> (i32, i32) {
    %c0_i32 = arith.constant 0 : i32
    %c0_i32_0 = arith.constant 0 : i32
    return %arg0, %c0_i32 : i32, i32
  }
  func.func @transform_3(%arg0: i32) -> (i32, i32) {
    %c0_i32 = arith.constant 0 : i32
    %c0_i32_0 = arith.constant 0 : i32
    %c0_i32_1 = arith.constant 0 : i32
    return %c0_i32, %c0_i32_0 : i32, i32
  }
  func.func @transform_4(%arg0: i32) -> (i32, i32) {
    %c0_i32 = arith.constant 0 : i32
    %c0_i32_0 = arith.constant 0 : i32
    return %arg0, %c0_i32 : i32, i32
  }
}

</mosaic_0001>

<sc_bundles>
// kernel: kernel.11.cloned.1.call-start
scs
__scs_entry_jumppad:
0x0: {  	(pc) =	sbr.rel $0x88, $3  }
0x1: {  	(tag) =	ssettag $0x0;
	lr =	simm.s32 $0x1  }
0x2: {  	[smem:$0x3F99] =	sst lr;
	_ =	strace $0xD0000000  }
0x3: {  	_ = 	snop  }
0x4: {  	_ = 	snop  }
0x5: {  	_ = 	snop  }
0x6: {  	_ = 	snop  }
0x7: {  	_ = 	snop  }
__scs_overlays_trampoline_lowered:
0x8: {  	[smem:$0x3FA8] =	sst s0  }
0x9: {  	[smem:$0x3FA9] =	sst s1  }
0xa: {  	[smem:$0x3FAA] =	sst s2  }
0xb: {  	[smem:$0x3FAB] =	sst s3  }
0xc: {  	[smem:$0x3FAC] =	sst s4  }
0xd: {  	[smem:$0x3FAD] =	sst s5  }
0xe: {  	[smem:$0x3FAE] =	sst s6  }
0xf: {  	[smem:$0x3FAF] =	sst s7  }
0x10: {  	[smem:$0x3FB0] =	sst s8  }
0x11: {  	[smem:$0x3FB1] =	sst s9;
	s0 =	simm.s32 @!p0 $0x0  }
0x12: {  	s1 =	sld [smem:$0x3F97];
	s0 =	simm.s32 @p0 $0x1  }
0x13: {  	[smem:$0x3FB2] =	sst s0;
	s0 =	simm.s32 @!p1 $0x0  }
0x14: {  	s2 =	sld [smem:$0x3F96];
	s0 =	simm.s32 @p1 $0x1  }
0x15: {  	[smem:$0x3FB3] =	sst s0;
	s0 =	simm.s32 @!p2 $0x0  }
0x16: {  	s3 =	sld [smem:$0x3FDB];
	s0 =	simm.s32 @p2 $0x1  }
0x17: {  	s4 =	simm.s32 $0x1BF5;
	[smem:$0x3FB5] =	sst s0  }
0x18: {  	s0 =	sld [smem:$0x3F98];
	_ =	swait.ge [sflag:s4], $0x0  }
0x19: {  	s7 =	sld [smem:$0x3F99]  }
0x1a: {  	s8 =	sadd.s32 $0xFFFFE003, lr  }
0x1b: {  	s9 =	sadd.s32 $0xFFFFFEF7, lr;
	s5 =	simm.s32 $0xFFFFFFFF;
	p2 =	slt.u32 s8, $0xFFFFF086  }
0x1c: {  	p1 =	slt.u32 s9, $0xF7A;
	s5 =	simm.s32 @!p2 $0x0  }
0x1d: {  	s5 =	simm.s32 @p1 $0x1;
	p0 =	seq.s32 s7, s2  }
0x1e: {  	s7 =	smul.u32 @!p0 $0xF7A, s2;
	p2 =	seq.s32 @!p0 s5, $0x0  }
0x1f: {  	s9 =	smul.u32 $0xF7A, s1;
	s8 =	simm.s32 @!p0 $0x1BF5;
	p2 =	por !p2, p0  }
0x20: {  	[sflag:s8] =	ssyncset.s32 @!p0 $0xFFFFF086;
	s6 =	sadd.s32 @!p0 s3, s7;
	s7 =	simm.s32 @!p0 $0x108  }
0x21: {  	s3 =	sadd.s32 s3, s9;
	s6 =	sadd.s32 @!p0 $0x88, s6;
	s7 =	simm.s32 @p2 $0x1082  }
0x22: {  	[simem:s7], [sflag:s8] =	dma.local @!p0 [hbm:s6], $0xF7A  }
0x23: {  	s9 =	sor.u32 $0xD0000000, s2;
	s6 =	simm.s32 $0x108;
	_ =	swait.ge @!p0 [sflag:s8], $0x0  }
0x24: {  	s3 =	sadd.s32 $0x88, s3;
	s6 =	simm.s32 @!p1 $0x1082;
	[sflag:s4] =	ssyncset.s32 $0xFFFFF086  }
0x25: {  	[simem:s6], [sflag:s4] =	dma.local [hbm:s3], $0xF7A  }
0x26: {  	[smem:$0x3F99] =	sst s1;
	(tag) =	ssettag s2;
	_ =	strace s9  }
0x27: {  	s1 =	sld [smem:$0x3FA9]  }
0x28: {  	s2 =	sld [smem:$0x3FAA]  }
0x29: {  	s4 =	sld [smem:$0x3FAC]  }
0x2a: {  	p0 =	seq.s32 s5, $0x0;
	s5 =	sld [smem:$0x3FAD]  }
0x2b: {  	s6 =	sld [smem:$0x3FAE]  }
0x2c: {  	s7 =	sld [smem:$0x3FAF]  }
0x2d: {  	s3 =	simm.s32 $0x108;
	s8 =	sld [smem:$0x3FB0]  }
0x2e: {  	s3 =	simm.s32 @!p0 $0x1082;
	s9 =	sld [smem:$0x3FB1]  }
0x2f: {  	lr =	sadd.s32 s0, s3;
	s0 =	sld [smem:$0x3FA8]  }
0x30: {  	s3 =	sld [smem:$0x3FAB]  }
0x31: {  	[smem:$0x3FB4] =	sst s10  }
0x32: {  	s10 =	sld [smem:$0x3FB2];
	_ =	sdelay $0x3  }
0x33: {  	p0 =	seq.s32 s10, $0x1;
	s10 =	sld [smem:$0x3FB4];
	_ =	sdelay $0x3  }
0x34: {  	[smem:$0x3FB4] =	sst s10  }
0x35: {  	s10 =	sld [smem:$0x3FB3];
	_ =	sdelay $0x3  }
0x36: {  	p1 =	seq.s32 s10, $0x1;
	s10 =	sld [smem:$0x3FB4];
	_ =	sdelay $0x3  }
0x37: {  	[smem:$0x3FB4] =	sst s10  }
0x38: {  	s10 =	sld [smem:$0x3FB5]  }
0x39: {  	_ = 	snop;
	(pc) =	sbr.ind lr, $3  }
0x3a: {  	_ = 	snop  }
0x3b: {  	_ = 	snop  }
0x3c: {  	p2 =	seq.s32 s10, $0x1;
	s10 =	sld [smem:$0x3FB4]  }
0x3d: {  	_ =	shalt  }
0x3e: {  	_ =	shalt  }
0x3f: {  	_ =	shalt  }
0x40: {  	_ =	shalt  }
0x41: {  	_ =	shalt  }
0x42: {  	_ =	shalt  }
0x43: {  	_ =	shalt  }
0x44: {  	_ =	shalt  }
0x45: {  	_ =	shalt  }
0x46: {  	_ =	shalt  }
0x47: {  	_ =	shalt  }
0x48: {  	_ =	shalt  }
0x49: {  	_ =	shalt  }
0x4a: {  	_ =	shalt  }
0x4b: {  	_ =	shalt  }
0x4c: {  	_ =	shalt  }
0x4d: {  	_ =	shalt  }
0x4e: {  	_ =	shalt  }
0x4f: {  	_ =	shalt  }
0x50: {  	_ =	shalt  }
0x51: {  	_ =	shalt  }
0x52: {  	_ =	shalt  }
0x53: {  	_ =	shalt  }
0x54: {  	_ =	shalt  }
0x55: {  	_ =	shalt  }
0x56: {  	_ =	shalt  }
0x57: {  	_ =	shalt  }
0x58: {  	_ =	shalt  }
0x59: {  	_ =	shalt  }
0x5a: {  	_ =	shalt  }
0x5b: {  	_ =	shalt  }
0x5c: {  	_ =	shalt  }
0x5d: {  	_ =	shalt  }
0x5e: {  	_ =	shalt  }
0x5f: {  	_ =	shalt  }
0x60: {  	_ =	shalt  }
0x61: {  	_ =	shalt  }
0x62: {  	_ =	shalt  }
0x63: {  	_ =	shalt  }
0x64: {  	_ =	shalt  }
0x65: {  	_ =	shalt  }
0x66: {  	_ =	shalt  }
0x67: {  	_ =	shalt  }
0x68: {  	_ =	shalt  }
0x69: {  	_ =	shalt  }
0x6a: {  	_ =	shalt  }
0x6b: {  	_ =	shalt  }
0x6c: {  	_ =	shalt  }
0x6d: {  	_ =	shalt  }
0x6e: {  	_ =	shalt  }
0x6f: {  	_ =	shalt  }
0x70: {  	_ =	shalt  }
0x71: {  	_ =	shalt  }
0x72: {  	_ =	shalt  }
0x73: {  	_ =	shalt  }
0x74: {  	_ =	shalt  }
0x75: {  	_ =	shalt  }
0x76: {  	_ =	shalt  }
0x77: {  	_ =	shalt  }
0x78: {  	_ =	shalt  }
0x79: {  	_ =	shalt  }
0x7a: {  	_ =	shalt  }
0x7b: {  	_ =	shalt  }
0x7c: {  	_ =	shalt  }
0x7d: {  	_ =	shalt  }
0x7e: {  	_ =	shalt  }
0x7f: {  	_ =	shalt  }
0x80: {  	_ =	shalt  }
0x81: {  	_ =	shalt  }
0x82: {  	_ =	shalt  }
0x83: {  	_ =	shalt  }
0x84: {  	_ =	shalt  }
0x85: {  	_ =	shalt  }
0x86: {  	_ =	shalt  }
0x87: {  	_ =	shalt  }
.Lfunc_end0:
.L_simem_size_0:
called_computation.1_lowered:
.L_overlay_start_0:
0x88: {  	s2 =	sld [smem:$0x3FD9]  }
0x89: {  	s3 =	sld [smem:$0x3FFE];
	_ =	sdelay $0x1  }
0x8a: {  	s1 =	srdreg.scid  }
0x8b: {  	s0 =	sand.u32 $0x1, s1  }
0x8c: {  	s17 =	sshll.u32 s0, $0xA;
	s2 =	sadd.s32 s3, s2  }
0x8d: {  	s2 =	sadd.s32 s2, s17  }
0x8e: {  	[smem:$0x3FC0] =	sst s2  }
0x8f: {  	_ = 	snop  }
0x90: {  	s2 =	sld [smem:$0x3FD0];
	(tm) =	ssettm $0x1  }
0x91: {  	s18 =	sld [smem:$0x3FFB];
	_ =	sdelay $0x3  }
0x92: {  	_ =	strace s18  }
0x93: {  	s3 =	sld [smem:$0x3FFC];
	_ =	sdelay $0x3  }
0x94: {  	_ =	strace s3  }
0x95: {  	s3 =	sld [smem:$0x3FFD];
	_ =	sdelay $0x3  }
0x96: {  	_ =	strace s3  }
0x97: {  	_ =	strace $0x8FFFFFFF  }
0x98: {  	s19 =	sld [smem:$0x3FDB];
	_ =	sdelay $0x1  }
0x99: {  	s4 =	simm.s32 $_scs_section_size  }
0x9a: {  	s5 =	simm.s32 $_size__tile_overlayer_lowered;
	s6 =	simm.s32 $_tile_overlayer_lowered  }
0x9b: {  	s22 =	simm.s32 $0x1BFF;
	s21 =	sshll.u32 s6, $0x1;
	s3 =	sadd.s32 s4, s19  }
0x9c: {  	s7 =	simm.s32 $0x0;
	s20 =	sshll.u32 s5, $0x1;
	s5 =	sadd.s32 s21, s3  }
0x9d: {  	[timem:s7], [sflag:s22] =	dma.local [hbm:s5], s20  }
0x9e: {  	_ =	swait.ge [sflag:s22], s20  }
0x9f: {  	s4 =	ssub.s32 $0x0, s20;
	[sflag:s22] =	ssyncset.done $0x0  }
0xa0: {  	[sflag:s22] =	ssyncadd.s32 s4;
	_ =	sdelay $0x1  }
0xa1: {  	s23 =	simm.s32 $0x1B8B  }
0xa2: {  	_ =	swait.ge [sflag:s23], $0x1  }
0xa3: {  	[sflag:s23] =	ssyncset.done $0x0  }
0xa4: {  	s25 =	simm.s32 $0x1B8E;
	s24 =	sld [smem:$0x3FFE];
	[sflag:s23] =	ssyncadd.s32 $0xFFFFFFFF  }
0xa5: {  	s26 =	simm.s32 $execute0_lowered;
	[smem:$0x3FD2] =	sst s25  }
0xa6: {  	s5 =	sshll.u32 s26, $0x1;
	_ =	strace $0x80000049;
	[dreg:$0x1] =	wrdreg $0xFFFFFFFF  }
0xa7: {  	s28 =	simm.s32 $_size_execute0_lowered;
	s3 =	sadd.s32 s3, s5;
	[dreg:$0x0] =	wrdreg $0x0  }
0xa8: {  	s5 =	sshll.u32 s28, $0x1;
	[dreg:$0x2] =	wrdreg s3  }
0xa9: {  	[dreg:$0x3] =	wrdreg s5  }
0xaa: {  	[dreg:$0x4] =	wrdreg $0xC0  }
0xab: {  	_ =	task [dreg:s7], $0x5FFFF  }
0xac: {  	[dreg:$0x1] =	wrdreg $0xFFFFFFFF  }
0xad: {  	[dreg:$0x0] =	wrdreg $0x60  }
0xae: {  	[dreg:$0x2] =	wrdreg s24  }
0xaf: {  	[dreg:$0x3] =	wrdreg s2  }
0xb0: {  	[dreg:$0x4] =	wrdreg $0xB0000  }
0xb1: {  	[dreg:$0x5] =	wrdreg $0x9  }
0xb2: {  	_ =	task.clear_ibuf [dreg:s7], $0x6FFFF;
	_ =	strace $0x90000049  }
0xb3: {  	s29 =	simm.s32 $0x9;
	_ =	strace $0x8000004B  }
0xb4: {  	_ =	swait.ge [sflag:s29], $0x1  }
0xb5: {  	[sflag:s29] =	ssyncadd.s32 $0xFFFFFFFF  }
0xb6: {  	_ =	strace $0x9000004B  }
0xb7: {  	_ =	sfence  }
0xb8: {  	s30 =	sld [smem:$0x0];
	_ =	sdelay $0x2  }
0xb9: {  	s31 =	sshll.u32 s1, $0xD;
	s1 =	sshrl.u32 s1, $0x2  }
0xba: {  	s3 =	sand.u32 $0x4000, s31;
	s1 =	sadd.s32 s1, s30  }
0xbb: {  	s0 =	sor.u32 s3, s0;
	s1 =	sshll.u32 s1, $0x11  }
0xbc: {  	s0 =	sor.u32 s1, s0  }
0xbd: {  	s0 =	sadd.s32 $0x8F2B, s0  }
0xbe: {  	[sflag:s0] =	ssyncadd.remote.s32 $0x1  }
0xbf: {  	_ =	sfence.sel $0xFFFF  }
0xc0: {  	[dreg:$0x0] =	wrdreg $0xFFFFFFFF;
	(pc) =	sbr.abs _section_cstart, $3  }
0xc1: {  	[dreg:$0x1] =	wrdreg $0xFFFFFFFF  }
0xc2: {  	_ =	task.clear_ibuf [dreg:s7], $0x2FFFF;
	_ =	strace $0x9FFFFFFF  }
0xc3: {  	(tm) =	ssettm $0x7FFFFFFF  }
tec
execute0_lowered:
.L_overlay_start_1:
0x0: {  	(tag) =	ssettag $0x1  }
0x1: {  	s0 =	rddreg [dreg:$0x0]  }
0x2: {  	s2 =	rddreg [dreg:$0x1]  }
0x3: {  	s1 =	rddreg [dreg:$0x2];
	s3 =	simm.s32 $0x0  }
0x4: {  	s4 =	srdreg.scid;
	s12 =	stileid.u32;
	s23 =	simm.s32 $0x100  }
0x5: {  	s25 =	simm.s32 $0x880;
	s13 =	simm.s32 $0x280;
	s28 =	simm.s32 $0x1  }
0x6: {  	s29 =	simm.s32 $0x4;
	s30 =	simm.s32 $0x2;
	s31 =	simm.s32 $0x580  }
0x7: {  	[smem:$0x7FF] =	sst s3;
	s5 =	sand.u32 $0x1, s4;
	s7 =	smul.u32 $0x14000, s12  }
0x8: {  	s4 =	sadd.s32 $0xE000, s0;
	s8 =	sadd.s32 $0x2A00, s0;
	s15 =	smul.u32 $0x50000, s12  }
0x9: {  	s6 =	smul.u32 $0x140000, s5;
	_ =	strace $0x8000004A;
	[dreg:$0x6] =	wrdreg s23  }
0xa: {  	s9 =	sshll.u32 s5, $0x4;
	s10 =	ssub.s32 $0x2, s5;
	[dreg:$0x7] =	wrdreg s25  }
0xb: {  	s11 =	smul.u32 $0x5000, s5;
	s5 =	simm.s32 $0x180;
	[dreg:$0xc] =	wrdreg s13  }
0xc: {  	s18 =	smul.u32 $0x500, s12;
	s23 =	simm.s32 $0xB80;
	[dreg:$0x8] =	wrdreg s5  }
0xd: {  	s25 =	simm.s32 $0x500;
	s13 =	simm.s32 $0xF80;
	[dreg:$0x12] =	wrdreg s23  }
0xe: {  	s17 =	sshrl.u32 s15, $0x2;
	s15 =	simm.s32 $0xA00;
	[dreg:$0x14] =	wrdreg s25  }
0xf: {  	s6 =	sadd.s32 s7, s6;
	s7 =	simm.s32 $0x900;
	[dreg:$0xd] =	wrdreg s15  }
0x10: {  	s9 =	sor.u32 s12, s9;
	s17 =	sadd.s32 s17, s1;
	[dreg:$0x9] =	wrdreg s7  }
0x11: {  	s16 =	sshrl.u32 s10, $0x1;
	s24 =	sadd.s32 $0x2000, s17;
	[dreg:$0x16] =	wrdreg s17  }
0x12: {  	s23 =	simm.s32 $0xC00;
	s26 =	sadd.s32 $0x4000, s17;
	[dreg:$0x1b] =	wrdreg s24  }
0x13: {  	s9 =	smul.u32 $0x500, s9;
	s12 =	sadd.s32 $0xC000, s17;
	[dreg:$0x1c] =	wrdreg s26  }
0x14: {  	s25 =	simm.s32 $0x1000;
	s14 =	sadd.s32 $0xE000, s17;
	[smem:$0x7FA] =	sst s12  }
0x15: {  	s6 =	sshrl.u32 s6, $0x3;
	s19 =	sadd.s32 s8, s9;
	[smem:$0x7FB] =	sst s14  }
0x16: {  	s0 =	sadd.s32 s6, s0;
	s20 =	sadd.s32 s2, s9;
	[dreg:$0x17] =	wrdreg s19  }
0x17: {  	s6 =	ssub.s32 s10, s16;
	s10 =	sadd.s32 $0xA000, s17;
	[dreg:$0x18] =	wrdreg s20  }
0x18: {  	s8 =	sadd.s32 s11, s8;
	s9 =	simm.s32 $0x200;
	[dreg:$0x1f] =	wrdreg s10  }
0x19: {  	s2 =	sadd.s32 s11, s2;
	s11 =	simm.s32 $0x980;
	[dreg:$0xa] =	wrdreg s9  }
0x1a: {  	s7 =	simm.s32 $0x680;
	s16 =	sadd.s32 $0x10000, s17;
	[dreg:$0xb] =	wrdreg s11  }
0x1b: {  	s24 =	simm.s32 $0x480;
	s26 =	simm.s32 $0xC80;
	[smem:$0x7FC] =	sst s16  }
0x1c: {  	s12 =	simm.s32 $0xF00;
	s14 =	simm.s32 $0x0;
	[dreg:$0x13] =	wrdreg s24  }
0x1d: {  	s8 =	sadd.s32 s18, s8;
	s0 =	sadd.s32 $0x36000, s0;
	[dreg:$0x15] =	wrdreg s26  }
0x1e: {  	s21 =	sadd.s32 s18, s2;
	s22 =	smax.u32 s6, $0x1;
	[dreg:$0x19] =	wrdreg s0  }
0x1f: {  	s6 =	sadd.s32 $0x6000, s17;
	s18 =	simm.s32 $0x300;
	[dreg:$0x4] =	wrdreg s8  }
0x20: {  	s19 =	sadd.s32 $0x12000, s17;
	s20 =	simm.s32 $0xA80;
	[dreg:$0x1a] =	wrdreg s22  }
0x21: {  	s24 =	simm.s32 $0x80;
	s26 =	simm.s32 $0x5000;
	[dreg:$0x5] =	wrdreg s21  }
0x22: {  	s2 =	simm.s32 $0x600;
	s9 =	simm.s32 $0x700;
	[dreg:$0x1d] =	wrdreg s6  }
0x23: {  	s10 =	simm.s32 $0xE80;
	s11 =	simm.s32 $0x780;
	[smem:$0x7FD] =	sst s19  }
0x24: {  	s8 =	sadd.s32 $0x8000, s17;
	[dreg:$0xe] =	wrdreg s18;
	s19 =	simm.s32 $0x9000  }
0x25: {  	[dreg:$0xf] =	wrdreg s20;
	s21 =	simm.s32 $0x380;
	s20 =	simm.s32 $0x3  }
0x26: {  	s22 =	simm.s32 $0xB00;
	s0 =	simm.s32 $0xD00;
	[dreg:$0x1e] =	wrdreg s8  }
0x27: {  	s6 =	simm.s32 $0xD80;
	[dreg:$0x10] =	wrdreg s21;
	s21 =	simm.s32 $0x800  }
0x28: {  	v0 =	vimm.f32 $0.0e+00;
	[dreg:$0x11] =	wrdreg s22;
	s22 =	simm.s32 $0x400;
	s8 =	simm.s32 $0xE00  }
.LBB2_1:
0x29: {  	s15 =	simm.s32 $0x0;
	s16 =	simm.s32 $0x200  }
.LBB2_2:
0x2a: {  	p0 =	sne.s32 s16, $0x7E00;
	[tilespmem:s15+$0x9070] =	vst v0  }
0x2b: {  	[tilespmem:s15+$0x9000] =	vst v0  }
0x2c: {  	[tilespmem:s15+$0x9010] =	vst v0  }
.Ltmp0:
0x2d: {  	[tilespmem:s15+$0x9020] =	vst v0;
	(pc) =	sbr.rel @p0 .LBB2_2-.Ltmp0, $4  }
0x2e: {  	[tilespmem:s15+$0x9030] =	vst v0  }
0x2f: {  	[tilespmem:s15+$0x9040] =	vst v0  }
0x30: {  	[tilespmem:s15+$0x9050] =	vst v0  }
0x31: {  	[tilespmem:s15+$0x9060] =	vst v0;
	s15 =	sshra.s32 s16, $0x2;
	s16 =	sadd.s32 $0x200, s16  }
0x32: {  	[tilespmem:s15+$0x9070] =	vst v0  }
0x33: {  	[tilespmem:s15+$0x9000] =	vst v0  }
0x34: {  	[tilespmem:s15+$0x9010] =	vst v0  }
0x35: {  	[tilespmem:s15+$0x9020] =	vst v0  }
0x36: {  	[tilespmem:s15+$0x9030] =	vst v0  }
0x37: {  	[tilespmem:s15+$0x9040] =	vst v0  }
0x38: {  	[tilespmem:s15+$0x9050] =	vst v0  }
0x39: {  	[tilespmem:s15+$0x9060] =	vst v0;
	s5 =	rddreg [dreg:$0x1b]  }
0x3a: {  	[spmem:s17] =	stream.linear.scatter [tilespmem:s19], [sflag:$0x3], $0x2000, $0x38;
	[tilespmem:$0x1F000] =	vst v63  }
0x3b: {  	s18 =	rddreg [dreg:$0x1d]  }
0x3c: {  	[spmem:s5] =	stream.linear.scatter [tilespmem:s19], [sflag:$0x3], $0x2000, $0x38;
	[tilespmem:$0x1F000] =	vst v63  }
0x3d: {  	s17 =	rddreg [dreg:$0x1c]  }
0x3e: {  	[spmem:s17] =	stream.linear.scatter [tilespmem:s19], [sflag:$0x3], $0x2000, $0x38;
	[tilespmem:$0x1F000] =	vst v63  }
0x3f: {  	s15 =	rddreg [dreg:$0x1e]  }
0x40: {  	[spmem:s18] =	stream.linear.scatter [tilespmem:s19], [sflag:$0x3], $0x2000, $0x38;
	[tilespmem:$0x1F000] =	vst v63  }
0x41: {  	s16 =	rddreg [dreg:$0x1f]  }
0x42: {  	[spmem:s15] =	stream.linear.scatter [tilespmem:s19], [sflag:$0x3], $0x2000, $0x38;
	[tilespmem:$0x1F000] =	vst v63  }
0x43: {  	s17 =	sld [smem:$0x7FA]  }
0x44: {  	[spmem:s16] =	stream.linear.scatter [tilespmem:s19], [sflag:$0x3], $0x2000, $0x38;
	[tilespmem:$0x1F000] =	vst v63  }
0x45: {  	s18 =	sld [smem:$0x7FB]  }
0x46: {  	[spmem:s17] =	stream.linear.scatter [tilespmem:s19], [sflag:$0x3], $0x2000, $0x38;
	[tilespmem:$0x1F000] =	vst v63  }
0x47: {  	s15 =	sld [smem:$0x7FC]  }
0x48: {  	[spmem:s18] =	stream.linear.scatter [tilespmem:s19], [sflag:$0x3], $0x2000, $0x38;
	[tilespmem:$0x1F000] =	vst v63  }
0x49: {  	s16 =	sld [smem:$0x7FD]  }
0x4a: {  	[spmem:s15] =	stream.linear.scatter [tilespmem:s19], [sflag:$0x3], $0x2000, $0x38;
	[tilespmem:$0x1F000] =	vst v63  }
0x4b: {  	_ = 	snop  }
0x4c: {  	[spmem:s16] =	stream.linear.scatter [tilespmem:s19], [sflag:$0x3], $0x2000, $0x38;
	[tilespmem:$0x1F000] =	vst v63  }
0x4d: {  	_ =	swait.ge [sflag:s20], $0x2000  }
0x4e: {  	[sflag:s20] =	ssyncset.done $0x0  }
0x4f: {  	[sflag:s20] =	ssyncadd.s32 $0xFFFFE000  }
0x50: {  	_ =	swait.ge [sflag:s20], $0x2000  }
0x51: {  	[sflag:s20] =	ssyncset.done $0x0  }
0x52: {  	[sflag:s20] =	ssyncadd.s32 $0xFFFFE000  }
0x53: {  	_ =	swait.ge [sflag:s20], $0x2000  }
0x54: {  	[sflag:s20] =	ssyncset.done $0x0  }
0x55: {  	[sflag:s20] =	ssyncadd.s32 $0xFFFFE000  }
0x56: {  	_ =	swait.ge [sflag:s20], $0x2000  }
0x57: {  	[sflag:s20] =	ssyncset.done $0x0  }
0x58: {  	[sflag:s20] =	ssyncadd.s32 $0xFFFFE000  }
0x59: {  	_ =	swait.ge [sflag:s20], $0x2000  }
0x5a: {  	[sflag:s20] =	ssyncset.done $0x0  }
0x5b: {  	[sflag:s20] =	ssyncadd.s32 $0xFFFFE000  }
0x5c: {  	_ =	swait.ge [sflag:s20], $0x2000  }
0x5d: {  	[sflag:s20] =	ssyncset.done $0x0  }
0x5e: {  	[sflag:s20] =	ssyncadd.s32 $0xFFFFE000  }
0x5f: {  	_ =	swait.ge [sflag:s20], $0x2000  }
0x60: {  	[sflag:s20] =	ssyncset.done $0x0  }
0x61: {  	[sflag:s20] =	ssyncadd.s32 $0xFFFFE000  }
0x62: {  	_ =	swait.ge [sflag:s20], $0x2000  }
0x63: {  	[sflag:s20] =	ssyncset.done $0x0  }
0x64: {  	[sflag:s20] =	ssyncadd.s32 $0xFFFFE000  }
0x65: {  	_ =	swait.ge [sflag:s20], $0x2000  }
0x66: {  	[sflag:s20] =	ssyncset.done $0x0  }
0x67: {  	[sflag:s20] =	ssyncadd.s32 $0xFFFFE000  }
0x68: {  	_ =	swait.ge [sflag:s20], $0x2000  }
0x69: {  	[sflag:s20] =	ssyncset.done $0x0  }
0x6a: {  	[sflag:s20] =	ssyncadd.s32 $0xFFFFE000  }
0x6b: {  	[bflag:$0x0] =	sbarrier.arrive $0xFFFF  }
0x6c: {  	s17 =	simm.s32 $0x0;
	s18 =	rddreg [dreg:$0x17]  }
0x6d: {  	[tilespmem:s17], [sflag:$0x3] =	stream.linear.gather [hbm4b:s18+s17], $0x400, $0x38;
	[tilespmem:$0x1F000] =	vst v63  }
0x6e: {  	s16 =	rddreg [dreg:$0x18]  }
0x6f: {  	[tilespmem:s21], [sflag:$0x3] =	stream.linear.gather [hbm4b:s16+s17], $0x400, $0x38;
	[tilespmem:$0x1F000] =	vst v63  }
0x70: {  	_ =	swait.ge [sflag:s20], $0x400  }
0x71: {  	[sflag:s20] =	ssyncset.done $0x0  }
0x72: {  	[sflag:s20] =	ssyncadd.s32 $0xFFFFFC00  }
0x73: {  	_ =	swait.ge [sflag:s20], $0x400  }
0x74: {  	s17 =	rddreg [dreg:$0x4]  }
0x75: {  	s16 =	rddreg [dreg:$0x5];
	[sflag:s20] =	ssyncset.done $0x0;
	s15 =	sadd.s32 $0x0, s17  }
0x76: {  	[sflag:s20] =	ssyncadd.s32 $0xFFFFFC00;
	s16 =	sadd.s32 $0x0, s16;
	s18 =	sadd.s32 $0x80, s15  }
0x77: {  	[tilespmem:s22], [sflag:$0x3] =	stream.linear.gather [hbm4b:s18+s3], $0x400, $0x38;
	[tilespmem:$0x1F000] =	vst v63  }
0x78: {  	s5 =	sadd.s32 $0x80, s16  }
0x79: {  	[tilespmem:s23], [sflag:$0x3] =	stream.linear.gather [hbm4b:s5+s3], $0x400, $0x38;
	[tilespmem:$0x1F000] =	vst v63  }
0x7a: {  	_ = 	snop  }
0x7b: {  	[tilespmem:s25], [sflag:$0x1] =	stream.indirect.gather [hbm4b:s4+s24], $0x80, s3, s24, $0xb8;
	[tilespmem:$0x1F000] =	vst v63  }
0x7c: {  	_ = 	snop  }
0x7d: {  	[tilespmem:s26], [sflag:$0x2] =	stream.indirect.gather [hbm4b:s4+s24], $0x80, s24, s24, $0xb8;
	[tilespmem:$0x1F000] =	vst v63  }
0x7e: {  	_ =	swait.ge [sflag:s28], $0x4000  }
0x7f: {  	[sflag:s28] =	ssyncset.done $0x0  }
0x80: {  	[sflag:s28] =	ssyncadd.s32 $0xFFFFC000  }
0x81: {  	[spmem:s1] =	stream.indirect.scatter.add.f32 [tilespmem:s25], [sflag:$0x4], $0x80, s21, s24, $0xb8;
	[tilespmem:$0x1F000] =	vst v63  }
0x82: {  	_ =	swait.ge [sflag:s29], $0x4000  }
0x83: {  	[sflag:s29] =	ssyncset.done $0x0  }
0x84: {  	s18 =	rddreg [dreg:$0x6];
	[sflag:s29] =	ssyncadd.s32 $0xFFFFC000  }
0x85: {  	[tilespmem:s25], [sflag:$0x1] =	stream.indirect.gather [hbm4b:s4+s24], $0x80, s18, s24, $0xb8;
	[tilespmem:$0x1F000] =	vst v63  }
0x86: {  	_ =	swait.ge [sflag:s30], $0x4000  }
0x87: {  	[sflag:s30] =	ssyncset.done $0x0  }
0x88: {  	s5 =	rddreg [dreg:$0x7];
	[sflag:s30] =	ssyncadd.s32 $0xFFFFC000  }
0x89: {  	[spmem:s1] =	stream.indirect.scatter.add.f32 [tilespmem:s26], [sflag:$0x4], $0x80, s5, s24, $0xb8;
	[tilespmem:$0x1F000] =	vst v63  }
0x8a: {  	_ =	swait.ge [sflag:s29], $0x4000  }
0x8b: {  	[sflag:s29] =	ssyncset.done $0x0  }
0x8c: {  	s18 =	rddreg [dreg:$0x8];
	[sflag:s29] =	ssyncadd.s32 $0xFFFFC000  }
0x8d: {  	[tilespmem:s26], [sflag:$0x2] =	stream.indirect.gather [hbm4b:s4+s24], $0x80, s18, s24, $0xb8;
	[tilespmem:$0x1F000] =	vst v63  }
0x8e: {  	_ =	swait.ge [sflag:s28], $0x4000  }
0x8f: {  	[sflag:s28] =	ssyncset.done $0x0  }
0x90: {  	s5 =	rddreg [dreg:$0x9];
	[sflag:s28] =	ssyncadd.s32 $0xFFFFC000  }
0x91: {  	[spmem:s1] =	stream.indirect.scatter.add.f32 [tilespmem:s25], [sflag:$0x4], $0x80, s5, s24, $0xb8;
	[tilespmem:$0x1F000] =	vst v63  }
0x92: {  	_ =	swait.ge [sflag:s29], $0x4000  }
0x93: {  	[sflag:s29] =	ssyncset.done $0x0  }
0x94: {  	s18 =	rddreg [dreg:$0xa];
	[sflag:s29] =	ssyncadd.s32 $0xFFFFC000  }
0x95: {  	[tilespmem:s25], [sflag:$0x1] =	stream.indirect.gather [hbm4b:s4+s24], $0x80, s18, s24, $0xb8;
	[tilespmem:$0x1F000] =	vst v63  }
0x96: {  	_ =	swait.ge [sflag:s30], $0x4000  }
0x97: {  	[sflag:s30] =	ssyncset.done $0x0  }
0x98: {  	s5 =	rddreg [dreg:$0xb];
	[sflag:s30] =	ssyncadd.s32 $0xFFFFC000  }
0x99: {  	[spmem:s1] =	stream.indirect.scatter.add.f32 [tilespmem:s26], [sflag:$0x4], $0x80, s5, s24, $0xb8;
	[tilespmem:$0x1F000] =	vst v63  }
0x9a: {  	_ =	swait.ge [sflag:s29], $0x4000  }
0x9b: {  	[sflag:s29] =	ssyncset.done $0x0  }
0x9c: {  	s18 =	rddreg [dreg:$0xc];
	[sflag:s29] =	ssyncadd.s32 $0xFFFFC000  }
0x9d: {  	[tilespmem:s26], [sflag:$0x2] =	stream.indirect.gather [hbm4b:s4+s24], $0x80, s18, s24, $0xb8;
	[tilespmem:$0x1F000] =	vst v63  }
0x9e: {  	_ =	swait.ge [sflag:s28], $0x4000  }
0x9f: {  	[sflag:s28] =	ssyncset.done $0x0  }
0xa0: {  	s5 =	rddreg [dreg:$0xd];
	[sflag:s28] =	ssyncadd.s32 $0xFFFFC000  }
0xa1: {  	[spmem:s1] =	stream.indirect.scatter.add.f32 [tilespmem:s25], [sflag:$0x4], $0x80, s5, s24, $0xb8;
	[tilespmem:$0x1F000] =	vst v63  }
0xa2: {  	_ =	swait.ge [sflag:s29], $0x4000  }
0xa3: {  	[sflag:s29] =	ssyncset.done $0x0  }
0xa4: {  	s18 =	rddreg [dreg:$0xe];
	[sflag:s29] =	ssyncadd.s32 $0xFFFFC000  }
0xa5: {  	[tilespmem:s25], [sflag:$0x1] =	stream.indirect.gather [hbm4b:s4+s24], $0x80, s18, s24, $0xb8;
	[tilespmem:$0x1F000] =	vst v63  }
0xa6: {  	_ =	swait.ge [sflag:s30], $0x4000  }
0xa7: {  	[sflag:s30] =	ssyncset.done $0x0  }
0xa8: {  	s5 =	rddreg [dreg:$0xf];
	[sflag:s30] =	ssyncadd.s32 $0xFFFFC000  }
0xa9: {  	[spmem:s1] =	stream.indirect.scatter.add.f32 [tilespmem:s26], [sflag:$0x4], $0x80, s5, s24, $0xb8;
	[tilespmem:$0x1F000] =	vst v63  }
0xaa: {  	_ =	swait.ge [sflag:s29], $0x4000  }
0xab: {  	[sflag:s29] =	ssyncset.done $0x0  }
0xac: {  	s18 =	rddreg [dreg:$0x10];
	[sflag:s29] =	ssyncadd.s32 $0xFFFFC000  }
0xad: {  	[tilespmem:s26], [sflag:$0x2] =	stream.indirect.gather [hbm4b:s4+s24], $0x80, s18, s24, $0xb8;
	[tilespmem:$0x1F000] =	vst v63  }
0xae: {  	_ =	swait.ge [sflag:s28], $0x4000  }
0xaf: {  	[sflag:s28] =	ssyncset.done $0x0  }
0xb0: {  	s5 =	rddreg [dreg:$0x11];
	[sflag:s28] =	ssyncadd.s32 $0xFFFFC000  }
0xb1: {  	[spmem:s1] =	stream.indirect.scatter.add.f32 [tilespmem:s25], [sflag:$0x4], $0x80, s5, s24, $0xb8;
	[tilespmem:$0x1F000] =	vst v63  }
0xb2: {  	_ =	swait.ge [sflag:s29], $0x4000  }
0xb3: {  	[sflag:s29] =	ssyncset.done $0x0  }
0xb4: {  	[sflag:s29] =	ssyncadd.s32 $0xFFFFC000  }
0xb5: {  	_ =	swait.ge [sflag:s30], $0x4000  }
0xb6: {  	[sflag:s30] =	ssyncset.done $0x0  }
0xb7: {  	s18 =	rddreg [dreg:$0x12];
	[sflag:s30] =	ssyncadd.s32 $0xFFFFC000  }
0xb8: {  	[spmem:s1] =	stream.indirect.scatter.add.f32 [tilespmem:s26], [sflag:$0x4], $0x80, s18, s24, $0xb8;
	[tilespmem:$0x1F000] =	vst v63  }
0xb9: {  	_ =	swait.ge [sflag:s29], $0x4000  }
0xba: {  	[sflag:s29] =	ssyncset.done $0x0  }
0xbb: {  	[sflag:s29] =	ssyncadd.s32 $0xFFFFC000  }
0xbc: {  	_ =	swait.ge [sflag:s20], $0x400  }
0xbd: {  	[sflag:s20] =	ssyncset.done $0x0  }
0xbe: {  	[sflag:s20] =	ssyncadd.s32 $0xFFFFFC00  }
0xbf: {  	_ =	swait.ge [sflag:s20], $0x400  }
0xc0: {  	[sflag:s20] =	ssyncset.done $0x0  }
0xc1: {  	s15 =	sadd.s32 $0x100, s15;
	[sflag:s20] =	ssyncadd.s32 $0xFFFFFC00  }
0xc2: {  	[tilespmem:s3], [sflag:$0x3] =	stream.linear.gather [hbm4b:s15+s3], $0x400, $0x38;
	[tilespmem:$0x1F000] =	vst v63  }
0xc3: {  	s5 =	sadd.s32 $0x100, s16  }
0xc4: {  	[tilespmem:s21], [sflag:$0x3] =	stream.linear.gather [hbm4b:s5+s3], $0x400, $0x38;
	[tilespmem:$0x1F000] =	vst v63  }
0xc5: {  	_ = 	snop  }
0xc6: {  	[tilespmem:s25], [sflag:$0x1] =	stream.indirect.gather [hbm4b:s4+s24], $0x80, s22, s24, $0xb8;
	[tilespmem:$0x1F000] =	vst v63  }
0xc7: {  	s16 =	rddreg [dreg:$0x13]  }
0xc8: {  	[tilespmem:s26], [sflag:$0x2] =	stream.indirect.gather [hbm4b:s4+s24], $0x80, s16, s24, $0xb8;
	[tilespmem:$0x1F000] =	vst v63  }
0xc9: {  	_ =	swait.ge [sflag:s28], $0x4000  }
0xca: {  	[sflag:s28] =	ssyncset.done $0x0  }
0xcb: {  	[sflag:s28] =	ssyncadd.s32 $0xFFFFC000  }
0xcc: {  	[spmem:s1] =	stream.indirect.scatter.add.f32 [tilespmem:s25], [sflag:$0x4], $0x80, s23, s24, $0xb8;
	[tilespmem:$0x1F000] =	vst v63  }
0xcd: {  	_ =	swait.ge [sflag:s29], $0x4000  }
0xce: {  	[sflag:s29] =	ssyncset.done $0x0  }
0xcf: {  	s17 =	rddreg [dreg:$0x14];
	[sflag:s29] =	ssyncadd.s32 $0xFFFFC000  }
0xd0: {  	[tilespmem:s25], [sflag:$0x1] =	stream.indirect.gather [hbm4b:s4+s24], $0x80, s17, s24, $0xb8;
	[tilespmem:$0x1F000] =	vst v63  }
0xd1: {  	_ =	swait.ge [sflag:s30], $0x4000  }
0xd2: {  	[sflag:s30] =	ssyncset.done $0x0  }
0xd3: {  	s18 =	rddreg [dreg:$0x15];
	[sflag:s30] =	ssyncadd.s32 $0xFFFFC000  }
0xd4: {  	[spmem:s1] =	stream.indirect.scatter.add.f32 [tilespmem:s26], [sflag:$0x4], $0x80, s18, s24, $0xb8;
	[tilespmem:$0x1F000] =	vst v63  }
0xd5: {  	_ =	swait.ge [sflag:s29], $0x4000  }
0xd6: {  	[sflag:s29] =	ssyncset.done $0x0  }
0xd7: {  	[sflag:s29] =	ssyncadd.s32 $0xFFFFC000  }
0xd8: {  	[tilespmem:s26], [sflag:$0x2] =	stream.indirect.gather [hbm4b:s4+s24], $0x80, s31, s24, $0xb8;
	[tilespmem:$0x1F000] =	vst v63  }
0xd9: {  	_ =	swait.ge [sflag:s28], $0x4000  }
0xda: {  	[sflag:s28] =	ssyncset.done $0x0  }
0xdb: {  	[sflag:s28] =	ssyncadd.s32 $0xFFFFC000  }
0xdc: {  	[spmem:s1] =	stream.indirect.scatter.add.f32 [tilespmem:s25], [sflag:$0x4], $0x80, s0, s24, $0xb8;
	[tilespmem:$0x1F000] =	vst v63  }
0xdd: {  	_ =	swait.ge [sflag:s29], $0x4000  }
0xde: {  	[sflag:s29] =	ssyncset.done $0x0  }
0xdf: {  	[sflag:s29] =	ssyncadd.s32 $0xFFFFC000  }
0xe0: {  	[tilespmem:s25], [sflag:$0x1] =	stream.indirect.gather [hbm4b:s4+s24], $0x80, s2, s24, $0xb8;
	[tilespmem:$0x1F000] =	vst v63  }
0xe1: {  	_ =	swait.ge [sflag:s30], $0x4000  }
0xe2: {  	[sflag:s30] =	ssyncset.done $0x0  }
0xe3: {  	[sflag:s30] =	ssyncadd.s32 $0xFFFFC000  }
0xe4: {  	[spmem:s1] =	stream.indirect.scatter.add.f32 [tilespmem:s26], [sflag:$0x4], $0x80, s6, s24, $0xb8;
	[tilespmem:$0x1F000] =	vst v63  }
0xe5: {  	_ =	swait.ge [sflag:s29], $0x4000  }
0xe6: {  	[sflag:s29] =	ssyncset.done $0x0  }
0xe7: {  	[sflag:s29] =	ssyncadd.s32 $0xFFFFC000  }
0xe8: {  	[tilespmem:s26], [sflag:$0x2] =	stream.indirect.gather [hbm4b:s4+s24], $0x80, s7, s24, $0xb8;
	[tilespmem:$0x1F000] =	vst v63  }
0xe9: {  	_ =	swait.ge [sflag:s28], $0x4000  }
0xea: {  	[sflag:s28] =	ssyncset.done $0x0  }
0xeb: {  	[sflag:s28] =	ssyncadd.s32 $0xFFFFC000  }
0xec: {  	[spmem:s1] =	stream.indirect.scatter.add.f32 [tilespmem:s25], [sflag:$0x4], $0x80, s8, s24, $0xb8;
	[tilespmem:$0x1F000] =	vst v63  }
0xed: {  	_ =	swait.ge [sflag:s29], $0x4000  }
0xee: {  	[sflag:s29] =	ssyncset.done $0x0  }
0xef: {  	[sflag:s29] =	ssyncadd.s32 $0xFFFFC000  }
0xf0: {  	[tilespmem:s25], [sflag:$0x1] =	stream.indirect.gather [hbm4b:s4+s24], $0x80, s9, s24, $0xb8;
	[tilespmem:$0x1F000] =	vst v63  }
0xf1: {  	_ =	swait.ge [sflag:s30], $0x4000  }
0xf2: {  	[sflag:s30] =	ssyncset.done $0x0  }
0xf3: {  	[sflag:s30] =	ssyncadd.s32 $0xFFFFC000  }
0xf4: {  	[spmem:s1] =	stream.indirect.scatter.add.f32 [tilespmem:s26], [sflag:$0x4], $0x80, s10, s24, $0xb8;
	[tilespmem:$0x1F000] =	vst v63  }
0xf5: {  	_ =	swait.ge [sflag:s29], $0x4000  }
0xf6: {  	[sflag:s29] =	ssyncset.done $0x0  }
0xf7: {  	[sflag:s29] =	ssyncadd.s32 $0xFFFFC000  }
0xf8: {  	[tilespmem:s26], [sflag:$0x2] =	stream.indirect.gather [hbm4b:s4+s24], $0x80, s11, s24, $0xb8;
	[tilespmem:$0x1F000] =	vst v63  }
0xf9: {  	_ =	swait.ge [sflag:s28], $0x4000  }
0xfa: {  	[sflag:s28] =	ssyncset.done $0x0  }
0xfb: {  	[sflag:s28] =	ssyncadd.s32 $0xFFFFC000  }
0xfc: {  	[spmem:s1] =	stream.indirect.scatter.add.f32 [tilespmem:s25], [sflag:$0x4], $0x80, s12, s24, $0xb8;
	[tilespmem:$0x1F000] =	vst v63  }
0xfd: {  	_ =	swait.ge [sflag:s29], $0x4000  }
0xfe: {  	[sflag:s29] =	ssyncset.done $0x0  }
0xff: {  	[sflag:s29] =	ssyncadd.s32 $0xFFFFC000  }
0x100: {  	_ =	swait.ge [sflag:s30], $0x4000  }
0x101: {  	[sflag:s30] =	ssyncset.done $0x0  }
0x102: {  	[sflag:s30] =	ssyncadd.s32 $0xFFFFC000  }
0x103: {  	[spmem:s1] =	stream.indirect.scatter.add.f32 [tilespmem:s26], [sflag:$0x4], $0x80, s13, s24, $0xb8;
	[tilespmem:$0x1F000] =	vst v63  }
0x104: {  	s15 =	simm.s32 $0x100;
	_ =	swait.ge [sflag:s29], $0x4000  }
.LBB2_4:
0x105: {  	[sflag:s29] =	ssyncset.done $0x0  }
0x106: {  	[sflag:s29] =	ssyncadd.s32 $0xFFFFC000  }
0x107: {  	_ =	swait.ge [sflag:s20], $0x400  }
0x108: {  	[sflag:s20] =	ssyncset.done $0x0  }
0x109: {  	[sflag:s20] =	ssyncadd.s32 $0xFFFFFC00  }
0x10a: {  	_ =	swait.ge [sflag:s20], $0x400  }
0x10b: {  	s17 =	smov.u32 s15;
	s16 =	rddreg [dreg:$0x4]  }
0x10c: {  	s18 =	rddreg [dreg:$0x5];
	[sflag:s20] =	ssyncset.done $0x0;
	s16 =	sadd.s32 s17, s16  }
0x10d: {  	[sflag:s20] =	ssyncadd.s32 $0xFFFFFC00;
	s17 =	sadd.s32 s17, s18;
	s5 =	sadd.s32 $0x80, s16  }
0x10e: {  	[tilespmem:s22], [sflag:$0x3] =	stream.linear.gather [hbm4b:s5+s3], $0x400, $0x38;
	[tilespmem:$0x1F000] =	vst v63  }
0x10f: {  	s18 =	sadd.s32 $0x80, s17  }
0x110: {  	[tilespmem:s23], [sflag:$0x3] =	stream.linear.gather [hbm4b:s18+s3], $0x400, $0x38;
	[tilespmem:$0x1F000] =	vst v63  }
0x111: {  	_ = 	snop  }
0x112: {  	[tilespmem:s25], [sflag:$0x1] =	stream.indirect.gather [hbm4b:s4+s24], $0x80, s3, s24, $0xb8;
	[tilespmem:$0x1F000] =	vst v63  }
0x113: {  	_ = 	snop  }
0x114: {  	[tilespmem:s26], [sflag:$0x2] =	stream.indirect.gather [hbm4b:s4+s24], $0x80, s24, s24, $0xb8;
	[tilespmem:$0x1F000] =	vst v63  }
0x115: {  	_ =	swait.ge [sflag:s28], $0x4000  }
0x116: {  	[sflag:s28] =	ssyncset.done $0x0  }
0x117: {  	[sflag:s28] =	ssyncadd.s32 $0xFFFFC000  }
0x118: {  	[spmem:s1] =	stream.indirect.scatter.add.f32 [tilespmem:s25], [sflag:$0x4], $0x80, s21, s24, $0xb8;
	[tilespmem:$0x1F000] =	vst v63  }
0x119: {  	_ =	swait.ge [sflag:s29], $0x4000  }
0x11a: {  	[sflag:s29] =	ssyncset.done $0x0  }
0x11b: {  	s18 =	rddreg [dreg:$0x6];
	[sflag:s29] =	ssyncadd.s32 $0xFFFFC000  }
0x11c: {  	[tilespmem:s25], [sflag:$0x1] =	stream.indirect.gather [hbm4b:s4+s24], $0x80, s18, s24, $0xb8;
	[tilespmem:$0x1F000] =	vst v63  }
0x11d: {  	_ =	swait.ge [sflag:s30], $0x4000  }
0x11e: {  	[sflag:s30] =	ssyncset.done $0x0  }
0x11f: {  	s18 =	rddreg [dreg:$0x7];
	[sflag:s30] =	ssyncadd.s32 $0xFFFFC000  }
0x120: {  	[spmem:s1] =	stream.indirect.scatter.add.f32 [tilespmem:s26], [sflag:$0x4], $0x80, s18, s24, $0xb8;
	[tilespmem:$0x1F000] =	vst v63  }
0x121: {  	_ =	swait.ge [sflag:s29], $0x4000  }
0x122: {  	[sflag:s29] =	ssyncset.done $0x0  }
0x123: {  	s18 =	rddreg [dreg:$0x8];
	[sflag:s29] =	ssyncadd.s32 $0xFFFFC000  }
0x124: {  	[tilespmem:s26], [sflag:$0x2] =	stream.indirect.gather [hbm4b:s4+s24], $0x80, s18, s24, $0xb8;
	[tilespmem:$0x1F000] =	vst v63  }
0x125: {  	_ =	swait.ge [sflag:s28], $0x4000  }
0x126: {  	[sflag:s28] =	ssyncset.done $0x0  }
0x127: {  	s18 =	rddreg [dreg:$0x9];
	[sflag:s28] =	ssyncadd.s32 $0xFFFFC000  }
0x128: {  	[spmem:s1] =	stream.indirect.scatter.add.f32 [tilespmem:s25], [sflag:$0x4], $0x80, s18, s24, $0xb8;
	[tilespmem:$0x1F000] =	vst v63  }
0x129: {  	_ =	swait.ge [sflag:s29], $0x4000  }
0x12a: {  	[sflag:s29] =	ssyncset.done $0x0  }
0x12b: {  	s18 =	rddreg [dreg:$0xa];
	[sflag:s29] =	ssyncadd.s32 $0xFFFFC000  }
0x12c: {  	[tilespmem:s25], [sflag:$0x1] =	stream.indirect.gather [hbm4b:s4+s24], $0x80, s18, s24, $0xb8;
	[tilespmem:$0x1F000] =	vst v63  }
0x12d: {  	_ =	swait.ge [sflag:s30], $0x4000  }
0x12e: {  	[sflag:s30] =	ssyncset.done $0x0  }
0x12f: {  	s18 =	rddreg [dreg:$0xb];
	[sflag:s30] =	ssyncadd.s32 $0xFFFFC000  }
0x130: {  	[spmem:s1] =	stream.indirect.scatter.add.f32 [tilespmem:s26], [sflag:$0x4], $0x80, s18, s24, $0xb8;
	[tilespmem:$0x1F000] =	vst v63  }
0x131: {  	_ =	swait.ge [sflag:s29], $0x4000  }
0x132: {  	[sflag:s29] =	ssyncset.done $0x0  }
0x133: {  	s18 =	rddreg [dreg:$0xc];
	[sflag:s29] =	ssyncadd.s32 $0xFFFFC000  }
0x134: {  	[tilespmem:s26], [sflag:$0x2] =	stream.indirect.gather [hbm4b:s4+s24], $0x80, s18, s24, $0xb8;
	[tilespmem:$0x1F000] =	vst v63  }
0x135: {  	_ =	swait.ge [sflag:s28], $0x4000  }
0x136: {  	[sflag:s28] =	ssyncset.done $0x0  }
0x137: {  	s18 =	rddreg [dreg:$0xd];
	[sflag:s28] =	ssyncadd.s32 $0xFFFFC000  }
0x138: {  	[spmem:s1] =	stream.indirect.scatter.add.f32 [tilespmem:s25], [sflag:$0x4], $0x80, s18, s24, $0xb8;
	[tilespmem:$0x1F000] =	vst v63  }
0x139: {  	_ =	swait.ge [sflag:s29], $0x4000  }
0x13a: {  	[sflag:s29] =	ssyncset.done $0x0  }
0x13b: {  	s18 =	rddreg [dreg:$0xe];
	[sflag:s29] =	ssyncadd.s32 $0xFFFFC000  }
0x13c: {  	[tilespmem:s25], [sflag:$0x1] =	stream.indirect.gather [hbm4b:s4+s24], $0x80, s18, s24, $0xb8;
	[tilespmem:$0x1F000] =	vst v63  }
0x13d: {  	_ =	swait.ge [sflag:s30], $0x4000  }
0x13e: {  	[sflag:s30] =	ssyncset.done $0x0  }
0x13f: {  	s18 =	rddreg [dreg:$0xf];
	[sflag:s30] =	ssyncadd.s32 $0xFFFFC000  }
0x140: {  	[spmem:s1] =	stream.indirect.scatter.add.f32 [tilespmem:s26], [sflag:$0x4], $0x80, s18, s24, $0xb8;
	[tilespmem:$0x1F000] =	vst v63  }
0x141: {  	_ =	swait.ge [sflag:s29], $0x4000  }
0x142: {  	[sflag:s29] =	ssyncset.done $0x0  }
0x143: {  	s18 =	rddreg [dreg:$0x10];
	[sflag:s29] =	ssyncadd.s32 $0xFFFFC000  }
0x144: {  	[tilespmem:s26], [sflag:$0x2] =	stream.indirect.gather [hbm4b:s4+s24], $0x80, s18, s24, $0xb8;
	[tilespmem:$0x1F000] =	vst v63  }
0x145: {  	_ =	swait.ge [sflag:s28], $0x4000  }
0x146: {  	[sflag:s28] =	ssyncset.done $0x0  }
0x147: {  	s18 =	rddreg [dreg:$0x11];
	[sflag:s28] =	ssyncadd.s32 $0xFFFFC000  }
0x148: {  	[spmem:s1] =	stream.indirect.scatter.add.f32 [tilespmem:s25], [sflag:$0x4], $0x80, s18, s24, $0xb8;
	[tilespmem:$0x1F000] =	vst v63  }
0x149: {  	_ =	swait.ge [sflag:s29], $0x4000  }
0x14a: {  	[sflag:s29] =	ssyncset.done $0x0  }
0x14b: {  	[sflag:s29] =	ssyncadd.s32 $0xFFFFC000  }
0x14c: {  	_ =	swait.ge [sflag:s30], $0x4000  }
0x14d: {  	[sflag:s30] =	ssyncset.done $0x0  }
0x14e: {  	s18 =	rddreg [dreg:$0x12];
	[sflag:s30] =	ssyncadd.s32 $0xFFFFC000  }
0x14f: {  	[spmem:s1] =	stream.indirect.scatter.add.f32 [tilespmem:s26], [sflag:$0x4], $0x80, s18, s24, $0xb8;
	[tilespmem:$0x1F000] =	vst v63  }
0x150: {  	_ =	swait.ge [sflag:s29], $0x4000  }
0x151: {  	[sflag:s29] =	ssyncset.done $0x0  }
0x152: {  	[sflag:s29] =	ssyncadd.s32 $0xFFFFC000  }
0x153: {  	_ =	swait.ge [sflag:s20], $0x400  }
0x154: {  	[sflag:s20] =	ssyncset.done $0x0  }
0x155: {  	[sflag:s20] =	ssyncadd.s32 $0xFFFFFC00  }
0x156: {  	_ =	swait.ge [sflag:s20], $0x400  }
0x157: {  	[sflag:s20] =	ssyncset.done $0x0  }
0x158: {  	s16 =	sadd.s32 $0x100, s16;
	[sflag:s20] =	ssyncadd.s32 $0xFFFFFC00  }
0x159: {  	[tilespmem:s3], [sflag:$0x3] =	stream.linear.gather [hbm4b:s16+s3], $0x400, $0x38;
	[tilespmem:$0x1F000] =	vst v63  }
0x15a: {  	s17 =	sadd.s32 $0x100, s17  }
0x15b: {  	[tilespmem:s21], [sflag:$0x3] =	stream.linear.gather [hbm4b:s17+s3], $0x400, $0x38;
	[tilespmem:$0x1F000] =	vst v63  }
0x15c: {  	_ = 	snop  }
0x15d: {  	[tilespmem:s25], [sflag:$0x1] =	stream.indirect.gather [hbm4b:s4+s24], $0x80, s22, s24, $0xb8;
	[tilespmem:$0x1F000] =	vst v63  }
0x15e: {  	s18 =	rddreg [dreg:$0x13]  }
0x15f: {  	[tilespmem:s26], [sflag:$0x2] =	stream.indirect.gather [hbm4b:s4+s24], $0x80, s18, s24, $0xb8;
	[tilespmem:$0x1F000] =	vst v63  }
0x160: {  	_ =	swait.ge [sflag:s28], $0x4000  }
0x161: {  	[sflag:s28] =	ssyncset.done $0x0  }
0x162: {  	[sflag:s28] =	ssyncadd.s32 $0xFFFFC000  }
0x163: {  	[spmem:s1] =	stream.indirect.scatter.add.f32 [tilespmem:s25], [sflag:$0x4], $0x80, s23, s24, $0xb8;
	[tilespmem:$0x1F000] =	vst v63  }
0x164: {  	_ =	swait.ge [sflag:s29], $0x4000  }
0x165: {  	[sflag:s29] =	ssyncset.done $0x0  }
0x166: {  	s17 =	rddreg [dreg:$0x14];
	[sflag:s29] =	ssyncadd.s32 $0xFFFFC000  }
0x167: {  	[tilespmem:s25], [sflag:$0x1] =	stream.indirect.gather [hbm4b:s4+s24], $0x80, s17, s24, $0xb8;
	[tilespmem:$0x1F000] =	vst v63  }
0x168: {  	_ =	swait.ge [sflag:s30], $0x4000  }
0x169: {  	[sflag:s30] =	ssyncset.done $0x0  }
0x16a: {  	s18 =	rddreg [dreg:$0x15];
	[sflag:s30] =	ssyncadd.s32 $0xFFFFC000  }
0x16b: {  	[spmem:s1] =	stream.indirect.scatter.add.f32 [tilespmem:s26], [sflag:$0x4], $0x80, s18, s24, $0xb8;
	[tilespmem:$0x1F000] =	vst v63  }
0x16c: {  	_ =	swait.ge [sflag:s29], $0x4000  }
0x16d: {  	[sflag:s29] =	ssyncset.done $0x0  }
0x16e: {  	[sflag:s29] =	ssyncadd.s32 $0xFFFFC000  }
0x16f: {  	[tilespmem:s26], [sflag:$0x2] =	stream.indirect.gather [hbm4b:s4+s24], $0x80, s31, s24, $0xb8;
	[tilespmem:$0x1F000] =	vst v63  }
0x170: {  	_ =	swait.ge [sflag:s28], $0x4000  }
0x171: {  	[sflag:s28] =	ssyncset.done $0x0  }
0x172: {  	[sflag:s28] =	ssyncadd.s32 $0xFFFFC000  }
0x173: {  	[spmem:s1] =	stream.indirect.scatter.add.f32 [tilespmem:s25], [sflag:$0x4], $0x80, s0, s24, $0xb8;
	[tilespmem:$0x1F000] =	vst v63  }
0x174: {  	_ =	swait.ge [sflag:s29], $0x4000  }
0x175: {  	[sflag:s29] =	ssyncset.done $0x0  }
0x176: {  	[sflag:s29] =	ssyncadd.s32 $0xFFFFC000  }
0x177: {  	[tilespmem:s25], [sflag:$0x1] =	stream.indirect.gather [hbm4b:s4+s24], $0x80, s2, s24, $0xb8;
	[tilespmem:$0x1F000] =	vst v63  }
0x178: {  	_ =	swait.ge [sflag:s30], $0x4000  }
0x179: {  	[sflag:s30] =	ssyncset.done $0x0  }
0x17a: {  	[sflag:s30] =	ssyncadd.s32 $0xFFFFC000  }
0x17b: {  	[spmem:s1] =	stream.indirect.scatter.add.f32 [tilespmem:s26], [sflag:$0x4], $0x80, s6, s24, $0xb8;
	[tilespmem:$0x1F000] =	vst v63  }
0x17c: {  	_ =	swait.ge [sflag:s29], $0x4000  }
0x17d: {  	[sflag:s29] =	ssyncset.done $0x0  }
0x17e: {  	[sflag:s29] =	ssyncadd.s32 $0xFFFFC000  }
0x17f: {  	[tilespmem:s26], [sflag:$0x2] =	stream.indirect.gather [hbm4b:s4+s24], $0x80, s7, s24, $0xb8;
	[tilespmem:$0x1F000] =	vst v63  }
0x180: {  	_ =	swait.ge [sflag:s28], $0x4000  }
0x181: {  	[sflag:s28] =	ssyncset.done $0x0  }
0x182: {  	[sflag:s28] =	ssyncadd.s32 $0xFFFFC000  }
0x183: {  	[spmem:s1] =	stream.indirect.scatter.add.f32 [tilespmem:s25], [sflag:$0x4], $0x80, s8, s24, $0xb8;
	[tilespmem:$0x1F000] =	vst v63  }
0x184: {  	_ =	swait.ge [sflag:s29], $0x4000  }
0x185: {  	[sflag:s29] =	ssyncset.done $0x0  }
0x186: {  	[sflag:s29] =	ssyncadd.s32 $0xFFFFC000  }
0x187: {  	[tilespmem:s25], [sflag:$0x1] =	stream.indirect.gather [hbm4b:s4+s24], $0x80, s9, s24, $0xb8;
	[tilespmem:$0x1F000] =	vst v63  }
0x188: {  	_ =	swait.ge [sflag:s30], $0x4000  }
0x189: {  	[sflag:s30] =	ssyncset.done $0x0  }
0x18a: {  	[sflag:s30] =	ssyncadd.s32 $0xFFFFC000  }
0x18b: {  	[spmem:s1] =	stream.indirect.scatter.add.f32 [tilespmem:s26], [sflag:$0x4], $0x80, s10, s24, $0xb8;
	[tilespmem:$0x1F000] =	vst v63  }
0x18c: {  	_ =	swait.ge [sflag:s29], $0x4000  }
0x18d: {  	[sflag:s29] =	ssyncset.done $0x0  }
0x18e: {  	[sflag:s29] =	ssyncadd.s32 $0xFFFFC000  }
0x18f: {  	[tilespmem:s26], [sflag:$0x2] =	stream.indirect.gather [hbm4b:s4+s24], $0x80, s11, s24, $0xb8;
	[tilespmem:$0x1F000] =	vst v63  }
0x190: {  	_ =	swait.ge [sflag:s28], $0x4000  }
0x191: {  	[sflag:s28] =	ssyncset.done $0x0  }
0x192: {  	[sflag:s28] =	ssyncadd.s32 $0xFFFFC000  }
0x193: {  	[spmem:s1] =	stream.indirect.scatter.add.f32 [tilespmem:s25], [sflag:$0x4], $0x80, s12, s24, $0xb8;
	[tilespmem:$0x1F000] =	vst v63  }
0x194: {  	_ =	swait.ge [sflag:s29], $0x4000  }
0x195: {  	[sflag:s29] =	ssyncset.done $0x0  }
0x196: {  	p0 =	sne.s32 s15, $0x400;
	[sflag:s29] =	ssyncadd.s32 $0xFFFFC000  }
.Ltmp1:
0x197: {  	_ =	swait.ge [sflag:s30], $0x4000;
	(pc) =	sbr.rel @p0 .LBB2_4-.Ltmp1, $4  }
0x198: {  	[sflag:s30] =	ssyncset.done $0x0  }
0x199: {  	[sflag:s30] =	ssyncadd.s32 $0xFFFFC000  }
0x19a: {  	[spmem:s1] =	stream.indirect.scatter.add.f32 [tilespmem:s26], [sflag:$0x4], $0x80, s13, s24, $0xb8;
	[tilespmem:$0x1F000] =	vst v63  }
0x19b: {  	s15 =	sadd.s32 $0x100, s15;
	_ =	swait.ge [sflag:s29], $0x4000  }
0x19c: {  	[sflag:s29] =	ssyncset.done $0x0  }
0x19d: {  	[sflag:s29] =	ssyncadd.s32 $0xFFFFC000  }
0x19e: {  	_ =	swait.ge [sflag:s20], $0x400  }
0x19f: {  	[sflag:s20] =	ssyncset.done $0x0  }
0x1a0: {  	[sflag:s20] =	ssyncadd.s32 $0xFFFFFC00  }
0x1a1: {  	_ =	swait.ge [sflag:s20], $0x400  }
0x1a2: {  	[sflag:s20] =	ssyncset.done $0x0  }
0x1a3: {  	[sflag:s20] =	ssyncadd.s32 $0xFFFFFC00  }
0x1a4: {  	s5 =	stileid.u32;
	[bflag:$0x0] =	sbarrier.arrive $0xFFFF  }
0x1a5: {  	s5 =	sshll.u32 s5, $0x6;
	s17 =	rddreg [dreg:$0x16]  }
0x1a6: {  	s5 =	sor.u32 $0x1C04, s5;
	s16 =	rddreg [dreg:$0x19];
	s15 =	sshrl.u32 s17, $0x3  }
0x1a7: {  	[hbm:s16], [sflag:s5] =	dma.local [spmem:s15], $0x2800  }
0x1a8: {  	_ =	swait.ge [sflag:s29], $0x2800  }
0x1a9: {  	s14 =	sadd.s32 $0x1, s14;
	s18 =	rddreg [dreg:$0x1a]  }
0x1aa: {  	p0 =	sne.s32 s14, s18  }
.Ltmp2:
0x1ab: {  	_ = 	snop;
	(pc) =	sbr.rel @p0 .LBB2_1-.Ltmp2, $3  }
0x1ac: {  	_ =	sdelay $0x1  }
0x1ad: {  	[sflag:s29] =	ssyncset.done $0x0  }
0x1ae: {  	[sflag:s29] =	ssyncadd.s32 $0xFFFFD800  }
0x1af: {  	_ =	sfence.sel $0x180000  }
0x1b0: {  	[bflag:$0x0] =	sbarrier.arrive $0xFFFF  }
0x1b1: {  	_ =	strace $0x9000004A  }
0x1b2: {  	s0 =	stileid.u32;
	[bflag:$0x2] =	sbarrier.arrive $0xFFFF  }
0x1b3: {  	p0 =	sne.s32 s0, $0x0;
	s0 =	rddreg [dreg:$0x3]  }
0x1b4: {  	s0 =	sadd.s32 @!p0 $0x100000, s0  }
0x1b5: {  	[sflag:s0] =	ssyncadd.tile.s32 @!p0 $0x1;
	_ =	shalt  }
.Lfunc_end2:
_tile_overlayer_lowered:
.L_overlay_start_2:
0x1b6: {  	(tag) =	ssettag $0x2  }
0x1b7: {  	s0 =	rddreg [dreg:$0x0];
	s2 =	stileid.u32  }
0x1b8: {  	s1 =	rddreg [dreg:$0x1];
	p0 =	sne.s32 s2, $0x0  }
0x1b9: {  	s3 =	rddreg [dreg:$0x2];
	[bflag:$0x3] =	sbarrier.arrive $0xFFFF;
	s2 =	simm.s32 @!p0 $0x1C04  }
0x1ba: {  	[timem:s3], [sflag:s2] =	dma.local @!p0 [hbm:s0], s1  }
0x1bb: {  	s0 =	simm.s32 @!p0 $0x4  }
0x1bc: {  	_ =	swait.ge @!p0 [sflag:s0], s1  }
0x1bd: {  	s1 =	ssub.s32 @!p0 $0x0, s1;
	[sflag:s0] =	ssyncset.done @!p0 $0x0  }
0x1be: {  	[sflag:s0] =	ssyncadd.s32 @!p0 s1  }
0x1bf: {  	[bflag:$0x3] =	sbarrier.arrive $0xFFFF  }
0x1c0: {  	_ =	shalt  }

// kernel: kernel.14.cloned.1.call-start
scs
__scs_entry_jumppad:
0x0: {  	(pc) =	sbr.rel $0x88, $3  }
0x1: {  	(tag) =	ssettag $0x0;
	lr =	simm.s32 $0x1  }
0x2: {  	[smem:$0x3F99] =	sst lr;
	_ =	strace $0xD0000000  }
0x3: {  	_ = 	snop  }
0x4: {  	_ = 	snop  }
0x5: {  	_ = 	snop  }
0x6: {  	_ = 	snop  }
0x7: {  	_ = 	snop  }
__scs_overlays_trampoline_lowered:
0x8: {  	[smem:$0x3FA8] =	sst s0  }
0x9: {  	[smem:$0x3FA9] =	sst s1  }
0xa: {  	[smem:$0x3FAA] =	sst s2  }
0xb: {  	[smem:$0x3FAB] =	sst s3  }
0xc: {  	[smem:$0x3FAC] =	sst s4  }
0xd: {  	[smem:$0x3FAD] =	sst s5  }
0xe: {  	[smem:$0x3FAE] =	sst s6  }
0xf: {  	[smem:$0x3FAF] =	sst s7  }
0x10: {  	[smem:$0x3FB0] =	sst s8  }
0x11: {  	[smem:$0x3FB1] =	sst s9;
	s0 =	simm.s32 @!p0 $0x0  }
0x12: {  	s1 =	sld [smem:$0x3F97];
	s0 =	simm.s32 @p0 $0x1  }
0x13: {  	[smem:$0x3FB2] =	sst s0;
	s0 =	simm.s32 @!p1 $0x0  }
0x14: {  	s2 =	sld [smem:$0x3F96];
	s0 =	simm.s32 @p1 $0x1  }
0x15: {  	[smem:$0x3FB3] =	sst s0;
	s0 =	simm.s32 @!p2 $0x0  }
0x16: {  	s3 =	sld [smem:$0x3FDB];
	s0 =	simm.s32 @p2 $0x1  }
0x17: {  	s4 =	simm.s32 $0x1BF5;
	[smem:$0x3FB5] =	sst s0  }
0x18: {  	s0 =	sld [smem:$0x3F98];
	_ =	swait.ge [sflag:s4], $0x0  }
0x19: {  	s7 =	sld [smem:$0x3F99]  }
0x1a: {  	s8 =	sadd.s32 $0xFFFFE003, lr  }
0x1b: {  	s9 =	sadd.s32 $0xFFFFFEF7, lr;
	s5 =	simm.s32 $0xFFFFFFFF;
	p2 =	slt.u32 s8, $0xFFFFF086  }
0x1c: {  	p1 =	slt.u32 s9, $0xF7A;
	s5 =	simm.s32 @!p2 $0x0  }
0x1d: {  	s5 =	simm.s32 @p1 $0x1;
	p0 =	seq.s32 s7, s2  }
0x1e: {  	s7 =	smul.u32 @!p0 $0xF7A, s2;
	p2 =	seq.s32 @!p0 s5, $0x0  }
0x1f: {  	s9 =	smul.u32 $0xF7A, s1;
	s8 =	simm.s32 @!p0 $0x1BF5;
	p2 =	por !p2, p0  }
0x20: {  	[sflag:s8] =	ssyncset.s32 @!p0 $0xFFFFF086;
	s6 =	sadd.s32 @!p0 s3, s7;
	s7 =	simm.s32 @!p0 $0x108  }
0x21: {  	s3 =	sadd.s32 s3, s9;
	s6 =	sadd.s32 @!p0 $0x88, s6;
	s7 =	simm.s32 @p2 $0x1082  }
0x22: {  	[simem:s7], [sflag:s8] =	dma.local @!p0 [hbm:s6], $0xF7A  }
0x23: {  	s9 =	sor.u32 $0xD0000000, s2;
	s6 =	simm.s32 $0x108;
	_ =	swait.ge @!p0 [sflag:s8], $0x0  }
0x24: {  	s3 =	sadd.s32 $0x88, s3;
	s6 =	simm.s32 @!p1 $0x1082;
	[sflag:s4] =	ssyncset.s32 $0xFFFFF086  }
0x25: {  	[simem:s6], [sflag:s4] =	dma.local [hbm:s3], $0xF7A  }
0x26: {  	[smem:$0x3F99] =	sst s1;
	(tag) =	ssettag s2;
	_ =	strace s9  }
0x27: {  	s1 =	sld [smem:$0x3FA9]  }
0x28: {  	s2 =	sld [smem:$0x3FAA]  }
0x29: {  	s4 =	sld [smem:$0x3FAC]  }
0x2a: {  	p0 =	seq.s32 s5, $0x0;
	s5 =	sld [smem:$0x3FAD]  }
0x2b: {  	s6 =	sld [smem:$0x3FAE]  }
0x2c: {  	s7 =	sld [smem:$0x3FAF]  }
0x2d: {  	s3 =	simm.s32 $0x108;
	s8 =	sld [smem:$0x3FB0]  }
0x2e: {  	s3 =	simm.s32 @!p0 $0x1082;
	s9 =	sld [smem:$0x3FB1]  }
0x2f: {  	lr =	sadd.s32 s0, s3;
	s0 =	sld [smem:$0x3FA8]  }
0x30: {  	s3 =	sld [smem:$0x3FAB]  }
0x31: {  	[smem:$0x3FB4] =	sst s10  }
0x32: {  	s10 =	sld [smem:$0x3FB2];
	_ =	sdelay $0x3  }
0x33: {  	p0 =	seq.s32 s10, $0x1;
	s10 =	sld [smem:$0x3FB4];
	_ =	sdelay $0x3  }
0x34: {  	[smem:$0x3FB4] =	sst s10  }
0x35: {  	s10 =	sld [smem:$0x3FB3];
	_ =	sdelay $0x3  }
0x36: {  	p1 =	seq.s32 s10, $0x1;
	s10 =	sld [smem:$0x3FB4];
	_ =	sdelay $0x3  }
0x37: {  	[smem:$0x3FB4] =	sst s10  }
0x38: {  	s10 =	sld [smem:$0x3FB5]  }
0x39: {  	_ = 	snop;
	(pc) =	sbr.ind lr, $3  }
0x3a: {  	_ = 	snop  }
0x3b: {  	_ = 	snop  }
0x3c: {  	p2 =	seq.s32 s10, $0x1;
	s10 =	sld [smem:$0x3FB4]  }
0x3d: {  	_ =	shalt  }
0x3e: {  	_ =	shalt  }
0x3f: {  	_ =	shalt  }
0x40: {  	_ =	shalt  }
0x41: {  	_ =	shalt  }
0x42: {  	_ =	shalt  }
0x43: {  	_ =	shalt  }
0x44: {  	_ =	shalt  }
0x45: {  	_ =	shalt  }
0x46: {  	_ =	shalt  }
0x47: {  	_ =	shalt  }
0x48: {  	_ =	shalt  }
0x49: {  	_ =	shalt  }
0x4a: {  	_ =	shalt  }
0x4b: {  	_ =	shalt  }
0x4c: {  	_ =	shalt  }
0x4d: {  	_ =	shalt  }
0x4e: {  	_ =	shalt  }
0x4f: {  	_ =	shalt  }
0x50: {  	_ =	shalt  }
0x51: {  	_ =	shalt  }
0x52: {  	_ =	shalt  }
0x53: {  	_ =	shalt  }
0x54: {  	_ =	shalt  }
0x55: {  	_ =	shalt  }
0x56: {  	_ =	shalt  }
0x57: {  	_ =	shalt  }
0x58: {  	_ =	shalt  }
0x59: {  	_ =	shalt  }
0x5a: {  	_ =	shalt  }
0x5b: {  	_ =	shalt  }
0x5c: {  	_ =	shalt  }
0x5d: {  	_ =	shalt  }
0x5e: {  	_ =	shalt  }
0x5f: {  	_ =	shalt  }
0x60: {  	_ =	shalt  }
0x61: {  	_ =	shalt  }
0x62: {  	_ =	shalt  }
0x63: {  	_ =	shalt  }
0x64: {  	_ =	shalt  }
0x65: {  	_ =	shalt  }
0x66: {  	_ =	shalt  }
0x67: {  	_ =	shalt  }
0x68: {  	_ =	shalt  }
0x69: {  	_ =	shalt  }
0x6a: {  	_ =	shalt  }
0x6b: {  	_ =	shalt  }
0x6c: {  	_ =	shalt  }
0x6d: {  	_ =	shalt  }
0x6e: {  	_ =	shalt  }
0x6f: {  	_ =	shalt  }
0x70: {  	_ =	shalt  }
0x71: {  	_ =	shalt  }
0x72: {  	_ =	shalt  }
0x73: {  	_ =	shalt  }
0x74: {  	_ =	shalt  }
0x75: {  	_ =	shalt  }
0x76: {  	_ =	shalt  }
0x77: {  	_ =	shalt  }
0x78: {  	_ =	shalt  }
0x79: {  	_ =	shalt  }
0x7a: {  	_ =	shalt  }
0x7b: {  	_ =	shalt  }
0x7c: {  	_ =	shalt  }
0x7d: {  	_ =	shalt  }
0x7e: {  	_ =	shalt  }
0x7f: {  	_ =	shalt  }
0x80: {  	_ =	shalt  }
0x81: {  	_ =	shalt  }
0x82: {  	_ =	shalt  }
0x83: {  	_ =	shalt  }
0x84: {  	_ =	shalt  }
0x85: {  	_ =	shalt  }
0x86: {  	_ =	shalt  }
0x87: {  	_ =	shalt  }
.Lfunc_end0:
.L_simem_size_0:
called_computation.2_lowered:
.L_overlay_start_0:
0x88: {  	s2 =	sld [smem:$0x3FD9]  }
0x89: {  	s3 =	sld [smem:$0x3FFE];
	_ =	sdelay $0x1  }
0x8a: {  	s1 =	srdreg.scid  }
0x8b: {  	s0 =	sand.u32 $0x1, s1  }
0x8c: {  	s17 =	sshll.u32 s0, $0xA;
	s2 =	sadd.s32 s3, s2  }
0x8d: {  	s2 =	sadd.s32 s2, s17  }
0x8e: {  	[smem:$0x3FC0] =	sst s2  }
0x8f: {  	_ = 	snop  }
0x90: {  	s2 =	sld [smem:$0x3FD0];
	(tm) =	ssettm $0x1  }
0x91: {  	s18 =	sld [smem:$0x3FFB];
	_ =	sdelay $0x3  }
0x92: {  	_ =	strace s18  }
0x93: {  	s3 =	sld [smem:$0x3FFC];
	_ =	sdelay $0x3  }
0x94: {  	_ =	strace s3  }
0x95: {  	s3 =	sld [smem:$0x3FFD];
	_ =	sdelay $0x3  }
0x96: {  	_ =	strace s3  }
0x97: {  	_ =	strace $0x8FFFFFFF  }
0x98: {  	s19 =	sld [smem:$0x3FDB];
	_ =	sdelay $0x1  }
0x99: {  	s4 =	simm.s32 $_scs_section_size  }
0x9a: {  	s5 =	simm.s32 $_size__tile_overlayer_lowered;
	s6 =	simm.s32 $_tile_overlayer_lowered  }
0x9b: {  	s22 =	simm.s32 $0x1BFF;
	s21 =	sshll.u32 s6, $0x1;
	s3 =	sadd.s32 s4, s19  }
0x9c: {  	s7 =	simm.s32 $0x0;
	s20 =	sshll.u32 s5, $0x1;
	s5 =	sadd.s32 s21, s3  }
0x9d: {  	[timem:s7], [sflag:s22] =	dma.local [hbm:s5], s20  }
0x9e: {  	_ =	swait.ge [sflag:s22], s20  }
0x9f: {  	s4 =	ssub.s32 $0x0, s20;
	[sflag:s22] =	ssyncset.done $0x0  }
0xa0: {  	[sflag:s22] =	ssyncadd.s32 s4;
	_ =	sdelay $0x1  }
0xa1: {  	s23 =	simm.s32 $0x1B8B  }
0xa2: {  	_ =	swait.ge [sflag:s23], $0x1  }
0xa3: {  	[sflag:s23] =	ssyncset.done $0x0  }
0xa4: {  	s25 =	simm.s32 $0x1B8E;
	s24 =	sld [smem:$0x3FFE];
	[sflag:s23] =	ssyncadd.s32 $0xFFFFFFFF  }
0xa5: {  	s26 =	simm.s32 $execute0_lowered;
	[smem:$0x3FD2] =	sst s25  }
0xa6: {  	s5 =	sshll.u32 s26, $0x1;
	_ =	strace $0x8000004C;
	[dreg:$0x1] =	wrdreg $0xFFFFFFFF  }
0xa7: {  	s28 =	simm.s32 $_size_execute0_lowered;
	s3 =	sadd.s32 s3, s5;
	[dreg:$0x0] =	wrdreg $0x0  }
0xa8: {  	s5 =	sshll.u32 s28, $0x1;
	[dreg:$0x2] =	wrdreg s3  }
0xa9: {  	[dreg:$0x3] =	wrdreg s5  }
0xaa: {  	[dreg:$0x4] =	wrdreg $0xC0  }
0xab: {  	_ =	task [dreg:s7], $0x5FFFF  }
0xac: {  	[dreg:$0x1] =	wrdreg $0xFFFFFFFF  }
0xad: {  	[dreg:$0x0] =	wrdreg $0x60  }
0xae: {  	[dreg:$0x2] =	wrdreg s24  }
0xaf: {  	[dreg:$0x3] =	wrdreg s2  }
0xb0: {  	[dreg:$0x4] =	wrdreg $0xB0000  }
0xb1: {  	[dreg:$0x5] =	wrdreg $0x9  }
0xb2: {  	_ =	task.clear_ibuf [dreg:s7], $0x6FFFF;
	_ =	strace $0x9000004C  }
0xb3: {  	s29 =	simm.s32 $0x9;
	_ =	strace $0x8000004E  }
0xb4: {  	_ =	swait.ge [sflag:s29], $0x1  }
0xb5: {  	[sflag:s29] =	ssyncadd.s32 $0xFFFFFFFF  }
0xb6: {  	_ =	strace $0x9000004E  }
0xb7: {  	_ =	sfence  }
0xb8: {  	s30 =	sld [smem:$0x0];
	_ =	sdelay $0x2  }
0xb9: {  	s31 =	sshll.u32 s1, $0xD;
	s1 =	sshrl.u32 s1, $0x2  }
0xba: {  	s3 =	sand.u32 $0x4000, s31;
	s1 =	sadd.s32 s1, s30  }
0xbb: {  	s0 =	sor.u32 s3, s0;
	s1 =	sshll.u32 s1, $0x11  }
0xbc: {  	s0 =	sor.u32 s1, s0  }
0xbd: {  	s0 =	sadd.s32 $0x8F2B, s0  }
0xbe: {  	[sflag:s0] =	ssyncadd.remote.s32 $0x1  }
0xbf: {  	_ =	sfence.sel $0xFFFF  }
0xc0: {  	[dreg:$0x0] =	wrdreg $0xFFFFFFFF;
	(pc) =	sbr.abs _section_cstart, $3  }
0xc1: {  	[dreg:$0x1] =	wrdreg $0xFFFFFFFF  }
0xc2: {  	_ =	task.clear_ibuf [dreg:s7], $0x2FFFF;
	_ =	strace $0x9FFFFFFF  }
0xc3: {  	(tm) =	ssettm $0x7FFFFFFF  }
tec
execute0_lowered:
.L_overlay_start_1:
0x0: {  	(tag) =	ssettag $0x1  }
0x1: {  	s0 =	rddreg [dreg:$0x0]  }
0x2: {  	s2 =	rddreg [dreg:$0x1]  }
0x3: {  	s1 =	rddreg [dreg:$0x2];
	s3 =	simm.s32 $0x0  }
0x4: {  	s4 =	srdreg.scid;
	s12 =	stileid.u32;
	s23 =	simm.s32 $0x100  }
0x5: {  	s25 =	simm.s32 $0x880;
	s13 =	simm.s32 $0x280;
	s28 =	simm.s32 $0x1  }
0x6: {  	s29 =	simm.s32 $0x4;
	s30 =	simm.s32 $0x2;
	s31 =	simm.s32 $0x580  }
0x7: {  	[smem:$0x7FF] =	sst s3;
	s5 =	sand.u32 $0x1, s4;
	s7 =	smul.u32 $0x14000, s12  }
0x8: {  	s4 =	sadd.s32 $0xCC00, s0;
	s8 =	sadd.s32 $0x2A00, s0;
	s15 =	smul.u32 $0x50000, s12  }
0x9: {  	s6 =	smul.u32 $0x140000, s5;
	_ =	strace $0x8000004D;
	[dreg:$0x6] =	wrdreg s23  }
0xa: {  	s9 =	sshll.u32 s5, $0x4;
	s10 =	ssub.s32 $0x2, s5;
	[dreg:$0x7] =	wrdreg s25  }
0xb: {  	s11 =	smul.u32 $0x5000, s5;
	s5 =	simm.s32 $0x180;
	[dreg:$0xc] =	wrdreg s13  }
0xc: {  	s18 =	smul.u32 $0x500, s12;
	s23 =	simm.s32 $0xB80;
	[dreg:$0x8] =	wrdreg s5  }
0xd: {  	s25 =	simm.s32 $0x500;
	s13 =	simm.s32 $0xF80;
	[dreg:$0x12] =	wrdreg s23  }
0xe: {  	s17 =	sshrl.u32 s15, $0x2;
	s15 =	simm.s32 $0xA00;
	[dreg:$0x14] =	wrdreg s25  }
0xf: {  	s6 =	sadd.s32 s7, s6;
	s7 =	simm.s32 $0x900;
	[dreg:$0xd] =	wrdreg s15  }
0x10: {  	s9 =	sor.u32 s12, s9;
	s17 =	sadd.s32 s17, s1;
	[dreg:$0x9] =	wrdreg s7  }
0x11: {  	s16 =	sshrl.u32 s10, $0x1;
	s24 =	sadd.s32 $0x2000, s17;
	[dreg:$0x16] =	wrdreg s17  }
0x12: {  	s23 =	simm.s32 $0xC00;
	s26 =	sadd.s32 $0x4000, s17;
	[dreg:$0x1b] =	wrdreg s24  }
0x13: {  	s9 =	smul.u32 $0x500, s9;
	s12 =	sadd.s32 $0xC000, s17;
	[dreg:$0x1c] =	wrdreg s26  }
0x14: {  	s25 =	simm.s32 $0x1000;
	s14 =	sadd.s32 $0xE000, s17;
	[smem:$0x7FA] =	sst s12  }
0x15: {  	s6 =	sshrl.u32 s6, $0x3;
	s19 =	sadd.s32 s8, s9;
	[smem:$0x7FB] =	sst s14  }
0x16: {  	s0 =	sadd.s32 s6, s0;
	s20 =	sadd.s32 s2, s9;
	[dreg:$0x17] =	wrdreg s19  }
0x17: {  	s6 =	ssub.s32 s10, s16;
	s10 =	sadd.s32 $0xA000, s17;
	[dreg:$0x18] =	wrdreg s20  }
0x18: {  	s8 =	sadd.s32 s11, s8;
	s9 =	simm.s32 $0x200;
	[dreg:$0x1f] =	wrdreg s10  }
0x19: {  	s2 =	sadd.s32 s11, s2;
	s11 =	simm.s32 $0x980;
	[dreg:$0xa] =	wrdreg s9  }
0x1a: {  	s7 =	simm.s32 $0x680;
	s16 =	sadd.s32 $0x10000, s17;
	[dreg:$0xb] =	wrdreg s11  }
0x1b: {  	s24 =	simm.s32 $0x480;
	s26 =	simm.s32 $0xC80;
	[smem:$0x7FC] =	sst s16  }
0x1c: {  	s12 =	simm.s32 $0xF00;
	s14 =	simm.s32 $0x0;
	[dreg:$0x13] =	wrdreg s24  }
0x1d: {  	s8 =	sadd.s32 s18, s8;
	s0 =	sadd.s32 $0x34C00, s0;
	[dreg:$0x15] =	wrdreg s26  }
0x1e: {  	s21 =	sadd.s32 s18, s2;
	s22 =	smax.u32 s6, $0x1;
	[dreg:$0x19] =	wrdreg s0  }
0x1f: {  	s6 =	sadd.s32 $0x6000, s17;
	s18 =	simm.s32 $0x300;
	[dreg:$0x4] =	wrdreg s8  }
0x20: {  	s19 =	sadd.s32 $0x12000, s17;
	s20 =	simm.s32 $0xA80;
	[dreg:$0x1a] =	wrdreg s22  }
0x21: {  	s24 =	simm.s32 $0x80;
	s26 =	simm.s32 $0x5000;
	[dreg:$0x5] =	wrdreg s21  }
0x22: {  	s2 =	simm.s32 $0x600;
	s9 =	simm.s32 $0x700;
	[dreg:$0x1d] =	wrdreg s6  }
0x23: {  	s10 =	simm.s32 $0xE80;
	s11 =	simm.s32 $0x780;
	[smem:$0x7FD] =	sst s19  }
0x24: {  	s8 =	sadd.s32 $0x8000, s17;
	[dreg:$0xe] =	wrdreg s18;
	s19 =	simm.s32 $0x9000  }
0x25: {  	[dreg:$0xf] =	wrdreg s20;
	s21 =	simm.s32 $0x380;
	s20 =	simm.s32 $0x3  }
0x26: {  	s22 =	simm.s32 $0xB00;
	s0 =	simm.s32 $0xD00;
	[dreg:$0x1e] =	wrdreg s8  }
0x27: {  	s6 =	simm.s32 $0xD80;
	[dreg:$0x10] =	wrdreg s21;
	s21 =	simm.s32 $0x800  }
0x28: {  	v0 =	vimm.f32 $0.0e+00;
	[dreg:$0x11] =	wrdreg s22;
	s22 =	simm.s32 $0x400;
	s8 =	simm.s32 $0xE00  }
.LBB2_1:
0x29: {  	s15 =	simm.s32 $0x0;
	s16 =	simm.s32 $0x200  }
.LBB2_2:
0x2a: {  	p0 =	sne.s32 s16, $0x7E00;
	[tilespmem:s15+$0x9070] =	vst v0  }
0x2b: {  	[tilespmem:s15+$0x9000] =	vst v0  }
0x2c: {  	[tilespmem:s15+$0x9010] =	vst v0  }
.Ltmp0:
0x2d: {  	[tilespmem:s15+$0x9020] =	vst v0;
	(pc) =	sbr.rel @p0 .LBB2_2-.Ltmp0, $4  }
0x2e: {  	[tilespmem:s15+$0x9030] =	vst v0  }
0x2f: {  	[tilespmem:s15+$0x9040] =	vst v0  }
0x30: {  	[tilespmem:s15+$0x9050] =	vst v0  }
0x31: {  	[tilespmem:s15+$0x9060] =	vst v0;
	s15 =	sshra.s32 s16, $0x2;
	s16 =	sadd.s32 $0x200, s16  }
0x32: {  	[tilespmem:s15+$0x9070] =	vst v0  }
0x33: {  	[tilespmem:s15+$0x9000] =	vst v0  }
0x34: {  	[tilespmem:s15+$0x9010] =	vst v0  }
0x35: {  	[tilespmem:s15+$0x9020] =	vst v0  }
0x36: {  	[tilespmem:s15+$0x9030] =	vst v0  }
0x37: {  	[tilespmem:s15+$0x9040] =	vst v0  }
0x38: {  	[tilespmem:s15+$0x9050] =	vst v0  }
0x39: {  	[tilespmem:s15+$0x9060] =	vst v0;
	s5 =	rddreg [dreg:$0x1b]  }
0x3a: {  	[spmem:s17] =	stream.linear.scatter [tilespmem:s19], [sflag:$0x3], $0x2000, $0x38;
	[tilespmem:$0x1F000] =	vst v63  }
0x3b: {  	s18 =	rddreg [dreg:$0x1d]  }
0x3c: {  	[spmem:s5] =	stream.linear.scatter [tilespmem:s19], [sflag:$0x3], $0x2000, $0x38;
	[tilespmem:$0x1F000] =	vst v63  }
0x3d: {  	s17 =	rddreg [dreg:$0x1c]  }
0x3e: {  	[spmem:s17] =	stream.linear.scatter [tilespmem:s19], [sflag:$0x3], $0x2000, $0x38;
	[tilespmem:$0x1F000] =	vst v63  }
0x3f: {  	s15 =	rddreg [dreg:$0x1e]  }
0x40: {  	[spmem:s18] =	stream.linear.scatter [tilespmem:s19], [sflag:$0x3], $0x2000, $0x38;
	[tilespmem:$0x1F000] =	vst v63  }
0x41: {  	s16 =	rddreg [dreg:$0x1f]  }
0x42: {  	[spmem:s15] =	stream.linear.scatter [tilespmem:s19], [sflag:$0x3], $0x2000, $0x38;
	[tilespmem:$0x1F000] =	vst v63  }
0x43: {  	s17 =	sld [smem:$0x7FA]  }
0x44: {  	[spmem:s16] =	stream.linear.scatter [tilespmem:s19], [sflag:$0x3], $0x2000, $0x38;
	[tilespmem:$0x1F000] =	vst v63  }
0x45: {  	s18 =	sld [smem:$0x7FB]  }
0x46: {  	[spmem:s17] =	stream.linear.scatter [tilespmem:s19], [sflag:$0x3], $0x2000, $0x38;
	[tilespmem:$0x1F000] =	vst v63  }
0x47: {  	s15 =	sld [smem:$0x7FC]  }
0x48: {  	[spmem:s18] =	stream.linear.scatter [tilespmem:s19], [sflag:$0x3], $0x2000, $0x38;
	[tilespmem:$0x1F000] =	vst v63  }
0x49: {  	s16 =	sld [smem:$0x7FD]  }
0x4a: {  	[spmem:s15] =	stream.linear.scatter [tilespmem:s19], [sflag:$0x3], $0x2000, $0x38;
	[tilespmem:$0x1F000] =	vst v63  }
0x4b: {  	_ = 	snop  }
0x4c: {  	[spmem:s16] =	stream.linear.scatter [tilespmem:s19], [sflag:$0x3], $0x2000, $0x38;
	[tilespmem:$0x1F000] =	vst v63  }
0x4d: {  	_ =	swait.ge [sflag:s20], $0x2000  }
0x4e: {  	[sflag:s20] =	ssyncset.done $0x0  }
0x4f: {  	[sflag:s20] =	ssyncadd.s32 $0xFFFFE000  }
0x50: {  	_ =	swait.ge [sflag:s20], $0x2000  }
0x51: {  	[sflag:s20] =	ssyncset.done $0x0  }
0x52: {  	[sflag:s20] =	ssyncadd.s32 $0xFFFFE000  }
0x53: {  	_ =	swait.ge [sflag:s20], $0x2000  }
0x54: {  	[sflag:s20] =	ssyncset.done $0x0  }
0x55: {  	[sflag:s20] =	ssyncadd.s32 $0xFFFFE000  }
0x56: {  	_ =	swait.ge [sflag:s20], $0x2000  }
0x57: {  	[sflag:s20] =	ssyncset.done $0x0  }
0x58: {  	[sflag:s20] =	ssyncadd.s32 $0xFFFFE000  }
0x59: {  	_ =	swait.ge [sflag:s20], $0x2000  }
0x5a: {  	[sflag:s20] =	ssyncset.done $0x0  }
0x5b: {  	[sflag:s20] =	ssyncadd.s32 $0xFFFFE000  }
0x5c: {  	_ =	swait.ge [sflag:s20], $0x2000  }
0x5d: {  	[sflag:s20] =	ssyncset.done $0x0  }
0x5e: {  	[sflag:s20] =	ssyncadd.s32 $0xFFFFE000  }
0x5f: {  	_ =	swait.ge [sflag:s20], $0x2000  }
0x60: {  	[sflag:s20] =	ssyncset.done $0x0  }
0x61: {  	[sflag:s20] =	ssyncadd.s32 $0xFFFFE000  }
0x62: {  	_ =	swait.ge [sflag:s20], $0x2000  }
0x63: {  	[sflag:s20] =	ssyncset.done $0x0  }
0x64: {  	[sflag:s20] =	ssyncadd.s32 $0xFFFFE000  }
0x65: {  	_ =	swait.ge [sflag:s20], $0x2000  }
0x66: {  	[sflag:s20] =	ssyncset.done $0x0  }
0x67: {  	[sflag:s20] =	ssyncadd.s32 $0xFFFFE000  }
0x68: {  	_ =	swait.ge [sflag:s20], $0x2000  }
0x69: {  	[sflag:s20] =	ssyncset.done $0x0  }
0x6a: {  	[sflag:s20] =	ssyncadd.s32 $0xFFFFE000  }
0x6b: {  	[bflag:$0x0] =	sbarrier.arrive $0xFFFF  }
0x6c: {  	s17 =	simm.s32 $0x0;
	s18 =	rddreg [dreg:$0x17]  }
0x6d: {  	[tilespmem:s17], [sflag:$0x3] =	stream.linear.gather [hbm4b:s18+s17], $0x400, $0x38;
	[tilespmem:$0x1F000] =	vst v63  }
0x6e: {  	s16 =	rddreg [dreg:$0x18]  }
0x6f: {  	[tilespmem:s21], [sflag:$0x3] =	stream.linear.gather [hbm4b:s16+s17], $0x400, $0x38;
	[tilespmem:$0x1F000] =	vst v63  }
0x70: {  	_ =	swait.ge [sflag:s20], $0x400  }
0x71: {  	[sflag:s20] =	ssyncset.done $0x0  }
0x72: {  	[sflag:s20] =	ssyncadd.s32 $0xFFFFFC00  }
0x73: {  	_ =	swait.ge [sflag:s20], $0x400  }
0x74: {  	s17 =	rddreg [dreg:$0x4]  }
0x75: {  	s16 =	rddreg [dreg:$0x5];
	[sflag:s20] =	ssyncset.done $0x0;
	s15 =	sadd.s32 $0x0, s17  }
0x76: {  	[sflag:s20] =	ssyncadd.s32 $0xFFFFFC00;
	s16 =	sadd.s32 $0x0, s16;
	s18 =	sadd.s32 $0x80, s15  }
0x77: {  	[tilespmem:s22], [sflag:$0x3] =	stream.linear.gather [hbm4b:s18+s3], $0x400, $0x38;
	[tilespmem:$0x1F000] =	vst v63  }
0x78: {  	s5 =	sadd.s32 $0x80, s16  }
0x79: {  	[tilespmem:s23], [sflag:$0x3] =	stream.linear.gather [hbm4b:s5+s3], $0x400, $0x38;
	[tilespmem:$0x1F000] =	vst v63  }
0x7a: {  	_ = 	snop  }
0x7b: {  	[tilespmem:s25], [sflag:$0x1] =	stream.indirect.gather [hbm4b:s4+s24], $0x80, s3, s24, $0xb8;
	[tilespmem:$0x1F000] =	vst v63  }
0x7c: {  	_ = 	snop  }
0x7d: {  	[tilespmem:s26], [sflag:$0x2] =	stream.indirect.gather [hbm4b:s4+s24], $0x80, s24, s24, $0xb8;
	[tilespmem:$0x1F000] =	vst v63  }
0x7e: {  	_ =	swait.ge [sflag:s28], $0x4000  }
0x7f: {  	[sflag:s28] =	ssyncset.done $0x0  }
0x80: {  	[sflag:s28] =	ssyncadd.s32 $0xFFFFC000  }
0x81: {  	[spmem:s1] =	stream.indirect.scatter.add.f32 [tilespmem:s25], [sflag:$0x4], $0x80, s21, s24, $0xb8;
	[tilespmem:$0x1F000] =	vst v63  }
0x82: {  	_ =	swait.ge [sflag:s29], $0x4000  }
0x83: {  	[sflag:s29] =	ssyncset.done $0x0  }
0x84: {  	s18 =	rddreg [dreg:$0x6];
	[sflag:s29] =	ssyncadd.s32 $0xFFFFC000  }
0x85: {  	[tilespmem:s25], [sflag:$0x1] =	stream.indirect.gather [hbm4b:s4+s24], $0x80, s18, s24, $0xb8;
	[tilespmem:$0x1F000] =	vst v63  }
0x86: {  	_ =	swait.ge [sflag:s30], $0x4000  }
0x87: {  	[sflag:s30] =	ssyncset.done $0x0  }
0x88: {  	s5 =	rddreg [dreg:$0x7];
	[sflag:s30] =	ssyncadd.s32 $0xFFFFC000  }
0x89: {  	[spmem:s1] =	stream.indirect.scatter.add.f32 [tilespmem:s26], [sflag:$0x4], $0x80, s5, s24, $0xb8;
	[tilespmem:$0x1F000] =	vst v63  }
0x8a: {  	_ =	swait.ge [sflag:s29], $0x4000  }
0x8b: {  	[sflag:s29] =	ssyncset.done $0x0  }
0x8c: {  	s18 =	rddreg [dreg:$0x8];
	[sflag:s29] =	ssyncadd.s32 $0xFFFFC000  }
0x8d: {  	[tilespmem:s26], [sflag:$0x2] =	stream.indirect.gather [hbm4b:s4+s24], $0x80, s18, s24, $0xb8;
	[tilespmem:$0x1F000] =	vst v63  }
0x8e: {  	_ =	swait.ge [sflag:s28], $0x4000  }
0x8f: {  	[sflag:s28] =	ssyncset.done $0x0  }
0x90: {  	s5 =	rddreg [dreg:$0x9];
	[sflag:s28] =	ssyncadd.s32 $0xFFFFC000  }
0x91: {  	[spmem:s1] =	stream.indirect.scatter.add.f32 [tilespmem:s25], [sflag:$0x4], $0x80, s5, s24, $0xb8;
	[tilespmem:$0x1F000] =	vst v63  }
0x92: {  	_ =	swait.ge [sflag:s29], $0x4000  }
0x93: {  	[sflag:s29] =	ssyncset.done $0x0  }
0x94: {  	s18 =	rddreg [dreg:$0xa];
	[sflag:s29] =	ssyncadd.s32 $0xFFFFC000  }
0x95: {  	[tilespmem:s25], [sflag:$0x1] =	stream.indirect.gather [hbm4b:s4+s24], $0x80, s18, s24, $0xb8;
	[tilespmem:$0x1F000] =	vst v63  }
0x96: {  	_ =	swait.ge [sflag:s30], $0x4000  }
0x97: {  	[sflag:s30] =	ssyncset.done $0x0  }
0x98: {  	s5 =	rddreg [dreg:$0xb];
	[sflag:s30] =	ssyncadd.s32 $0xFFFFC000  }
0x99: {  	[spmem:s1] =	stream.indirect.scatter.add.f32 [tilespmem:s26], [sflag:$0x4], $0x80, s5, s24, $0xb8;
	[tilespmem:$0x1F000] =	vst v63  }
0x9a: {  	_ =	swait.ge [sflag:s29], $0x4000  }
0x9b: {  	[sflag:s29] =	ssyncset.done $0x0  }
0x9c: {  	s18 =	rddreg [dreg:$0xc];
	[sflag:s29] =	ssyncadd.s32 $0xFFFFC000  }
0x9d: {  	[tilespmem:s26], [sflag:$0x2] =	stream.indirect.gather [hbm4b:s4+s24], $0x80, s18, s24, $0xb8;
	[tilespmem:$0x1F000] =	vst v63  }
0x9e: {  	_ =	swait.ge [sflag:s28], $0x4000  }
0x9f: {  	[sflag:s28] =	ssyncset.done $0x0  }
0xa0: {  	s5 =	rddreg [dreg:$0xd];
	[sflag:s28] =	ssyncadd.s32 $0xFFFFC000  }
0xa1: {  	[spmem:s1] =	stream.indirect.scatter.add.f32 [tilespmem:s25], [sflag:$0x4], $0x80, s5, s24, $0xb8;
	[tilespmem:$0x1F000] =	vst v63  }
0xa2: {  	_ =	swait.ge [sflag:s29], $0x4000  }
0xa3: {  	[sflag:s29] =	ssyncset.done $0x0  }
0xa4: {  	s18 =	rddreg [dreg:$0xe];
	[sflag:s29] =	ssyncadd.s32 $0xFFFFC000  }
0xa5: {  	[tilespmem:s25], [sflag:$0x1] =	stream.indirect.gather [hbm4b:s4+s24], $0x80, s18, s24, $0xb8;
	[tilespmem:$0x1F000] =	vst v63  }
0xa6: {  	_ =	swait.ge [sflag:s30], $0x4000  }
0xa7: {  	[sflag:s30] =	ssyncset.done $0x0  }
0xa8: {  	s5 =	rddreg [dreg:$0xf];
	[sflag:s30] =	ssyncadd.s32 $0xFFFFC000  }
0xa9: {  	[spmem:s1] =	stream.indirect.scatter.add.f32 [tilespmem:s26], [sflag:$0x4], $0x80, s5, s24, $0xb8;
	[tilespmem:$0x1F000] =	vst v63  }
0xaa: {  	_ =	swait.ge [sflag:s29], $0x4000  }
0xab: {  	[sflag:s29] =	ssyncset.done $0x0  }
0xac: {  	s18 =	rddreg [dreg:$0x10];
	[sflag:s29] =	ssyncadd.s32 $0xFFFFC000  }
0xad: {  	[tilespmem:s26], [sflag:$0x2] =	stream.indirect.gather [hbm4b:s4+s24], $0x80, s18, s24, $0xb8;
	[tilespmem:$0x1F000] =	vst v63  }
0xae: {  	_ =	swait.ge [sflag:s28], $0x4000  }
0xaf: {  	[sflag:s28] =	ssyncset.done $0x0  }
0xb0: {  	s5 =	rddreg [dreg:$0x11];
	[sflag:s28] =	ssyncadd.s32 $0xFFFFC000  }
0xb1: {  	[spmem:s1] =	stream.indirect.scatter.add.f32 [tilespmem:s25], [sflag:$0x4], $0x80, s5, s24, $0xb8;
	[tilespmem:$0x1F000] =	vst v63  }
0xb2: {  	_ =	swait.ge [sflag:s29], $0x4000  }
0xb3: {  	[sflag:s29] =	ssyncset.done $0x0  }
0xb4: {  	[sflag:s29] =	ssyncadd.s32 $0xFFFFC000  }
0xb5: {  	_ =	swait.ge [sflag:s30], $0x4000  }
0xb6: {  	[sflag:s30] =	ssyncset.done $0x0  }
0xb7: {  	s18 =	rddreg [dreg:$0x12];
	[sflag:s30] =	ssyncadd.s32 $0xFFFFC000  }
0xb8: {  	[spmem:s1] =	stream.indirect.scatter.add.f32 [tilespmem:s26], [sflag:$0x4], $0x80, s18, s24, $0xb8;
	[tilespmem:$0x1F000] =	vst v63  }
0xb9: {  	_ =	swait.ge [sflag:s29], $0x4000  }
0xba: {  	[sflag:s29] =	ssyncset.done $0x0  }
0xbb: {  	[sflag:s29] =	ssyncadd.s32 $0xFFFFC000  }
0xbc: {  	_ =	swait.ge [sflag:s20], $0x400  }
0xbd: {  	[sflag:s20] =	ssyncset.done $0x0  }
0xbe: {  	[sflag:s20] =	ssyncadd.s32 $0xFFFFFC00  }
0xbf: {  	_ =	swait.ge [sflag:s20], $0x400  }
0xc0: {  	[sflag:s20] =	ssyncset.done $0x0  }
0xc1: {  	s15 =	sadd.s32 $0x100, s15;
	[sflag:s20] =	ssyncadd.s32 $0xFFFFFC00  }
0xc2: {  	[tilespmem:s3], [sflag:$0x3] =	stream.linear.gather [hbm4b:s15+s3], $0x400, $0x38;
	[tilespmem:$0x1F000] =	vst v63  }
0xc3: {  	s5 =	sadd.s32 $0x100, s16  }
0xc4: {  	[tilespmem:s21], [sflag:$0x3] =	stream.linear.gather [hbm4b:s5+s3], $0x400, $0x38;
	[tilespmem:$0x1F000] =	vst v63  }
0xc5: {  	_ = 	snop  }
0xc6: {  	[tilespmem:s25], [sflag:$0x1] =	stream.indirect.gather [hbm4b:s4+s24], $0x80, s22, s24, $0xb8;
	[tilespmem:$0x1F000] =	vst v63  }
0xc7: {  	s16 =	rddreg [dreg:$0x13]  }
0xc8: {  	[tilespmem:s26], [sflag:$0x2] =	stream.indirect.gather [hbm4b:s4+s24], $0x80, s16, s24, $0xb8;
	[tilespmem:$0x1F000] =	vst v63  }
0xc9: {  	_ =	swait.ge [sflag:s28], $0x4000  }
0xca: {  	[sflag:s28] =	ssyncset.done $0x0  }
0xcb: {  	[sflag:s28] =	ssyncadd.s32 $0xFFFFC000  }
0xcc: {  	[spmem:s1] =	stream.indirect.scatter.add.f32 [tilespmem:s25], [sflag:$0x4], $0x80, s23, s24, $0xb8;
	[tilespmem:$0x1F000] =	vst v63  }
0xcd: {  	_ =	swait.ge [sflag:s29], $0x4000  }
0xce: {  	[sflag:s29] =	ssyncset.done $0x0  }
0xcf: {  	s17 =	rddreg [dreg:$0x14];
	[sflag:s29] =	ssyncadd.s32 $0xFFFFC000  }
0xd0: {  	[tilespmem:s25], [sflag:$0x1] =	stream.indirect.gather [hbm4b:s4+s24], $0x80, s17, s24, $0xb8;
	[tilespmem:$0x1F000] =	vst v63  }
0xd1: {  	_ =	swait.ge [sflag:s30], $0x4000  }
0xd2: {  	[sflag:s30] =	ssyncset.done $0x0  }
0xd3: {  	s18 =	rddreg [dreg:$0x15];
	[sflag:s30] =	ssyncadd.s32 $0xFFFFC000  }
0xd4: {  	[spmem:s1] =	stream.indirect.scatter.add.f32 [tilespmem:s26], [sflag:$0x4], $0x80, s18, s24, $0xb8;
	[tilespmem:$0x1F000] =	vst v63  }
0xd5: {  	_ =	swait.ge [sflag:s29], $0x4000  }
0xd6: {  	[sflag:s29] =	ssyncset.done $0x0  }
0xd7: {  	[sflag:s29] =	ssyncadd.s32 $0xFFFFC000  }
0xd8: {  	[tilespmem:s26], [sflag:$0x2] =	stream.indirect.gather [hbm4b:s4+s24], $0x80, s31, s24, $0xb8;
	[tilespmem:$0x1F000] =	vst v63  }
0xd9: {  	_ =	swait.ge [sflag:s28], $0x4000  }
0xda: {  	[sflag:s28] =	ssyncset.done $0x0  }
0xdb: {  	[sflag:s28] =	ssyncadd.s32 $0xFFFFC000  }
0xdc: {  	[spmem:s1] =	stream.indirect.scatter.add.f32 [tilespmem:s25], [sflag:$0x4], $0x80, s0, s24, $0xb8;
	[tilespmem:$0x1F000] =	vst v63  }
0xdd: {  	_ =	swait.ge [sflag:s29], $0x4000  }
0xde: {  	[sflag:s29] =	ssyncset.done $0x0  }
0xdf: {  	[sflag:s29] =	ssyncadd.s32 $0xFFFFC000  }
0xe0: {  	[tilespmem:s25], [sflag:$0x1] =	stream.indirect.gather [hbm4b:s4+s24], $0x80, s2, s24, $0xb8;
	[tilespmem:$0x1F000] =	vst v63  }
0xe1: {  	_ =	swait.ge [sflag:s30], $0x4000  }
0xe2: {  	[sflag:s30] =	ssyncset.done $0x0  }
0xe3: {  	[sflag:s30] =	ssyncadd.s32 $0xFFFFC000  }
0xe4: {  	[spmem:s1] =	stream.indirect.scatter.add.f32 [tilespmem:s26], [sflag:$0x4], $0x80, s6, s24, $0xb8;
	[tilespmem:$0x1F000] =	vst v63  }
0xe5: {  	_ =	swait.ge [sflag:s29], $0x4000  }
0xe6: {  	[sflag:s29] =	ssyncset.done $0x0  }
0xe7: {  	[sflag:s29] =	ssyncadd.s32 $0xFFFFC000  }
0xe8: {  	[tilespmem:s26], [sflag:$0x2] =	stream.indirect.gather [hbm4b:s4+s24], $0x80, s7, s24, $0xb8;
	[tilespmem:$0x1F000] =	vst v63  }
0xe9: {  	_ =	swait.ge [sflag:s28], $0x4000  }
0xea: {  	[sflag:s28] =	ssyncset.done $0x0  }
0xeb: {  	[sflag:s28] =	ssyncadd.s32 $0xFFFFC000  }
0xec: {  	[spmem:s1] =	stream.indirect.scatter.add.f32 [tilespmem:s25], [sflag:$0x4], $0x80, s8, s24, $0xb8;
	[tilespmem:$0x1F000] =	vst v63  }
0xed: {  	_ =	swait.ge [sflag:s29], $0x4000  }
0xee: {  	[sflag:s29] =	ssyncset.done $0x0  }
0xef: {  	[sflag:s29] =	ssyncadd.s32 $0xFFFFC000  }
0xf0: {  	[tilespmem:s25], [sflag:$0x1] =	stream.indirect.gather [hbm4b:s4+s24], $0x80, s9, s24, $0xb8;
	[tilespmem:$0x1F000] =	vst v63  }
0xf1: {  	_ =	swait.ge [sflag:s30], $0x4000  }
0xf2: {  	[sflag:s30] =	ssyncset.done $0x0  }
0xf3: {  	[sflag:s30] =	ssyncadd.s32 $0xFFFFC000  }
0xf4: {  	[spmem:s1] =	stream.indirect.scatter.add.f32 [tilespmem:s26], [sflag:$0x4], $0x80, s10, s24, $0xb8;
	[tilespmem:$0x1F000] =	vst v63  }
0xf5: {  	_ =	swait.ge [sflag:s29], $0x4000  }
0xf6: {  	[sflag:s29] =	ssyncset.done $0x0  }
0xf7: {  	[sflag:s29] =	ssyncadd.s32 $0xFFFFC000  }
0xf8: {  	[tilespmem:s26], [sflag:$0x2] =	stream.indirect.gather [hbm4b:s4+s24], $0x80, s11, s24, $0xb8;
	[tilespmem:$0x1F000] =	vst v63  }
0xf9: {  	_ =	swait.ge [sflag:s28], $0x4000  }
0xfa: {  	[sflag:s28] =	ssyncset.done $0x0  }
0xfb: {  	[sflag:s28] =	ssyncadd.s32 $0xFFFFC000  }
0xfc: {  	[spmem:s1] =	stream.indirect.scatter.add.f32 [tilespmem:s25], [sflag:$0x4], $0x80, s12, s24, $0xb8;
	[tilespmem:$0x1F000] =	vst v63  }
0xfd: {  	_ =	swait.ge [sflag:s29], $0x4000  }
0xfe: {  	[sflag:s29] =	ssyncset.done $0x0  }
0xff: {  	[sflag:s29] =	ssyncadd.s32 $0xFFFFC000  }
0x100: {  	_ =	swait.ge [sflag:s30], $0x4000  }
0x101: {  	[sflag:s30] =	ssyncset.done $0x0  }
0x102: {  	[sflag:s30] =	ssyncadd.s32 $0xFFFFC000  }
0x103: {  	[spmem:s1] =	stream.indirect.scatter.add.f32 [tilespmem:s26], [sflag:$0x4], $0x80, s13, s24, $0xb8;
	[tilespmem:$0x1F000] =	vst v63  }
0x104: {  	s15 =	simm.s32 $0x100;
	_ =	swait.ge [sflag:s29], $0x4000  }
.LBB2_4:
0x105: {  	[sflag:s29] =	ssyncset.done $0x0  }
0x106: {  	[sflag:s29] =	ssyncadd.s32 $0xFFFFC000  }
0x107: {  	_ =	swait.ge [sflag:s20], $0x400  }
0x108: {  	[sflag:s20] =	ssyncset.done $0x0  }
0x109: {  	[sflag:s20] =	ssyncadd.s32 $0xFFFFFC00  }
0x10a: {  	_ =	swait.ge [sflag:s20], $0x400  }
0x10b: {  	s17 =	smov.u32 s15;
	s16 =	rddreg [dreg:$0x4]  }
0x10c: {  	s18 =	rddreg [dreg:$0x5];
	[sflag:s20] =	ssyncset.done $0x0;
	s16 =	sadd.s32 s17, s16  }
0x10d: {  	[sflag:s20] =	ssyncadd.s32 $0xFFFFFC00;
	s17 =	sadd.s32 s17, s18;
	s5 =	sadd.s32 $0x80, s16  }
0x10e: {  	[tilespmem:s22], [sflag:$0x3] =	stream.linear.gather [hbm4b:s5+s3], $0x400, $0x38;
	[tilespmem:$0x1F000] =	vst v63  }
0x10f: {  	s18 =	sadd.s32 $0x80, s17  }
0x110: {  	[tilespmem:s23], [sflag:$0x3] =	stream.linear.gather [hbm4b:s18+s3], $0x400, $0x38;
	[tilespmem:$0x1F000] =	vst v63  }
0x111: {  	_ = 	snop  }
0x112: {  	[tilespmem:s25], [sflag:$0x1] =	stream.indirect.gather [hbm4b:s4+s24], $0x80, s3, s24, $0xb8;
	[tilespmem:$0x1F000] =	vst v63  }
0x113: {  	_ = 	snop  }
0x114: {  	[tilespmem:s26], [sflag:$0x2] =	stream.indirect.gather [hbm4b:s4+s24], $0x80, s24, s24, $0xb8;
	[tilespmem:$0x1F000] =	vst v63  }
0x115: {  	_ =	swait.ge [sflag:s28], $0x4000  }
0x116: {  	[sflag:s28] =	ssyncset.done $0x0  }
0x117: {  	[sflag:s28] =	ssyncadd.s32 $0xFFFFC000  }
0x118: {  	[spmem:s1] =	stream.indirect.scatter.add.f32 [tilespmem:s25], [sflag:$0x4], $0x80, s21, s24, $0xb8;
	[tilespmem:$0x1F000] =	vst v63  }
0x119: {  	_ =	swait.ge [sflag:s29], $0x4000  }
0x11a: {  	[sflag:s29] =	ssyncset.done $0x0  }
0x11b: {  	s18 =	rddreg [dreg:$0x6];
	[sflag:s29] =	ssyncadd.s32 $0xFFFFC000  }
0x11c: {  	[tilespmem:s25], [sflag:$0x1] =	stream.indirect.gather [hbm4b:s4+s24], $0x80, s18, s24, $0xb8;
	[tilespmem:$0x1F000] =	vst v63  }
0x11d: {  	_ =	swait.ge [sflag:s30], $0x4000  }
0x11e: {  	[sflag:s30] =	ssyncset.done $0x0  }
0x11f: {  	s18 =	rddreg [dreg:$0x7];
	[sflag:s30] =	ssyncadd.s32 $0xFFFFC000  }
0x120: {  	[spmem:s1] =	stream.indirect.scatter.add.f32 [tilespmem:s26], [sflag:$0x4], $0x80, s18, s24, $0xb8;
	[tilespmem:$0x1F000] =	vst v63  }
0x121: {  	_ =	swait.ge [sflag:s29], $0x4000  }
0x122: {  	[sflag:s29] =	ssyncset.done $0x0  }
0x123: {  	s18 =	rddreg [dreg:$0x8];
	[sflag:s29] =	ssyncadd.s32 $0xFFFFC000  }
0x124: {  	[tilespmem:s26], [sflag:$0x2] =	stream.indirect.gather [hbm4b:s4+s24], $0x80, s18, s24, $0xb8;
	[tilespmem:$0x1F000] =	vst v63  }
0x125: {  	_ =	swait.ge [sflag:s28], $0x4000  }
0x126: {  	[sflag:s28] =	ssyncset.done $0x0  }
0x127: {  	s18 =	rddreg [dreg:$0x9];
	[sflag:s28] =	ssyncadd.s32 $0xFFFFC000  }
0x128: {  	[spmem:s1] =	stream.indirect.scatter.add.f32 [tilespmem:s25], [sflag:$0x4], $0x80, s18, s24, $0xb8;
	[tilespmem:$0x1F000] =	vst v63  }
0x129: {  	_ =	swait.ge [sflag:s29], $0x4000  }
0x12a: {  	[sflag:s29] =	ssyncset.done $0x0  }
0x12b: {  	s18 =	rddreg [dreg:$0xa];
	[sflag:s29] =	ssyncadd.s32 $0xFFFFC000  }
0x12c: {  	[tilespmem:s25], [sflag:$0x1] =	stream.indirect.gather [hbm4b:s4+s24], $0x80, s18, s24, $0xb8;
	[tilespmem:$0x1F000] =	vst v63  }
0x12d: {  	_ =	swait.ge [sflag:s30], $0x4000  }
0x12e: {  	[sflag:s30] =	ssyncset.done $0x0  }
0x12f: {  	s18 =	rddreg [dreg:$0xb];
	[sflag:s30] =	ssyncadd.s32 $0xFFFFC000  }
0x130: {  	[spmem:s1] =	stream.indirect.scatter.add.f32 [tilespmem:s26], [sflag:$0x4], $0x80, s18, s24, $0xb8;
	[tilespmem:$0x1F000] =	vst v63  }
0x131: {  	_ =	swait.ge [sflag:s29], $0x4000  }
0x132: {  	[sflag:s29] =	ssyncset.done $0x0  }
0x133: {  	s18 =	rddreg [dreg:$0xc];
	[sflag:s29] =	ssyncadd.s32 $0xFFFFC000  }
0x134: {  	[tilespmem:s26], [sflag:$0x2] =	stream.indirect.gather [hbm4b:s4+s24], $0x80, s18, s24, $0xb8;
	[tilespmem:$0x1F000] =	vst v63  }
0x135: {  	_ =	swait.ge [sflag:s28], $0x4000  }
0x136: {  	[sflag:s28] =	ssyncset.done $0x0  }
0x137: {  	s18 =	rddreg [dreg:$0xd];
	[sflag:s28] =	ssyncadd.s32 $0xFFFFC000  }
0x138: {  	[spmem:s1] =	stream.indirect.scatter.add.f32 [tilespmem:s25], [sflag:$0x4], $0x80, s18, s24, $0xb8;
	[tilespmem:$0x1F000] =	vst v63  }
0x139: {  	_ =	swait.ge [sflag:s29], $0x4000  }
0x13a: {  	[sflag:s29] =	ssyncset.done $0x0  }
0x13b: {  	s18 =	rddreg [dreg:$0xe];
	[sflag:s29] =	ssyncadd.s32 $0xFFFFC000  }
0x13c: {  	[tilespmem:s25], [sflag:$0x1] =	stream.indirect.gather [hbm4b:s4+s24], $0x80, s18, s24, $0xb8;
	[tilespmem:$0x1F000] =	vst v63  }
0x13d: {  	_ =	swait.ge [sflag:s30], $0x4000  }
0x13e: {  	[sflag:s30] =	ssyncset.done $0x0  }
0x13f: {  	s18 =	rddreg [dreg:$0xf];
	[sflag:s30] =	ssyncadd.s32 $0xFFFFC000  }
0x140: {  	[spmem:s1] =	stream.indirect.scatter.add.f32 [tilespmem:s26], [sflag:$0x4], $0x80, s18, s24, $0xb8;
	[tilespmem:$0x1F000] =	vst v63  }
0x141: {  	_ =	swait.ge [sflag:s29], $0x4000  }
0x142: {  	[sflag:s29] =	ssyncset.done $0x0  }
0x143: {  	s18 =	rddreg [dreg:$0x10];
	[sflag:s29] =	ssyncadd.s32 $0xFFFFC000  }
0x144: {  	[tilespmem:s26], [sflag:$0x2] =	stream.indirect.gather [hbm4b:s4+s24], $0x80, s18, s24, $0xb8;
	[tilespmem:$0x1F000] =	vst v63  }
0x145: {  	_ =	swait.ge [sflag:s28], $0x4000  }
0x146: {  	[sflag:s28] =	ssyncset.done $0x0  }
0x147: {  	s18 =	rddreg [dreg:$0x11];
	[sflag:s28] =	ssyncadd.s32 $0xFFFFC000  }
0x148: {  	[spmem:s1] =	stream.indirect.scatter.add.f32 [tilespmem:s25], [sflag:$0x4], $0x80, s18, s24, $0xb8;
	[tilespmem:$0x1F000] =	vst v63  }
0x149: {  	_ =	swait.ge [sflag:s29], $0x4000  }
0x14a: {  	[sflag:s29] =	ssyncset.done $0x0  }
0x14b: {  	[sflag:s29] =	ssyncadd.s32 $0xFFFFC000  }
0x14c: {  	_ =	swait.ge [sflag:s30], $0x4000  }
0x14d: {  	[sflag:s30] =	ssyncset.done $0x0  }
0x14e: {  	s18 =	rddreg [dreg:$0x12];
	[sflag:s30] =	ssyncadd.s32 $0xFFFFC000  }
0x14f: {  	[spmem:s1] =	stream.indirect.scatter.add.f32 [tilespmem:s26], [sflag:$0x4], $0x80, s18, s24, $0xb8;
	[tilespmem:$0x1F000] =	vst v63  }
0x150: {  	_ =	swait.ge [sflag:s29], $0x4000  }
0x151: {  	[sflag:s29] =	ssyncset.done $0x0  }
0x152: {  	[sflag:s29] =	ssyncadd.s32 $0xFFFFC000  }
0x153: {  	_ =	swait.ge [sflag:s20], $0x400  }
0x154: {  	[sflag:s20] =	ssyncset.done $0x0  }
0x155: {  	[sflag:s20] =	ssyncadd.s32 $0xFFFFFC00  }
0x156: {  	_ =	swait.ge [sflag:s20], $0x400  }
0x157: {  	[sflag:s20] =	ssyncset.done $0x0  }
0x158: {  	s16 =	sadd.s32 $0x100, s16;
	[sflag:s20] =	ssyncadd.s32 $0xFFFFFC00  }
0x159: {  	[tilespmem:s3], [sflag:$0x3] =	stream.linear.gather [hbm4b:s16+s3], $0x400, $0x38;
	[tilespmem:$0x1F000] =	vst v63  }
0x15a: {  	s17 =	sadd.s32 $0x100, s17  }
0x15b: {  	[tilespmem:s21], [sflag:$0x3] =	stream.linear.gather [hbm4b:s17+s3], $0x400, $0x38;
	[tilespmem:$0x1F000] =	vst v63  }
0x15c: {  	_ = 	snop  }
0x15d: {  	[tilespmem:s25], [sflag:$0x1] =	stream.indirect.gather [hbm4b:s4+s24], $0x80, s22, s24, $0xb8;
	[tilespmem:$0x1F000] =	vst v63  }
0x15e: {  	s18 =	rddreg [dreg:$0x13]  }
0x15f: {  	[tilespmem:s26], [sflag:$0x2] =	stream.indirect.gather [hbm4b:s4+s24], $0x80, s18, s24, $0xb8;
	[tilespmem:$0x1F000] =	vst v63  }
0x160: {  	_ =	swait.ge [sflag:s28], $0x4000  }
0x161: {  	[sflag:s28] =	ssyncset.done $0x0  }
0x162: {  	[sflag:s28] =	ssyncadd.s32 $0xFFFFC000  }
0x163: {  	[spmem:s1] =	stream.indirect.scatter.add.f32 [tilespmem:s25], [sflag:$0x4], $0x80, s23, s24, $0xb8;
	[tilespmem:$0x1F000] =	vst v63  }
0x164: {  	_ =	swait.ge [sflag:s29], $0x4000  }
0x165: {  	[sflag:s29] =	ssyncset.done $0x0  }
0x166: {  	s17 =	rddreg [dreg:$0x14];
	[sflag:s29] =	ssyncadd.s32 $0xFFFFC000  }
0x167: {  	[tilespmem:s25], [sflag:$0x1] =	stream.indirect.gather [hbm4b:s4+s24], $0x80, s17, s24, $0xb8;
	[tilespmem:$0x1F000] =	vst v63  }
0x168: {  	_ =	swait.ge [sflag:s30], $0x4000  }
0x169: {  	[sflag:s30] =	ssyncset.done $0x0  }
0x16a: {  	s18 =	rddreg [dreg:$0x15];
	[sflag:s30] =	ssyncadd.s32 $0xFFFFC000  }
0x16b: {  	[spmem:s1] =	stream.indirect.scatter.add.f32 [tilespmem:s26], [sflag:$0x4], $0x80, s18, s24, $0xb8;
	[tilespmem:$0x1F000] =	vst v63  }
0x16c: {  	_ =	swait.ge [sflag:s29], $0x4000  }
0x16d: {  	[sflag:s29] =	ssyncset.done $0x0  }
0x16e: {  	[sflag:s29] =	ssyncadd.s32 $0xFFFFC000  }
0x16f: {  	[tilespmem:s26], [sflag:$0x2] =	stream.indirect.gather [hbm4b:s4+s24], $0x80, s31, s24, $0xb8;
	[tilespmem:$0x1F000] =	vst v63  }
0x170: {  	_ =	swait.ge [sflag:s28], $0x4000  }
0x171: {  	[sflag:s28] =	ssyncset.done $0x0  }
0x172: {  	[sflag:s28] =	ssyncadd.s32 $0xFFFFC000  }
0x173: {  	[spmem:s1] =	stream.indirect.scatter.add.f32 [tilespmem:s25], [sflag:$0x4], $0x80, s0, s24, $0xb8;
	[tilespmem:$0x1F000] =	vst v63  }
0x174: {  	_ =	swait.ge [sflag:s29], $0x4000  }
0x175: {  	[sflag:s29] =	ssyncset.done $0x0  }
0x176: {  	[sflag:s29] =	ssyncadd.s32 $0xFFFFC000  }
0x177: {  	[tilespmem:s25], [sflag:$0x1] =	stream.indirect.gather [hbm4b:s4+s24], $0x80, s2, s24, $0xb8;
	[tilespmem:$0x1F000] =	vst v63  }
0x178: {  	_ =	swait.ge [sflag:s30], $0x4000  }
0x179: {  	[sflag:s30] =	ssyncset.done $0x0  }
0x17a: {  	[sflag:s30] =	ssyncadd.s32 $0xFFFFC000  }
0x17b: {  	[spmem:s1] =	stream.indirect.scatter.add.f32 [tilespmem:s26], [sflag:$0x4], $0x80, s6, s24, $0xb8;
	[tilespmem:$0x1F000] =	vst v63  }
0x17c: {  	_ =	swait.ge [sflag:s29], $0x4000  }
0x17d: {  	[sflag:s29] =	ssyncset.done $0x0  }
0x17e: {  	[sflag:s29] =	ssyncadd.s32 $0xFFFFC000  }
0x17f: {  	[tilespmem:s26], [sflag:$0x2] =	stream.indirect.gather [hbm4b:s4+s24], $0x80, s7, s24, $0xb8;
	[tilespmem:$0x1F000] =	vst v63  }
0x180: {  	_ =	swait.ge [sflag:s28], $0x4000  }
0x181: {  	[sflag:s28] =	ssyncset.done $0x0  }
0x182: {  	[sflag:s28] =	ssyncadd.s32 $0xFFFFC000  }
0x183: {  	[spmem:s1] =	stream.indirect.scatter.add.f32 [tilespmem:s25], [sflag:$0x4], $0x80, s8, s24, $0xb8;
	[tilespmem:$0x1F000] =	vst v63  }
0x184: {  	_ =	swait.ge [sflag:s29], $0x4000  }
0x185: {  	[sflag:s29] =	ssyncset.done $0x0  }
0x186: {  	[sflag:s29] =	ssyncadd.s32 $0xFFFFC000  }
0x187: {  	[tilespmem:s25], [sflag:$0x1] =	stream.indirect.gather [hbm4b:s4+s24], $0x80, s9, s24, $0xb8;
	[tilespmem:$0x1F000] =	vst v63  }
0x188: {  	_ =	swait.ge [sflag:s30], $0x4000  }
0x189: {  	[sflag:s30] =	ssyncset.done $0x0  }
0x18a: {  	[sflag:s30] =	ssyncadd.s32 $0xFFFFC000  }
0x18b: {  	[spmem:s1] =	stream.indirect.scatter.add.f32 [tilespmem:s26], [sflag:$0x4], $0x80, s10, s24, $0xb8;
	[tilespmem:$0x1F000] =	vst v63  }
0x18c: {  	_ =	swait.ge [sflag:s29], $0x4000  }
0x18d: {  	[sflag:s29] =	ssyncset.done $0x0  }
0x18e: {  	[sflag:s29] =	ssyncadd.s32 $0xFFFFC000  }
0x18f: {  	[tilespmem:s26], [sflag:$0x2] =	stream.indirect.gather [hbm4b:s4+s24], $0x80, s11, s24, $0xb8;
	[tilespmem:$0x1F000] =	vst v63  }
0x190: {  	_ =	swait.ge [sflag:s28], $0x4000  }
0x191: {  	[sflag:s28] =	ssyncset.done $0x0  }
0x192: {  	[sflag:s28] =	ssyncadd.s32 $0xFFFFC000  }
0x193: {  	[spmem:s1] =	stream.indirect.scatter.add.f32 [tilespmem:s25], [sflag:$0x4], $0x80, s12, s24, $0xb8;
	[tilespmem:$0x1F000] =	vst v63  }
0x194: {  	_ =	swait.ge [sflag:s29], $0x4000  }
0x195: {  	[sflag:s29] =	ssyncset.done $0x0  }
0x196: {  	p0 =	sne.s32 s15, $0x400;
	[sflag:s29] =	ssyncadd.s32 $0xFFFFC000  }
.Ltmp1:
0x197: {  	_ =	swait.ge [sflag:s30], $0x4000;
	(pc) =	sbr.rel @p0 .LBB2_4-.Ltmp1, $4  }
0x198: {  	[sflag:s30] =	ssyncset.done $0x0  }
0x199: {  	[sflag:s30] =	ssyncadd.s32 $0xFFFFC000  }
0x19a: {  	[spmem:s1] =	stream.indirect.scatter.add.f32 [tilespmem:s26], [sflag:$0x4], $0x80, s13, s24, $0xb8;
	[tilespmem:$0x1F000] =	vst v63  }
0x19b: {  	s15 =	sadd.s32 $0x100, s15;
	_ =	swait.ge [sflag:s29], $0x4000  }
0x19c: {  	[sflag:s29] =	ssyncset.done $0x0  }
0x19d: {  	[sflag:s29] =	ssyncadd.s32 $0xFFFFC000  }
0x19e: {  	_ =	swait.ge [sflag:s20], $0x400  }
0x19f: {  	[sflag:s20] =	ssyncset.done $0x0  }
0x1a0: {  	[sflag:s20] =	ssyncadd.s32 $0xFFFFFC00  }
0x1a1: {  	_ =	swait.ge [sflag:s20], $0x400  }
0x1a2: {  	[sflag:s20] =	ssyncset.done $0x0  }
0x1a3: {  	[sflag:s20] =	ssyncadd.s32 $0xFFFFFC00  }
0x1a4: {  	s5 =	stileid.u32;
	[bflag:$0x0] =	sbarrier.arrive $0xFFFF  }
0x1a5: {  	s5 =	sshll.u32 s5, $0x6;
	s17 =	rddreg [dreg:$0x16]  }
0x1a6: {  	s5 =	sor.u32 $0x1C04, s5;
	s16 =	rddreg [dreg:$0x19];
	s15 =	sshrl.u32 s17, $0x3  }
0x1a7: {  	[hbm:s16], [sflag:s5] =	dma.local [spmem:s15], $0x2800  }
0x1a8: {  	_ =	swait.ge [sflag:s29], $0x2800  }
0x1a9: {  	s14 =	sadd.s32 $0x1, s14;
	s18 =	rddreg [dreg:$0x1a]  }
0x1aa: {  	p0 =	sne.s32 s14, s18  }
.Ltmp2:
0x1ab: {  	_ = 	snop;
	(pc) =	sbr.rel @p0 .LBB2_1-.Ltmp2, $3  }
0x1ac: {  	_ =	sdelay $0x1  }
0x1ad: {  	[sflag:s29] =	ssyncset.done $0x0  }
0x1ae: {  	[sflag:s29] =	ssyncadd.s32 $0xFFFFD800  }
0x1af: {  	_ =	sfence.sel $0x180000  }
0x1b0: {  	[bflag:$0x0] =	sbarrier.arrive $0xFFFF  }
0x1b1: {  	_ =	strace $0x9000004D  }
0x1b2: {  	s0 =	stileid.u32;
	[bflag:$0x2] =	sbarrier.arrive $0xFFFF  }
0x1b3: {  	p0 =	sne.s32 s0, $0x0;
	s0 =	rddreg [dreg:$0x3]  }
0x1b4: {  	s0 =	sadd.s32 @!p0 $0x100000, s0  }
0x1b5: {  	[sflag:s0] =	ssyncadd.tile.s32 @!p0 $0x1;
	_ =	shalt  }
.Lfunc_end2:
_tile_overlayer_lowered:
.L_overlay_start_2:
0x1b6: {  	(tag) =	ssettag $0x2  }
0x1b7: {  	s0 =	rddreg [dreg:$0x0];
	s2 =	stileid.u32  }
0x1b8: {  	s1 =	rddreg [dreg:$0x1];
	p0 =	sne.s32 s2, $0x0  }
0x1b9: {  	s3 =	rddreg [dreg:$0x2];
	[bflag:$0x3] =	sbarrier.arrive $0xFFFF;
	s2 =	simm.s32 @!p0 $0x1C04  }
0x1ba: {  	[timem:s3], [sflag:s2] =	dma.local @!p0 [hbm:s0], s1  }
0x1bb: {  	s0 =	simm.s32 @!p0 $0x4  }
0x1bc: {  	_ =	swait.ge @!p0 [sflag:s0], s1  }
0x1bd: {  	s1 =	ssub.s32 @!p0 $0x0, s1;
	[sflag:s0] =	ssyncset.done @!p0 $0x0  }
0x1be: {  	[sflag:s0] =	ssyncadd.s32 @!p0 s1  }
0x1bf: {  	[bflag:$0x3] =	sbarrier.arrive $0xFFFF  }
0x1c0: {  	_ =	shalt  }

// kernel: kernel.8.cloned.1.call-start
scs
__scs_entry_jumppad:
0x0: {  	(pc) =	sbr.rel $0x88, $3  }
0x1: {  	(tag) =	ssettag $0x0;
	lr =	simm.s32 $0x1  }
0x2: {  	[smem:$0x3F99] =	sst lr;
	_ =	strace $0xD0000000  }
0x3: {  	_ = 	snop  }
0x4: {  	_ = 	snop  }
0x5: {  	_ = 	snop  }
0x6: {  	_ = 	snop  }
0x7: {  	_ = 	snop  }
__scs_overlays_trampoline_lowered:
0x8: {  	[smem:$0x3FA8] =	sst s0  }
0x9: {  	[smem:$0x3FA9] =	sst s1  }
0xa: {  	[smem:$0x3FAA] =	sst s2  }
0xb: {  	[smem:$0x3FAB] =	sst s3  }
0xc: {  	[smem:$0x3FAC] =	sst s4  }
0xd: {  	[smem:$0x3FAD] =	sst s5  }
0xe: {  	[smem:$0x3FAE] =	sst s6  }
0xf: {  	[smem:$0x3FAF] =	sst s7  }
0x10: {  	[smem:$0x3FB0] =	sst s8  }
0x11: {  	[smem:$0x3FB1] =	sst s9;
	s0 =	simm.s32 @!p0 $0x0  }
0x12: {  	s1 =	sld [smem:$0x3F97];
	s0 =	simm.s32 @p0 $0x1  }
0x13: {  	[smem:$0x3FB2] =	sst s0;
	s0 =	simm.s32 @!p1 $0x0  }
0x14: {  	s2 =	sld [smem:$0x3F96];
	s0 =	simm.s32 @p1 $0x1  }
0x15: {  	[smem:$0x3FB3] =	sst s0;
	s0 =	simm.s32 @!p2 $0x0  }
0x16: {  	s3 =	sld [smem:$0x3FDB];
	s0 =	simm.s32 @p2 $0x1  }
0x17: {  	s4 =	simm.s32 $0x1BF5;
	[smem:$0x3FB5] =	sst s0  }
0x18: {  	s0 =	sld [smem:$0x3F98];
	_ =	swait.ge [sflag:s4], $0x0  }
0x19: {  	s7 =	sld [smem:$0x3F99]  }
0x1a: {  	s8 =	sadd.s32 $0xFFFFE003, lr  }
0x1b: {  	s9 =	sadd.s32 $0xFFFFFEF7, lr;
	s5 =	simm.s32 $0xFFFFFFFF;
	p2 =	slt.u32 s8, $0xFFFFF086  }
0x1c: {  	p1 =	slt.u32 s9, $0xF7A;
	s5 =	simm.s32 @!p2 $0x0  }
0x1d: {  	s5 =	simm.s32 @p1 $0x1;
	p0 =	seq.s32 s7, s2  }
0x1e: {  	s7 =	smul.u32 @!p0 $0xF7A, s2;
	p2 =	seq.s32 @!p0 s5, $0x0  }
0x1f: {  	s9 =	smul.u32 $0xF7A, s1;
	s8 =	simm.s32 @!p0 $0x1BF5;
	p2 =	por !p2, p0  }
0x20: {  	[sflag:s8] =	ssyncset.s32 @!p0 $0xFFFFF086;
	s6 =	sadd.s32 @!p0 s3, s7;
	s7 =	simm.s32 @!p0 $0x108  }
0x21: {  	s3 =	sadd.s32 s3, s9;
	s6 =	sadd.s32 @!p0 $0x88, s6;
	s7 =	simm.s32 @p2 $0x1082  }
0x22: {  	[simem:s7], [sflag:s8] =	dma.local @!p0 [hbm:s6], $0xF7A  }
0x23: {  	s9 =	sor.u32 $0xD0000000, s2;
	s6 =	simm.s32 $0x108;
	_ =	swait.ge @!p0 [sflag:s8], $0x0  }
0x24: {  	s3 =	sadd.s32 $0x88, s3;
	s6 =	simm.s32 @!p1 $0x1082;
	[sflag:s4] =	ssyncset.s32 $0xFFFFF086  }
0x25: {  	[simem:s6], [sflag:s4] =	dma.local [hbm:s3], $0xF7A  }
0x26: {  	[smem:$0x3F99] =	sst s1;
	(tag) =	ssettag s2;
	_ =	strace s9  }
0x27: {  	s1 =	sld [smem:$0x3FA9]  }
0x28: {  	s2 =	sld [smem:$0x3FAA]  }
0x29: {  	s4 =	sld [smem:$0x3FAC]  }
0x2a: {  	p0 =	seq.s32 s5, $0x0;
	s5 =	sld [smem:$0x3FAD]  }
0x2b: {  	s6 =	sld [smem:$0x3FAE]  }
0x2c: {  	s7 =	sld [smem:$0x3FAF]  }
0x2d: {  	s3 =	simm.s32 $0x108;
	s8 =	sld [smem:$0x3FB0]  }
0x2e: {  	s3 =	simm.s32 @!p0 $0x1082;
	s9 =	sld [smem:$0x3FB1]  }
0x2f: {  	lr =	sadd.s32 s0, s3;
	s0 =	sld [smem:$0x3FA8]  }
0x30: {  	s3 =	sld [smem:$0x3FAB]  }
0x31: {  	[smem:$0x3FB4] =	sst s10  }
0x32: {  	s10 =	sld [smem:$0x3FB2];
	_ =	sdelay $0x3  }
0x33: {  	p0 =	seq.s32 s10, $0x1;
	s10 =	sld [smem:$0x3FB4];
	_ =	sdelay $0x3  }
0x34: {  	[smem:$0x3FB4] =	sst s10  }
0x35: {  	s10 =	sld [smem:$0x3FB3];
	_ =	sdelay $0x3  }
0x36: {  	p1 =	seq.s32 s10, $0x1;
	s10 =	sld [smem:$0x3FB4];
	_ =	sdelay $0x3  }
0x37: {  	[smem:$0x3FB4] =	sst s10  }
0x38: {  	s10 =	sld [smem:$0x3FB5]  }
0x39: {  	_ = 	snop;
	(pc) =	sbr.ind lr, $3  }
0x3a: {  	_ = 	snop  }
0x3b: {  	_ = 	snop  }
0x3c: {  	p2 =	seq.s32 s10, $0x1;
	s10 =	sld [smem:$0x3FB4]  }
0x3d: {  	_ =	shalt  }
0x3e: {  	_ =	shalt  }
0x3f: {  	_ =	shalt  }
0x40: {  	_ =	shalt  }
0x41: {  	_ =	shalt  }
0x42: {  	_ =	shalt  }
0x43: {  	_ =	shalt  }
0x44: {  	_ =	shalt  }
0x45: {  	_ =	shalt  }
0x46: {  	_ =	shalt  }
0x47: {  	_ =	shalt  }
0x48: {  	_ =	shalt  }
0x49: {  	_ =	shalt  }
0x4a: {  	_ =	shalt  }
0x4b: {  	_ =	shalt  }
0x4c: {  	_ =	shalt  }
0x4d: {  	_ =	shalt  }
0x4e: {  	_ =	shalt  }
0x4f: {  	_ =	shalt  }
0x50: {  	_ =	shalt  }
0x51: {  	_ =	shalt  }
0x52: {  	_ =	shalt  }
0x53: {  	_ =	shalt  }
0x54: {  	_ =	shalt  }
0x55: {  	_ =	shalt  }
0x56: {  	_ =	shalt  }
0x57: {  	_ =	shalt  }
0x58: {  	_ =	shalt  }
0x59: {  	_ =	shalt  }
0x5a: {  	_ =	shalt  }
0x5b: {  	_ =	shalt  }
0x5c: {  	_ =	shalt  }
0x5d: {  	_ =	shalt  }
0x5e: {  	_ =	shalt  }
0x5f: {  	_ =	shalt  }
0x60: {  	_ =	shalt  }
0x61: {  	_ =	shalt  }
0x62: {  	_ =	shalt  }
0x63: {  	_ =	shalt  }
0x64: {  	_ =	shalt  }
0x65: {  	_ =	shalt  }
0x66: {  	_ =	shalt  }
0x67: {  	_ =	shalt  }
0x68: {  	_ =	shalt  }
0x69: {  	_ =	shalt  }
0x6a: {  	_ =	shalt  }
0x6b: {  	_ =	shalt  }
0x6c: {  	_ =	shalt  }
0x6d: {  	_ =	shalt  }
0x6e: {  	_ =	shalt  }
0x6f: {  	_ =	shalt  }
0x70: {  	_ =	shalt  }
0x71: {  	_ =	shalt  }
0x72: {  	_ =	shalt  }
0x73: {  	_ =	shalt  }
0x74: {  	_ =	shalt  }
0x75: {  	_ =	shalt  }
0x76: {  	_ =	shalt  }
0x77: {  	_ =	shalt  }
0x78: {  	_ =	shalt  }
0x79: {  	_ =	shalt  }
0x7a: {  	_ =	shalt  }
0x7b: {  	_ =	shalt  }
0x7c: {  	_ =	shalt  }
0x7d: {  	_ =	shalt  }
0x7e: {  	_ =	shalt  }
0x7f: {  	_ =	shalt  }
0x80: {  	_ =	shalt  }
0x81: {  	_ =	shalt  }
0x82: {  	_ =	shalt  }
0x83: {  	_ =	shalt  }
0x84: {  	_ =	shalt  }
0x85: {  	_ =	shalt  }
0x86: {  	_ =	shalt  }
0x87: {  	_ =	shalt  }
.Lfunc_end0:
.L_simem_size_0:
called_computation_lowered:
.L_overlay_start_0:
0x88: {  	s2 =	sld [smem:$0x3FD9]  }
0x89: {  	s3 =	sld [smem:$0x3FFE];
	_ =	sdelay $0x1  }
0x8a: {  	s1 =	srdreg.scid  }
0x8b: {  	s0 =	sand.u32 $0x1, s1  }
0x8c: {  	s17 =	sshll.u32 s0, $0xA;
	s2 =	sadd.s32 s3, s2  }
0x8d: {  	s2 =	sadd.s32 s2, s17  }
0x8e: {  	[smem:$0x3FC0] =	sst s2  }
0x8f: {  	_ = 	snop  }
0x90: {  	s2 =	sld [smem:$0x3FD0];
	(tm) =	ssettm $0x1  }
0x91: {  	s18 =	sld [smem:$0x3FFB];
	_ =	sdelay $0x3  }
0x92: {  	_ =	strace s18  }
0x93: {  	s3 =	sld [smem:$0x3FFC];
	_ =	sdelay $0x3  }
0x94: {  	_ =	strace s3  }
0x95: {  	s3 =	sld [smem:$0x3FFD];
	_ =	sdelay $0x3  }
0x96: {  	_ =	strace s3  }
0x97: {  	_ =	strace $0x8FFFFFFF  }
0x98: {  	s19 =	sld [smem:$0x3FDB];
	_ =	sdelay $0x1  }
0x99: {  	s4 =	simm.s32 $_scs_section_size  }
0x9a: {  	s5 =	simm.s32 $_size__tile_overlayer_lowered;
	s6 =	simm.s32 $_tile_overlayer_lowered  }
0x9b: {  	s22 =	simm.s32 $0x1BFF;
	s21 =	sshll.u32 s6, $0x1;
	s3 =	sadd.s32 s4, s19  }
0x9c: {  	s7 =	simm.s32 $0x0;
	s20 =	sshll.u32 s5, $0x1;
	s5 =	sadd.s32 s21, s3  }
0x9d: {  	[timem:s7], [sflag:s22] =	dma.local [hbm:s5], s20  }
0x9e: {  	_ =	swait.ge [sflag:s22], s20  }
0x9f: {  	s4 =	ssub.s32 $0x0, s20;
	[sflag:s22] =	ssyncset.done $0x0  }
0xa0: {  	[sflag:s22] =	ssyncadd.s32 s4;
	_ =	sdelay $0x1  }
0xa1: {  	s23 =	simm.s32 $0x1B8B  }
0xa2: {  	_ =	swait.ge [sflag:s23], $0x1  }
0xa3: {  	[sflag:s23] =	ssyncset.done $0x0  }
0xa4: {  	s25 =	simm.s32 $0x1B8E;
	s24 =	sld [smem:$0x3FFE];
	[sflag:s23] =	ssyncadd.s32 $0xFFFFFFFF  }
0xa5: {  	s26 =	simm.s32 $execute0_lowered;
	[smem:$0x3FD2] =	sst s25  }
0xa6: {  	s5 =	sshll.u32 s26, $0x1;
	_ =	strace $0x80000046;
	[dreg:$0x1] =	wrdreg $0xFFFFFFFF  }
0xa7: {  	s28 =	simm.s32 $_size_execute0_lowered;
	s3 =	sadd.s32 s3, s5;
	[dreg:$0x0] =	wrdreg $0x0  }
0xa8: {  	s5 =	sshll.u32 s28, $0x1;
	[dreg:$0x2] =	wrdreg s3  }
0xa9: {  	[dreg:$0x3] =	wrdreg s5  }
0xaa: {  	[dreg:$0x4] =	wrdreg $0xC0  }
0xab: {  	_ =	task [dreg:s7], $0x5FFFF  }
0xac: {  	[dreg:$0x1] =	wrdreg $0xFFFFFFFF  }
0xad: {  	[dreg:$0x0] =	wrdreg $0x60  }
0xae: {  	[dreg:$0x2] =	wrdreg s24  }
0xaf: {  	[dreg:$0x3] =	wrdreg s2  }
0xb0: {  	[dreg:$0x4] =	wrdreg $0x53000  }
0xb1: {  	[dreg:$0x5] =	wrdreg $0x55800  }
0xb2: {  	[dreg:$0x6] =	wrdreg $0x9  }
0xb3: {  	_ =	task.clear_ibuf [dreg:s7], $0x7FFFF;
	_ =	strace $0x90000046  }
0xb4: {  	s29 =	simm.s32 $0x9;
	_ =	strace $0x80000048  }
0xb5: {  	_ =	swait.ge [sflag:s29], $0x1  }
0xb6: {  	[sflag:s29] =	ssyncadd.s32 $0xFFFFFFFF  }
0xb7: {  	_ =	strace $0x90000048  }
0xb8: {  	_ =	sfence  }
0xb9: {  	s30 =	sld [smem:$0x0];
	_ =	sdelay $0x2  }
0xba: {  	s31 =	sshll.u32 s1, $0xD;
	s1 =	sshrl.u32 s1, $0x2  }
0xbb: {  	s3 =	sand.u32 $0x4000, s31;
	s1 =	sadd.s32 s1, s30  }
0xbc: {  	s0 =	sor.u32 s3, s0;
	s1 =	sshll.u32 s1, $0x11  }
0xbd: {  	s0 =	sor.u32 s1, s0  }
0xbe: {  	s0 =	sadd.s32 $0x8F2B, s0  }
0xbf: {  	[sflag:s0] =	ssyncadd.remote.s32 $0x1  }
0xc0: {  	_ =	sfence.sel $0xFFFF  }
0xc1: {  	[dreg:$0x0] =	wrdreg $0xFFFFFFFF;
	(pc) =	sbr.abs _section_cstart, $3  }
0xc2: {  	[dreg:$0x1] =	wrdreg $0xFFFFFFFF  }
0xc3: {  	_ =	task.clear_ibuf [dreg:s7], $0x2FFFF;
	_ =	strace $0x9FFFFFFF  }
0xc4: {  	(tm) =	ssettm $0x7FFFFFFF  }
0xc5: {  	_ =	shalt  }
tec
execute0_lowered:
.L_overlay_start_1:
0x0: {  	(tag) =	ssettag $0x1  }
0x1: {  	s5 =	rddreg [dreg:$0x0]  }
0x2: {  	s8 =	rddreg [dreg:$0x1]  }
0x3: {  	s1 =	rddreg [dreg:$0x2]  }
0x4: {  	s2 =	rddreg [dreg:$0x3]  }
0x5: {  	s3 =	srdreg.scid;
	s0 =	rddreg [dreg:$0x4];
	s4 =	simm.s32 $0x0  }
0x6: {  	s14 =	simm.s32 $0x2800;
	s15 =	simm.s32 $0x80;
	s16 =	simm.s32 $0x5000  }
0x7: {  	s17 =	simm.s32 $0x1;
	s18 =	simm.s32 $0x2;
	s20 =	simm.s32 $0x20  }
0x8: {  	s21 =	simm.s32 $0x10;
	s22 =	simm.s32 $0x0;
	s6 =	sand.u32 $0x1, s3  }
0x9: {  	s3 =	stileid.u32;
	[smem:$0x7FF] =	sst s4;
	s7 =	sshll.u32 s6, $0x4  }
0xa: {  	s9 =	smul.u32 $0x500, s3;
	_ =	strace $0x80000047;
	s30 =	sshll.u32 s6, $0x7  }
0xb: {  	s6 =	ssub.s32 $0x2, s6;
	s31 =	smul.u32 $0x280, s3;
	s7 =	sor.u32 s3, s7  }
0xc: {  	s19 =	sshll.u32 s3, $0x6;
	s12 =	sshrl.u32 s6, $0x1;
	s10 =	smul.u32 $0x500, s7  }
0xd: {  	s19 =	sor.u32 $0x1C03, s19;
	s7 =	sor.u32 s30, s9;
	s12 =	ssub.s32 s6, s12  }
0xe: {  	s6 =	sadd.s32 s31, s2;
	s7 =	sshrl.u32 s7, $0x3;
	s11 =	sadd.s32 s10, s5  }
0xf: {  	s13 =	sadd.s32 s7, s5;
	s5 =	sadd.s32 s31, s1;
	s8 =	sadd.s32 s8, s10  }
0x10: {  	s7 =	sadd.s32 $0x2A00, s11;
	s9 =	sadd.s32 $0xCC00, s13;
	s10 =	sadd.s32 $0xD600, s13  }
0x11: {  	v0 =	vimm.f32 $1.000000000e+00;
	v1 =	vimm.f32 $0.0e+00;
	s11 =	smax.u32 s12, $0x1;
	s12 =	simm.s32 $0x5080;
	s13 =	simm.s32 $0x3  }
.LBB2_1:
0x12: {  	[tilespmem:$0x5000] =	vst v0  }
0x13: {  	[tilespmem:$0x5010] =	vst v0  }
0x14: {  	[tilespmem:$0x5020] =	vst v0  }
0x15: {  	[tilespmem:$0x5030] =	vst v0  }
0x16: {  	[tilespmem:$0x5040] =	vst v0  }
0x17: {  	[tilespmem:$0x5050] =	vst v0  }
0x18: {  	[tilespmem:$0x5060] =	vst v0  }
0x19: {  	[tilespmem:$0x5070] =	vst v0  }
0x1a: {  	[tilespmem:$0x5080] =	vst v1  }
0x1b: {  	[tilespmem:$0x5090] =	vst v1  }
0x1c: {  	[tilespmem:$0x50A0] =	vst v1  }
0x1d: {  	[tilespmem:$0x50B0] =	vst v1  }
0x1e: {  	[tilespmem:$0x50C0] =	vst v1  }
0x1f: {  	[tilespmem:$0x50D0] =	vst v1  }
0x20: {  	[tilespmem:$0x50E0] =	vst v1  }
0x21: {  	[tilespmem:$0x50F0] =	vst v1  }
0x22: {  	[tilespmem:$0x5100] =	vst v1  }
0x23: {  	[tilespmem:$0x5110] =	vst v1  }
0x24: {  	[tilespmem:$0x5120] =	vst v1  }
0x25: {  	[tilespmem:$0x5130] =	vst v1  }
0x26: {  	[tilespmem:$0x5140] =	vst v1  }
0x27: {  	[tilespmem:$0x5150] =	vst v1  }
0x28: {  	[tilespmem:$0x5160] =	vst v1  }
0x29: {  	[tilespmem:$0x5170] =	vst v1  }
0x2a: {  	[tilespmem:$0x5180] =	vst v1  }
0x2b: {  	[tilespmem:$0x5190] =	vst v1  }
0x2c: {  	[tilespmem:$0x51A0] =	vst v1  }
0x2d: {  	[tilespmem:$0x51B0] =	vst v1  }
0x2e: {  	[tilespmem:$0x51C0] =	vst v1  }
0x2f: {  	[tilespmem:$0x51D0] =	vst v1  }
0x30: {  	[tilespmem:$0x51E0] =	vst v1  }
0x31: {  	[tilespmem:$0x51F0] =	vst v1  }
0x32: {  	[tilespmem:$0x5200] =	vst v1  }
0x33: {  	[tilespmem:$0x5210] =	vst v1  }
0x34: {  	[tilespmem:$0x5220] =	vst v1  }
0x35: {  	[tilespmem:$0x5230] =	vst v1  }
0x36: {  	[tilespmem:$0x5240] =	vst v1  }
0x37: {  	[tilespmem:$0x5250] =	vst v1  }
0x38: {  	[tilespmem:$0x5260] =	vst v1  }
0x39: {  	[tilespmem:$0x5270] =	vst v1  }
0x3a: {  	[tilespmem:$0x5280] =	vst v1  }
0x3b: {  	[tilespmem:$0x5290] =	vst v1  }
0x3c: {  	[tilespmem:$0x52A0] =	vst v1  }
0x3d: {  	[tilespmem:$0x52B0] =	vst v1  }
0x3e: {  	[tilespmem:$0x52C0] =	vst v1  }
0x3f: {  	[tilespmem:$0x52D0] =	vst v1  }
0x40: {  	[tilespmem:$0x52E0] =	vst v1  }
0x41: {  	[tilespmem:$0x52F0] =	vst v1  }
0x42: {  	[spmem:s5] =	stream.linear.scatter [tilespmem:s12], [sflag:$0x3], $0x280, $0x38;
	[tilespmem:$0x5800] =	vst v63  }
0x43: {  	_ =	swait.ge [sflag:s13], $0x280  }
0x44: {  	[sflag:s13] =	ssyncset.done $0x0  }
0x45: {  	[sflag:s13] =	ssyncadd.s32 $0xFFFFFD80  }
0x46: {  	[spmem:s6] =	stream.linear.scatter [tilespmem:s12], [sflag:$0x3], $0x280, $0x38;
	[tilespmem:$0x5800] =	vst v63  }
0x47: {  	_ =	swait.ge [sflag:s13], $0x280  }
0x48: {  	[sflag:s13] =	ssyncset.done $0x0  }
0x49: {  	[sflag:s13] =	ssyncadd.s32 $0xFFFFFD80  }
0x4a: {  	[tilespmem:s4], [sflag:$0x3] =	stream.linear.gather [hbm4b:s7+s4], $0x2800, $0x38;
	[tilespmem:$0x5800] =	vst v63  }
0x4b: {  	_ =	swait.ge [sflag:s13], $0x2800  }
0x4c: {  	[sflag:s13] =	ssyncset.done $0x0  }
0x4d: {  	[sflag:s13] =	ssyncadd.s32 $0xFFFFD800  }
0x4e: {  	[tilespmem:s14], [sflag:$0x3] =	stream.linear.gather [hbm4b:s8+s4], $0x2800, $0x38;
	[tilespmem:$0x5800] =	vst v63  }
0x4f: {  	_ =	swait.ge [sflag:s13], $0x2800  }
0x50: {  	[sflag:s13] =	ssyncset.done $0x0  }
0x51: {  	[sflag:s13] =	ssyncadd.s32 $0xFFFFD800  }
0x52: {  	s23 =	simm.s32 $0x0;
	[bflag:$0x0] =	sbarrier.arrive $0xFFFF  }
0x53: {  	[spmem:s1] =	stream.indirect.scatter.add.f32 [tilespmem:s16], [sflag:$0x1], $0x1, s23, s15, $0xb8;
	[tilespmem:$0x5800] =	vst v63  }
0x54: {  	s24 =	simm.s32 $0x2800;
	s23 =	simm.s32 $0x200  }
.LBB2_2:
0x55: {  	[spmem:s2] =	stream.indirect.scatter.add.f32 [tilespmem:s16], [sflag:$0x2], $0x1, s24, s15, $0xb8;
	[tilespmem:$0x5800] =	vst v63  }
0x56: {  	s24 =	smov.u32 s23;
	p0 =	sne.s32 s23, $0x9E00  }
.Ltmp0:
0x57: {  	s23 =	sadd.s32 $0x200, s23;
	(pc) =	sbr.rel @p0 .LBB2_2-.Ltmp0, $4  }
0x58: {  	_ = 	snop  }
0x59: {  	s24 =	sshra.s32 s24, $0x2  }
0x5a: {  	[spmem:s1] =	stream.indirect.scatter.add.f32 [tilespmem:s16], [sflag:$0x1], $0x1, s24, s15, $0xb8;
	[tilespmem:$0x5800] =	vst v63  }
0x5b: {  	s24 =	sadd.s32 $0x2800, s24  }
0x5c: {  	[spmem:s2] =	stream.indirect.scatter.add.f32 [tilespmem:s16], [sflag:$0x2], $0x1, s24, s15, $0xb8;
	[tilespmem:$0x5800] =	vst v63  }
0x5d: {  	_ =	swait.ge [sflag:s17], $0x80  }
0x5e: {  	[sflag:s17] =	ssyncset.done $0x0  }
0x5f: {  	[sflag:s17] =	ssyncadd.s32 $0xFFFFFF80  }
0x60: {  	_ =	swait.ge [sflag:s18], $0x80  }
0x61: {  	s23 =	simm.s32 $0x4F;
	[sflag:s18] =	ssyncset.done $0x0  }
.LBB2_4:
0x62: {  	p0 =	sne.s32 s23, $0x1;
	s23 =	sadd.s32 $0xFFFFFFFF, s23;
	[sflag:s18] =	ssyncadd.s32 $0xFFFFFF80  }
.Ltmp1:
0x63: {  	_ =	swait.ge [sflag:s17], $0x80;
	(pc) =	sbr.rel @p0 .LBB2_4-.Ltmp1, $4  }
0x64: {  	[sflag:s17] =	ssyncset.done $0x0  }
0x65: {  	[sflag:s17] =	ssyncadd.s32 $0xFFFFFF80  }
0x66: {  	_ =	swait.ge [sflag:s18], $0x80  }
0x67: {  	[sflag:s18] =	ssyncset.done $0x0  }
0x68: {  	[sflag:s18] =	ssyncadd.s32 $0xFFFFFF80  }
0x69: {  	s23 =	sshrl.u32 s5, $0x3;
	[bflag:$0x0] =	sbarrier.arrive $0xFFFF  }
0x6a: {  	[hbm:s9@s20], [sflag:s19] =	dma.strided [spmem:s23@s21], $0x50, s17, $0x10   }
0x6b: {  	s22 =	sadd.s32 $0x1, s22;
	_ =	swait.ge [sflag:s13], $0x50  }
0x6c: {  	p0 =	sne.s32 s22, s11;
	[sflag:s13] =	ssyncset.done $0x0  }
.Ltmp2:
0x6d: {  	s31 =	sshrl.u32 s6, $0x3;
	[sflag:s13] =	ssyncadd.s32 $0xFFFFFFB0;
	(pc) =	sbr.rel @p0 .LBB2_1-.Ltmp2, $4  }
0x6e: {  	[hbm:s10@s20], [sflag:s19] =	dma.strided [spmem:s31@s21], $0x50, s17, $0x10   }
0x6f: {  	_ =	swait.ge [sflag:s13], $0x50  }
0x70: {  	[sflag:s13] =	ssyncset.done $0x0  }
0x71: {  	[sflag:s13] =	ssyncadd.s32 $0xFFFFFFB0  }
0x72: {  	_ =	sfence.sel $0x180000  }
0x73: {  	[bflag:$0x0] =	sbarrier.arrive $0xFFFF  }
0x74: {  	p0 =	sne.s32 s3, $0x0;
	_ =	strace $0x90000047  }
0x75: {  	s0 =	sadd.s32 @!p0 $0x100000, s0;
	[bflag:$0x2] =	sbarrier.arrive $0xFFFF  }
0x76: {  	[sflag:s0] =	ssyncadd.tile.s32 @!p0 $0x1;
	_ =	shalt  }
.Lfunc_end2:
_tile_overlayer_lowered:
.L_overlay_start_2:
0x77: {  	(tag) =	ssettag $0x2  }
0x78: {  	s0 =	rddreg [dreg:$0x0];
	s2 =	stileid.u32  }
0x79: {  	s1 =	rddreg [dreg:$0x1];
	p0 =	sne.s32 s2, $0x0  }
0x7a: {  	s3 =	rddreg [dreg:$0x2];
	[bflag:$0x3] =	sbarrier.arrive $0xFFFF;
	s2 =	simm.s32 @!p0 $0x1C03  }
0x7b: {  	[timem:s3], [sflag:s2] =	dma.local @!p0 [hbm:s0], s1  }
0x7c: {  	s0 =	simm.s32 @!p0 $0x3  }
0x7d: {  	_ =	swait.ge @!p0 [sflag:s0], s1  }
0x7e: {  	s1 =	ssub.s32 @!p0 $0x0, s1;
	[sflag:s0] =	ssyncset.done @!p0 $0x0  }
0x7f: {  	[sflag:s0] =	ssyncadd.s32 @!p0 s1  }
0x80: {  	[bflag:$0x3] =	sbarrier.arrive $0xFFFF  }
0x81: {  	_ =	shalt  }

</sc_bundles>
